<compile_context>
chip_gen: v7x
topology: tpu7x:2x2x1
jax: 0.10.2.dev20260603
libtpu: 0.0.44.dev20260713+nightly
codegen_flags: <defaults>
</compile_context>

<pallas_src>
import jax
import jax.numpy as jnp
from jax import lax
from jax.experimental import pallas as pl
from jax.experimental.pallas import tpu as pltpu
from jax.experimental.pallas import tpu_sc as plsc

N = 10000
E = 320000
D = 128
DE = 16
H = 128

NC = 2
NS = 16
NW = NC * NS
EPW = E // NW
C = 80
KCH = EPW // C
G = C // 16


def _pack_bf16_pair(lo, hi):
    lob = lax.bitcast_convert_type(lo, jnp.uint32)
    hib = lax.bitcast_convert_type(hi, jnp.uint32)
    lor = (lob + jnp.uint32(0x7FFF) + ((lob >> 16) & jnp.uint32(1))) >> 16
    hir = (hib + jnp.uint32(0x7FFF) + ((hib >> 16) & jnp.uint32(1))) >> 16
    return lor | (hir << 16)


_EB = 6400


def _proj_body(ea_ref, w1_ref, b1_ref, x_ref, q_ref, pd_ref, ps_ref):
    we = w1_ref[2 * D:, :]
    q = (jnp.dot(ea_ref[...], we, preferred_element_type=jnp.float32) + b1_ref[...])
    q_ref[...] = _pack_bf16_pair(q[:, :H // 2], q[:, H // 2:])

    @pl.when(pl.program_id(0) == 0)
    def _():
        xv = x_ref[...]
        pd = jnp.dot(xv, w1_ref[0:D, :], preferred_element_type=jnp.float32)
        ps = jnp.dot(xv, w1_ref[D:2 * D, :], preferred_element_type=jnp.float32)
        pdp = _pack_bf16_pair(pd[:, :H // 2], pd[:, H // 2:])
        psp = _pack_bf16_pair(ps[:, :H // 2], ps[:, H // 2:])
        pd_ref[...] = jnp.concatenate([pdp, pdp], axis=1)
        ps_ref[...] = jnp.concatenate([psp, psp], axis=1)


def _projections(x, edge_attr, W1, b1):
    return pl.pallas_call(
        _proj_body,
        grid=(E // _EB,),
        in_specs=[pl.BlockSpec((_EB, DE), lambda i: (i, 0)),
                  pl.BlockSpec((2 * D + DE, H), lambda i: (0, 0)),
                  pl.BlockSpec((1, H), lambda i: (0, 0)),
                  pl.BlockSpec((N, D), lambda i: (0, 0))],
        out_specs=[pl.BlockSpec((_EB, H // 2), lambda i: (i, 0)),
                   pl.BlockSpec((N, H), lambda i: (0, 0)),
                   pl.BlockSpec((N, H), lambda i: (0, 0))],
        out_shape=[jax.ShapeDtypeStruct((E, H // 2), jnp.uint32),
                   jax.ShapeDtypeStruct((N, H), jnp.uint32),
                   jax.ShapeDtypeStruct((N, H), jnp.uint32)],
    )(edge_attr, W1, b1.reshape(1, H), x)


def _sc_body(pd_hbm, ps_hbm, q_hbm, src_hbm, dst_hbm, w2_hbm, out_hbm,
             sidx, didx, pdb0, psb0, qb0, pdb1, psb1, qb1, w2v, tbuf, acc,
             spd0, sps0, sq0, spd1, sps1, sq1):
    cid = lax.axis_index("c")
    sid = lax.axis_index("s")
    wid = sid * NC + cid
    ebase = wid * EPW

    pltpu.sync_copy(src_hbm.at[pl.ds(ebase, EPW)], sidx)
    pltpu.sync_copy(dst_hbm.at[pl.ds(ebase, EPW)], didx)
    pltpu.sync_copy(w2_hbm, w2v)

    def zero_body(i, carry):
        acc[pl.ds(i * 16, 16)] = jnp.zeros((16,), jnp.float32)
        return carry
    lax.fori_loop(0, N // 16, zero_body, 0)

    pdbs = (pdb0, pdb1)
    psbs = (psb0, psb1)
    qbs = (qb0, qb1)
    sems = ((spd0, sps0, sq0), (spd1, sps1, sq1))

    def fire(c, b):
        off = c * C
        cp0 = pltpu.async_copy(pd_hbm.at[didx.at[pl.ds(off, C)]], pdbs[b], sems[b][0])
        cp1 = pltpu.async_copy(ps_hbm.at[sidx.at[pl.ds(off, C)]], psbs[b], sems[b][1])
        cp2 = pltpu.async_copy(q_hbm.at[pl.ds(ebase + off, C)], qbs[b], sems[b][2])
        return (cp0, cp1, cp2)

    def wait(c, b):
        off = c * C
        pltpu.make_async_copy(pd_hbm.at[didx.at[pl.ds(off, C)]], pdbs[b], sems[b][0]).wait()
        pltpu.make_async_copy(ps_hbm.at[sidx.at[pl.ds(off, C)]], psbs[b], sems[b][1]).wait()
        pltpu.make_async_copy(q_hbm.at[pl.ds(ebase + off, C)], qbs[b], sems[b][2]).wait()

    wchunks = [w2v[pl.ds(16 * k, 16)] for k in range(H // 16)]
    tcols = lax.iota(jnp.int32, 16) * 17
    bzero = jnp.zeros((32,), jnp.bfloat16)

    def compute(c, b):
        pb, sb, qb = pdbs[b], psbs[b], qbs[b]

        for g in range(G):
            def ebody(e16, carry):
                e = g * 16 + e16
                p = jnp.zeros((16,), jnp.float32)
                for k in range(H // 32):
                    a = (plsc.bitcast(pb[e, pl.ds(16 * k, 16)], jnp.bfloat16)
                         + plsc.bitcast(sb[e, pl.ds(16 * k, 16)], jnp.bfloat16)
                         + plsc.bitcast(qb[e, pl.ds(16 * k, 16)], jnp.bfloat16))
                    a = jnp.maximum(a, bzero)
                    alo, ahi = plsc.unpack(a, format=plsc.PackFormat.INTERLEAVED)
                    p = p + alo * wchunks[k] + ahi * wchunks[k + H // 32]
                tbuf[pl.ds(e16 * 17, 16)] = p
                return carry

            lax.fori_loop(0, 16, ebody, 0, unroll=2)

            s = plsc.load_gather(tbuf, [tcols])
            for col in range(1, 16):
                s = s + plsc.load_gather(tbuf, [tcols + col])
            dstv = didx[pl.ds(c * C + g * 16, 16)]
            plsc.addupdate_scatter(acc, [dstv], s)

    fire(0, 0)

    def pair_body(i, carry):
        c0 = 2 * i
        c1 = 2 * i + 1

        @pl.when(c1 < KCH)
        def _():
            fire(c1, 1)

        wait(c0, 0)
        compute(c0, 0)

        @pl.when(c0 + 2 < KCH)
        def _():
            fire(c0 + 2, 0)

        @pl.when(c1 < KCH)
        def _():
            wait(c1, 1)
            compute(c1, 1)

        return carry

    lax.fori_loop(0, (KCH + 1) // 2, pair_body, 0)

    pltpu.sync_copy(acc, out_hbm.at[wid])


def _sc_edge_sum(pd, ps, q, src, dst, w2flat):
    mesh = plsc.VectorSubcoreMesh(core_axis_name="c", subcore_axis_name="s",
                                  num_cores=NC, num_subcores=NS)
    f = pl.kernel(
        _sc_body,
        out_type=jax.ShapeDtypeStruct((NW, N), jnp.float32),
        mesh=mesh,
        compiler_params=pltpu.CompilerParams(needs_layout_passes=False),
        scratch_types=[
            pltpu.VMEM((EPW,), jnp.int32),
            pltpu.VMEM((EPW,), jnp.int32),
            pltpu.VMEM((C, H), jnp.uint32),
            pltpu.VMEM((C, H), jnp.uint32),
            pltpu.VMEM((C, H // 2), jnp.uint32),
            pltpu.VMEM((C, H), jnp.uint32),
            pltpu.VMEM((C, H), jnp.uint32),
            pltpu.VMEM((C, H // 2), jnp.uint32),
            pltpu.VMEM((H,), jnp.float32),
            pltpu.VMEM((16 * 17,), jnp.float32),
            pltpu.VMEM((N,), jnp.float32),
            pltpu.SemaphoreType.DMA,
            pltpu.SemaphoreType.DMA,
            pltpu.SemaphoreType.DMA,
            pltpu.SemaphoreType.DMA,
            pltpu.SemaphoreType.DMA,
            pltpu.SemaphoreType.DMA,
        ],
    )
    return f(pd, ps, q, src, dst, w2flat)


def _final_body(p_ref, b2_ref, h_ref):
    h_ref[...] = jnp.sum(p_ref[...], axis=0, keepdims=True) + b2_ref[...]


def _final_sum(partials, b2):
    out = pl.pallas_call(
        _final_body,
        out_shape=jax.ShapeDtypeStruct((1, N), jnp.float32),
    )(partials, b2.reshape(1, 1))
    return out.reshape(N, 1)


def kernel(x, edge_attr, edge_index, W1, b1, W2, b2):
    q, pd, ps = _projections(x, edge_attr, W1, b1)
    src = edge_index[0]
    dst = edge_index[1]
    partials = _sc_edge_sum(pd, ps, q, src, dst, W2.reshape(H))
    return _final_sum(partials, b2)

# --- scband reference (transcript-rebuilt; emitter-appended) ---
"""Pipeline reference for scband-cbfnet-31018253812086 (READ-ONLY COPY).

The authoritative reference and input builder live on the scoring server;
editing this copy changes nothing except your own understanding.
"""

import jax, jax.numpy as jnp
import numpy as np

N = 10000
E = 320000
D = 128
DE = 16
H = 128

def setup_inputs(seed: int = 0) -> dict:
    key = jax.random.key(seed)
    k1, k2, k3, k4, k5 = jax.random.split(key, 5)
    x = jax.random.normal(k1, (N, D), dtype=jnp.float32)
    edge_attr = jax.random.normal(k2, (E, DE), dtype=jnp.float32)
    edge_index = jax.random.randint(k3, (2, E), 0, N, dtype=jnp.int32)
    W1 = jax.random.normal(k4, (2 * D + DE, H), dtype=jnp.float32) * 0.05
    b1 = jnp.zeros((H,), dtype=jnp.float32)
    W2 = jax.random.normal(k5, (H, 1), dtype=jnp.float32) * 0.05
    b2 = jnp.zeros((1,), dtype=jnp.float32)
    return {"x": x, "edge_attr": edge_attr, "edge_index": edge_index,
            "W1": W1, "b1": b1, "W2": W2, "b2": b2}

def reference(x, edge_attr, edge_index, W1, b1, W2, b2):
    # CBFNetLayer: edge message MLP on [x_dst, x_src, edge_attr],
    # scatter-add aggregation to dst nodes, node readout to output_dim=1.
    src = edge_index[0]
    dst = edge_index[1]
    x_src = jnp.take(x, src, axis=0)
    x_dst = jnp.take(x, dst, axis=0)
    feat = jnp.concatenate([x_dst, x_src, edge_attr], axis=-1)
    m = jax.nn.relu(feat @ W1 + b1)
    agg = jax.ops.segment_sum(m, dst, num_segments=x.shape[0])
    h = agg @ W2 + b2
    return h

if __name__ == "__main__":
    import jax
    _d = setup_inputs()
    print(jax.jit(kernel)(*tuple(_d.values())))

</pallas_src>

<mosaic_0001>
#map = affine_map<(d0, d1) -> (0, 0)>
#map1 = affine_map<(d0, d1) -> (0)>
module attributes {stable_mosaic.version = 14 : i64} {
  func.func @_sc_body(%arg0: i32, %arg1: i32, %arg2: memref<10000x128xi32, #tpu.memory_space<hbm>>, %arg3: memref<10000x128xi32, #tpu.memory_space<hbm>>, %arg4: memref<320000x64xi32, #tpu.memory_space<hbm>>, %arg5: memref<320000xi32, #tpu.memory_space<hbm>>, %arg6: memref<320000xi32, #tpu.memory_space<hbm>>, %arg7: memref<128xf32, #tpu.memory_space<hbm>>, %arg8: memref<32x10000xf32, #tpu.memory_space<hbm>>, %arg9: memref<10000xi32, #tpu.memory_space<vmem>>, %arg10: memref<10000xi32, #tpu.memory_space<vmem>>, %arg11: memref<80x128xi32, #tpu.memory_space<vmem>>, %arg12: memref<80x128xi32, #tpu.memory_space<vmem>>, %arg13: memref<80x64xi32, #tpu.memory_space<vmem>>, %arg14: memref<80x128xi32, #tpu.memory_space<vmem>>, %arg15: memref<80x128xi32, #tpu.memory_space<vmem>>, %arg16: memref<80x64xi32, #tpu.memory_space<vmem>>, %arg17: memref<128xf32, #tpu.memory_space<vmem>>, %arg18: memref<272xf32, #tpu.memory_space<vmem>>, %arg19: memref<10000xf32, #tpu.memory_space<vmem>>, %arg20: memref<!tpu.dma_semaphore, #tpu.memory_space<semaphore_mem>>, %arg21: memref<!tpu.dma_semaphore, #tpu.memory_space<semaphore_mem>>, %arg22: memref<!tpu.dma_semaphore, #tpu.memory_space<semaphore_mem>>, %arg23: memref<!tpu.dma_semaphore, #tpu.memory_space<semaphore_mem>>, %arg24: memref<!tpu.dma_semaphore, #tpu.memory_space<semaphore_mem>>, %arg25: memref<!tpu.dma_semaphore, #tpu.memory_space<semaphore_mem>>) attributes {dimension_semantics = [#tpu.dimension_semantics<core_parallel>, #tpu.dimension_semantics<subcore_parallel>], iteration_bounds = array<i64: 2, 16>, scalar_prefetch = 0 : i64, scratch_operands = 17 : i64, tpu.core_type = #tpu.core_type<sc_vector_subcore>, window_params = [{transform_indices = #map}, {transform_indices = #map}, {transform_indices = #map}, {transform_indices = #map1}, {transform_indices = #map1}, {transform_indices = #map1}, {transform_indices = #map}]} {
    %mul3A = arith.constant 2 : i32
    %mul3A_0 = arith.muli %arg1, %mul3A : i32
    %add3A = arith.addi %mul3A_0, %arg0 : i32
    %mul3A_1 = arith.constant 10000 : i32
    %mul3A_2 = arith.muli %add3A, %mul3A_1 : i32
    "tpu.region"() ({
      %run_scoped3A = tpu.sem_alloc : memref<!tpu.dma_semaphore, #tpu.memory_space<semaphore_mem>>
      %dma_start3A_48 = tpu.memref_slice %arg5[%mul3A_2] : memref<320000xi32, #tpu.memory_space<hbm>> -> memref<10000xi32, #tpu.memory_space<hbm>>
      %dma_start3A_49 = tpu.memref_slice %arg5[%mul3A_2] : memref<320000xi32, #tpu.memory_space<hbm>> -> memref<10000xi32, #tpu.memory_space<hbm>>
      tpu.enqueue_dma source(%dma_start3A_49 : memref<10000xi32, #tpu.memory_space<hbm>>) target(%arg9 : memref<10000xi32, #tpu.memory_space<vmem>>) target_semaphore(%run_scoped3A : memref<!tpu.dma_semaphore, #tpu.memory_space<semaphore_mem>>)
      %dma_wait3A = tpu.memref_slice %arg5[%mul3A_2] : memref<320000xi32, #tpu.memory_space<hbm>> -> memref<10000xi32, #tpu.memory_space<hbm>>
      %dma_wait3A_50 = tpu.memref_slice %arg5[%mul3A_2] : memref<320000xi32, #tpu.memory_space<hbm>> -> memref<10000xi32, #tpu.memory_space<hbm>>
      tpu.wait_dma2 semaphore(%run_scoped3A : memref<!tpu.dma_semaphore, #tpu.memory_space<semaphore_mem>>) src(%dma_wait3A_50 : memref<10000xi32, #tpu.memory_space<hbm>>) dst(%arg9 : memref<10000xi32, #tpu.memory_space<vmem>>)
      tpu.yield
    }) : () -> ()
    "tpu.region"() ({
      %run_scoped3A = tpu.sem_alloc : memref<!tpu.dma_semaphore, #tpu.memory_space<semaphore_mem>>
      %dma_start3A_48 = tpu.memref_slice %arg6[%mul3A_2] : memref<320000xi32, #tpu.memory_space<hbm>> -> memref<10000xi32, #tpu.memory_space<hbm>>
      %dma_start3A_49 = tpu.memref_slice %arg6[%mul3A_2] : memref<320000xi32, #tpu.memory_space<hbm>> -> memref<10000xi32, #tpu.memory_space<hbm>>
      tpu.enqueue_dma source(%dma_start3A_49 : memref<10000xi32, #tpu.memory_space<hbm>>) target(%arg10 : memref<10000xi32, #tpu.memory_space<vmem>>) target_semaphore(%run_scoped3A : memref<!tpu.dma_semaphore, #tpu.memory_space<semaphore_mem>>)
      %dma_wait3A = tpu.memref_slice %arg6[%mul3A_2] : memref<320000xi32, #tpu.memory_space<hbm>> -> memref<10000xi32, #tpu.memory_space<hbm>>
      %dma_wait3A_50 = tpu.memref_slice %arg6[%mul3A_2] : memref<320000xi32, #tpu.memory_space<hbm>> -> memref<10000xi32, #tpu.memory_space<hbm>>
      tpu.wait_dma2 semaphore(%run_scoped3A : memref<!tpu.dma_semaphore, #tpu.memory_space<semaphore_mem>>) src(%dma_wait3A_50 : memref<10000xi32, #tpu.memory_space<hbm>>) dst(%arg10 : memref<10000xi32, #tpu.memory_space<vmem>>)
      tpu.yield
    }) : () -> ()
    "tpu.region"() ({
      %run_scoped3A = tpu.sem_alloc : memref<!tpu.dma_semaphore, #tpu.memory_space<semaphore_mem>>
      tpu.enqueue_dma source(%arg7 : memref<128xf32, #tpu.memory_space<hbm>>) target(%arg17 : memref<128xf32, #tpu.memory_space<vmem>>) target_semaphore(%run_scoped3A : memref<!tpu.dma_semaphore, #tpu.memory_space<semaphore_mem>>)
      tpu.wait_dma2 semaphore(%run_scoped3A : memref<!tpu.dma_semaphore, #tpu.memory_space<semaphore_mem>>) src(%arg7 : memref<128xf32, #tpu.memory_space<hbm>>) dst(%arg17 : memref<128xf32, #tpu.memory_space<vmem>>)
      tpu.yield
    }) : () -> ()
    %scan3A = arith.constant 0 : i32
    %scan3A_3 = arith.constant 0 : i32
    %scan3A_4 = arith.constant 625 : i32
    %scan3A_5 = arith.addi %scan3A_3, %scan3A_4 : i32
    %scan3A_6 = arith.constant 1 : i32
    scf.for %scan3A_48 = %scan3A_3 to %scan3A_5 step %scan3A_6  : i32 {
      %broadcast_in_dim3A_49 = arith.constant 0.000000e+00 : f32
      %broadcast_in_dim3A_50 = vector.broadcast %broadcast_in_dim3A_49 : f32 to vector<16xf32>
      %mul3A_51 = arith.constant 16 : i32
      %mul3A_52 = arith.muli %scan3A_48, %mul3A_51 : i32
      %swap3A = arith.index_cast %mul3A_52 : i32 to index
      %swap3A_53 = tpu.vector_load %arg19[%swap3A] {strides = array<i32>} : memref<10000xf32, #tpu.memory_space<vmem>>, vector<16xf32>,
      tpu.vector_store %arg19[%swap3A], %broadcast_in_dim3A_50 {strides = array<i32>} : memref<10000xf32, #tpu.memory_space<vmem>>, vector<16xf32>,
    }
    %scan3A_7 = arith.constant 625 : i32
    %get3A = arith.constant 0 : index
    %get3A_8 = tpu.vector_load %arg17[%get3A] {strides = array<i32>} : memref<128xf32, #tpu.memory_space<vmem>>, vector<16xf32>,
    %get3A_9 = arith.constant 16 : index
    %get3A_10 = tpu.vector_load %arg17[%get3A_9] {strides = array<i32>} : memref<128xf32, #tpu.memory_space<vmem>>, vector<16xf32>,
    %get3A_11 = arith.constant 32 : index
    %get3A_12 = tpu.vector_load %arg17[%get3A_11] {strides = array<i32>} : memref<128xf32, #tpu.memory_space<vmem>>, vector<16xf32>,
    %get3A_13 = arith.constant 48 : index
    %get3A_14 = tpu.vector_load %arg17[%get3A_13] {strides = array<i32>} : memref<128xf32, #tpu.memory_space<vmem>>, vector<16xf32>,
    %get3A_15 = arith.constant 64 : index
    %get3A_16 = tpu.vector_load %arg17[%get3A_15] {strides = array<i32>} : memref<128xf32, #tpu.memory_space<vmem>>, vector<16xf32>,
    %get3A_17 = arith.constant 80 : index
    %get3A_18 = tpu.vector_load %arg17[%get3A_17] {strides = array<i32>} : memref<128xf32, #tpu.memory_space<vmem>>, vector<16xf32>,
    %get3A_19 = arith.constant 96 : index
    %get3A_20 = tpu.vector_load %arg17[%get3A_19] {strides = array<i32>} : memref<128xf32, #tpu.memory_space<vmem>>, vector<16xf32>,
    %get3A_21 = arith.constant 112 : index
    %get3A_22 = tpu.vector_load %arg17[%get3A_21] {strides = array<i32>} : memref<128xf32, #tpu.memory_space<vmem>>, vector<16xf32>,
    %iota3A = tpu.iota {dimensions = array<i32: 0>} : vector<16xi32>
    %mul3A_23 = arith.constant 17 : i32
    %mul3A_24 = vector.broadcast %mul3A_23 : i32 to vector<16xi32>
    %mul3A_25 = arith.muli %iota3A, %mul3A_24 : vector<16xi32>
    %broadcast_in_dim3A = arith.constant 0.000000e+00 : bf16
    %broadcast_in_dim3A_26 = vector.broadcast %broadcast_in_dim3A : bf16 to vector<32xbf16>
    %dma_start3A = arith.constant 0 : i32
    %dma_start3A_27 = tpu.memref_slice %arg10[%dma_start3A] : memref<10000xi32, #tpu.memory_space<vmem>> -> memref<80xi32, #tpu.memory_space<vmem>>
    %dma_start3A_28 = arith.constant 0 : i32
    %dma_start3A_29 = arith.constant 0 : i32
    %dma_start3A_30 = tpu.memref_slice %arg2[%dma_start3A_28, %dma_start3A_29] : memref<10000x128xi32, #tpu.memory_space<hbm>> -> memref<10000x128xi32, #tpu.memory_space<hbm>>
    tpu.enqueue_indirect_dma source(%dma_start3A_30 : memref<10000x128xi32, #tpu.memory_space<hbm>>) target(%arg11 : memref<80x128xi32, #tpu.memory_space<vmem>>) offsets(%dma_start3A_27 : memref<80xi32, #tpu.memory_space<vmem>>) semaphore(%arg20 : memref<!tpu.dma_semaphore, #tpu.memory_space<semaphore_mem>>)
    %dma_start3A_31 = arith.constant 0 : i32
    %dma_start3A_32 = tpu.memref_slice %arg9[%dma_start3A_31] : memref<10000xi32, #tpu.memory_space<vmem>> -> memref<80xi32, #tpu.memory_space<vmem>>
    %dma_start3A_33 = arith.constant 0 : i32
    %dma_start3A_34 = arith.constant 0 : i32
    %dma_start3A_35 = tpu.memref_slice %arg3[%dma_start3A_33, %dma_start3A_34] : memref<10000x128xi32, #tpu.memory_space<hbm>> -> memref<10000x128xi32, #tpu.memory_space<hbm>>
    tpu.enqueue_indirect_dma source(%dma_start3A_35 : memref<10000x128xi32, #tpu.memory_space<hbm>>) target(%arg12 : memref<80x128xi32, #tpu.memory_space<vmem>>) offsets(%dma_start3A_32 : memref<80xi32, #tpu.memory_space<vmem>>) semaphore(%arg21 : memref<!tpu.dma_semaphore, #tpu.memory_space<semaphore_mem>>)
    %add3A_36 = arith.constant 0 : i32
    %add3A_37 = arith.addi %mul3A_2, %add3A_36 : i32
    %dma_start3A_38 = arith.constant 0 : i32
    %dma_start3A_39 = tpu.memref_slice %arg4[%add3A_37, %dma_start3A_38] : memref<320000x64xi32, #tpu.memory_space<hbm>> -> memref<80x64xi32, #tpu.memory_space<hbm>>
    %dma_start3A_40 = arith.constant 0 : i32
    %dma_start3A_41 = tpu.memref_slice %arg4[%add3A_37, %dma_start3A_40] : memref<320000x64xi32, #tpu.memory_space<hbm>> -> memref<80x64xi32, #tpu.memory_space<hbm>>
    tpu.enqueue_dma source(%dma_start3A_41 : memref<80x64xi32, #tpu.memory_space<hbm>>) target(%arg13 : memref<80x64xi32, #tpu.memory_space<vmem>>) target_semaphore(%arg22 : memref<!tpu.dma_semaphore, #tpu.memory_space<semaphore_mem>>)
    %scan3A_42 = arith.constant 0 : i32
    %scan3A_43 = arith.constant 0 : i32
    %scan3A_44 = arith.constant 63 : i32
    %scan3A_45 = arith.addi %scan3A_43, %scan3A_44 : i32
    %scan3A_46 = arith.constant 1 : i32
    scf.for %scan3A_48 = %scan3A_43 to %scan3A_45 step %scan3A_46  : i32 {
      %mul3A_49 = arith.constant 2 : i32
      %mul3A_50 = arith.muli %mul3A_49, %scan3A_48 : i32
      %mul3A_51 = arith.constant 2 : i32
      %mul3A_52 = arith.muli %mul3A_51, %scan3A_48 : i32
      %add3A_53 = arith.constant 1 : i32
      %add3A_54 = arith.addi %mul3A_52, %add3A_53 : i32
      %lt3A = arith.constant 125 : i32
      %lt3A_55 = arith.cmpi slt, %add3A_54, %lt3A : i32
      %convert_element_type3A = arith.extui %lt3A_55 : i1 to i32
      %cond3A = arith.constant 0 : i32
      %cond3A_56 = arith.cmpi ne, %convert_element_type3A, %cond3A : i32
      scf.if %cond3A_56 {
        %mul3A_522 = arith.constant 80 : i32
        %mul3A_523 = arith.muli %add3A_54, %mul3A_522 : i32
        %dma_start3A_524 = tpu.memref_slice %arg10[%mul3A_523] : memref<10000xi32, #tpu.memory_space<vmem>> -> memref<80xi32, #tpu.memory_space<vmem>>
        %dma_start3A_525 = arith.constant 0 : i32
        %dma_start3A_526 = arith.constant 0 : i32
        %dma_start3A_527 = tpu.memref_slice %arg2[%dma_start3A_525, %dma_start3A_526] : memref<10000x128xi32, #tpu.memory_space<hbm>> -> memref<10000x128xi32, #tpu.memory_space<hbm>>
        tpu.enqueue_indirect_dma source(%dma_start3A_527 : memref<10000x128xi32, #tpu.memory_space<hbm>>) target(%arg14 : memref<80x128xi32, #tpu.memory_space<vmem>>) offsets(%dma_start3A_524 : memref<80xi32, #tpu.memory_space<vmem>>) semaphore(%arg23 : memref<!tpu.dma_semaphore, #tpu.memory_space<semaphore_mem>>)
        %dma_start3A_528 = tpu.memref_slice %arg9[%mul3A_523] : memref<10000xi32, #tpu.memory_space<vmem>> -> memref<80xi32, #tpu.memory_space<vmem>>
        %dma_start3A_529 = arith.constant 0 : i32
        %dma_start3A_530 = arith.constant 0 : i32
        %dma_start3A_531 = tpu.memref_slice %arg3[%dma_start3A_529, %dma_start3A_530] : memref<10000x128xi32, #tpu.memory_space<hbm>> -> memref<10000x128xi32, #tpu.memory_space<hbm>>
        tpu.enqueue_indirect_dma source(%dma_start3A_531 : memref<10000x128xi32, #tpu.memory_space<hbm>>) target(%arg15 : memref<80x128xi32, #tpu.memory_space<vmem>>) offsets(%dma_start3A_528 : memref<80xi32, #tpu.memory_space<vmem>>) semaphore(%arg24 : memref<!tpu.dma_semaphore, #tpu.memory_space<semaphore_mem>>)
        %add3A_532 = arith.addi %mul3A_2, %mul3A_523 : i32
        %dma_start3A_533 = arith.constant 0 : i32
        %dma_start3A_534 = tpu.memref_slice %arg4[%add3A_532, %dma_start3A_533] : memref<320000x64xi32, #tpu.memory_space<hbm>> -> memref<80x64xi32, #tpu.memory_space<hbm>>
        %dma_start3A_535 = arith.constant 0 : i32
        %dma_start3A_536 = tpu.memref_slice %arg4[%add3A_532, %dma_start3A_535] : memref<320000x64xi32, #tpu.memory_space<hbm>> -> memref<80x64xi32, #tpu.memory_space<hbm>>
        tpu.enqueue_dma source(%dma_start3A_536 : memref<80x64xi32, #tpu.memory_space<hbm>>) target(%arg16 : memref<80x64xi32, #tpu.memory_space<vmem>>) target_semaphore(%arg25 : memref<!tpu.dma_semaphore, #tpu.memory_space<semaphore_mem>>)
      } else {
      }
      %mul3A_57 = arith.constant 80 : i32
      %mul3A_58 = arith.muli %mul3A_50, %mul3A_57 : i32
      %dma_wait3A = tpu.memref_slice %arg10[%mul3A_58] : memref<10000xi32, #tpu.memory_space<vmem>> -> memref<80xi32, #tpu.memory_space<vmem>>
      %dma_wait3A_59 = arith.constant 0 : i32
      %dma_wait3A_60 = arith.constant 0 : i32
      %dma_wait3A_61 = tpu.memref_slice %arg2[%dma_wait3A_59, %dma_wait3A_60] : memref<10000x128xi32, #tpu.memory_space<hbm>> -> memref<10000x128xi32, #tpu.memory_space<hbm>>
      tpu.wait_indirect_dma semaphore(%arg20 : memref<!tpu.dma_semaphore, #tpu.memory_space<semaphore_mem>>) src(%dma_wait3A_61 : memref<10000x128xi32, #tpu.memory_space<hbm>>) dst(%arg11 : memref<80x128xi32, #tpu.memory_space<vmem>>)
      %dma_wait3A_62 = tpu.memref_slice %arg9[%mul3A_58] : memref<10000xi32, #tpu.memory_space<vmem>> -> memref<80xi32, #tpu.memory_space<vmem>>
      %dma_wait3A_63 = arith.constant 0 : i32
      %dma_wait3A_64 = arith.constant 0 : i32
      %dma_wait3A_65 = tpu.memref_slice %arg3[%dma_wait3A_63, %dma_wait3A_64] : memref<10000x128xi32, #tpu.memory_space<hbm>> -> memref<10000x128xi32, #tpu.memory_space<hbm>>
      tpu.wait_indirect_dma semaphore(%arg21 : memref<!tpu.dma_semaphore, #tpu.memory_space<semaphore_mem>>) src(%dma_wait3A_65 : memref<10000x128xi32, #tpu.memory_space<hbm>>) dst(%arg12 : memref<80x128xi32, #tpu.memory_space<vmem>>)
      %add3A_66 = arith.addi %mul3A_2, %mul3A_58 : i32
      %dma_wait3A_67 = arith.constant 0 : i32
      %dma_wait3A_68 = tpu.memref_slice %arg4[%add3A_66, %dma_wait3A_67] : memref<320000x64xi32, #tpu.memory_space<hbm>> -> memref<80x64xi32, #tpu.memory_space<hbm>>
      %dma_wait3A_69 = arith.constant 0 : i32
      %dma_wait3A_70 = tpu.memref_slice %arg4[%add3A_66, %dma_wait3A_69] : memref<320000x64xi32, #tpu.memory_space<hbm>> -> memref<80x64xi32, #tpu.memory_space<hbm>>
      tpu.wait_dma2 semaphore(%arg22 : memref<!tpu.dma_semaphore, #tpu.memory_space<semaphore_mem>>) src(%dma_wait3A_70 : memref<80x64xi32, #tpu.memory_space<hbm>>) dst(%arg13 : memref<80x64xi32, #tpu.memory_space<vmem>>)
      %scan3A_71 = arith.constant 0 : i32
      %scan3A_72 = arith.constant 0 : i32
      %scan3A_73 = arith.constant 16 : i32
      %scan3A_74 = arith.addi %scan3A_72, %scan3A_73 : i32
      %scan3A_75 = arith.constant 2 : i32
      scf.for %scan3A_522 = %scan3A_72 to %scan3A_74 step %scan3A_75  : i32 {
        %add3A_523 = arith.constant 0 : i32
        %add3A_524 = arith.addi %add3A_523, %scan3A_522 : i32
        %broadcast_in_dim3A_525 = arith.constant 0.000000e+00 : f32
        %broadcast_in_dim3A_526 = vector.broadcast %broadcast_in_dim3A_525 : f32 to vector<16xf32>
        %get3A_527 = arith.index_cast %add3A_524 : i32 to index
        %get3A_528 = arith.constant 0 : index
        %get3A_529 = tpu.vector_load %arg11[%get3A_527, %get3A_528] {strides = array<i32>} : memref<80x128xi32, #tpu.memory_space<vmem>>, vector<16xi32>,
        %bitcast3A = vector.bitcast %get3A_529 : vector<16xi32> to vector<32xbf16>
        %get3A_530 = arith.index_cast %add3A_524 : i32 to index
        %get3A_531 = arith.constant 0 : index
        %get3A_532 = tpu.vector_load %arg12[%get3A_530, %get3A_531] {strides = array<i32>} : memref<80x128xi32, #tpu.memory_space<vmem>>, vector<16xi32>,
        %bitcast3A_533 = vector.bitcast %get3A_532 : vector<16xi32> to vector<32xbf16>
        %add3A_534 = arith.addf %bitcast3A, %bitcast3A_533 : vector<32xbf16>
        %get3A_535 = arith.index_cast %add3A_524 : i32 to index
        %get3A_536 = arith.constant 0 : index
        %get3A_537 = tpu.vector_load %arg13[%get3A_535, %get3A_536] {strides = array<i32>} : memref<80x64xi32, #tpu.memory_space<vmem>>, vector<16xi32>,
        %bitcast3A_538 = vector.bitcast %get3A_537 : vector<16xi32> to vector<32xbf16>
        %add3A_539 = arith.addf %add3A_534, %bitcast3A_538 : vector<32xbf16>
        %max3A = arith.maximumf %add3A_539, %broadcast_in_dim3A_26 : vector<32xbf16>
        %unpack3A = tpu.unpack_subelements %max3A, 0 {pack_format = #tpu.pack_format<interleaved>} : vector<32xbf16> -> vector<16xf32>
        %unpack3A_540 = tpu.unpack_subelements %max3A, 1 {pack_format = #tpu.pack_format<interleaved>} : vector<32xbf16> -> vector<16xf32>
        %mul3A_541 = arith.mulf %unpack3A, %get3A_8 : vector<16xf32>
        %add3A_542 = arith.addf %broadcast_in_dim3A_526, %mul3A_541 : vector<16xf32>
        %mul3A_543 = arith.mulf %unpack3A_540, %get3A_16 : vector<16xf32>
        %add3A_544 = arith.addf %add3A_542, %mul3A_543 : vector<16xf32>
        %get3A_545 = arith.index_cast %add3A_524 : i32 to index
        %get3A_546 = arith.constant 16 : index
        %get3A_547 = tpu.vector_load %arg11[%get3A_545, %get3A_546] {strides = array<i32>} : memref<80x128xi32, #tpu.memory_space<vmem>>, vector<16xi32>,
        %bitcast3A_548 = vector.bitcast %get3A_547 : vector<16xi32> to vector<32xbf16>
        %get3A_549 = arith.index_cast %add3A_524 : i32 to index
        %get3A_550 = arith.constant 16 : index
        %get3A_551 = tpu.vector_load %arg12[%get3A_549, %get3A_550] {strides = array<i32>} : memref<80x128xi32, #tpu.memory_space<vmem>>, vector<16xi32>,
        %bitcast3A_552 = vector.bitcast %get3A_551 : vector<16xi32> to vector<32xbf16>
        %add3A_553 = arith.addf %bitcast3A_548, %bitcast3A_552 : vector<32xbf16>
        %get3A_554 = arith.index_cast %add3A_524 : i32 to index
        %get3A_555 = arith.constant 16 : index
        %get3A_556 = tpu.vector_load %arg13[%get3A_554, %get3A_555] {strides = array<i32>} : memref<80x64xi32, #tpu.memory_space<vmem>>, vector<16xi32>,
        %bitcast3A_557 = vector.bitcast %get3A_556 : vector<16xi32> to vector<32xbf16>
        %add3A_558 = arith.addf %add3A_553, %bitcast3A_557 : vector<32xbf16>
        %max3A_559 = arith.maximumf %add3A_558, %broadcast_in_dim3A_26 : vector<32xbf16>
        %unpack3A_560 = tpu.unpack_subelements %max3A_559, 0 {pack_format = #tpu.pack_format<interleaved>} : vector<32xbf16> -> vector<16xf32>
        %unpack3A_561 = tpu.unpack_subelements %max3A_559, 1 {pack_format = #tpu.pack_format<interleaved>} : vector<32xbf16> -> vector<16xf32>
        %mul3A_562 = arith.mulf %unpack3A_560, %get3A_10 : vector<16xf32>
        %add3A_563 = arith.addf %add3A_544, %mul3A_562 : vector<16xf32>
        %mul3A_564 = arith.mulf %unpack3A_561, %get3A_18 : vector<16xf32>
        %add3A_565 = arith.addf %add3A_563, %mul3A_564 : vector<16xf32>
        %get3A_566 = arith.index_cast %add3A_524 : i32 to index
        %get3A_567 = arith.constant 32 : index
        %get3A_568 = tpu.vector_load %arg11[%get3A_566, %get3A_567] {strides = array<i32>} : memref<80x128xi32, #tpu.memory_space<vmem>>, vector<16xi32>,
        %bitcast3A_569 = vector.bitcast %get3A_568 : vector<16xi32> to vector<32xbf16>
        %get3A_570 = arith.index_cast %add3A_524 : i32 to index
        %get3A_571 = arith.constant 32 : index
        %get3A_572 = tpu.vector_load %arg12[%get3A_570, %get3A_571] {strides = array<i32>} : memref<80x128xi32, #tpu.memory_space<vmem>>, vector<16xi32>,
        %bitcast3A_573 = vector.bitcast %get3A_572 : vector<16xi32> to vector<32xbf16>
        %add3A_574 = arith.addf %bitcast3A_569, %bitcast3A_573 : vector<32xbf16>
        %get3A_575 = arith.index_cast %add3A_524 : i32 to index
        %get3A_576 = arith.constant 32 : index
        %get3A_577 = tpu.vector_load %arg13[%get3A_575, %get3A_576] {strides = array<i32>} : memref<80x64xi32, #tpu.memory_space<vmem>>, vector<16xi32>,
        %bitcast3A_578 = vector.bitcast %get3A_577 : vector<16xi32> to vector<32xbf16>
        %add3A_579 = arith.addf %add3A_574, %bitcast3A_578 : vector<32xbf16>
        %max3A_580 = arith.maximumf %add3A_579, %broadcast_in_dim3A_26 : vector<32xbf16>
        %unpack3A_581 = tpu.unpack_subelements %max3A_580, 0 {pack_format = #tpu.pack_format<interleaved>} : vector<32xbf16> -> vector<16xf32>
        %unpack3A_582 = tpu.unpack_subelements %max3A_580, 1 {pack_format = #tpu.pack_format<interleaved>} : vector<32xbf16> -> vector<16xf32>
        %mul3A_583 = arith.mulf %unpack3A_581, %get3A_12 : vector<16xf32>
        %add3A_584 = arith.addf %add3A_565, %mul3A_583 : vector<16xf32>
        %mul3A_585 = arith.mulf %unpack3A_582, %get3A_20 : vector<16xf32>
        %add3A_586 = arith.addf %add3A_584, %mul3A_585 : vector<16xf32>
        %get3A_587 = arith.index_cast %add3A_524 : i32 to index
        %get3A_588 = arith.constant 48 : index
        %get3A_589 = tpu.vector_load %arg11[%get3A_587, %get3A_588] {strides = array<i32>} : memref<80x128xi32, #tpu.memory_space<vmem>>, vector<16xi32>,
        %bitcast3A_590 = vector.bitcast %get3A_589 : vector<16xi32> to vector<32xbf16>
        %get3A_591 = arith.index_cast %add3A_524 : i32 to index
        %get3A_592 = arith.constant 48 : index
        %get3A_593 = tpu.vector_load %arg12[%get3A_591, %get3A_592] {strides = array<i32>} : memref<80x128xi32, #tpu.memory_space<vmem>>, vector<16xi32>,
        %bitcast3A_594 = vector.bitcast %get3A_593 : vector<16xi32> to vector<32xbf16>
        %add3A_595 = arith.addf %bitcast3A_590, %bitcast3A_594 : vector<32xbf16>
        %get3A_596 = arith.index_cast %add3A_524 : i32 to index
        %get3A_597 = arith.constant 48 : index
        %get3A_598 = tpu.vector_load %arg13[%get3A_596, %get3A_597] {strides = array<i32>} : memref<80x64xi32, #tpu.memory_space<vmem>>, vector<16xi32>,
        %bitcast3A_599 = vector.bitcast %get3A_598 : vector<16xi32> to vector<32xbf16>
        %add3A_600 = arith.addf %add3A_595, %bitcast3A_599 : vector<32xbf16>
        %max3A_601 = arith.maximumf %add3A_600, %broadcast_in_dim3A_26 : vector<32xbf16>
        %unpack3A_602 = tpu.unpack_subelements %max3A_601, 0 {pack_format = #tpu.pack_format<interleaved>} : vector<32xbf16> -> vector<16xf32>
        %unpack3A_603 = tpu.unpack_subelements %max3A_601, 1 {pack_format = #tpu.pack_format<interleaved>} : vector<32xbf16> -> vector<16xf32>
        %mul3A_604 = arith.mulf %unpack3A_602, %get3A_14 : vector<16xf32>
        %add3A_605 = arith.addf %add3A_586, %mul3A_604 : vector<16xf32>
        %mul3A_606 = arith.mulf %unpack3A_603, %get3A_22 : vector<16xf32>
        %add3A_607 = arith.addf %add3A_605, %mul3A_606 : vector<16xf32>
        %mul3A_608 = arith.constant 17 : i32
        %mul3A_609 = arith.muli %scan3A_522, %mul3A_608 : i32
        %swap3A = arith.index_cast %mul3A_609 : i32 to index
        %swap3A_610 = tpu.vector_load %arg18[%swap3A] {strides = array<i32>} : memref<272xf32, #tpu.memory_space<vmem>>, vector<16xf32>,
        tpu.vector_store %arg18[%swap3A], %add3A_607 {strides = array<i32>} : memref<272xf32, #tpu.memory_space<vmem>>, vector<16xf32>,
        %scan3A_611 = arith.constant 1 : i32
        %scan3A_612 = arith.addi %scan3A_522, %scan3A_611 : i32
        %add3A_613 = arith.constant 0 : i32
        %add3A_614 = arith.addi %add3A_613, %scan3A_612 : i32
        %broadcast_in_dim3A_615 = arith.constant 0.000000e+00 : f32
        %broadcast_in_dim3A_616 = vector.broadcast %broadcast_in_dim3A_615 : f32 to vector<16xf32>
        %get3A_617 = arith.index_cast %add3A_614 : i32 to index
        %get3A_618 = arith.constant 0 : index
        %get3A_619 = tpu.vector_load %arg11[%get3A_617, %get3A_618] {strides = array<i32>} : memref<80x128xi32, #tpu.memory_space<vmem>>, vector<16xi32>,
        %bitcast3A_620 = vector.bitcast %get3A_619 : vector<16xi32> to vector<32xbf16>
        %get3A_621 = arith.index_cast %add3A_614 : i32 to index
        %get3A_622 = arith.constant 0 : index
        %get3A_623 = tpu.vector_load %arg12[%get3A_621, %get3A_622] {strides = array<i32>} : memref<80x128xi32, #tpu.memory_space<vmem>>, vector<16xi32>,
        %bitcast3A_624 = vector.bitcast %get3A_623 : vector<16xi32> to vector<32xbf16>
        %add3A_625 = arith.addf %bitcast3A_620, %bitcast3A_624 : vector<32xbf16>
        %get3A_626 = arith.index_cast %add3A_614 : i32 to index
        %get3A_627 = arith.constant 0 : index
        %get3A_628 = tpu.vector_load %arg13[%get3A_626, %get3A_627] {strides = array<i32>} : memref<80x64xi32, #tpu.memory_space<vmem>>, vector<16xi32>,
        %bitcast3A_629 = vector.bitcast %get3A_628 : vector<16xi32> to vector<32xbf16>
        %add3A_630 = arith.addf %add3A_625, %bitcast3A_629 : vector<32xbf16>
        %max3A_631 = arith.maximumf %add3A_630, %broadcast_in_dim3A_26 : vector<32xbf16>
        %unpack3A_632 = tpu.unpack_subelements %max3A_631, 0 {pack_format = #tpu.pack_format<interleaved>} : vector<32xbf16> -> vector<16xf32>
        %unpack3A_633 = tpu.unpack_subelements %max3A_631, 1 {pack_format = #tpu.pack_format<interleaved>} : vector<32xbf16> -> vector<16xf32>
        %mul3A_634 = arith.mulf %unpack3A_632, %get3A_8 : vector<16xf32>
        %add3A_635 = arith.addf %broadcast_in_dim3A_616, %mul3A_634 : vector<16xf32>
        %mul3A_636 = arith.mulf %unpack3A_633, %get3A_16 : vector<16xf32>
        %add3A_637 = arith.addf %add3A_635, %mul3A_636 : vector<16xf32>
        %get3A_638 = arith.index_cast %add3A_614 : i32 to index
        %get3A_639 = arith.constant 16 : index
        %get3A_640 = tpu.vector_load %arg11[%get3A_638, %get3A_639] {strides = array<i32>} : memref<80x128xi32, #tpu.memory_space<vmem>>, vector<16xi32>,
        %bitcast3A_641 = vector.bitcast %get3A_640 : vector<16xi32> to vector<32xbf16>
        %get3A_642 = arith.index_cast %add3A_614 : i32 to index
        %get3A_643 = arith.constant 16 : index
        %get3A_644 = tpu.vector_load %arg12[%get3A_642, %get3A_643] {strides = array<i32>} : memref<80x128xi32, #tpu.memory_space<vmem>>, vector<16xi32>,
        %bitcast3A_645 = vector.bitcast %get3A_644 : vector<16xi32> to vector<32xbf16>
        %add3A_646 = arith.addf %bitcast3A_641, %bitcast3A_645 : vector<32xbf16>
        %get3A_647 = arith.index_cast %add3A_614 : i32 to index
        %get3A_648 = arith.constant 16 : index
        %get3A_649 = tpu.vector_load %arg13[%get3A_647, %get3A_648] {strides = array<i32>} : memref<80x64xi32, #tpu.memory_space<vmem>>, vector<16xi32>,
        %bitcast3A_650 = vector.bitcast %get3A_649 : vector<16xi32> to vector<32xbf16>
        %add3A_651 = arith.addf %add3A_646, %bitcast3A_650 : vector<32xbf16>
        %max3A_652 = arith.maximumf %add3A_651, %broadcast_in_dim3A_26 : vector<32xbf16>
        %unpack3A_653 = tpu.unpack_subelements %max3A_652, 0 {pack_format = #tpu.pack_format<interleaved>} : vector<32xbf16> -> vector<16xf32>
        %unpack3A_654 = tpu.unpack_subelements %max3A_652, 1 {pack_format = #tpu.pack_format<interleaved>} : vector<32xbf16> -> vector<16xf32>
        %mul3A_655 = arith.mulf %unpack3A_653, %get3A_10 : vector<16xf32>
        %add3A_656 = arith.addf %add3A_637, %mul3A_655 : vector<16xf32>
        %mul3A_657 = arith.mulf %unpack3A_654, %get3A_18 : vector<16xf32>
        %add3A_658 = arith.addf %add3A_656, %mul3A_657 : vector<16xf32>
        %get3A_659 = arith.index_cast %add3A_614 : i32 to index
        %get3A_660 = arith.constant 32 : index
        %get3A_661 = tpu.vector_load %arg11[%get3A_659, %get3A_660] {strides = array<i32>} : memref<80x128xi32, #tpu.memory_space<vmem>>, vector<16xi32>,
        %bitcast3A_662 = vector.bitcast %get3A_661 : vector<16xi32> to vector<32xbf16>
        %get3A_663 = arith.index_cast %add3A_614 : i32 to index
        %get3A_664 = arith.constant 32 : index
        %get3A_665 = tpu.vector_load %arg12[%get3A_663, %get3A_664] {strides = array<i32>} : memref<80x128xi32, #tpu.memory_space<vmem>>, vector<16xi32>,
        %bitcast3A_666 = vector.bitcast %get3A_665 : vector<16xi32> to vector<32xbf16>
        %add3A_667 = arith.addf %bitcast3A_662, %bitcast3A_666 : vector<32xbf16>
        %get3A_668 = arith.index_cast %add3A_614 : i32 to index
        %get3A_669 = arith.constant 32 : index
        %get3A_670 = tpu.vector_load %arg13[%get3A_668, %get3A_669] {strides = array<i32>} : memref<80x64xi32, #tpu.memory_space<vmem>>, vector<16xi32>,
        %bitcast3A_671 = vector.bitcast %get3A_670 : vector<16xi32> to vector<32xbf16>
        %add3A_672 = arith.addf %add3A_667, %bitcast3A_671 : vector<32xbf16>
        %max3A_673 = arith.maximumf %add3A_672, %broadcast_in_dim3A_26 : vector<32xbf16>
        %unpack3A_674 = tpu.unpack_subelements %max3A_673, 0 {pack_format = #tpu.pack_format<interleaved>} : vector<32xbf16> -> vector<16xf32>
        %unpack3A_675 = tpu.unpack_subelements %max3A_673, 1 {pack_format = #tpu.pack_format<interleaved>} : vector<32xbf16> -> vector<16xf32>
        %mul3A_676 = arith.mulf %unpack3A_674, %get3A_12 : vector<16xf32>
        %add3A_677 = arith.addf %add3A_658, %mul3A_676 : vector<16xf32>
        %mul3A_678 = arith.mulf %unpack3A_675, %get3A_20 : vector<16xf32>
        %add3A_679 = arith.addf %add3A_677, %mul3A_678 : vector<16xf32>
        %get3A_680 = arith.index_cast %add3A_614 : i32 to index
        %get3A_681 = arith.constant 48 : index
        %get3A_682 = tpu.vector_load %arg11[%get3A_680, %get3A_681] {strides = array<i32>} : memref<80x128xi32, #tpu.memory_space<vmem>>, vector<16xi32>,
        %bitcast3A_683 = vector.bitcast %get3A_682 : vector<16xi32> to vector<32xbf16>
        %get3A_684 = arith.index_cast %add3A_614 : i32 to index
        %get3A_685 = arith.constant 48 : index
        %get3A_686 = tpu.vector_load %arg12[%get3A_684, %get3A_685] {strides = array<i32>} : memref<80x128xi32, #tpu.memory_space<vmem>>, vector<16xi32>,
        %bitcast3A_687 = vector.bitcast %get3A_686 : vector<16xi32> to vector<32xbf16>
        %add3A_688 = arith.addf %bitcast3A_683, %bitcast3A_687 : vector<32xbf16>
        %get3A_689 = arith.index_cast %add3A_614 : i32 to index
        %get3A_690 = arith.constant 48 : index
        %get3A_691 = tpu.vector_load %arg13[%get3A_689, %get3A_690] {strides = array<i32>} : memref<80x64xi32, #tpu.memory_space<vmem>>, vector<16xi32>,
        %bitcast3A_692 = vector.bitcast %get3A_691 : vector<16xi32> to vector<32xbf16>
        %add3A_693 = arith.addf %add3A_688, %bitcast3A_692 : vector<32xbf16>
        %max3A_694 = arith.maximumf %add3A_693, %broadcast_in_dim3A_26 : vector<32xbf16>
        %unpack3A_695 = tpu.unpack_subelements %max3A_694, 0 {pack_format = #tpu.pack_format<interleaved>} : vector<32xbf16> -> vector<16xf32>
        %unpack3A_696 = tpu.unpack_subelements %max3A_694, 1 {pack_format = #tpu.pack_format<interleaved>} : vector<32xbf16> -> vector<16xf32>
        %mul3A_697 = arith.mulf %unpack3A_695, %get3A_14 : vector<16xf32>
        %add3A_698 = arith.addf %add3A_679, %mul3A_697 : vector<16xf32>
        %mul3A_699 = arith.mulf %unpack3A_696, %get3A_22 : vector<16xf32>
        %add3A_700 = arith.addf %add3A_698, %mul3A_699 : vector<16xf32>
        %mul3A_701 = arith.constant 17 : i32
        %mul3A_702 = arith.muli %scan3A_612, %mul3A_701 : i32
        %swap3A_703 = arith.index_cast %mul3A_702 : i32 to index
        %swap3A_704 = tpu.vector_load %arg18[%swap3A_703] {strides = array<i32>} : memref<272xf32, #tpu.memory_space<vmem>>, vector<16xf32>,
        tpu.vector_store %arg18[%swap3A_703], %add3A_700 {strides = array<i32>} : memref<272xf32, #tpu.memory_space<vmem>>, vector<16xf32>,
      }
      %scan3A_76 = arith.constant 16 : i32
      %gather3A = tpu.vector_load_idx %arg18[%mul3A_25] : memref<272xf32, #tpu.memory_space<vmem>>[vector<16xi32>], vector<16xf32>,
      %add3A_77 = arith.constant 1 : i32
      %add3A_78 = vector.broadcast %add3A_77 : i32 to vector<16xi32>
      %add3A_79 = arith.addi %mul3A_25, %add3A_78 : vector<16xi32>
      %gather3A_80 = tpu.vector_load_idx %arg18[%add3A_79] : memref<272xf32, #tpu.memory_space<vmem>>[vector<16xi32>], vector<16xf32>,
      %add3A_81 = arith.addf %gather3A, %gather3A_80 : vector<16xf32>
      %add3A_82 = arith.constant 2 : i32
      %add3A_83 = vector.broadcast %add3A_82 : i32 to vector<16xi32>
      %add3A_84 = arith.addi %mul3A_25, %add3A_83 : vector<16xi32>
      %gather3A_85 = tpu.vector_load_idx %arg18[%add3A_84] : memref<272xf32, #tpu.memory_space<vmem>>[vector<16xi32>], vector<16xf32>,
      %add3A_86 = arith.addf %add3A_81, %gather3A_85 : vector<16xf32>
      %add3A_87 = arith.constant 3 : i32
      %add3A_88 = vector.broadcast %add3A_87 : i32 to vector<16xi32>
      %add3A_89 = arith.addi %mul3A_25, %add3A_88 : vector<16xi32>
      %gather3A_90 = tpu.vector_load_idx %arg18[%add3A_89] : memref<272xf32, #tpu.memory_space<vmem>>[vector<16xi32>], vector<16xf32>,
      %add3A_91 = arith.addf %add3A_86, %gather3A_90 : vector<16xf32>
      %add3A_92 = arith.constant 4 : i32
      %add3A_93 = vector.broadcast %add3A_92 : i32 to vector<16xi32>
      %add3A_94 = arith.addi %mul3A_25, %add3A_93 : vector<16xi32>
      %gather3A_95 = tpu.vector_load_idx %arg18[%add3A_94] : memref<272xf32, #tpu.memory_space<vmem>>[vector<16xi32>], vector<16xf32>,
      %add3A_96 = arith.addf %add3A_91, %gather3A_95 : vector<16xf32>
      %add3A_97 = arith.constant 5 : i32
      %add3A_98 = vector.broadcast %add3A_97 : i32 to vector<16xi32>
      %add3A_99 = arith.addi %mul3A_25, %add3A_98 : vector<16xi32>
      %gather3A_100 = tpu.vector_load_idx %arg18[%add3A_99] : memref<272xf32, #tpu.memory_space<vmem>>[vector<16xi32>], vector<16xf32>,
      %add3A_101 = arith.addf %add3A_96, %gather3A_100 : vector<16xf32>
      %add3A_102 = arith.constant 6 : i32
      %add3A_103 = vector.broadcast %add3A_102 : i32 to vector<16xi32>
      %add3A_104 = arith.addi %mul3A_25, %add3A_103 : vector<16xi32>
      %gather3A_105 = tpu.vector_load_idx %arg18[%add3A_104] : memref<272xf32, #tpu.memory_space<vmem>>[vector<16xi32>], vector<16xf32>,
      %add3A_106 = arith.addf %add3A_101, %gather3A_105 : vector<16xf32>
      %add3A_107 = arith.constant 7 : i32
      %add3A_108 = vector.broadcast %add3A_107 : i32 to vector<16xi32>
      %add3A_109 = arith.addi %mul3A_25, %add3A_108 : vector<16xi32>
      %gather3A_110 = tpu.vector_load_idx %arg18[%add3A_109] : memref<272xf32, #tpu.memory_space<vmem>>[vector<16xi32>], vector<16xf32>,
      %add3A_111 = arith.addf %add3A_106, %gather3A_110 : vector<16xf32>
      %add3A_112 = arith.constant 8 : i32
      %add3A_113 = vector.broadcast %add3A_112 : i32 to vector<16xi32>
      %add3A_114 = arith.addi %mul3A_25, %add3A_113 : vector<16xi32>
      %gather3A_115 = tpu.vector_load_idx %arg18[%add3A_114] : memref<272xf32, #tpu.memory_space<vmem>>[vector<16xi32>], vector<16xf32>,
      %add3A_116 = arith.addf %add3A_111, %gather3A_115 : vector<16xf32>
      %add3A_117 = arith.constant 9 : i32
      %add3A_118 = vector.broadcast %add3A_117 : i32 to vector<16xi32>
      %add3A_119 = arith.addi %mul3A_25, %add3A_118 : vector<16xi32>
      %gather3A_120 = tpu.vector_load_idx %arg18[%add3A_119] : memref<272xf32, #tpu.memory_space<vmem>>[vector<16xi32>], vector<16xf32>,
      %add3A_121 = arith.addf %add3A_116, %gather3A_120 : vector<16xf32>
      %add3A_122 = arith.constant 10 : i32
      %add3A_123 = vector.broadcast %add3A_122 : i32 to vector<16xi32>
      %add3A_124 = arith.addi %mul3A_25, %add3A_123 : vector<16xi32>
      %gather3A_125 = tpu.vector_load_idx %arg18[%add3A_124] : memref<272xf32, #tpu.memory_space<vmem>>[vector<16xi32>], vector<16xf32>,
      %add3A_126 = arith.addf %add3A_121, %gather3A_125 : vector<16xf32>
      %add3A_127 = arith.constant 11 : i32
      %add3A_128 = vector.broadcast %add3A_127 : i32 to vector<16xi32>
      %add3A_129 = arith.addi %mul3A_25, %add3A_128 : vector<16xi32>
      %gather3A_130 = tpu.vector_load_idx %arg18[%add3A_129] : memref<272xf32, #tpu.memory_space<vmem>>[vector<16xi32>], vector<16xf32>,
      %add3A_131 = arith.addf %add3A_126, %gather3A_130 : vector<16xf32>
      %add3A_132 = arith.constant 12 : i32
      %add3A_133 = vector.broadcast %add3A_132 : i32 to vector<16xi32>
      %add3A_134 = arith.addi %mul3A_25, %add3A_133 : vector<16xi32>
      %gather3A_135 = tpu.vector_load_idx %arg18[%add3A_134] : memref<272xf32, #tpu.memory_space<vmem>>[vector<16xi32>], vector<16xf32>,
      %add3A_136 = arith.addf %add3A_131, %gather3A_135 : vector<16xf32>
      %add3A_137 = arith.constant 13 : i32
      %add3A_138 = vector.broadcast %add3A_137 : i32 to vector<16xi32>
      %add3A_139 = arith.addi %mul3A_25, %add3A_138 : vector<16xi32>
      %gather3A_140 = tpu.vector_load_idx %arg18[%add3A_139] : memref<272xf32, #tpu.memory_space<vmem>>[vector<16xi32>], vector<16xf32>,
      %add3A_141 = arith.addf %add3A_136, %gather3A_140 : vector<16xf32>
      %add3A_142 = arith.constant 14 : i32
      %add3A_143 = vector.broadcast %add3A_142 : i32 to vector<16xi32>
      %add3A_144 = arith.addi %mul3A_25, %add3A_143 : vector<16xi32>
      %gather3A_145 = tpu.vector_load_idx %arg18[%add3A_144] : memref<272xf32, #tpu.memory_space<vmem>>[vector<16xi32>], vector<16xf32>,
      %add3A_146 = arith.addf %add3A_141, %gather3A_145 : vector<16xf32>
      %add3A_147 = arith.constant 15 : i32
      %add3A_148 = vector.broadcast %add3A_147 : i32 to vector<16xi32>
      %add3A_149 = arith.addi %mul3A_25, %add3A_148 : vector<16xi32>
      %gather3A_150 = tpu.vector_load_idx %arg18[%add3A_149] : memref<272xf32, #tpu.memory_space<vmem>>[vector<16xi32>], vector<16xf32>,
      %add3A_151 = arith.addf %add3A_146, %gather3A_150 : vector<16xf32>
      %mul3A_152 = arith.constant 80 : i32
      %mul3A_153 = arith.muli %mul3A_50, %mul3A_152 : i32
      %add3A_154 = arith.constant 0 : i32
      %add3A_155 = arith.addi %mul3A_153, %add3A_154 : i32
      %get3A_156 = arith.index_cast %add3A_155 : i32 to index
      %get3A_157 = tpu.vector_load %arg10[%get3A_156] {strides = array<i32>} : memref<10000xi32, #tpu.memory_space<vmem>>, vector<16xi32>,
      tpu.vector_store_idx %arg19[%get3A_157], %add3A_151 {add = true} : memref<10000xf32, #tpu.memory_space<vmem>>[vector<16xi32>], vector<16xf32>,
      %scan3A_158 = arith.constant 0 : i32
      %scan3A_159 = arith.constant 0 : i32
      %scan3A_160 = arith.constant 16 : i32
      %scan3A_161 = arith.addi %scan3A_159, %scan3A_160 : i32
      %scan3A_162 = arith.constant 2 : i32
      scf.for %scan3A_522 = %scan3A_159 to %scan3A_161 step %scan3A_162  : i32 {
        %add3A_523 = arith.constant 16 : i32
        %add3A_524 = arith.addi %add3A_523, %scan3A_522 : i32
        %broadcast_in_dim3A_525 = arith.constant 0.000000e+00 : f32
        %broadcast_in_dim3A_526 = vector.broadcast %broadcast_in_dim3A_525 : f32 to vector<16xf32>
        %get3A_527 = arith.index_cast %add3A_524 : i32 to index
        %get3A_528 = arith.constant 0 : index
        %get3A_529 = tpu.vector_load %arg11[%get3A_527, %get3A_528] {strides = array<i32>} : memref<80x128xi32, #tpu.memory_space<vmem>>, vector<16xi32>,
        %bitcast3A = vector.bitcast %get3A_529 : vector<16xi32> to vector<32xbf16>
        %get3A_530 = arith.index_cast %add3A_524 : i32 to index
        %get3A_531 = arith.constant 0 : index
        %get3A_532 = tpu.vector_load %arg12[%get3A_530, %get3A_531] {strides = array<i32>} : memref<80x128xi32, #tpu.memory_space<vmem>>, vector<16xi32>,
        %bitcast3A_533 = vector.bitcast %get3A_532 : vector<16xi32> to vector<32xbf16>
        %add3A_534 = arith.addf %bitcast3A, %bitcast3A_533 : vector<32xbf16>
        %get3A_535 = arith.index_cast %add3A_524 : i32 to index
        %get3A_536 = arith.constant 0 : index
        %get3A_537 = tpu.vector_load %arg13[%get3A_535, %get3A_536] {strides = array<i32>} : memref<80x64xi32, #tpu.memory_space<vmem>>, vector<16xi32>,
        %bitcast3A_538 = vector.bitcast %get3A_537 : vector<16xi32> to vector<32xbf16>
        %add3A_539 = arith.addf %add3A_534, %bitcast3A_538 : vector<32xbf16>
        %max3A = arith.maximumf %add3A_539, %broadcast_in_dim3A_26 : vector<32xbf16>
        %unpack3A = tpu.unpack_subelements %max3A, 0 {pack_format = #tpu.pack_format<interleaved>} : vector<32xbf16> -> vector<16xf32>
        %unpack3A_540 = tpu.unpack_subelements %max3A, 1 {pack_format = #tpu.pack_format<interleaved>} : vector<32xbf16> -> vector<16xf32>
        %mul3A_541 = arith.mulf %unpack3A, %get3A_8 : vector<16xf32>
        %add3A_542 = arith.addf %broadcast_in_dim3A_526, %mul3A_541 : vector<16xf32>
        %mul3A_543 = arith.mulf %unpack3A_540, %get3A_16 : vector<16xf32>
        %add3A_544 = arith.addf %add3A_542, %mul3A_543 : vector<16xf32>
        %get3A_545 = arith.index_cast %add3A_524 : i32 to index
        %get3A_546 = arith.constant 16 : index
        %get3A_547 = tpu.vector_load %arg11[%get3A_545, %get3A_546] {strides = array<i32>} : memref<80x128xi32, #tpu.memory_space<vmem>>, vector<16xi32>,
        %bitcast3A_548 = vector.bitcast %get3A_547 : vector<16xi32> to vector<32xbf16>
        %get3A_549 = arith.index_cast %add3A_524 : i32 to index
        %get3A_550 = arith.constant 16 : index
        %get3A_551 = tpu.vector_load %arg12[%get3A_549, %get3A_550] {strides = array<i32>} : memref<80x128xi32, #tpu.memory_space<vmem>>, vector<16xi32>,
        %bitcast3A_552 = vector.bitcast %get3A_551 : vector<16xi32> to vector<32xbf16>
        %add3A_553 = arith.addf %bitcast3A_548, %bitcast3A_552 : vector<32xbf16>
        %get3A_554 = arith.index_cast %add3A_524 : i32 to index
        %get3A_555 = arith.constant 16 : index
        %get3A_556 = tpu.vector_load %arg13[%get3A_554, %get3A_555] {strides = array<i32>} : memref<80x64xi32, #tpu.memory_space<vmem>>, vector<16xi32>,
        %bitcast3A_557 = vector.bitcast %get3A_556 : vector<16xi32> to vector<32xbf16>
        %add3A_558 = arith.addf %add3A_553, %bitcast3A_557 : vector<32xbf16>
        %max3A_559 = arith.maximumf %add3A_558, %broadcast_in_dim3A_26 : vector<32xbf16>
        %unpack3A_560 = tpu.unpack_subelements %max3A_559, 0 {pack_format = #tpu.pack_format<interleaved>} : vector<32xbf16> -> vector<16xf32>
        %unpack3A_561 = tpu.unpack_subelements %max3A_559, 1 {pack_format = #tpu.pack_format<interleaved>} : vector<32xbf16> -> vector<16xf32>
        %mul3A_562 = arith.mulf %unpack3A_560, %get3A_10 : vector<16xf32>
        %add3A_563 = arith.addf %add3A_544, %mul3A_562 : vector<16xf32>
        %mul3A_564 = arith.mulf %unpack3A_561, %get3A_18 : vector<16xf32>
        %add3A_565 = arith.addf %add3A_563, %mul3A_564 : vector<16xf32>
        %get3A_566 = arith.index_cast %add3A_524 : i32 to index
        %get3A_567 = arith.constant 32 : index
        %get3A_568 = tpu.vector_load %arg11[%get3A_566, %get3A_567] {strides = array<i32>} : memref<80x128xi32, #tpu.memory_space<vmem>>, vector<16xi32>,
        %bitcast3A_569 = vector.bitcast %get3A_568 : vector<16xi32> to vector<32xbf16>
        %get3A_570 = arith.index_cast %add3A_524 : i32 to index
        %get3A_571 = arith.constant 32 : index
        %get3A_572 = tpu.vector_load %arg12[%get3A_570, %get3A_571] {strides = array<i32>} : memref<80x128xi32, #tpu.memory_space<vmem>>, vector<16xi32>,
        %bitcast3A_573 = vector.bitcast %get3A_572 : vector<16xi32> to vector<32xbf16>
        %add3A_574 = arith.addf %bitcast3A_569, %bitcast3A_573 : vector<32xbf16>
        %get3A_575 = arith.index_cast %add3A_524 : i32 to index
        %get3A_576 = arith.constant 32 : index
        %get3A_577 = tpu.vector_load %arg13[%get3A_575, %get3A_576] {strides = array<i32>} : memref<80x64xi32, #tpu.memory_space<vmem>>, vector<16xi32>,
        %bitcast3A_578 = vector.bitcast %get3A_577 : vector<16xi32> to vector<32xbf16>
        %add3A_579 = arith.addf %add3A_574, %bitcast3A_578 : vector<32xbf16>
        %max3A_580 = arith.maximumf %add3A_579, %broadcast_in_dim3A_26 : vector<32xbf16>
        %unpack3A_581 = tpu.unpack_subelements %max3A_580, 0 {pack_format = #tpu.pack_format<interleaved>} : vector<32xbf16> -> vector<16xf32>
        %unpack3A_582 = tpu.unpack_subelements %max3A_580, 1 {pack_format = #tpu.pack_format<interleaved>} : vector<32xbf16> -> vector<16xf32>
        %mul3A_583 = arith.mulf %unpack3A_581, %get3A_12 : vector<16xf32>
        %add3A_584 = arith.addf %add3A_565, %mul3A_583 : vector<16xf32>
        %mul3A_585 = arith.mulf %unpack3A_582, %get3A_20 : vector<16xf32>
        %add3A_586 = arith.addf %add3A_584, %mul3A_585 : vector<16xf32>
        %get3A_587 = arith.index_cast %add3A_524 : i32 to index
        %get3A_588 = arith.constant 48 : index
        %get3A_589 = tpu.vector_load %arg11[%get3A_587, %get3A_588] {strides = array<i32>} : memref<80x128xi32, #tpu.memory_space<vmem>>, vector<16xi32>,
        %bitcast3A_590 = vector.bitcast %get3A_589 : vector<16xi32> to vector<32xbf16>
        %get3A_591 = arith.index_cast %add3A_524 : i32 to index
        %get3A_592 = arith.constant 48 : index
        %get3A_593 = tpu.vector_load %arg12[%get3A_591, %get3A_592] {strides = array<i32>} : memref<80x128xi32, #tpu.memory_space<vmem>>, vector<16xi32>,
        %bitcast3A_594 = vector.bitcast %get3A_593 : vector<16xi32> to vector<32xbf16>
        %add3A_595 = arith.addf %bitcast3A_590, %bitcast3A_594 : vector<32xbf16>
        %get3A_596 = arith.index_cast %add3A_524 : i32 to index
        %get3A_597 = arith.constant 48 : index
        %get3A_598 = tpu.vector_load %arg13[%get3A_596, %get3A_597] {strides = array<i32>} : memref<80x64xi32, #tpu.memory_space<vmem>>, vector<16xi32>,
        %bitcast3A_599 = vector.bitcast %get3A_598 : vector<16xi32> to vector<32xbf16>
        %add3A_600 = arith.addf %add3A_595, %bitcast3A_599 : vector<32xbf16>
        %max3A_601 = arith.maximumf %add3A_600, %broadcast_in_dim3A_26 : vector<32xbf16>
        %unpack3A_602 = tpu.unpack_subelements %max3A_601, 0 {pack_format = #tpu.pack_format<interleaved>} : vector<32xbf16> -> vector<16xf32>
        %unpack3A_603 = tpu.unpack_subelements %max3A_601, 1 {pack_format = #tpu.pack_format<interleaved>} : vector<32xbf16> -> vector<16xf32>
        %mul3A_604 = arith.mulf %unpack3A_602, %get3A_14 : vector<16xf32>
        %add3A_605 = arith.addf %add3A_586, %mul3A_604 : vector<16xf32>
        %mul3A_606 = arith.mulf %unpack3A_603, %get3A_22 : vector<16xf32>
        %add3A_607 = arith.addf %add3A_605, %mul3A_606 : vector<16xf32>
        %mul3A_608 = arith.constant 17 : i32
        %mul3A_609 = arith.muli %scan3A_522, %mul3A_608 : i32
        %swap3A = arith.index_cast %mul3A_609 : i32 to index
        %swap3A_610 = tpu.vector_load %arg18[%swap3A] {strides = array<i32>} : memref<272xf32, #tpu.memory_space<vmem>>, vector<16xf32>,
        tpu.vector_store %arg18[%swap3A], %add3A_607 {strides = array<i32>} : memref<272xf32, #tpu.memory_space<vmem>>, vector<16xf32>,
        %scan3A_611 = arith.constant 1 : i32
        %scan3A_612 = arith.addi %scan3A_522, %scan3A_611 : i32
        %add3A_613 = arith.constant 16 : i32
        %add3A_614 = arith.addi %add3A_613, %scan3A_612 : i32
        %broadcast_in_dim3A_615 = arith.constant 0.000000e+00 : f32
        %broadcast_in_dim3A_616 = vector.broadcast %broadcast_in_dim3A_615 : f32 to vector<16xf32>
        %get3A_617 = arith.index_cast %add3A_614 : i32 to index
        %get3A_618 = arith.constant 0 : index
        %get3A_619 = tpu.vector_load %arg11[%get3A_617, %get3A_618] {strides = array<i32>} : memref<80x128xi32, #tpu.memory_space<vmem>>, vector<16xi32>,
        %bitcast3A_620 = vector.bitcast %get3A_619 : vector<16xi32> to vector<32xbf16>
        %get3A_621 = arith.index_cast %add3A_614 : i32 to index
        %get3A_622 = arith.constant 0 : index
        %get3A_623 = tpu.vector_load %arg12[%get3A_621, %get3A_622] {strides = array<i32>} : memref<80x128xi32, #tpu.memory_space<vmem>>, vector<16xi32>,
        %bitcast3A_624 = vector.bitcast %get3A_623 : vector<16xi32> to vector<32xbf16>
        %add3A_625 = arith.addf %bitcast3A_620, %bitcast3A_624 : vector<32xbf16>
        %get3A_626 = arith.index_cast %add3A_614 : i32 to index
        %get3A_627 = arith.constant 0 : index
        %get3A_628 = tpu.vector_load %arg13[%get3A_626, %get3A_627] {strides = array<i32>} : memref<80x64xi32, #tpu.memory_space<vmem>>, vector<16xi32>,
        %bitcast3A_629 = vector.bitcast %get3A_628 : vector<16xi32> to vector<32xbf16>
        %add3A_630 = arith.addf %add3A_625, %bitcast3A_629 : vector<32xbf16>
        %max3A_631 = arith.maximumf %add3A_630, %broadcast_in_dim3A_26 : vector<32xbf16>
        %unpack3A_632 = tpu.unpack_subelements %max3A_631, 0 {pack_format = #tpu.pack_format<interleaved>} : vector<32xbf16> -> vector<16xf32>
        %unpack3A_633 = tpu.unpack_subelements %max3A_631, 1 {pack_format = #tpu.pack_format<interleaved>} : vector<32xbf16> -> vector<16xf32>
        %mul3A_634 = arith.mulf %unpack3A_632, %get3A_8 : vector<16xf32>
        %add3A_635 = arith.addf %broadcast_in_dim3A_616, %mul3A_634 : vector<16xf32>
        %mul3A_636 = arith.mulf %unpack3A_633, %get3A_16 : vector<16xf32>
        %add3A_637 = arith.addf %add3A_635, %mul3A_636 : vector<16xf32>
        %get3A_638 = arith.index_cast %add3A_614 : i32 to index
        %get3A_639 = arith.constant 16 : index
        %get3A_640 = tpu.vector_load %arg11[%get3A_638, %get3A_639] {strides = array<i32>} : memref<80x128xi32, #tpu.memory_space<vmem>>, vector<16xi32>,
        %bitcast3A_641 = vector.bitcast %get3A_640 : vector<16xi32> to vector<32xbf16>
        %get3A_642 = arith.index_cast %add3A_614 : i32 to index
        %get3A_643 = arith.constant 16 : index
        %get3A_644 = tpu.vector_load %arg12[%get3A_642, %get3A_643] {strides = array<i32>} : memref<80x128xi32, #tpu.memory_space<vmem>>, vector<16xi32>,
        %bitcast3A_645 = vector.bitcast %get3A_644 : vector<16xi32> to vector<32xbf16>
        %add3A_646 = arith.addf %bitcast3A_641, %bitcast3A_645 : vector<32xbf16>
        %get3A_647 = arith.index_cast %add3A_614 : i32 to index
        %get3A_648 = arith.constant 16 : index
        %get3A_649 = tpu.vector_load %arg13[%get3A_647, %get3A_648] {strides = array<i32>} : memref<80x64xi32, #tpu.memory_space<vmem>>, vector<16xi32>,
        %bitcast3A_650 = vector.bitcast %get3A_649 : vector<16xi32> to vector<32xbf16>
        %add3A_651 = arith.addf %add3A_646, %bitcast3A_650 : vector<32xbf16>
        %max3A_652 = arith.maximumf %add3A_651, %broadcast_in_dim3A_26 : vector<32xbf16>
        %unpack3A_653 = tpu.unpack_subelements %max3A_652, 0 {pack_format = #tpu.pack_format<interleaved>} : vector<32xbf16> -> vector<16xf32>
        %unpack3A_654 = tpu.unpack_subelements %max3A_652, 1 {pack_format = #tpu.pack_format<interleaved>} : vector<32xbf16> -> vector<16xf32>
        %mul3A_655 = arith.mulf %unpack3A_653, %get3A_10 : vector<16xf32>
        %add3A_656 = arith.addf %add3A_637, %mul3A_655 : vector<16xf32>
        %mul3A_657 = arith.mulf %unpack3A_654, %get3A_18 : vector<16xf32>
        %add3A_658 = arith.addf %add3A_656, %mul3A_657 : vector<16xf32>
        %get3A_659 = arith.index_cast %add3A_614 : i32 to index
        %get3A_660 = arith.constant 32 : index
        %get3A_661 = tpu.vector_load %arg11[%get3A_659, %get3A_660] {strides = array<i32>} : memref<80x128xi32, #tpu.memory_space<vmem>>, vector<16xi32>,
        %bitcast3A_662 = vector.bitcast %get3A_661 : vector<16xi32> to vector<32xbf16>
        %get3A_663 = arith.index_cast %add3A_614 : i32 to index
        %get3A_664 = arith.constant 32 : index
        %get3A_665 = tpu.vector_load %arg12[%get3A_663, %get3A_664] {strides = array<i32>} : memref<80x128xi32, #tpu.memory_space<vmem>>, vector<16xi32>,
        %bitcast3A_666 = vector.bitcast %get3A_665 : vector<16xi32> to vector<32xbf16>
        %add3A_667 = arith.addf %bitcast3A_662, %bitcast3A_666 : vector<32xbf16>
        %get3A_668 = arith.index_cast %add3A_614 : i32 to index
        %get3A_669 = arith.constant 32 : index
        %get3A_670 = tpu.vector_load %arg13[%get3A_668, %get3A_669] {strides = array<i32>} : memref<80x64xi32, #tpu.memory_space<vmem>>, vector<16xi32>,
        %bitcast3A_671 = vector.bitcast %get3A_670 : vector<16xi32> to vector<32xbf16>
        %add3A_672 = arith.addf %add3A_667, %bitcast3A_671 : vector<32xbf16>
        %max3A_673 = arith.maximumf %add3A_672, %broadcast_in_dim3A_26 : vector<32xbf16>
        %unpack3A_674 = tpu.unpack_subelements %max3A_673, 0 {pack_format = #tpu.pack_format<interleaved>} : vector<32xbf16> -> vector<16xf32>
        %unpack3A_675 = tpu.unpack_subelements %max3A_673, 1 {pack_format = #tpu.pack_format<interleaved>} : vector<32xbf16> -> vector<16xf32>
        %mul3A_676 = arith.mulf %unpack3A_674, %get3A_12 : vector<16xf32>
        %add3A_677 = arith.addf %add3A_658, %mul3A_676 : vector<16xf32>
        %mul3A_678 = arith.mulf %unpack3A_675, %get3A_20 : vector<16xf32>
        %add3A_679 = arith.addf %add3A_677, %mul3A_678 : vector<16xf32>
        %get3A_680 = arith.index_cast %add3A_614 : i32 to index
        %get3A_681 = arith.constant 48 : index
        %get3A_682 = tpu.vector_load %arg11[%get3A_680, %get3A_681] {strides = array<i32>} : memref<80x128xi32, #tpu.memory_space<vmem>>, vector<16xi32>,
        %bitcast3A_683 = vector.bitcast %get3A_682 : vector<16xi32> to vector<32xbf16>
        %get3A_684 = arith.index_cast %add3A_614 : i32 to index
        %get3A_685 = arith.constant 48 : index
        %get3A_686 = tpu.vector_load %arg12[%get3A_684, %get3A_685] {strides = array<i32>} : memref<80x128xi32, #tpu.memory_space<vmem>>, vector<16xi32>,
        %bitcast3A_687 = vector.bitcast %get3A_686 : vector<16xi32> to vector<32xbf16>
        %add3A_688 = arith.addf %bitcast3A_683, %bitcast3A_687 : vector<32xbf16>
        %get3A_689 = arith.index_cast %add3A_614 : i32 to index
        %get3A_690 = arith.constant 48 : index
        %get3A_691 = tpu.vector_load %arg13[%get3A_689, %get3A_690] {strides = array<i32>} : memref<80x64xi32, #tpu.memory_space<vmem>>, vector<16xi32>,
        %bitcast3A_692 = vector.bitcast %get3A_691 : vector<16xi32> to vector<32xbf16>
        %add3A_693 = arith.addf %add3A_688, %bitcast3A_692 : vector<32xbf16>
        %max3A_694 = arith.maximumf %add3A_693, %broadcast_in_dim3A_26 : vector<32xbf16>
        %unpack3A_695 = tpu.unpack_subelements %max3A_694, 0 {pack_format = #tpu.pack_format<interleaved>} : vector<32xbf16> -> vector<16xf32>
        %unpack3A_696 = tpu.unpack_subelements %max3A_694, 1 {pack_format = #tpu.pack_format<interleaved>} : vector<32xbf16> -> vector<16xf32>
        %mul3A_697 = arith.mulf %unpack3A_695, %get3A_14 : vector<16xf32>
        %add3A_698 = arith.addf %add3A_679, %mul3A_697 : vector<16xf32>
        %mul3A_699 = arith.mulf %unpack3A_696, %get3A_22 : vector<16xf32>
        %add3A_700 = arith.addf %add3A_698, %mul3A_699 : vector<16xf32>
        %mul3A_701 = arith.constant 17 : i32
        %mul3A_702 = arith.muli %scan3A_612, %mul3A_701 : i32
        %swap3A_703 = arith.index_cast %mul3A_702 : i32 to index
        %swap3A_704 = tpu.vector_load %arg18[%swap3A_703] {strides = array<i32>} : memref<272xf32, #tpu.memory_space<vmem>>, vector<16xf32>,
        tpu.vector_store %arg18[%swap3A_703], %add3A_700 {strides = array<i32>} : memref<272xf32, #tpu.memory_space<vmem>>, vector<16xf32>,
      }
      %scan3A_163 = arith.constant 16 : i32
      %gather3A_164 = tpu.vector_load_idx %arg18[%mul3A_25] : memref<272xf32, #tpu.memory_space<vmem>>[vector<16xi32>], vector<16xf32>,
      %add3A_165 = arith.constant 1 : i32
      %add3A_166 = vector.broadcast %add3A_165 : i32 to vector<16xi32>
      %add3A_167 = arith.addi %mul3A_25, %add3A_166 : vector<16xi32>
      %gather3A_168 = tpu.vector_load_idx %arg18[%add3A_167] : memref<272xf32, #tpu.memory_space<vmem>>[vector<16xi32>], vector<16xf32>,
      %add3A_169 = arith.addf %gather3A_164, %gather3A_168 : vector<16xf32>
      %add3A_170 = arith.constant 2 : i32
      %add3A_171 = vector.broadcast %add3A_170 : i32 to vector<16xi32>
      %add3A_172 = arith.addi %mul3A_25, %add3A_171 : vector<16xi32>
      %gather3A_173 = tpu.vector_load_idx %arg18[%add3A_172] : memref<272xf32, #tpu.memory_space<vmem>>[vector<16xi32>], vector<16xf32>,
      %add3A_174 = arith.addf %add3A_169, %gather3A_173 : vector<16xf32>
      %add3A_175 = arith.constant 3 : i32
      %add3A_176 = vector.broadcast %add3A_175 : i32 to vector<16xi32>
      %add3A_177 = arith.addi %mul3A_25, %add3A_176 : vector<16xi32>
      %gather3A_178 = tpu.vector_load_idx %arg18[%add3A_177] : memref<272xf32, #tpu.memory_space<vmem>>[vector<16xi32>], vector<16xf32>,
      %add3A_179 = arith.addf %add3A_174, %gather3A_178 : vector<16xf32>
      %add3A_180 = arith.constant 4 : i32
      %add3A_181 = vector.broadcast %add3A_180 : i32 to vector<16xi32>
      %add3A_182 = arith.addi %mul3A_25, %add3A_181 : vector<16xi32>
      %gather3A_183 = tpu.vector_load_idx %arg18[%add3A_182] : memref<272xf32, #tpu.memory_space<vmem>>[vector<16xi32>], vector<16xf32>,
      %add3A_184 = arith.addf %add3A_179, %gather3A_183 : vector<16xf32>
      %add3A_185 = arith.constant 5 : i32
      %add3A_186 = vector.broadcast %add3A_185 : i32 to vector<16xi32>
      %add3A_187 = arith.addi %mul3A_25, %add3A_186 : vector<16xi32>
      %gather3A_188 = tpu.vector_load_idx %arg18[%add3A_187] : memref<272xf32, #tpu.memory_space<vmem>>[vector<16xi32>], vector<16xf32>,
      %add3A_189 = arith.addf %add3A_184, %gather3A_188 : vector<16xf32>
      %add3A_190 = arith.constant 6 : i32
      %add3A_191 = vector.broadcast %add3A_190 : i32 to vector<16xi32>
      %add3A_192 = arith.addi %mul3A_25, %add3A_191 : vector<16xi32>
      %gather3A_193 = tpu.vector_load_idx %arg18[%add3A_192] : memref<272xf32, #tpu.memory_space<vmem>>[vector<16xi32>], vector<16xf32>,
      %add3A_194 = arith.addf %add3A_189, %gather3A_193 : vector<16xf32>
      %add3A_195 = arith.constant 7 : i32
      %add3A_196 = vector.broadcast %add3A_195 : i32 to vector<16xi32>
      %add3A_197 = arith.addi %mul3A_25, %add3A_196 : vector<16xi32>
      %gather3A_198 = tpu.vector_load_idx %arg18[%add3A_197] : memref<272xf32, #tpu.memory_space<vmem>>[vector<16xi32>], vector<16xf32>,
      %add3A_199 = arith.addf %add3A_194, %gather3A_198 : vector<16xf32>
      %add3A_200 = arith.constant 8 : i32
      %add3A_201 = vector.broadcast %add3A_200 : i32 to vector<16xi32>
      %add3A_202 = arith.addi %mul3A_25, %add3A_201 : vector<16xi32>
      %gather3A_203 = tpu.vector_load_idx %arg18[%add3A_202] : memref<272xf32, #tpu.memory_space<vmem>>[vector<16xi32>], vector<16xf32>,
      %add3A_204 = arith.addf %add3A_199, %gather3A_203 : vector<16xf32>
      %add3A_205 = arith.constant 9 : i32
      %add3A_206 = vector.broadcast %add3A_205 : i32 to vector<16xi32>
      %add3A_207 = arith.addi %mul3A_25, %add3A_206 : vector<16xi32>
      %gather3A_208 = tpu.vector_load_idx %arg18[%add3A_207] : memref<272xf32, #tpu.memory_space<vmem>>[vector<16xi32>], vector<16xf32>,
      %add3A_209 = arith.addf %add3A_204, %gather3A_208 : vector<16xf32>
      %add3A_210 = arith.constant 10 : i32
      %add3A_211 = vector.broadcast %add3A_210 : i32 to vector<16xi32>
      %add3A_212 = arith.addi %mul3A_25, %add3A_211 : vector<16xi32>
      %gather3A_213 = tpu.vector_load_idx %arg18[%add3A_212] : memref<272xf32, #tpu.memory_space<vmem>>[vector<16xi32>], vector<16xf32>,
      %add3A_214 = arith.addf %add3A_209, %gather3A_213 : vector<16xf32>
      %add3A_215 = arith.constant 11 : i32
      %add3A_216 = vector.broadcast %add3A_215 : i32 to vector<16xi32>
      %add3A_217 = arith.addi %mul3A_25, %add3A_216 : vector<16xi32>
      %gather3A_218 = tpu.vector_load_idx %arg18[%add3A_217] : memref<272xf32, #tpu.memory_space<vmem>>[vector<16xi32>], vector<16xf32>,
      %add3A_219 = arith.addf %add3A_214, %gather3A_218 : vector<16xf32>
      %add3A_220 = arith.constant 12 : i32
      %add3A_221 = vector.broadcast %add3A_220 : i32 to vector<16xi32>
      %add3A_222 = arith.addi %mul3A_25, %add3A_221 : vector<16xi32>
      %gather3A_223 = tpu.vector_load_idx %arg18[%add3A_222] : memref<272xf32, #tpu.memory_space<vmem>>[vector<16xi32>], vector<16xf32>,
      %add3A_224 = arith.addf %add3A_219, %gather3A_223 : vector<16xf32>
      %add3A_225 = arith.constant 13 : i32
      %add3A_226 = vector.broadcast %add3A_225 : i32 to vector<16xi32>
      %add3A_227 = arith.addi %mul3A_25, %add3A_226 : vector<16xi32>
      %gather3A_228 = tpu.vector_load_idx %arg18[%add3A_227] : memref<272xf32, #tpu.memory_space<vmem>>[vector<16xi32>], vector<16xf32>,
      %add3A_229 = arith.addf %add3A_224, %gather3A_228 : vector<16xf32>
      %add3A_230 = arith.constant 14 : i32
      %add3A_231 = vector.broadcast %add3A_230 : i32 to vector<16xi32>
      %add3A_232 = arith.addi %mul3A_25, %add3A_231 : vector<16xi32>
      %gather3A_233 = tpu.vector_load_idx %arg18[%add3A_232] : memref<272xf32, #tpu.memory_space<vmem>>[vector<16xi32>], vector<16xf32>,
      %add3A_234 = arith.addf %add3A_229, %gather3A_233 : vector<16xf32>
      %add3A_235 = arith.constant 15 : i32
      %add3A_236 = vector.broadcast %add3A_235 : i32 to vector<16xi32>
      %add3A_237 = arith.addi %mul3A_25, %add3A_236 : vector<16xi32>
      %gather3A_238 = tpu.vector_load_idx %arg18[%add3A_237] : memref<272xf32, #tpu.memory_space<vmem>>[vector<16xi32>], vector<16xf32>,
      %add3A_239 = arith.addf %add3A_234, %gather3A_238 : vector<16xf32>
      %mul3A_240 = arith.constant 80 : i32
      %mul3A_241 = arith.muli %mul3A_50, %mul3A_240 : i32
      %add3A_242 = arith.constant 16 : i32
      %add3A_243 = arith.addi %mul3A_241, %add3A_242 : i32
      %get3A_244 = arith.index_cast %add3A_243 : i32 to index
      %get3A_245 = tpu.vector_load %arg10[%get3A_244] {strides = array<i32>} : memref<10000xi32, #tpu.memory_space<vmem>>, vector<16xi32>,
      tpu.vector_store_idx %arg19[%get3A_245], %add3A_239 {add = true} : memref<10000xf32, #tpu.memory_space<vmem>>[vector<16xi32>], vector<16xf32>,
      %scan3A_246 = arith.constant 0 : i32
      %scan3A_247 = arith.constant 0 : i32
      %scan3A_248 = arith.constant 16 : i32
      %scan3A_249 = arith.addi %scan3A_247, %scan3A_248 : i32
      %scan3A_250 = arith.constant 2 : i32
      scf.for %scan3A_522 = %scan3A_247 to %scan3A_249 step %scan3A_250  : i32 {
        %add3A_523 = arith.constant 32 : i32
        %add3A_524 = arith.addi %add3A_523, %scan3A_522 : i32
        %broadcast_in_dim3A_525 = arith.constant 0.000000e+00 : f32
        %broadcast_in_dim3A_526 = vector.broadcast %broadcast_in_dim3A_525 : f32 to vector<16xf32>
        %get3A_527 = arith.index_cast %add3A_524 : i32 to index
        %get3A_528 = arith.constant 0 : index
        %get3A_529 = tpu.vector_load %arg11[%get3A_527, %get3A_528] {strides = array<i32>} : memref<80x128xi32, #tpu.memory_space<vmem>>, vector<16xi32>,
        %bitcast3A = vector.bitcast %get3A_529 : vector<16xi32> to vector<32xbf16>
        %get3A_530 = arith.index_cast %add3A_524 : i32 to index
        %get3A_531 = arith.constant 0 : index
        %get3A_532 = tpu.vector_load %arg12[%get3A_530, %get3A_531] {strides = array<i32>} : memref<80x128xi32, #tpu.memory_space<vmem>>, vector<16xi32>,
        %bitcast3A_533 = vector.bitcast %get3A_532 : vector<16xi32> to vector<32xbf16>
        %add3A_534 = arith.addf %bitcast3A, %bitcast3A_533 : vector<32xbf16>
        %get3A_535 = arith.index_cast %add3A_524 : i32 to index
        %get3A_536 = arith.constant 0 : index
        %get3A_537 = tpu.vector_load %arg13[%get3A_535, %get3A_536] {strides = array<i32>} : memref<80x64xi32, #tpu.memory_space<vmem>>, vector<16xi32>,
        %bitcast3A_538 = vector.bitcast %get3A_537 : vector<16xi32> to vector<32xbf16>
        %add3A_539 = arith.addf %add3A_534, %bitcast3A_538 : vector<32xbf16>
        %max3A = arith.maximumf %add3A_539, %broadcast_in_dim3A_26 : vector<32xbf16>
        %unpack3A = tpu.unpack_subelements %max3A, 0 {pack_format = #tpu.pack_format<interleaved>} : vector<32xbf16> -> vector<16xf32>
        %unpack3A_540 = tpu.unpack_subelements %max3A, 1 {pack_format = #tpu.pack_format<interleaved>} : vector<32xbf16> -> vector<16xf32>
        %mul3A_541 = arith.mulf %unpack3A, %get3A_8 : vector<16xf32>
        %add3A_542 = arith.addf %broadcast_in_dim3A_526, %mul3A_541 : vector<16xf32>
        %mul3A_543 = arith.mulf %unpack3A_540, %get3A_16 : vector<16xf32>
        %add3A_544 = arith.addf %add3A_542, %mul3A_543 : vector<16xf32>
        %get3A_545 = arith.index_cast %add3A_524 : i32 to index
        %get3A_546 = arith.constant 16 : index
        %get3A_547 = tpu.vector_load %arg11[%get3A_545, %get3A_546] {strides = array<i32>} : memref<80x128xi32, #tpu.memory_space<vmem>>, vector<16xi32>,
        %bitcast3A_548 = vector.bitcast %get3A_547 : vector<16xi32> to vector<32xbf16>
        %get3A_549 = arith.index_cast %add3A_524 : i32 to index
        %get3A_550 = arith.constant 16 : index
        %get3A_551 = tpu.vector_load %arg12[%get3A_549, %get3A_550] {strides = array<i32>} : memref<80x128xi32, #tpu.memory_space<vmem>>, vector<16xi32>,
        %bitcast3A_552 = vector.bitcast %get3A_551 : vector<16xi32> to vector<32xbf16>
        %add3A_553 = arith.addf %bitcast3A_548, %bitcast3A_552 : vector<32xbf16>
        %get3A_554 = arith.index_cast %add3A_524 : i32 to index
        %get3A_555 = arith.constant 16 : index
        %get3A_556 = tpu.vector_load %arg13[%get3A_554, %get3A_555] {strides = array<i32>} : memref<80x64xi32, #tpu.memory_space<vmem>>, vector<16xi32>,
        %bitcast3A_557 = vector.bitcast %get3A_556 : vector<16xi32> to vector<32xbf16>
        %add3A_558 = arith.addf %add3A_553, %bitcast3A_557 : vector<32xbf16>
        %max3A_559 = arith.maximumf %add3A_558, %broadcast_in_dim3A_26 : vector<32xbf16>
        %unpack3A_560 = tpu.unpack_subelements %max3A_559, 0 {pack_format = #tpu.pack_format<interleaved>} : vector<32xbf16> -> vector<16xf32>
        %unpack3A_561 = tpu.unpack_subelements %max3A_559, 1 {pack_format = #tpu.pack_format<interleaved>} : vector<32xbf16> -> vector<16xf32>
        %mul3A_562 = arith.mulf %unpack3A_560, %get3A_10 : vector<16xf32>
        %add3A_563 = arith.addf %add3A_544, %mul3A_562 : vector<16xf32>
        %mul3A_564 = arith.mulf %unpack3A_561, %get3A_18 : vector<16xf32>
        %add3A_565 = arith.addf %add3A_563, %mul3A_564 : vector<16xf32>
        %get3A_566 = arith.index_cast %add3A_524 : i32 to index
        %get3A_567 = arith.constant 32 : index
        %get3A_568 = tpu.vector_load %arg11[%get3A_566, %get3A_567] {strides = array<i32>} : memref<80x128xi32, #tpu.memory_space<vmem>>, vector<16xi32>,
        %bitcast3A_569 = vector.bitcast %get3A_568 : vector<16xi32> to vector<32xbf16>
        %get3A_570 = arith.index_cast %add3A_524 : i32 to index
        %get3A_571 = arith.constant 32 : index
        %get3A_572 = tpu.vector_load %arg12[%get3A_570, %get3A_571] {strides = array<i32>} : memref<80x128xi32, #tpu.memory_space<vmem>>, vector<16xi32>,
        %bitcast3A_573 = vector.bitcast %get3A_572 : vector<16xi32> to vector<32xbf16>
        %add3A_574 = arith.addf %bitcast3A_569, %bitcast3A_573 : vector<32xbf16>
        %get3A_575 = arith.index_cast %add3A_524 : i32 to index
        %get3A_576 = arith.constant 32 : index
        %get3A_577 = tpu.vector_load %arg13[%get3A_575, %get3A_576] {strides = array<i32>} : memref<80x64xi32, #tpu.memory_space<vmem>>, vector<16xi32>,
        %bitcast3A_578 = vector.bitcast %get3A_577 : vector<16xi32> to vector<32xbf16>
        %add3A_579 = arith.addf %add3A_574, %bitcast3A_578 : vector<32xbf16>
        %max3A_580 = arith.maximumf %add3A_579, %broadcast_in_dim3A_26 : vector<32xbf16>
        %unpack3A_581 = tpu.unpack_subelements %max3A_580, 0 {pack_format = #tpu.pack_format<interleaved>} : vector<32xbf16> -> vector<16xf32>
        %unpack3A_582 = tpu.unpack_subelements %max3A_580, 1 {pack_format = #tpu.pack_format<interleaved>} : vector<32xbf16> -> vector<16xf32>
        %mul3A_583 = arith.mulf %unpack3A_581, %get3A_12 : vector<16xf32>
        %add3A_584 = arith.addf %add3A_565, %mul3A_583 : vector<16xf32>
        %mul3A_585 = arith.mulf %unpack3A_582, %get3A_20 : vector<16xf32>
        %add3A_586 = arith.addf %add3A_584, %mul3A_585 : vector<16xf32>
        %get3A_587 = arith.index_cast %add3A_524 : i32 to index
        %get3A_588 = arith.constant 48 : index
        %get3A_589 = tpu.vector_load %arg11[%get3A_587, %get3A_588] {strides = array<i32>} : memref<80x128xi32, #tpu.memory_space<vmem>>, vector<16xi32>,
        %bitcast3A_590 = vector.bitcast %get3A_589 : vector<16xi32> to vector<32xbf16>
        %get3A_591 = arith.index_cast %add3A_524 : i32 to index
        %get3A_592 = arith.constant 48 : index
        %get3A_593 = tpu.vector_load %arg12[%get3A_591, %get3A_592] {strides = array<i32>} : memref<80x128xi32, #tpu.memory_space<vmem>>, vector<16xi32>,
        %bitcast3A_594 = vector.bitcast %get3A_593 : vector<16xi32> to vector<32xbf16>
        %add3A_595 = arith.addf %bitcast3A_590, %bitcast3A_594 : vector<32xbf16>
        %get3A_596 = arith.index_cast %add3A_524 : i32 to index
        %get3A_597 = arith.constant 48 : index
        %get3A_598 = tpu.vector_load %arg13[%get3A_596, %get3A_597] {strides = array<i32>} : memref<80x64xi32, #tpu.memory_space<vmem>>, vector<16xi32>,
        %bitcast3A_599 = vector.bitcast %get3A_598 : vector<16xi32> to vector<32xbf16>
        %add3A_600 = arith.addf %add3A_595, %bitcast3A_599 : vector<32xbf16>
        %max3A_601 = arith.maximumf %add3A_600, %broadcast_in_dim3A_26 : vector<32xbf16>
        %unpack3A_602 = tpu.unpack_subelements %max3A_601, 0 {pack_format = #tpu.pack_format<interleaved>} : vector<32xbf16> -> vector<16xf32>
        %unpack3A_603 = tpu.unpack_subelements %max3A_601, 1 {pack_format = #tpu.pack_format<interleaved>} : vector<32xbf16> -> vector<16xf32>
        %mul3A_604 = arith.mulf %unpack3A_602, %get3A_14 : vector<16xf32>
        %add3A_605 = arith.addf %add3A_586, %mul3A_604 : vector<16xf32>
        %mul3A_606 = arith.mulf %unpack3A_603, %get3A_22 : vector<16xf32>
        %add3A_607 = arith.addf %add3A_605, %mul3A_606 : vector<16xf32>
        %mul3A_608 = arith.constant 17 : i32
        %mul3A_609 = arith.muli %scan3A_522, %mul3A_608 : i32
        %swap3A = arith.index_cast %mul3A_609 : i32 to index
        %swap3A_610 = tpu.vector_load %arg18[%swap3A] {strides = array<i32>} : memref<272xf32, #tpu.memory_space<vmem>>, vector<16xf32>,
        tpu.vector_store %arg18[%swap3A], %add3A_607 {strides = array<i32>} : memref<272xf32, #tpu.memory_space<vmem>>, vector<16xf32>,
        %scan3A_611 = arith.constant 1 : i32
        %scan3A_612 = arith.addi %scan3A_522, %scan3A_611 : i32
        %add3A_613 = arith.constant 32 : i32
        %add3A_614 = arith.addi %add3A_613, %scan3A_612 : i32
        %broadcast_in_dim3A_615 = arith.constant 0.000000e+00 : f32
        %broadcast_in_dim3A_616 = vector.broadcast %broadcast_in_dim3A_615 : f32 to vector<16xf32>
        %get3A_617 = arith.index_cast %add3A_614 : i32 to index
        %get3A_618 = arith.constant 0 : index
        %get3A_619 = tpu.vector_load %arg11[%get3A_617, %get3A_618] {strides = array<i32>} : memref<80x128xi32, #tpu.memory_space<vmem>>, vector<16xi32>,
        %bitcast3A_620 = vector.bitcast %get3A_619 : vector<16xi32> to vector<32xbf16>
        %get3A_621 = arith.index_cast %add3A_614 : i32 to index
        %get3A_622 = arith.constant 0 : index
        %get3A_623 = tpu.vector_load %arg12[%get3A_621, %get3A_622] {strides = array<i32>} : memref<80x128xi32, #tpu.memory_space<vmem>>, vector<16xi32>,
        %bitcast3A_624 = vector.bitcast %get3A_623 : vector<16xi32> to vector<32xbf16>
        %add3A_625 = arith.addf %bitcast3A_620, %bitcast3A_624 : vector<32xbf16>
        %get3A_626 = arith.index_cast %add3A_614 : i32 to index
        %get3A_627 = arith.constant 0 : index
        %get3A_628 = tpu.vector_load %arg13[%get3A_626, %get3A_627] {strides = array<i32>} : memref<80x64xi32, #tpu.memory_space<vmem>>, vector<16xi32>,
        %bitcast3A_629 = vector.bitcast %get3A_628 : vector<16xi32> to vector<32xbf16>
        %add3A_630 = arith.addf %add3A_625, %bitcast3A_629 : vector<32xbf16>
        %max3A_631 = arith.maximumf %add3A_630, %broadcast_in_dim3A_26 : vector<32xbf16>
        %unpack3A_632 = tpu.unpack_subelements %max3A_631, 0 {pack_format = #tpu.pack_format<interleaved>} : vector<32xbf16> -> vector<16xf32>
        %unpack3A_633 = tpu.unpack_subelements %max3A_631, 1 {pack_format = #tpu.pack_format<interleaved>} : vector<32xbf16> -> vector<16xf32>
        %mul3A_634 = arith.mulf %unpack3A_632, %get3A_8 : vector<16xf32>
        %add3A_635 = arith.addf %broadcast_in_dim3A_616, %mul3A_634 : vector<16xf32>
        %mul3A_636 = arith.mulf %unpack3A_633, %get3A_16 : vector<16xf32>
        %add3A_637 = arith.addf %add3A_635, %mul3A_636 : vector<16xf32>
        %get3A_638 = arith.index_cast %add3A_614 : i32 to index
        %get3A_639 = arith.constant 16 : index
        %get3A_640 = tpu.vector_load %arg11[%get3A_638, %get3A_639] {strides = array<i32>} : memref<80x128xi32, #tpu.memory_space<vmem>>, vector<16xi32>,
        %bitcast3A_641 = vector.bitcast %get3A_640 : vector<16xi32> to vector<32xbf16>
        %get3A_642 = arith.index_cast %add3A_614 : i32 to index
        %get3A_643 = arith.constant 16 : index
        %get3A_644 = tpu.vector_load %arg12[%get3A_642, %get3A_643] {strides = array<i32>} : memref<80x128xi32, #tpu.memory_space<vmem>>, vector<16xi32>,
        %bitcast3A_645 = vector.bitcast %get3A_644 : vector<16xi32> to vector<32xbf16>
        %add3A_646 = arith.addf %bitcast3A_641, %bitcast3A_645 : vector<32xbf16>
        %get3A_647 = arith.index_cast %add3A_614 : i32 to index
        %get3A_648 = arith.constant 16 : index
        %get3A_649 = tpu.vector_load %arg13[%get3A_647, %get3A_648] {strides = array<i32>} : memref<80x64xi32, #tpu.memory_space<vmem>>, vector<16xi32>,
        %bitcast3A_650 = vector.bitcast %get3A_649 : vector<16xi32> to vector<32xbf16>
        %add3A_651 = arith.addf %add3A_646, %bitcast3A_650 : vector<32xbf16>
        %max3A_652 = arith.maximumf %add3A_651, %broadcast_in_dim3A_26 : vector<32xbf16>
        %unpack3A_653 = tpu.unpack_subelements %max3A_652, 0 {pack_format = #tpu.pack_format<interleaved>} : vector<32xbf16> -> vector<16xf32>
        %unpack3A_654 = tpu.unpack_subelements %max3A_652, 1 {pack_format = #tpu.pack_format<interleaved>} : vector<32xbf16> -> vector<16xf32>
        %mul3A_655 = arith.mulf %unpack3A_653, %get3A_10 : vector<16xf32>
        %add3A_656 = arith.addf %add3A_637, %mul3A_655 : vector<16xf32>
        %mul3A_657 = arith.mulf %unpack3A_654, %get3A_18 : vector<16xf32>
        %add3A_658 = arith.addf %add3A_656, %mul3A_657 : vector<16xf32>
        %get3A_659 = arith.index_cast %add3A_614 : i32 to index
        %get3A_660 = arith.constant 32 : index
        %get3A_661 = tpu.vector_load %arg11[%get3A_659, %get3A_660] {strides = array<i32>} : memref<80x128xi32, #tpu.memory_space<vmem>>, vector<16xi32>,
        %bitcast3A_662 = vector.bitcast %get3A_661 : vector<16xi32> to vector<32xbf16>
        %get3A_663 = arith.index_cast %add3A_614 : i32 to index
        %get3A_664 = arith.constant 32 : index
        %get3A_665 = tpu.vector_load %arg12[%get3A_663, %get3A_664] {strides = array<i32>} : memref<80x128xi32, #tpu.memory_space<vmem>>, vector<16xi32>,
        %bitcast3A_666 = vector.bitcast %get3A_665 : vector<16xi32> to vector<32xbf16>
        %add3A_667 = arith.addf %bitcast3A_662, %bitcast3A_666 : vector<32xbf16>
        %get3A_668 = arith.index_cast %add3A_614 : i32 to index
        %get3A_669 = arith.constant 32 : index
        %get3A_670 = tpu.vector_load %arg13[%get3A_668, %get3A_669] {strides = array<i32>} : memref<80x64xi32, #tpu.memory_space<vmem>>, vector<16xi32>,
        %bitcast3A_671 = vector.bitcast %get3A_670 : vector<16xi32> to vector<32xbf16>
        %add3A_672 = arith.addf %add3A_667, %bitcast3A_671 : vector<32xbf16>
        %max3A_673 = arith.maximumf %add3A_672, %broadcast_in_dim3A_26 : vector<32xbf16>
        %unpack3A_674 = tpu.unpack_subelements %max3A_673, 0 {pack_format = #tpu.pack_format<interleaved>} : vector<32xbf16> -> vector<16xf32>
        %unpack3A_675 = tpu.unpack_subelements %max3A_673, 1 {pack_format = #tpu.pack_format<interleaved>} : vector<32xbf16> -> vector<16xf32>
        %mul3A_676 = arith.mulf %unpack3A_674, %get3A_12 : vector<16xf32>
        %add3A_677 = arith.addf %add3A_658, %mul3A_676 : vector<16xf32>
        %mul3A_678 = arith.mulf %unpack3A_675, %get3A_20 : vector<16xf32>
        %add3A_679 = arith.addf %add3A_677, %mul3A_678 : vector<16xf32>
        %get3A_680 = arith.index_cast %add3A_614 : i32 to index
        %get3A_681 = arith.constant 48 : index
        %get3A_682 = tpu.vector_load %arg11[%get3A_680, %get3A_681] {strides = array<i32>} : memref<80x128xi32, #tpu.memory_space<vmem>>, vector<16xi32>,
        %bitcast3A_683 = vector.bitcast %get3A_682 : vector<16xi32> to vector<32xbf16>
        %get3A_684 = arith.index_cast %add3A_614 : i32 to index
        %get3A_685 = arith.constant 48 : index
        %get3A_686 = tpu.vector_load %arg12[%get3A_684, %get3A_685] {strides = array<i32>} : memref<80x128xi32, #tpu.memory_space<vmem>>, vector<16xi32>,
        %bitcast3A_687 = vector.bitcast %get3A_686 : vector<16xi32> to vector<32xbf16>
        %add3A_688 = arith.addf %bitcast3A_683, %bitcast3A_687 : vector<32xbf16>
        %get3A_689 = arith.index_cast %add3A_614 : i32 to index
        %get3A_690 = arith.constant 48 : index
        %get3A_691 = tpu.vector_load %arg13[%get3A_689, %get3A_690] {strides = array<i32>} : memref<80x64xi32, #tpu.memory_space<vmem>>, vector<16xi32>,
        %bitcast3A_692 = vector.bitcast %get3A_691 : vector<16xi32> to vector<32xbf16>
        %add3A_693 = arith.addf %add3A_688, %bitcast3A_692 : vector<32xbf16>
        %max3A_694 = arith.maximumf %add3A_693, %broadcast_in_dim3A_26 : vector<32xbf16>
        %unpack3A_695 = tpu.unpack_subelements %max3A_694, 0 {pack_format = #tpu.pack_format<interleaved>} : vector<32xbf16> -> vector<16xf32>
        %unpack3A_696 = tpu.unpack_subelements %max3A_694, 1 {pack_format = #tpu.pack_format<interleaved>} : vector<32xbf16> -> vector<16xf32>
        %mul3A_697 = arith.mulf %unpack3A_695, %get3A_14 : vector<16xf32>
        %add3A_698 = arith.addf %add3A_679, %mul3A_697 : vector<16xf32>
        %mul3A_699 = arith.mulf %unpack3A_696, %get3A_22 : vector<16xf32>
        %add3A_700 = arith.addf %add3A_698, %mul3A_699 : vector<16xf32>
        %mul3A_701 = arith.constant 17 : i32
        %mul3A_702 = arith.muli %scan3A_612, %mul3A_701 : i32
        %swap3A_703 = arith.index_cast %mul3A_702 : i32 to index
        %swap3A_704 = tpu.vector_load %arg18[%swap3A_703] {strides = array<i32>} : memref<272xf32, #tpu.memory_space<vmem>>, vector<16xf32>,
        tpu.vector_store %arg18[%swap3A_703], %add3A_700 {strides = array<i32>} : memref<272xf32, #tpu.memory_space<vmem>>, vector<16xf32>,
      }
      %scan3A_251 = arith.constant 16 : i32
      %gather3A_252 = tpu.vector_load_idx %arg18[%mul3A_25] : memref<272xf32, #tpu.memory_space<vmem>>[vector<16xi32>], vector<16xf32>,
      %add3A_253 = arith.constant 1 : i32
      %add3A_254 = vector.broadcast %add3A_253 : i32 to vector<16xi32>
      %add3A_255 = arith.addi %mul3A_25, %add3A_254 : vector<16xi32>
      %gather3A_256 = tpu.vector_load_idx %arg18[%add3A_255] : memref<272xf32, #tpu.memory_space<vmem>>[vector<16xi32>], vector<16xf32>,
      %add3A_257 = arith.addf %gather3A_252, %gather3A_256 : vector<16xf32>
      %add3A_258 = arith.constant 2 : i32
      %add3A_259 = vector.broadcast %add3A_258 : i32 to vector<16xi32>
      %add3A_260 = arith.addi %mul3A_25, %add3A_259 : vector<16xi32>
      %gather3A_261 = tpu.vector_load_idx %arg18[%add3A_260] : memref<272xf32, #tpu.memory_space<vmem>>[vector<16xi32>], vector<16xf32>,
      %add3A_262 = arith.addf %add3A_257, %gather3A_261 : vector<16xf32>
      %add3A_263 = arith.constant 3 : i32
      %add3A_264 = vector.broadcast %add3A_263 : i32 to vector<16xi32>
      %add3A_265 = arith.addi %mul3A_25, %add3A_264 : vector<16xi32>
      %gather3A_266 = tpu.vector_load_idx %arg18[%add3A_265] : memref<272xf32, #tpu.memory_space<vmem>>[vector<16xi32>], vector<16xf32>,
      %add3A_267 = arith.addf %add3A_262, %gather3A_266 : vector<16xf32>
      %add3A_268 = arith.constant 4 : i32
      %add3A_269 = vector.broadcast %add3A_268 : i32 to vector<16xi32>
      %add3A_270 = arith.addi %mul3A_25, %add3A_269 : vector<16xi32>
      %gather3A_271 = tpu.vector_load_idx %arg18[%add3A_270] : memref<272xf32, #tpu.memory_space<vmem>>[vector<16xi32>], vector<16xf32>,
      %add3A_272 = arith.addf %add3A_267, %gather3A_271 : vector<16xf32>
      %add3A_273 = arith.constant 5 : i32
      %add3A_274 = vector.broadcast %add3A_273 : i32 to vector<16xi32>
      %add3A_275 = arith.addi %mul3A_25, %add3A_274 : vector<16xi32>
      %gather3A_276 = tpu.vector_load_idx %arg18[%add3A_275] : memref<272xf32, #tpu.memory_space<vmem>>[vector<16xi32>], vector<16xf32>,
      %add3A_277 = arith.addf %add3A_272, %gather3A_276 : vector<16xf32>
      %add3A_278 = arith.constant 6 : i32
      %add3A_279 = vector.broadcast %add3A_278 : i32 to vector<16xi32>
      %add3A_280 = arith.addi %mul3A_25, %add3A_279 : vector<16xi32>
      %gather3A_281 = tpu.vector_load_idx %arg18[%add3A_280] : memref<272xf32, #tpu.memory_space<vmem>>[vector<16xi32>], vector<16xf32>,
      %add3A_282 = arith.addf %add3A_277, %gather3A_281 : vector<16xf32>
      %add3A_283 = arith.constant 7 : i32
      %add3A_284 = vector.broadcast %add3A_283 : i32 to vector<16xi32>
      %add3A_285 = arith.addi %mul3A_25, %add3A_284 : vector<16xi32>
      %gather3A_286 = tpu.vector_load_idx %arg18[%add3A_285] : memref<272xf32, #tpu.memory_space<vmem>>[vector<16xi32>], vector<16xf32>,
      %add3A_287 = arith.addf %add3A_282, %gather3A_286 : vector<16xf32>
      %add3A_288 = arith.constant 8 : i32
      %add3A_289 = vector.broadcast %add3A_288 : i32 to vector<16xi32>
      %add3A_290 = arith.addi %mul3A_25, %add3A_289 : vector<16xi32>
      %gather3A_291 = tpu.vector_load_idx %arg18[%add3A_290] : memref<272xf32, #tpu.memory_space<vmem>>[vector<16xi32>], vector<16xf32>,
      %add3A_292 = arith.addf %add3A_287, %gather3A_291 : vector<16xf32>
      %add3A_293 = arith.constant 9 : i32
      %add3A_294 = vector.broadcast %add3A_293 : i32 to vector<16xi32>
      %add3A_295 = arith.addi %mul3A_25, %add3A_294 : vector<16xi32>
      %gather3A_296 = tpu.vector_load_idx %arg18[%add3A_295] : memref<272xf32, #tpu.memory_space<vmem>>[vector<16xi32>], vector<16xf32>,
      %add3A_297 = arith.addf %add3A_292, %gather3A_296 : vector<16xf32>
      %add3A_298 = arith.constant 10 : i32
      %add3A_299 = vector.broadcast %add3A_298 : i32 to vector<16xi32>
      %add3A_300 = arith.addi %mul3A_25, %add3A_299 : vector<16xi32>
      %gather3A_301 = tpu.vector_load_idx %arg18[%add3A_300] : memref<272xf32, #tpu.memory_space<vmem>>[vector<16xi32>], vector<16xf32>,
      %add3A_302 = arith.addf %add3A_297, %gather3A_301 : vector<16xf32>
      %add3A_303 = arith.constant 11 : i32
      %add3A_304 = vector.broadcast %add3A_303 : i32 to vector<16xi32>
      %add3A_305 = arith.addi %mul3A_25, %add3A_304 : vector<16xi32>
      %gather3A_306 = tpu.vector_load_idx %arg18[%add3A_305] : memref<272xf32, #tpu.memory_space<vmem>>[vector<16xi32>], vector<16xf32>,
      %add3A_307 = arith.addf %add3A_302, %gather3A_306 : vector<16xf32>
      %add3A_308 = arith.constant 12 : i32
      %add3A_309 = vector.broadcast %add3A_308 : i32 to vector<16xi32>
      %add3A_310 = arith.addi %mul3A_25, %add3A_309 : vector<16xi32>
      %gather3A_311 = tpu.vector_load_idx %arg18[%add3A_310] : memref<272xf32, #tpu.memory_space<vmem>>[vector<16xi32>], vector<16xf32>,
      %add3A_312 = arith.addf %add3A_307, %gather3A_311 : vector<16xf32>
      %add3A_313 = arith.constant 13 : i32
      %add3A_314 = vector.broadcast %add3A_313 : i32 to vector<16xi32>
      %add3A_315 = arith.addi %mul3A_25, %add3A_314 : vector<16xi32>
      %gather3A_316 = tpu.vector_load_idx %arg18[%add3A_315] : memref<272xf32, #tpu.memory_space<vmem>>[vector<16xi32>], vector<16xf32>,
      %add3A_317 = arith.addf %add3A_312, %gather3A_316 : vector<16xf32>
      %add3A_318 = arith.constant 14 : i32
      %add3A_319 = vector.broadcast %add3A_318 : i32 to vector<16xi32>
      %add3A_320 = arith.addi %mul3A_25, %add3A_319 : vector<16xi32>
      %gather3A_321 = tpu.vector_load_idx %arg18[%add3A_320] : memref<272xf32, #tpu.memory_space<vmem>>[vector<16xi32>], vector<16xf32>,
      %add3A_322 = arith.addf %add3A_317, %gather3A_321 : vector<16xf32>
      %add3A_323 = arith.constant 15 : i32
      %add3A_324 = vector.broadcast %add3A_323 : i32 to vector<16xi32>
      %add3A_325 = arith.addi %mul3A_25, %add3A_324 : vector<16xi32>
      %gather3A_326 = tpu.vector_load_idx %arg18[%add3A_325] : memref<272xf32, #tpu.memory_space<vmem>>[vector<16xi32>], vector<16xf32>,
      %add3A_327 = arith.addf %add3A_322, %gather3A_326 : vector<16xf32>
      %mul3A_328 = arith.constant 80 : i32
      %mul3A_329 = arith.muli %mul3A_50, %mul3A_328 : i32
      %add3A_330 = arith.constant 32 : i32
      %add3A_331 = arith.addi %mul3A_329, %add3A_330 : i32
      %get3A_332 = arith.index_cast %add3A_331 : i32 to index
      %get3A_333 = tpu.vector_load %arg10[%get3A_332] {strides = array<i32>} : memref<10000xi32, #tpu.memory_space<vmem>>, vector<16xi32>,
      tpu.vector_store_idx %arg19[%get3A_333], %add3A_327 {add = true} : memref<10000xf32, #tpu.memory_space<vmem>>[vector<16xi32>], vector<16xf32>,
      %scan3A_334 = arith.constant 0 : i32
      %scan3A_335 = arith.constant 0 : i32
      %scan3A_336 = arith.constant 16 : i32
      %scan3A_337 = arith.addi %scan3A_335, %scan3A_336 : i32
      %scan3A_338 = arith.constant 2 : i32
      scf.for %scan3A_522 = %scan3A_335 to %scan3A_337 step %scan3A_338  : i32 {
        %add3A_523 = arith.constant 48 : i32
        %add3A_524 = arith.addi %add3A_523, %scan3A_522 : i32
        %broadcast_in_dim3A_525 = arith.constant 0.000000e+00 : f32
        %broadcast_in_dim3A_526 = vector.broadcast %broadcast_in_dim3A_525 : f32 to vector<16xf32>
        %get3A_527 = arith.index_cast %add3A_524 : i32 to index
        %get3A_528 = arith.constant 0 : index
        %get3A_529 = tpu.vector_load %arg11[%get3A_527, %get3A_528] {strides = array<i32>} : memref<80x128xi32, #tpu.memory_space<vmem>>, vector<16xi32>,
        %bitcast3A = vector.bitcast %get3A_529 : vector<16xi32> to vector<32xbf16>
        %get3A_530 = arith.index_cast %add3A_524 : i32 to index
        %get3A_531 = arith.constant 0 : index
        %get3A_532 = tpu.vector_load %arg12[%get3A_530, %get3A_531] {strides = array<i32>} : memref<80x128xi32, #tpu.memory_space<vmem>>, vector<16xi32>,
        %bitcast3A_533 = vector.bitcast %get3A_532 : vector<16xi32> to vector<32xbf16>
        %add3A_534 = arith.addf %bitcast3A, %bitcast3A_533 : vector<32xbf16>
        %get3A_535 = arith.index_cast %add3A_524 : i32 to index
        %get3A_536 = arith.constant 0 : index
        %get3A_537 = tpu.vector_load %arg13[%get3A_535, %get3A_536] {strides = array<i32>} : memref<80x64xi32, #tpu.memory_space<vmem>>, vector<16xi32>,
        %bitcast3A_538 = vector.bitcast %get3A_537 : vector<16xi32> to vector<32xbf16>
        %add3A_539 = arith.addf %add3A_534, %bitcast3A_538 : vector<32xbf16>
        %max3A = arith.maximumf %add3A_539, %broadcast_in_dim3A_26 : vector<32xbf16>
        %unpack3A = tpu.unpack_subelements %max3A, 0 {pack_format = #tpu.pack_format<interleaved>} : vector<32xbf16> -> vector<16xf32>
        %unpack3A_540 = tpu.unpack_subelements %max3A, 1 {pack_format = #tpu.pack_format<interleaved>} : vector<32xbf16> -> vector<16xf32>
        %mul3A_541 = arith.mulf %unpack3A, %get3A_8 : vector<16xf32>
        %add3A_542 = arith.addf %broadcast_in_dim3A_526, %mul3A_541 : vector<16xf32>
        %mul3A_543 = arith.mulf %unpack3A_540, %get3A_16 : vector<16xf32>
        %add3A_544 = arith.addf %add3A_542, %mul3A_543 : vector<16xf32>
        %get3A_545 = arith.index_cast %add3A_524 : i32 to index
        %get3A_546 = arith.constant 16 : index
        %get3A_547 = tpu.vector_load %arg11[%get3A_545, %get3A_546] {strides = array<i32>} : memref<80x128xi32, #tpu.memory_space<vmem>>, vector<16xi32>,
        %bitcast3A_548 = vector.bitcast %get3A_547 : vector<16xi32> to vector<32xbf16>
        %get3A_549 = arith.index_cast %add3A_524 : i32 to index
        %get3A_550 = arith.constant 16 : index
        %get3A_551 = tpu.vector_load %arg12[%get3A_549, %get3A_550] {strides = array<i32>} : memref<80x128xi32, #tpu.memory_space<vmem>>, vector<16xi32>,
        %bitcast3A_552 = vector.bitcast %get3A_551 : vector<16xi32> to vector<32xbf16>
        %add3A_553 = arith.addf %bitcast3A_548, %bitcast3A_552 : vector<32xbf16>
        %get3A_554 = arith.index_cast %add3A_524 : i32 to index
        %get3A_555 = arith.constant 16 : index
        %get3A_556 = tpu.vector_load %arg13[%get3A_554, %get3A_555] {strides = array<i32>} : memref<80x64xi32, #tpu.memory_space<vmem>>, vector<16xi32>,
        %bitcast3A_557 = vector.bitcast %get3A_556 : vector<16xi32> to vector<32xbf16>
        %add3A_558 = arith.addf %add3A_553, %bitcast3A_557 : vector<32xbf16>
        %max3A_559 = arith.maximumf %add3A_558, %broadcast_in_dim3A_26 : vector<32xbf16>
        %unpack3A_560 = tpu.unpack_subelements %max3A_559, 0 {pack_format = #tpu.pack_format<interleaved>} : vector<32xbf16> -> vector<16xf32>
        %unpack3A_561 = tpu.unpack_subelements %max3A_559, 1 {pack_format = #tpu.pack_format<interleaved>} : vector<32xbf16> -> vector<16xf32>
        %mul3A_562 = arith.mulf %unpack3A_560, %get3A_10 : vector<16xf32>
        %add3A_563 = arith.addf %add3A_544, %mul3A_562 : vector<16xf32>
        %mul3A_564 = arith.mulf %unpack3A_561, %get3A_18 : vector<16xf32>
        %add3A_565 = arith.addf %add3A_563, %mul3A_564 : vector<16xf32>
        %get3A_566 = arith.index_cast %add3A_524 : i32 to index
        %get3A_567 = arith.constant 32 : index
        %get3A_568 = tpu.vector_load %arg11[%get3A_566, %get3A_567] {strides = array<i32>} : memref<80x128xi32, #tpu.memory_space<vmem>>, vector<16xi32>,
        %bitcast3A_569 = vector.bitcast %get3A_568 : vector<16xi32> to vector<32xbf16>
        %get3A_570 = arith.index_cast %add3A_524 : i32 to index
        %get3A_571 = arith.constant 32 : index
        %get3A_572 = tpu.vector_load %arg12[%get3A_570, %get3A_571] {strides = array<i32>} : memref<80x128xi32, #tpu.memory_space<vmem>>, vector<16xi32>,
        %bitcast3A_573 = vector.bitcast %get3A_572 : vector<16xi32> to vector<32xbf16>
        %add3A_574 = arith.addf %bitcast3A_569, %bitcast3A_573 : vector<32xbf16>
        %get3A_575 = arith.index_cast %add3A_524 : i32 to index
        %get3A_576 = arith.constant 32 : index
        %get3A_577 = tpu.vector_load %arg13[%get3A_575, %get3A_576] {strides = array<i32>} : memref<80x64xi32, #tpu.memory_space<vmem>>, vector<16xi32>,
        %bitcast3A_578 = vector.bitcast %get3A_577 : vector<16xi32> to vector<32xbf16>
        %add3A_579 = arith.addf %add3A_574, %bitcast3A_578 : vector<32xbf16>
        %max3A_580 = arith.maximumf %add3A_579, %broadcast_in_dim3A_26 : vector<32xbf16>
        %unpack3A_581 = tpu.unpack_subelements %max3A_580, 0 {pack_format = #tpu.pack_format<interleaved>} : vector<32xbf16> -> vector<16xf32>
        %unpack3A_582 = tpu.unpack_subelements %max3A_580, 1 {pack_format = #tpu.pack_format<interleaved>} : vector<32xbf16> -> vector<16xf32>
        %mul3A_583 = arith.mulf %unpack3A_581, %get3A_12 : vector<16xf32>
        %add3A_584 = arith.addf %add3A_565, %mul3A_583 : vector<16xf32>
        %mul3A_585 = arith.mulf %unpack3A_582, %get3A_20 : vector<16xf32>
        %add3A_586 = arith.addf %add3A_584, %mul3A_585 : vector<16xf32>
        %get3A_587 = arith.index_cast %add3A_524 : i32 to index
        %get3A_588 = arith.constant 48 : index
        %get3A_589 = tpu.vector_load %arg11[%get3A_587, %get3A_588] {strides = array<i32>} : memref<80x128xi32, #tpu.memory_space<vmem>>, vector<16xi32>,
        %bitcast3A_590 = vector.bitcast %get3A_589 : vector<16xi32> to vector<32xbf16>
        %get3A_591 = arith.index_cast %add3A_524 : i32 to index
        %get3A_592 = arith.constant 48 : index
        %get3A_593 = tpu.vector_load %arg12[%get3A_591, %get3A_592] {strides = array<i32>} : memref<80x128xi32, #tpu.memory_space<vmem>>, vector<16xi32>,
        %bitcast3A_594 = vector.bitcast %get3A_593 : vector<16xi32> to vector<32xbf16>
        %add3A_595 = arith.addf %bitcast3A_590, %bitcast3A_594 : vector<32xbf16>
        %get3A_596 = arith.index_cast %add3A_524 : i32 to index
        %get3A_597 = arith.constant 48 : index
        %get3A_598 = tpu.vector_load %arg13[%get3A_596, %get3A_597] {strides = array<i32>} : memref<80x64xi32, #tpu.memory_space<vmem>>, vector<16xi32>,
        %bitcast3A_599 = vector.bitcast %get3A_598 : vector<16xi32> to vector<32xbf16>
        %add3A_600 = arith.addf %add3A_595, %bitcast3A_599 : vector<32xbf16>
        %max3A_601 = arith.maximumf %add3A_600, %broadcast_in_dim3A_26 : vector<32xbf16>
        %unpack3A_602 = tpu.unpack_subelements %max3A_601, 0 {pack_format = #tpu.pack_format<interleaved>} : vector<32xbf16> -> vector<16xf32>
        %unpack3A_603 = tpu.unpack_subelements %max3A_601, 1 {pack_format = #tpu.pack_format<interleaved>} : vector<32xbf16> -> vector<16xf32>
        %mul3A_604 = arith.mulf %unpack3A_602, %get3A_14 : vector<16xf32>
        %add3A_605 = arith.addf %add3A_586, %mul3A_604 : vector<16xf32>
        %mul3A_606 = arith.mulf %unpack3A_603, %get3A_22 : vector<16xf32>
        %add3A_607 = arith.addf %add3A_605, %mul3A_606 : vector<16xf32>
        %mul3A_608 = arith.constant 17 : i32
        %mul3A_609 = arith.muli %scan3A_522, %mul3A_608 : i32
        %swap3A = arith.index_cast %mul3A_609 : i32 to index
        %swap3A_610 = tpu.vector_load %arg18[%swap3A] {strides = array<i32>} : memref<272xf32, #tpu.memory_space<vmem>>, vector<16xf32>,
        tpu.vector_store %arg18[%swap3A], %add3A_607 {strides = array<i32>} : memref<272xf32, #tpu.memory_space<vmem>>, vector<16xf32>,
        %scan3A_611 = arith.constant 1 : i32
        %scan3A_612 = arith.addi %scan3A_522, %scan3A_611 : i32
        %add3A_613 = arith.constant 48 : i32
        %add3A_614 = arith.addi %add3A_613, %scan3A_612 : i32
        %broadcast_in_dim3A_615 = arith.constant 0.000000e+00 : f32
        %broadcast_in_dim3A_616 = vector.broadcast %broadcast_in_dim3A_615 : f32 to vector<16xf32>
        %get3A_617 = arith.index_cast %add3A_614 : i32 to index
        %get3A_618 = arith.constant 0 : index
        %get3A_619 = tpu.vector_load %arg11[%get3A_617, %get3A_618] {strides = array<i32>} : memref<80x128xi32, #tpu.memory_space<vmem>>, vector<16xi32>,
        %bitcast3A_620 = vector.bitcast %get3A_619 : vector<16xi32> to vector<32xbf16>
        %get3A_621 = arith.index_cast %add3A_614 : i32 to index
        %get3A_622 = arith.constant 0 : index
        %get3A_623 = tpu.vector_load %arg12[%get3A_621, %get3A_622] {strides = array<i32>} : memref<80x128xi32, #tpu.memory_space<vmem>>, vector<16xi32>,
        %bitcast3A_624 = vector.bitcast %get3A_623 : vector<16xi32> to vector<32xbf16>
        %add3A_625 = arith.addf %bitcast3A_620, %bitcast3A_624 : vector<32xbf16>
        %get3A_626 = arith.index_cast %add3A_614 : i32 to index
        %get3A_627 = arith.constant 0 : index
        %get3A_628 = tpu.vector_load %arg13[%get3A_626, %get3A_627] {strides = array<i32>} : memref<80x64xi32, #tpu.memory_space<vmem>>, vector<16xi32>,
        %bitcast3A_629 = vector.bitcast %get3A_628 : vector<16xi32> to vector<32xbf16>
        %add3A_630 = arith.addf %add3A_625, %bitcast3A_629 : vector<32xbf16>
        %max3A_631 = arith.maximumf %add3A_630, %broadcast_in_dim3A_26 : vector<32xbf16>
        %unpack3A_632 = tpu.unpack_subelements %max3A_631, 0 {pack_format = #tpu.pack_format<interleaved>} : vector<32xbf16> -> vector<16xf32>
        %unpack3A_633 = tpu.unpack_subelements %max3A_631, 1 {pack_format = #tpu.pack_format<interleaved>} : vector<32xbf16> -> vector<16xf32>
        %mul3A_634 = arith.mulf %unpack3A_632, %get3A_8 : vector<16xf32>
        %add3A_635 = arith.addf %broadcast_in_dim3A_616, %mul3A_634 : vector<16xf32>
        %mul3A_636 = arith.mulf %unpack3A_633, %get3A_16 : vector<16xf32>
        %add3A_637 = arith.addf %add3A_635, %mul3A_636 : vector<16xf32>
        %get3A_638 = arith.index_cast %add3A_614 : i32 to index
        %get3A_639 = arith.constant 16 : index
        %get3A_640 = tpu.vector_load %arg11[%get3A_638, %get3A_639] {strides = array<i32>} : memref<80x128xi32, #tpu.memory_space<vmem>>, vector<16xi32>,
        %bitcast3A_641 = vector.bitcast %get3A_640 : vector<16xi32> to vector<32xbf16>
        %get3A_642 = arith.index_cast %add3A_614 : i32 to index
        %get3A_643 = arith.constant 16 : index
        %get3A_644 = tpu.vector_load %arg12[%get3A_642, %get3A_643] {strides = array<i32>} : memref<80x128xi32, #tpu.memory_space<vmem>>, vector<16xi32>,
        %bitcast3A_645 = vector.bitcast %get3A_644 : vector<16xi32> to vector<32xbf16>
        %add3A_646 = arith.addf %bitcast3A_641, %bitcast3A_645 : vector<32xbf16>
        %get3A_647 = arith.index_cast %add3A_614 : i32 to index
        %get3A_648 = arith.constant 16 : index
        %get3A_649 = tpu.vector_load %arg13[%get3A_647, %get3A_648] {strides = array<i32>} : memref<80x64xi32, #tpu.memory_space<vmem>>, vector<16xi32>,
        %bitcast3A_650 = vector.bitcast %get3A_649 : vector<16xi32> to vector<32xbf16>
        %add3A_651 = arith.addf %add3A_646, %bitcast3A_650 : vector<32xbf16>
        %max3A_652 = arith.maximumf %add3A_651, %broadcast_in_dim3A_26 : vector<32xbf16>
        %unpack3A_653 = tpu.unpack_subelements %max3A_652, 0 {pack_format = #tpu.pack_format<interleaved>} : vector<32xbf16> -> vector<16xf32>
        %unpack3A_654 = tpu.unpack_subelements %max3A_652, 1 {pack_format = #tpu.pack_format<interleaved>} : vector<32xbf16> -> vector<16xf32>
        %mul3A_655 = arith.mulf %unpack3A_653, %get3A_10 : vector<16xf32>
        %add3A_656 = arith.addf %add3A_637, %mul3A_655 : vector<16xf32>
        %mul3A_657 = arith.mulf %unpack3A_654, %get3A_18 : vector<16xf32>
        %add3A_658 = arith.addf %add3A_656, %mul3A_657 : vector<16xf32>
        %get3A_659 = arith.index_cast %add3A_614 : i32 to index
        %get3A_660 = arith.constant 32 : index
        %get3A_661 = tpu.vector_load %arg11[%get3A_659, %get3A_660] {strides = array<i32>} : memref<80x128xi32, #tpu.memory_space<vmem>>, vector<16xi32>,
        %bitcast3A_662 = vector.bitcast %get3A_661 : vector<16xi32> to vector<32xbf16>
        %get3A_663 = arith.index_cast %add3A_614 : i32 to index
        %get3A_664 = arith.constant 32 : index
        %get3A_665 = tpu.vector_load %arg12[%get3A_663, %get3A_664] {strides = array<i32>} : memref<80x128xi32, #tpu.memory_space<vmem>>, vector<16xi32>,
        %bitcast3A_666 = vector.bitcast %get3A_665 : vector<16xi32> to vector<32xbf16>
        %add3A_667 = arith.addf %bitcast3A_662, %bitcast3A_666 : vector<32xbf16>
        %get3A_668 = arith.index_cast %add3A_614 : i32 to index
        %get3A_669 = arith.constant 32 : index
        %get3A_670 = tpu.vector_load %arg13[%get3A_668, %get3A_669] {strides = array<i32>} : memref<80x64xi32, #tpu.memory_space<vmem>>, vector<16xi32>,
        %bitcast3A_671 = vector.bitcast %get3A_670 : vector<16xi32> to vector<32xbf16>
        %add3A_672 = arith.addf %add3A_667, %bitcast3A_671 : vector<32xbf16>
        %max3A_673 = arith.maximumf %add3A_672, %broadcast_in_dim3A_26 : vector<32xbf16>
        %unpack3A_674 = tpu.unpack_subelements %max3A_673, 0 {pack_format = #tpu.pack_format<interleaved>} : vector<32xbf16> -> vector<16xf32>
        %unpack3A_675 = tpu.unpack_subelements %max3A_673, 1 {pack_format = #tpu.pack_format<interleaved>} : vector<32xbf16> -> vector<16xf32>
        %mul3A_676 = arith.mulf %unpack3A_674, %get3A_12 : vector<16xf32>
        %add3A_677 = arith.addf %add3A_658, %mul3A_676 : vector<16xf32>
        %mul3A_678 = arith.mulf %unpack3A_675, %get3A_20 : vector<16xf32>
        %add3A_679 = arith.addf %add3A_677, %mul3A_678 : vector<16xf32>
        %get3A_680 = arith.index_cast %add3A_614 : i32 to index
        %get3A_681 = arith.constant 48 : index
        %get3A_682 = tpu.vector_load %arg11[%get3A_680, %get3A_681] {strides = array<i32>} : memref<80x128xi32, #tpu.memory_space<vmem>>, vector<16xi32>,
        %bitcast3A_683 = vector.bitcast %get3A_682 : vector<16xi32> to vector<32xbf16>
        %get3A_684 = arith.index_cast %add3A_614 : i32 to index
        %get3A_685 = arith.constant 48 : index
        %get3A_686 = tpu.vector_load %arg12[%get3A_684, %get3A_685] {strides = array<i32>} : memref<80x128xi32, #tpu.memory_space<vmem>>, vector<16xi32>,
        %bitcast3A_687 = vector.bitcast %get3A_686 : vector<16xi32> to vector<32xbf16>
        %add3A_688 = arith.addf %bitcast3A_683, %bitcast3A_687 : vector<32xbf16>
        %get3A_689 = arith.index_cast %add3A_614 : i32 to index
        %get3A_690 = arith.constant 48 : index
        %get3A_691 = tpu.vector_load %arg13[%get3A_689, %get3A_690] {strides = array<i32>} : memref<80x64xi32, #tpu.memory_space<vmem>>, vector<16xi32>,
        %bitcast3A_692 = vector.bitcast %get3A_691 : vector<16xi32> to vector<32xbf16>
        %add3A_693 = arith.addf %add3A_688, %bitcast3A_692 : vector<32xbf16>
        %max3A_694 = arith.maximumf %add3A_693, %broadcast_in_dim3A_26 : vector<32xbf16>
        %unpack3A_695 = tpu.unpack_subelements %max3A_694, 0 {pack_format = #tpu.pack_format<interleaved>} : vector<32xbf16> -> vector<16xf32>
        %unpack3A_696 = tpu.unpack_subelements %max3A_694, 1 {pack_format = #tpu.pack_format<interleaved>} : vector<32xbf16> -> vector<16xf32>
        %mul3A_697 = arith.mulf %unpack3A_695, %get3A_14 : vector<16xf32>
        %add3A_698 = arith.addf %add3A_679, %mul3A_697 : vector<16xf32>
        %mul3A_699 = arith.mulf %unpack3A_696, %get3A_22 : vector<16xf32>
        %add3A_700 = arith.addf %add3A_698, %mul3A_699 : vector<16xf32>
        %mul3A_701 = arith.constant 17 : i32
        %mul3A_702 = arith.muli %scan3A_612, %mul3A_701 : i32
        %swap3A_703 = arith.index_cast %mul3A_702 : i32 to index
        %swap3A_704 = tpu.vector_load %arg18[%swap3A_703] {strides = array<i32>} : memref<272xf32, #tpu.memory_space<vmem>>, vector<16xf32>,
        tpu.vector_store %arg18[%swap3A_703], %add3A_700 {strides = array<i32>} : memref<272xf32, #tpu.memory_space<vmem>>, vector<16xf32>,
      }
      %scan3A_339 = arith.constant 16 : i32
      %gather3A_340 = tpu.vector_load_idx %arg18[%mul3A_25] : memref<272xf32, #tpu.memory_space<vmem>>[vector<16xi32>], vector<16xf32>,
      %add3A_341 = arith.constant 1 : i32
      %add3A_342 = vector.broadcast %add3A_341 : i32 to vector<16xi32>
      %add3A_343 = arith.addi %mul3A_25, %add3A_342 : vector<16xi32>
      %gather3A_344 = tpu.vector_load_idx %arg18[%add3A_343] : memref<272xf32, #tpu.memory_space<vmem>>[vector<16xi32>], vector<16xf32>,
      %add3A_345 = arith.addf %gather3A_340, %gather3A_344 : vector<16xf32>
      %add3A_346 = arith.constant 2 : i32
      %add3A_347 = vector.broadcast %add3A_346 : i32 to vector<16xi32>
      %add3A_348 = arith.addi %mul3A_25, %add3A_347 : vector<16xi32>
      %gather3A_349 = tpu.vector_load_idx %arg18[%add3A_348] : memref<272xf32, #tpu.memory_space<vmem>>[vector<16xi32>], vector<16xf32>,
      %add3A_350 = arith.addf %add3A_345, %gather3A_349 : vector<16xf32>
      %add3A_351 = arith.constant 3 : i32
      %add3A_352 = vector.broadcast %add3A_351 : i32 to vector<16xi32>
      %add3A_353 = arith.addi %mul3A_25, %add3A_352 : vector<16xi32>
      %gather3A_354 = tpu.vector_load_idx %arg18[%add3A_353] : memref<272xf32, #tpu.memory_space<vmem>>[vector<16xi32>], vector<16xf32>,
      %add3A_355 = arith.addf %add3A_350, %gather3A_354 : vector<16xf32>
      %add3A_356 = arith.constant 4 : i32
      %add3A_357 = vector.broadcast %add3A_356 : i32 to vector<16xi32>
      %add3A_358 = arith.addi %mul3A_25, %add3A_357 : vector<16xi32>
      %gather3A_359 = tpu.vector_load_idx %arg18[%add3A_358] : memref<272xf32, #tpu.memory_space<vmem>>[vector<16xi32>], vector<16xf32>,
      %add3A_360 = arith.addf %add3A_355, %gather3A_359 : vector<16xf32>
      %add3A_361 = arith.constant 5 : i32
      %add3A_362 = vector.broadcast %add3A_361 : i32 to vector<16xi32>
      %add3A_363 = arith.addi %mul3A_25, %add3A_362 : vector<16xi32>
      %gather3A_364 = tpu.vector_load_idx %arg18[%add3A_363] : memref<272xf32, #tpu.memory_space<vmem>>[vector<16xi32>], vector<16xf32>,
      %add3A_365 = arith.addf %add3A_360, %gather3A_364 : vector<16xf32>
      %add3A_366 = arith.constant 6 : i32
      %add3A_367 = vector.broadcast %add3A_366 : i32 to vector<16xi32>
      %add3A_368 = arith.addi %mul3A_25, %add3A_367 : vector<16xi32>
      %gather3A_369 = tpu.vector_load_idx %arg18[%add3A_368] : memref<272xf32, #tpu.memory_space<vmem>>[vector<16xi32>], vector<16xf32>,
      %add3A_370 = arith.addf %add3A_365, %gather3A_369 : vector<16xf32>
      %add3A_371 = arith.constant 7 : i32
      %add3A_372 = vector.broadcast %add3A_371 : i32 to vector<16xi32>
      %add3A_373 = arith.addi %mul3A_25, %add3A_372 : vector<16xi32>
      %gather3A_374 = tpu.vector_load_idx %arg18[%add3A_373] : memref<272xf32, #tpu.memory_space<vmem>>[vector<16xi32>], vector<16xf32>,
      %add3A_375 = arith.addf %add3A_370, %gather3A_374 : vector<16xf32>
      %add3A_376 = arith.constant 8 : i32
      %add3A_377 = vector.broadcast %add3A_376 : i32 to vector<16xi32>
      %add3A_378 = arith.addi %mul3A_25, %add3A_377 : vector<16xi32>
      %gather3A_379 = tpu.vector_load_idx %arg18[%add3A_378] : memref<272xf32, #tpu.memory_space<vmem>>[vector<16xi32>], vector<16xf32>,
      %add3A_380 = arith.addf %add3A_375, %gather3A_379 : vector<16xf32>
      %add3A_381 = arith.constant 9 : i32
      %add3A_382 = vector.broadcast %add3A_381 : i32 to vector<16xi32>
      %add3A_383 = arith.addi %mul3A_25, %add3A_382 : vector<16xi32>
      %gather3A_384 = tpu.vector_load_idx %arg18[%add3A_383] : memref<272xf32, #tpu.memory_space<vmem>>[vector<16xi32>], vector<16xf32>,
      %add3A_385 = arith.addf %add3A_380, %gather3A_384 : vector<16xf32>
      %add3A_386 = arith.constant 10 : i32
      %add3A_387 = vector.broadcast %add3A_386 : i32 to vector<16xi32>
      %add3A_388 = arith.addi %mul3A_25, %add3A_387 : vector<16xi32>
      %gather3A_389 = tpu.vector_load_idx %arg18[%add3A_388] : memref<272xf32, #tpu.memory_space<vmem>>[vector<16xi32>], vector<16xf32>,
      %add3A_390 = arith.addf %add3A_385, %gather3A_389 : vector<16xf32>
      %add3A_391 = arith.constant 11 : i32
      %add3A_392 = vector.broadcast %add3A_391 : i32 to vector<16xi32>
      %add3A_393 = arith.addi %mul3A_25, %add3A_392 : vector<16xi32>
      %gather3A_394 = tpu.vector_load_idx %arg18[%add3A_393] : memref<272xf32, #tpu.memory_space<vmem>>[vector<16xi32>], vector<16xf32>,
      %add3A_395 = arith.addf %add3A_390, %gather3A_394 : vector<16xf32>
      %add3A_396 = arith.constant 12 : i32
      %add3A_397 = vector.broadcast %add3A_396 : i32 to vector<16xi32>
      %add3A_398 = arith.addi %mul3A_25, %add3A_397 : vector<16xi32>
      %gather3A_399 = tpu.vector_load_idx %arg18[%add3A_398] : memref<272xf32, #tpu.memory_space<vmem>>[vector<16xi32>], vector<16xf32>,
      %add3A_400 = arith.addf %add3A_395, %gather3A_399 : vector<16xf32>
      %add3A_401 = arith.constant 13 : i32
      %add3A_402 = vector.broadcast %add3A_401 : i32 to vector<16xi32>
      %add3A_403 = arith.addi %mul3A_25, %add3A_402 : vector<16xi32>
      %gather3A_404 = tpu.vector_load_idx %arg18[%add3A_403] : memref<272xf32, #tpu.memory_space<vmem>>[vector<16xi32>], vector<16xf32>,
      %add3A_405 = arith.addf %add3A_400, %gather3A_404 : vector<16xf32>
      %add3A_406 = arith.constant 14 : i32
      %add3A_407 = vector.broadcast %add3A_406 : i32 to vector<16xi32>
      %add3A_408 = arith.addi %mul3A_25, %add3A_407 : vector<16xi32>
      %gather3A_409 = tpu.vector_load_idx %arg18[%add3A_408] : memref<272xf32, #tpu.memory_space<vmem>>[vector<16xi32>], vector<16xf32>,
      %add3A_410 = arith.addf %add3A_405, %gather3A_409 : vector<16xf32>
      %add3A_411 = arith.constant 15 : i32
      %add3A_412 = vector.broadcast %add3A_411 : i32 to vector<16xi32>
      %add3A_413 = arith.addi %mul3A_25, %add3A_412 : vector<16xi32>
      %gather3A_414 = tpu.vector_load_idx %arg18[%add3A_413] : memref<272xf32, #tpu.memory_space<vmem>>[vector<16xi32>], vector<16xf32>,
      %add3A_415 = arith.addf %add3A_410, %gather3A_414 : vector<16xf32>
      %mul3A_416 = arith.constant 80 : i32
      %mul3A_417 = arith.muli %mul3A_50, %mul3A_416 : i32
      %add3A_418 = arith.constant 48 : i32
      %add3A_419 = arith.addi %mul3A_417, %add3A_418 : i32
      %get3A_420 = arith.index_cast %add3A_419 : i32 to index
      %get3A_421 = tpu.vector_load %arg10[%get3A_420] {strides = array<i32>} : memref<10000xi32, #tpu.memory_space<vmem>>, vector<16xi32>,
      tpu.vector_store_idx %arg19[%get3A_421], %add3A_415 {add = true} : memref<10000xf32, #tpu.memory_space<vmem>>[vector<16xi32>], vector<16xf32>,
      %scan3A_422 = arith.constant 0 : i32
      %scan3A_423 = arith.constant 0 : i32
      %scan3A_424 = arith.constant 16 : i32
      %scan3A_425 = arith.addi %scan3A_423, %scan3A_424 : i32
      %scan3A_426 = arith.constant 2 : i32
      scf.for %scan3A_522 = %scan3A_423 to %scan3A_425 step %scan3A_426  : i32 {
        %add3A_523 = arith.constant 64 : i32
        %add3A_524 = arith.addi %add3A_523, %scan3A_522 : i32
        %broadcast_in_dim3A_525 = arith.constant 0.000000e+00 : f32
        %broadcast_in_dim3A_526 = vector.broadcast %broadcast_in_dim3A_525 : f32 to vector<16xf32>
        %get3A_527 = arith.index_cast %add3A_524 : i32 to index
        %get3A_528 = arith.constant 0 : index
        %get3A_529 = tpu.vector_load %arg11[%get3A_527, %get3A_528] {strides = array<i32>} : memref<80x128xi32, #tpu.memory_space<vmem>>, vector<16xi32>,
        %bitcast3A = vector.bitcast %get3A_529 : vector<16xi32> to vector<32xbf16>
        %get3A_530 = arith.index_cast %add3A_524 : i32 to index
        %get3A_531 = arith.constant 0 : index
        %get3A_532 = tpu.vector_load %arg12[%get3A_530, %get3A_531] {strides = array<i32>} : memref<80x128xi32, #tpu.memory_space<vmem>>, vector<16xi32>,
        %bitcast3A_533 = vector.bitcast %get3A_532 : vector<16xi32> to vector<32xbf16>
        %add3A_534 = arith.addf %bitcast3A, %bitcast3A_533 : vector<32xbf16>
        %get3A_535 = arith.index_cast %add3A_524 : i32 to index
        %get3A_536 = arith.constant 0 : index
        %get3A_537 = tpu.vector_load %arg13[%get3A_535, %get3A_536] {strides = array<i32>} : memref<80x64xi32, #tpu.memory_space<vmem>>, vector<16xi32>,
        %bitcast3A_538 = vector.bitcast %get3A_537 : vector<16xi32> to vector<32xbf16>
        %add3A_539 = arith.addf %add3A_534, %bitcast3A_538 : vector<32xbf16>
        %max3A = arith.maximumf %add3A_539, %broadcast_in_dim3A_26 : vector<32xbf16>
        %unpack3A = tpu.unpack_subelements %max3A, 0 {pack_format = #tpu.pack_format<interleaved>} : vector<32xbf16> -> vector<16xf32>
        %unpack3A_540 = tpu.unpack_subelements %max3A, 1 {pack_format = #tpu.pack_format<interleaved>} : vector<32xbf16> -> vector<16xf32>
        %mul3A_541 = arith.mulf %unpack3A, %get3A_8 : vector<16xf32>
        %add3A_542 = arith.addf %broadcast_in_dim3A_526, %mul3A_541 : vector<16xf32>
        %mul3A_543 = arith.mulf %unpack3A_540, %get3A_16 : vector<16xf32>
        %add3A_544 = arith.addf %add3A_542, %mul3A_543 : vector<16xf32>
        %get3A_545 = arith.index_cast %add3A_524 : i32 to index
        %get3A_546 = arith.constant 16 : index
        %get3A_547 = tpu.vector_load %arg11[%get3A_545, %get3A_546] {strides = array<i32>} : memref<80x128xi32, #tpu.memory_space<vmem>>, vector<16xi32>,
        %bitcast3A_548 = vector.bitcast %get3A_547 : vector<16xi32> to vector<32xbf16>
        %get3A_549 = arith.index_cast %add3A_524 : i32 to index
        %get3A_550 = arith.constant 16 : index
        %get3A_551 = tpu.vector_load %arg12[%get3A_549, %get3A_550] {strides = array<i32>} : memref<80x128xi32, #tpu.memory_space<vmem>>, vector<16xi32>,
        %bitcast3A_552 = vector.bitcast %get3A_551 : vector<16xi32> to vector<32xbf16>
        %add3A_553 = arith.addf %bitcast3A_548, %bitcast3A_552 : vector<32xbf16>
        %get3A_554 = arith.index_cast %add3A_524 : i32 to index
        %get3A_555 = arith.constant 16 : index
        %get3A_556 = tpu.vector_load %arg13[%get3A_554, %get3A_555] {strides = array<i32>} : memref<80x64xi32, #tpu.memory_space<vmem>>, vector<16xi32>,
        %bitcast3A_557 = vector.bitcast %get3A_556 : vector<16xi32> to vector<32xbf16>
        %add3A_558 = arith.addf %add3A_553, %bitcast3A_557 : vector<32xbf16>
        %max3A_559 = arith.maximumf %add3A_558, %broadcast_in_dim3A_26 : vector<32xbf16>
        %unpack3A_560 = tpu.unpack_subelements %max3A_559, 0 {pack_format = #tpu.pack_format<interleaved>} : vector<32xbf16> -> vector<16xf32>
        %unpack3A_561 = tpu.unpack_subelements %max3A_559, 1 {pack_format = #tpu.pack_format<interleaved>} : vector<32xbf16> -> vector<16xf32>
        %mul3A_562 = arith.mulf %unpack3A_560, %get3A_10 : vector<16xf32>
        %add3A_563 = arith.addf %add3A_544, %mul3A_562 : vector<16xf32>
        %mul3A_564 = arith.mulf %unpack3A_561, %get3A_18 : vector<16xf32>
        %add3A_565 = arith.addf %add3A_563, %mul3A_564 : vector<16xf32>
        %get3A_566 = arith.index_cast %add3A_524 : i32 to index
        %get3A_567 = arith.constant 32 : index
        %get3A_568 = tpu.vector_load %arg11[%get3A_566, %get3A_567] {strides = array<i32>} : memref<80x128xi32, #tpu.memory_space<vmem>>, vector<16xi32>,
        %bitcast3A_569 = vector.bitcast %get3A_568 : vector<16xi32> to vector<32xbf16>
        %get3A_570 = arith.index_cast %add3A_524 : i32 to index
        %get3A_571 = arith.constant 32 : index
        %get3A_572 = tpu.vector_load %arg12[%get3A_570, %get3A_571] {strides = array<i32>} : memref<80x128xi32, #tpu.memory_space<vmem>>, vector<16xi32>,
        %bitcast3A_573 = vector.bitcast %get3A_572 : vector<16xi32> to vector<32xbf16>
        %add3A_574 = arith.addf %bitcast3A_569, %bitcast3A_573 : vector<32xbf16>
        %get3A_575 = arith.index_cast %add3A_524 : i32 to index
        %get3A_576 = arith.constant 32 : index
        %get3A_577 = tpu.vector_load %arg13[%get3A_575, %get3A_576] {strides = array<i32>} : memref<80x64xi32, #tpu.memory_space<vmem>>, vector<16xi32>,
        %bitcast3A_578 = vector.bitcast %get3A_577 : vector<16xi32> to vector<32xbf16>
        %add3A_579 = arith.addf %add3A_574, %bitcast3A_578 : vector<32xbf16>
        %max3A_580 = arith.maximumf %add3A_579, %broadcast_in_dim3A_26 : vector<32xbf16>
        %unpack3A_581 = tpu.unpack_subelements %max3A_580, 0 {pack_format = #tpu.pack_format<interleaved>} : vector<32xbf16> -> vector<16xf32>
        %unpack3A_582 = tpu.unpack_subelements %max3A_580, 1 {pack_format = #tpu.pack_format<interleaved>} : vector<32xbf16> -> vector<16xf32>
        %mul3A_583 = arith.mulf %unpack3A_581, %get3A_12 : vector<16xf32>
        %add3A_584 = arith.addf %add3A_565, %mul3A_583 : vector<16xf32>
        %mul3A_585 = arith.mulf %unpack3A_582, %get3A_20 : vector<16xf32>
        %add3A_586 = arith.addf %add3A_584, %mul3A_585 : vector<16xf32>
        %get3A_587 = arith.index_cast %add3A_524 : i32 to index
        %get3A_588 = arith.constant 48 : index
        %get3A_589 = tpu.vector_load %arg11[%get3A_587, %get3A_588] {strides = array<i32>} : memref<80x128xi32, #tpu.memory_space<vmem>>, vector<16xi32>,
        %bitcast3A_590 = vector.bitcast %get3A_589 : vector<16xi32> to vector<32xbf16>
        %get3A_591 = arith.index_cast %add3A_524 : i32 to index
        %get3A_592 = arith.constant 48 : index
        %get3A_593 = tpu.vector_load %arg12[%get3A_591, %get3A_592] {strides = array<i32>} : memref<80x128xi32, #tpu.memory_space<vmem>>, vector<16xi32>,
        %bitcast3A_594 = vector.bitcast %get3A_593 : vector<16xi32> to vector<32xbf16>
        %add3A_595 = arith.addf %bitcast3A_590, %bitcast3A_594 : vector<32xbf16>
        %get3A_596 = arith.index_cast %add3A_524 : i32 to index
        %get3A_597 = arith.constant 48 : index
        %get3A_598 = tpu.vector_load %arg13[%get3A_596, %get3A_597] {strides = array<i32>} : memref<80x64xi32, #tpu.memory_space<vmem>>, vector<16xi32>,
        %bitcast3A_599 = vector.bitcast %get3A_598 : vector<16xi32> to vector<32xbf16>
        %add3A_600 = arith.addf %add3A_595, %bitcast3A_599 : vector<32xbf16>
        %max3A_601 = arith.maximumf %add3A_600, %broadcast_in_dim3A_26 : vector<32xbf16>
        %unpack3A_602 = tpu.unpack_subelements %max3A_601, 0 {pack_format = #tpu.pack_format<interleaved>} : vector<32xbf16> -> vector<16xf32>
        %unpack3A_603 = tpu.unpack_subelements %max3A_601, 1 {pack_format = #tpu.pack_format<interleaved>} : vector<32xbf16> -> vector<16xf32>
        %mul3A_604 = arith.mulf %unpack3A_602, %get3A_14 : vector<16xf32>
        %add3A_605 = arith.addf %add3A_586, %mul3A_604 : vector<16xf32>
        %mul3A_606 = arith.mulf %unpack3A_603, %get3A_22 : vector<16xf32>
        %add3A_607 = arith.addf %add3A_605, %mul3A_606 : vector<16xf32>
        %mul3A_608 = arith.constant 17 : i32
        %mul3A_609 = arith.muli %scan3A_522, %mul3A_608 : i32
        %swap3A = arith.index_cast %mul3A_609 : i32 to index
        %swap3A_610 = tpu.vector_load %arg18[%swap3A] {strides = array<i32>} : memref<272xf32, #tpu.memory_space<vmem>>, vector<16xf32>,
        tpu.vector_store %arg18[%swap3A], %add3A_607 {strides = array<i32>} : memref<272xf32, #tpu.memory_space<vmem>>, vector<16xf32>,
        %scan3A_611 = arith.constant 1 : i32
        %scan3A_612 = arith.addi %scan3A_522, %scan3A_611 : i32
        %add3A_613 = arith.constant 64 : i32
        %add3A_614 = arith.addi %add3A_613, %scan3A_612 : i32
        %broadcast_in_dim3A_615 = arith.constant 0.000000e+00 : f32
        %broadcast_in_dim3A_616 = vector.broadcast %broadcast_in_dim3A_615 : f32 to vector<16xf32>
        %get3A_617 = arith.index_cast %add3A_614 : i32 to index
        %get3A_618 = arith.constant 0 : index
        %get3A_619 = tpu.vector_load %arg11[%get3A_617, %get3A_618] {strides = array<i32>} : memref<80x128xi32, #tpu.memory_space<vmem>>, vector<16xi32>,
        %bitcast3A_620 = vector.bitcast %get3A_619 : vector<16xi32> to vector<32xbf16>
        %get3A_621 = arith.index_cast %add3A_614 : i32 to index
        %get3A_622 = arith.constant 0 : index
        %get3A_623 = tpu.vector_load %arg12[%get3A_621, %get3A_622] {strides = array<i32>} : memref<80x128xi32, #tpu.memory_space<vmem>>, vector<16xi32>,
        %bitcast3A_624 = vector.bitcast %get3A_623 : vector<16xi32> to vector<32xbf16>
        %add3A_625 = arith.addf %bitcast3A_620, %bitcast3A_624 : vector<32xbf16>
        %get3A_626 = arith.index_cast %add3A_614 : i32 to index
        %get3A_627 = arith.constant 0 : index
        %get3A_628 = tpu.vector_load %arg13[%get3A_626, %get3A_627] {strides = array<i32>} : memref<80x64xi32, #tpu.memory_space<vmem>>, vector<16xi32>,
        %bitcast3A_629 = vector.bitcast %get3A_628 : vector<16xi32> to vector<32xbf16>
        %add3A_630 = arith.addf %add3A_625, %bitcast3A_629 : vector<32xbf16>
        %max3A_631 = arith.maximumf %add3A_630, %broadcast_in_dim3A_26 : vector<32xbf16>
        %unpack3A_632 = tpu.unpack_subelements %max3A_631, 0 {pack_format = #tpu.pack_format<interleaved>} : vector<32xbf16> -> vector<16xf32>
        %unpack3A_633 = tpu.unpack_subelements %max3A_631, 1 {pack_format = #tpu.pack_format<interleaved>} : vector<32xbf16> -> vector<16xf32>
        %mul3A_634 = arith.mulf %unpack3A_632, %get3A_8 : vector<16xf32>
        %add3A_635 = arith.addf %broadcast_in_dim3A_616, %mul3A_634 : vector<16xf32>
        %mul3A_636 = arith.mulf %unpack3A_633, %get3A_16 : vector<16xf32>
        %add3A_637 = arith.addf %add3A_635, %mul3A_636 : vector<16xf32>
        %get3A_638 = arith.index_cast %add3A_614 : i32 to index
        %get3A_639 = arith.constant 16 : index
        %get3A_640 = tpu.vector_load %arg11[%get3A_638, %get3A_639] {strides = array<i32>} : memref<80x128xi32, #tpu.memory_space<vmem>>, vector<16xi32>,
        %bitcast3A_641 = vector.bitcast %get3A_640 : vector<16xi32> to vector<32xbf16>
        %get3A_642 = arith.index_cast %add3A_614 : i32 to index
        %get3A_643 = arith.constant 16 : index
        %get3A_644 = tpu.vector_load %arg12[%get3A_642, %get3A_643] {strides = array<i32>} : memref<80x128xi32, #tpu.memory_space<vmem>>, vector<16xi32>,
        %bitcast3A_645 = vector.bitcast %get3A_644 : vector<16xi32> to vector<32xbf16>
        %add3A_646 = arith.addf %bitcast3A_641, %bitcast3A_645 : vector<32xbf16>
        %get3A_647 = arith.index_cast %add3A_614 : i32 to index
        %get3A_648 = arith.constant 16 : index
        %get3A_649 = tpu.vector_load %arg13[%get3A_647, %get3A_648] {strides = array<i32>} : memref<80x64xi32, #tpu.memory_space<vmem>>, vector<16xi32>,
        %bitcast3A_650 = vector.bitcast %get3A_649 : vector<16xi32> to vector<32xbf16>
        %add3A_651 = arith.addf %add3A_646, %bitcast3A_650 : vector<32xbf16>
        %max3A_652 = arith.maximumf %add3A_651, %broadcast_in_dim3A_26 : vector<32xbf16>
        %unpack3A_653 = tpu.unpack_subelements %max3A_652, 0 {pack_format = #tpu.pack_format<interleaved>} : vector<32xbf16> -> vector<16xf32>
        %unpack3A_654 = tpu.unpack_subelements %max3A_652, 1 {pack_format = #tpu.pack_format<interleaved>} : vector<32xbf16> -> vector<16xf32>
        %mul3A_655 = arith.mulf %unpack3A_653, %get3A_10 : vector<16xf32>
        %add3A_656 = arith.addf %add3A_637, %mul3A_655 : vector<16xf32>
        %mul3A_657 = arith.mulf %unpack3A_654, %get3A_18 : vector<16xf32>
        %add3A_658 = arith.addf %add3A_656, %mul3A_657 : vector<16xf32>
        %get3A_659 = arith.index_cast %add3A_614 : i32 to index
        %get3A_660 = arith.constant 32 : index
        %get3A_661 = tpu.vector_load %arg11[%get3A_659, %get3A_660] {strides = array<i32>} : memref<80x128xi32, #tpu.memory_space<vmem>>, vector<16xi32>,
        %bitcast3A_662 = vector.bitcast %get3A_661 : vector<16xi32> to vector<32xbf16>
        %get3A_663 = arith.index_cast %add3A_614 : i32 to index
        %get3A_664 = arith.constant 32 : index
        %get3A_665 = tpu.vector_load %arg12[%get3A_663, %get3A_664] {strides = array<i32>} : memref<80x128xi32, #tpu.memory_space<vmem>>, vector<16xi32>,
        %bitcast3A_666 = vector.bitcast %get3A_665 : vector<16xi32> to vector<32xbf16>
        %add3A_667 = arith.addf %bitcast3A_662, %bitcast3A_666 : vector<32xbf16>
        %get3A_668 = arith.index_cast %add3A_614 : i32 to index
        %get3A_669 = arith.constant 32 : index
        %get3A_670 = tpu.vector_load %arg13[%get3A_668, %get3A_669] {strides = array<i32>} : memref<80x64xi32, #tpu.memory_space<vmem>>, vector<16xi32>,
        %bitcast3A_671 = vector.bitcast %get3A_670 : vector<16xi32> to vector<32xbf16>
        %add3A_672 = arith.addf %add3A_667, %bitcast3A_671 : vector<32xbf16>
        %max3A_673 = arith.maximumf %add3A_672, %broadcast_in_dim3A_26 : vector<32xbf16>
        %unpack3A_674 = tpu.unpack_subelements %max3A_673, 0 {pack_format = #tpu.pack_format<interleaved>} : vector<32xbf16> -> vector<16xf32>
        %unpack3A_675 = tpu.unpack_subelements %max3A_673, 1 {pack_format = #tpu.pack_format<interleaved>} : vector<32xbf16> -> vector<16xf32>
        %mul3A_676 = arith.mulf %unpack3A_674, %get3A_12 : vector<16xf32>
        %add3A_677 = arith.addf %add3A_658, %mul3A_676 : vector<16xf32>
        %mul3A_678 = arith.mulf %unpack3A_675, %get3A_20 : vector<16xf32>
        %add3A_679 = arith.addf %add3A_677, %mul3A_678 : vector<16xf32>
        %get3A_680 = arith.index_cast %add3A_614 : i32 to index
        %get3A_681 = arith.constant 48 : index
        %get3A_682 = tpu.vector_load %arg11[%get3A_680, %get3A_681] {strides = array<i32>} : memref<80x128xi32, #tpu.memory_space<vmem>>, vector<16xi32>,
        %bitcast3A_683 = vector.bitcast %get3A_682 : vector<16xi32> to vector<32xbf16>
        %get3A_684 = arith.index_cast %add3A_614 : i32 to index
        %get3A_685 = arith.constant 48 : index
        %get3A_686 = tpu.vector_load %arg12[%get3A_684, %get3A_685] {strides = array<i32>} : memref<80x128xi32, #tpu.memory_space<vmem>>, vector<16xi32>,
        %bitcast3A_687 = vector.bitcast %get3A_686 : vector<16xi32> to vector<32xbf16>
        %add3A_688 = arith.addf %bitcast3A_683, %bitcast3A_687 : vector<32xbf16>
        %get3A_689 = arith.index_cast %add3A_614 : i32 to index
        %get3A_690 = arith.constant 48 : index
        %get3A_691 = tpu.vector_load %arg13[%get3A_689, %get3A_690] {strides = array<i32>} : memref<80x64xi32, #tpu.memory_space<vmem>>, vector<16xi32>,
        %bitcast3A_692 = vector.bitcast %get3A_691 : vector<16xi32> to vector<32xbf16>
        %add3A_693 = arith.addf %add3A_688, %bitcast3A_692 : vector<32xbf16>
        %max3A_694 = arith.maximumf %add3A_693, %broadcast_in_dim3A_26 : vector<32xbf16>
        %unpack3A_695 = tpu.unpack_subelements %max3A_694, 0 {pack_format = #tpu.pack_format<interleaved>} : vector<32xbf16> -> vector<16xf32>
        %unpack3A_696 = tpu.unpack_subelements %max3A_694, 1 {pack_format = #tpu.pack_format<interleaved>} : vector<32xbf16> -> vector<16xf32>
        %mul3A_697 = arith.mulf %unpack3A_695, %get3A_14 : vector<16xf32>
        %add3A_698 = arith.addf %add3A_679, %mul3A_697 : vector<16xf32>
        %mul3A_699 = arith.mulf %unpack3A_696, %get3A_22 : vector<16xf32>
        %add3A_700 = arith.addf %add3A_698, %mul3A_699 : vector<16xf32>
        %mul3A_701 = arith.constant 17 : i32
        %mul3A_702 = arith.muli %scan3A_612, %mul3A_701 : i32
        %swap3A_703 = arith.index_cast %mul3A_702 : i32 to index
        %swap3A_704 = tpu.vector_load %arg18[%swap3A_703] {strides = array<i32>} : memref<272xf32, #tpu.memory_space<vmem>>, vector<16xf32>,
        tpu.vector_store %arg18[%swap3A_703], %add3A_700 {strides = array<i32>} : memref<272xf32, #tpu.memory_space<vmem>>, vector<16xf32>,
      }
      %scan3A_427 = arith.constant 16 : i32
      %gather3A_428 = tpu.vector_load_idx %arg18[%mul3A_25] : memref<272xf32, #tpu.memory_space<vmem>>[vector<16xi32>], vector<16xf32>,
      %add3A_429 = arith.constant 1 : i32
      %add3A_430 = vector.broadcast %add3A_429 : i32 to vector<16xi32>
      %add3A_431 = arith.addi %mul3A_25, %add3A_430 : vector<16xi32>
      %gather3A_432 = tpu.vector_load_idx %arg18[%add3A_431] : memref<272xf32, #tpu.memory_space<vmem>>[vector<16xi32>], vector<16xf32>,
      %add3A_433 = arith.addf %gather3A_428, %gather3A_432 : vector<16xf32>
      %add3A_434 = arith.constant 2 : i32
      %add3A_435 = vector.broadcast %add3A_434 : i32 to vector<16xi32>
      %add3A_436 = arith.addi %mul3A_25, %add3A_435 : vector<16xi32>
      %gather3A_437 = tpu.vector_load_idx %arg18[%add3A_436] : memref<272xf32, #tpu.memory_space<vmem>>[vector<16xi32>], vector<16xf32>,
      %add3A_438 = arith.addf %add3A_433, %gather3A_437 : vector<16xf32>
      %add3A_439 = arith.constant 3 : i32
      %add3A_440 = vector.broadcast %add3A_439 : i32 to vector<16xi32>
      %add3A_441 = arith.addi %mul3A_25, %add3A_440 : vector<16xi32>
      %gather3A_442 = tpu.vector_load_idx %arg18[%add3A_441] : memref<272xf32, #tpu.memory_space<vmem>>[vector<16xi32>], vector<16xf32>,
      %add3A_443 = arith.addf %add3A_438, %gather3A_442 : vector<16xf32>
      %add3A_444 = arith.constant 4 : i32
      %add3A_445 = vector.broadcast %add3A_444 : i32 to vector<16xi32>
      %add3A_446 = arith.addi %mul3A_25, %add3A_445 : vector<16xi32>
      %gather3A_447 = tpu.vector_load_idx %arg18[%add3A_446] : memref<272xf32, #tpu.memory_space<vmem>>[vector<16xi32>], vector<16xf32>,
      %add3A_448 = arith.addf %add3A_443, %gather3A_447 : vector<16xf32>
      %add3A_449 = arith.constant 5 : i32
      %add3A_450 = vector.broadcast %add3A_449 : i32 to vector<16xi32>
      %add3A_451 = arith.addi %mul3A_25, %add3A_450 : vector<16xi32>
      %gather3A_452 = tpu.vector_load_idx %arg18[%add3A_451] : memref<272xf32, #tpu.memory_space<vmem>>[vector<16xi32>], vector<16xf32>,
      %add3A_453 = arith.addf %add3A_448, %gather3A_452 : vector<16xf32>
      %add3A_454 = arith.constant 6 : i32
      %add3A_455 = vector.broadcast %add3A_454 : i32 to vector<16xi32>
      %add3A_456 = arith.addi %mul3A_25, %add3A_455 : vector<16xi32>
      %gather3A_457 = tpu.vector_load_idx %arg18[%add3A_456] : memref<272xf32, #tpu.memory_space<vmem>>[vector<16xi32>], vector<16xf32>,
      %add3A_458 = arith.addf %add3A_453, %gather3A_457 : vector<16xf32>
      %add3A_459 = arith.constant 7 : i32
      %add3A_460 = vector.broadcast %add3A_459 : i32 to vector<16xi32>
      %add3A_461 = arith.addi %mul3A_25, %add3A_460 : vector<16xi32>
      %gather3A_462 = tpu.vector_load_idx %arg18[%add3A_461] : memref<272xf32, #tpu.memory_space<vmem>>[vector<16xi32>], vector<16xf32>,
      %add3A_463 = arith.addf %add3A_458, %gather3A_462 : vector<16xf32>
      %add3A_464 = arith.constant 8 : i32
      %add3A_465 = vector.broadcast %add3A_464 : i32 to vector<16xi32>
      %add3A_466 = arith.addi %mul3A_25, %add3A_465 : vector<16xi32>
      %gather3A_467 = tpu.vector_load_idx %arg18[%add3A_466] : memref<272xf32, #tpu.memory_space<vmem>>[vector<16xi32>], vector<16xf32>,
      %add3A_468 = arith.addf %add3A_463, %gather3A_467 : vector<16xf32>
      %add3A_469 = arith.constant 9 : i32
      %add3A_470 = vector.broadcast %add3A_469 : i32 to vector<16xi32>
      %add3A_471 = arith.addi %mul3A_25, %add3A_470 : vector<16xi32>
      %gather3A_472 = tpu.vector_load_idx %arg18[%add3A_471] : memref<272xf32, #tpu.memory_space<vmem>>[vector<16xi32>], vector<16xf32>,
      %add3A_473 = arith.addf %add3A_468, %gather3A_472 : vector<16xf32>
      %add3A_474 = arith.constant 10 : i32
      %add3A_475 = vector.broadcast %add3A_474 : i32 to vector<16xi32>
      %add3A_476 = arith.addi %mul3A_25, %add3A_475 : vector<16xi32>
      %gather3A_477 = tpu.vector_load_idx %arg18[%add3A_476] : memref<272xf32, #tpu.memory_space<vmem>>[vector<16xi32>], vector<16xf32>,
      %add3A_478 = arith.addf %add3A_473, %gather3A_477 : vector<16xf32>
      %add3A_479 = arith.constant 11 : i32
      %add3A_480 = vector.broadcast %add3A_479 : i32 to vector<16xi32>
      %add3A_481 = arith.addi %mul3A_25, %add3A_480 : vector<16xi32>
      %gather3A_482 = tpu.vector_load_idx %arg18[%add3A_481] : memref<272xf32, #tpu.memory_space<vmem>>[vector<16xi32>], vector<16xf32>,
      %add3A_483 = arith.addf %add3A_478, %gather3A_482 : vector<16xf32>
      %add3A_484 = arith.constant 12 : i32
      %add3A_485 = vector.broadcast %add3A_484 : i32 to vector<16xi32>
      %add3A_486 = arith.addi %mul3A_25, %add3A_485 : vector<16xi32>
      %gather3A_487 = tpu.vector_load_idx %arg18[%add3A_486] : memref<272xf32, #tpu.memory_space<vmem>>[vector<16xi32>], vector<16xf32>,
      %add3A_488 = arith.addf %add3A_483, %gather3A_487 : vector<16xf32>
      %add3A_489 = arith.constant 13 : i32
      %add3A_490 = vector.broadcast %add3A_489 : i32 to vector<16xi32>
      %add3A_491 = arith.addi %mul3A_25, %add3A_490 : vector<16xi32>
      %gather3A_492 = tpu.vector_load_idx %arg18[%add3A_491] : memref<272xf32, #tpu.memory_space<vmem>>[vector<16xi32>], vector<16xf32>,
      %add3A_493 = arith.addf %add3A_488, %gather3A_492 : vector<16xf32>
      %add3A_494 = arith.constant 14 : i32
      %add3A_495 = vector.broadcast %add3A_494 : i32 to vector<16xi32>
      %add3A_496 = arith.addi %mul3A_25, %add3A_495 : vector<16xi32>
      %gather3A_497 = tpu.vector_load_idx %arg18[%add3A_496] : memref<272xf32, #tpu.memory_space<vmem>>[vector<16xi32>], vector<16xf32>,
      %add3A_498 = arith.addf %add3A_493, %gather3A_497 : vector<16xf32>
      %add3A_499 = arith.constant 15 : i32
      %add3A_500 = vector.broadcast %add3A_499 : i32 to vector<16xi32>
      %add3A_501 = arith.addi %mul3A_25, %add3A_500 : vector<16xi32>
      %gather3A_502 = tpu.vector_load_idx %arg18[%add3A_501] : memref<272xf32, #tpu.memory_space<vmem>>[vector<16xi32>], vector<16xf32>,
      %add3A_503 = arith.addf %add3A_498, %gather3A_502 : vector<16xf32>
      %mul3A_504 = arith.constant 80 : i32
      %mul3A_505 = arith.muli %mul3A_50, %mul3A_504 : i32
      %add3A_506 = arith.constant 64 : i32
      %add3A_507 = arith.addi %mul3A_505, %add3A_506 : i32
      %get3A_508 = arith.index_cast %add3A_507 : i32 to index
      %get3A_509 = tpu.vector_load %arg10[%get3A_508] {strides = array<i32>} : memref<10000xi32, #tpu.memory_space<vmem>>, vector<16xi32>,
      tpu.vector_store_idx %arg19[%get3A_509], %add3A_503 {add = true} : memref<10000xf32, #tpu.memory_space<vmem>>[vector<16xi32>], vector<16xf32>,
      %add3A_510 = arith.constant 2 : i32
      %add3A_511 = arith.addi %mul3A_50, %add3A_510 : i32
      %lt3A_512 = arith.constant 125 : i32
      %lt3A_513 = arith.cmpi slt, %add3A_511, %lt3A_512 : i32
      %convert_element_type3A_514 = arith.extui %lt3A_513 : i1 to i32
      %cond3A_515 = arith.constant 0 : i32
      %cond3A_516 = arith.cmpi ne, %convert_element_type3A_514, %cond3A_515 : i32
      scf.if %cond3A_516 {
        %add3A_522 = arith.constant 2 : i32
        %add3A_523 = arith.addi %mul3A_50, %add3A_522 : i32
        %mul3A_524 = arith.constant 80 : i32
        %mul3A_525 = arith.muli %add3A_523, %mul3A_524 : i32
        %dma_start3A_526 = tpu.memref_slice %arg10[%mul3A_525] : memref<10000xi32, #tpu.memory_space<vmem>> -> memref<80xi32, #tpu.memory_space<vmem>>
        %dma_start3A_527 = arith.constant 0 : i32
        %dma_start3A_528 = arith.constant 0 : i32
        %dma_start3A_529 = tpu.memref_slice %arg2[%dma_start3A_527, %dma_start3A_528] : memref<10000x128xi32, #tpu.memory_space<hbm>> -> memref<10000x128xi32, #tpu.memory_space<hbm>>
        tpu.enqueue_indirect_dma source(%dma_start3A_529 : memref<10000x128xi32, #tpu.memory_space<hbm>>) target(%arg11 : memref<80x128xi32, #tpu.memory_space<vmem>>) offsets(%dma_start3A_526 : memref<80xi32, #tpu.memory_space<vmem>>) semaphore(%arg20 : memref<!tpu.dma_semaphore, #tpu.memory_space<semaphore_mem>>)
        %dma_start3A_530 = tpu.memref_slice %arg9[%mul3A_525] : memref<10000xi32, #tpu.memory_space<vmem>> -> memref<80xi32, #tpu.memory_space<vmem>>
        %dma_start3A_531 = arith.constant 0 : i32
        %dma_start3A_532 = arith.constant 0 : i32
        %dma_start3A_533 = tpu.memref_slice %arg3[%dma_start3A_531, %dma_start3A_532] : memref<10000x128xi32, #tpu.memory_space<hbm>> -> memref<10000x128xi32, #tpu.memory_space<hbm>>
        tpu.enqueue_indirect_dma source(%dma_start3A_533 : memref<10000x128xi32, #tpu.memory_space<hbm>>) target(%arg12 : memref<80x128xi32, #tpu.memory_space<vmem>>) offsets(%dma_start3A_530 : memref<80xi32, #tpu.memory_space<vmem>>) semaphore(%arg21 : memref<!tpu.dma_semaphore, #tpu.memory_space<semaphore_mem>>)
        %add3A_534 = arith.addi %mul3A_2, %mul3A_525 : i32
        %dma_start3A_535 = arith.constant 0 : i32
        %dma_start3A_536 = tpu.memref_slice %arg4[%add3A_534, %dma_start3A_535] : memref<320000x64xi32, #tpu.memory_space<hbm>> -> memref<80x64xi32, #tpu.memory_space<hbm>>
        %dma_start3A_537 = arith.constant 0 : i32
        %dma_start3A_538 = tpu.memref_slice %arg4[%add3A_534, %dma_start3A_537] : memref<320000x64xi32, #tpu.memory_space<hbm>> -> memref<80x64xi32, #tpu.memory_space<hbm>>
        tpu.enqueue_dma source(%dma_start3A_538 : memref<80x64xi32, #tpu.memory_space<hbm>>) target(%arg13 : memref<80x64xi32, #tpu.memory_space<vmem>>) target_semaphore(%arg22 : memref<!tpu.dma_semaphore, #tpu.memory_space<semaphore_mem>>)
      } else {
      }
      %lt3A_517 = arith.constant 125 : i32
      %lt3A_518 = arith.cmpi slt, %add3A_54, %lt3A_517 : i32
      %convert_element_type3A_519 = arith.extui %lt3A_518 : i1 to i32
      %cond3A_520 = arith.constant 0 : i32
      %cond3A_521 = arith.cmpi ne, %convert_element_type3A_519, %cond3A_520 : i32
      scf.if %cond3A_521 {
        %mul3A_522 = arith.constant 80 : i32
        %mul3A_523 = arith.muli %add3A_54, %mul3A_522 : i32
        %dma_wait3A_524 = tpu.memref_slice %arg10[%mul3A_523] : memref<10000xi32, #tpu.memory_space<vmem>> -> memref<80xi32, #tpu.memory_space<vmem>>
        %dma_wait3A_525 = arith.constant 0 : i32
        %dma_wait3A_526 = arith.constant 0 : i32
        %dma_wait3A_527 = tpu.memref_slice %arg2[%dma_wait3A_525, %dma_wait3A_526] : memref<10000x128xi32, #tpu.memory_space<hbm>> -> memref<10000x128xi32, #tpu.memory_space<hbm>>
        tpu.wait_indirect_dma semaphore(%arg23 : memref<!tpu.dma_semaphore, #tpu.memory_space<semaphore_mem>>) src(%dma_wait3A_527 : memref<10000x128xi32, #tpu.memory_space<hbm>>) dst(%arg14 : memref<80x128xi32, #tpu.memory_space<vmem>>)
        %dma_wait3A_528 = tpu.memref_slice %arg9[%mul3A_523] : memref<10000xi32, #tpu.memory_space<vmem>> -> memref<80xi32, #tpu.memory_space<vmem>>
        %dma_wait3A_529 = arith.constant 0 : i32
        %dma_wait3A_530 = arith.constant 0 : i32
        %dma_wait3A_531 = tpu.memref_slice %arg3[%dma_wait3A_529, %dma_wait3A_530] : memref<10000x128xi32, #tpu.memory_space<hbm>> -> memref<10000x128xi32, #tpu.memory_space<hbm>>
        tpu.wait_indirect_dma semaphore(%arg24 : memref<!tpu.dma_semaphore, #tpu.memory_space<semaphore_mem>>) src(%dma_wait3A_531 : memref<10000x128xi32, #tpu.memory_space<hbm>>) dst(%arg15 : memref<80x128xi32, #tpu.memory_space<vmem>>)
        %add3A_532 = arith.addi %mul3A_2, %mul3A_523 : i32
        %dma_wait3A_533 = arith.constant 0 : i32
        %dma_wait3A_534 = tpu.memref_slice %arg4[%add3A_532, %dma_wait3A_533] : memref<320000x64xi32, #tpu.memory_space<hbm>> -> memref<80x64xi32, #tpu.memory_space<hbm>>
        %dma_wait3A_535 = arith.constant 0 : i32
        %dma_wait3A_536 = tpu.memref_slice %arg4[%add3A_532, %dma_wait3A_535] : memref<320000x64xi32, #tpu.memory_space<hbm>> -> memref<80x64xi32, #tpu.memory_space<hbm>>
        tpu.wait_dma2 semaphore(%arg25 : memref<!tpu.dma_semaphore, #tpu.memory_space<semaphore_mem>>) src(%dma_wait3A_536 : memref<80x64xi32, #tpu.memory_space<hbm>>) dst(%arg16 : memref<80x64xi32, #tpu.memory_space<vmem>>)
        %scan3A_537 = arith.constant 0 : i32
        %scan3A_538 = arith.constant 0 : i32
        %scan3A_539 = arith.constant 16 : i32
        %scan3A_540 = arith.addi %scan3A_538, %scan3A_539 : i32
        %scan3A_541 = arith.constant 2 : i32
        scf.for %scan3A_977 = %scan3A_538 to %scan3A_540 step %scan3A_541  : i32 {
          %add3A_978 = arith.constant 0 : i32
          %add3A_979 = arith.addi %add3A_978, %scan3A_977 : i32
          %broadcast_in_dim3A_980 = arith.constant 0.000000e+00 : f32
          %broadcast_in_dim3A_981 = vector.broadcast %broadcast_in_dim3A_980 : f32 to vector<16xf32>
          %get3A_982 = arith.index_cast %add3A_979 : i32 to index
          %get3A_983 = arith.constant 0 : index
          %get3A_984 = tpu.vector_load %arg14[%get3A_982, %get3A_983] {strides = array<i32>} : memref<80x128xi32, #tpu.memory_space<vmem>>, vector<16xi32>,
          %bitcast3A = vector.bitcast %get3A_984 : vector<16xi32> to vector<32xbf16>
          %get3A_985 = arith.index_cast %add3A_979 : i32 to index
          %get3A_986 = arith.constant 0 : index
          %get3A_987 = tpu.vector_load %arg15[%get3A_985, %get3A_986] {strides = array<i32>} : memref<80x128xi32, #tpu.memory_space<vmem>>, vector<16xi32>,
          %bitcast3A_988 = vector.bitcast %get3A_987 : vector<16xi32> to vector<32xbf16>
          %add3A_989 = arith.addf %bitcast3A, %bitcast3A_988 : vector<32xbf16>
          %get3A_990 = arith.index_cast %add3A_979 : i32 to index
          %get3A_991 = arith.constant 0 : index
          %get3A_992 = tpu.vector_load %arg16[%get3A_990, %get3A_991] {strides = array<i32>} : memref<80x64xi32, #tpu.memory_space<vmem>>, vector<16xi32>,
          %bitcast3A_993 = vector.bitcast %get3A_992 : vector<16xi32> to vector<32xbf16>
          %add3A_994 = arith.addf %add3A_989, %bitcast3A_993 : vector<32xbf16>
          %max3A = arith.maximumf %add3A_994, %broadcast_in_dim3A_26 : vector<32xbf16>
          %unpack3A = tpu.unpack_subelements %max3A, 0 {pack_format = #tpu.pack_format<interleaved>} : vector<32xbf16> -> vector<16xf32>
          %unpack3A_995 = tpu.unpack_subelements %max3A, 1 {pack_format = #tpu.pack_format<interleaved>} : vector<32xbf16> -> vector<16xf32>
          %mul3A_996 = arith.mulf %unpack3A, %get3A_8 : vector<16xf32>
          %add3A_997 = arith.addf %broadcast_in_dim3A_981, %mul3A_996 : vector<16xf32>
          %mul3A_998 = arith.mulf %unpack3A_995, %get3A_16 : vector<16xf32>
          %add3A_999 = arith.addf %add3A_997, %mul3A_998 : vector<16xf32>
          %get3A_1000 = arith.index_cast %add3A_979 : i32 to index
          %get3A_1001 = arith.constant 16 : index
          %get3A_1002 = tpu.vector_load %arg14[%get3A_1000, %get3A_1001] {strides = array<i32>} : memref<80x128xi32, #tpu.memory_space<vmem>>, vector<16xi32>,
          %bitcast3A_1003 = vector.bitcast %get3A_1002 : vector<16xi32> to vector<32xbf16>
          %get3A_1004 = arith.index_cast %add3A_979 : i32 to index
          %get3A_1005 = arith.constant 16 : index
          %get3A_1006 = tpu.vector_load %arg15[%get3A_1004, %get3A_1005] {strides = array<i32>} : memref<80x128xi32, #tpu.memory_space<vmem>>, vector<16xi32>,
          %bitcast3A_1007 = vector.bitcast %get3A_1006 : vector<16xi32> to vector<32xbf16>
          %add3A_1008 = arith.addf %bitcast3A_1003, %bitcast3A_1007 : vector<32xbf16>
          %get3A_1009 = arith.index_cast %add3A_979 : i32 to index
          %get3A_1010 = arith.constant 16 : index
          %get3A_1011 = tpu.vector_load %arg16[%get3A_1009, %get3A_1010] {strides = array<i32>} : memref<80x64xi32, #tpu.memory_space<vmem>>, vector<16xi32>,
          %bitcast3A_1012 = vector.bitcast %get3A_1011 : vector<16xi32> to vector<32xbf16>
          %add3A_1013 = arith.addf %add3A_1008, %bitcast3A_1012 : vector<32xbf16>
          %max3A_1014 = arith.maximumf %add3A_1013, %broadcast_in_dim3A_26 : vector<32xbf16>
          %unpack3A_1015 = tpu.unpack_subelements %max3A_1014, 0 {pack_format = #tpu.pack_format<interleaved>} : vector<32xbf16> -> vector<16xf32>
          %unpack3A_1016 = tpu.unpack_subelements %max3A_1014, 1 {pack_format = #tpu.pack_format<interleaved>} : vector<32xbf16> -> vector<16xf32>
          %mul3A_1017 = arith.mulf %unpack3A_1015, %get3A_10 : vector<16xf32>
          %add3A_1018 = arith.addf %add3A_999, %mul3A_1017 : vector<16xf32>
          %mul3A_1019 = arith.mulf %unpack3A_1016, %get3A_18 : vector<16xf32>
          %add3A_1020 = arith.addf %add3A_1018, %mul3A_1019 : vector<16xf32>
          %get3A_1021 = arith.index_cast %add3A_979 : i32 to index
          %get3A_1022 = arith.constant 32 : index
          %get3A_1023 = tpu.vector_load %arg14[%get3A_1021, %get3A_1022] {strides = array<i32>} : memref<80x128xi32, #tpu.memory_space<vmem>>, vector<16xi32>,
          %bitcast3A_1024 = vector.bitcast %get3A_1023 : vector<16xi32> to vector<32xbf16>
          %get3A_1025 = arith.index_cast %add3A_979 : i32 to index
          %get3A_1026 = arith.constant 32 : index
          %get3A_1027 = tpu.vector_load %arg15[%get3A_1025, %get3A_1026] {strides = array<i32>} : memref<80x128xi32, #tpu.memory_space<vmem>>, vector<16xi32>,
          %bitcast3A_1028 = vector.bitcast %get3A_1027 : vector<16xi32> to vector<32xbf16>
          %add3A_1029 = arith.addf %bitcast3A_1024, %bitcast3A_1028 : vector<32xbf16>
          %get3A_1030 = arith.index_cast %add3A_979 : i32 to index
          %get3A_1031 = arith.constant 32 : index
          %get3A_1032 = tpu.vector_load %arg16[%get3A_1030, %get3A_1031] {strides = array<i32>} : memref<80x64xi32, #tpu.memory_space<vmem>>, vector<16xi32>,
          %bitcast3A_1033 = vector.bitcast %get3A_1032 : vector<16xi32> to vector<32xbf16>
          %add3A_1034 = arith.addf %add3A_1029, %bitcast3A_1033 : vector<32xbf16>
          %max3A_1035 = arith.maximumf %add3A_1034, %broadcast_in_dim3A_26 : vector<32xbf16>
          %unpack3A_1036 = tpu.unpack_subelements %max3A_1035, 0 {pack_format = #tpu.pack_format<interleaved>} : vector<32xbf16> -> vector<16xf32>
          %unpack3A_1037 = tpu.unpack_subelements %max3A_1035, 1 {pack_format = #tpu.pack_format<interleaved>} : vector<32xbf16> -> vector<16xf32>
          %mul3A_1038 = arith.mulf %unpack3A_1036, %get3A_12 : vector<16xf32>
          %add3A_1039 = arith.addf %add3A_1020, %mul3A_1038 : vector<16xf32>
          %mul3A_1040 = arith.mulf %unpack3A_1037, %get3A_20 : vector<16xf32>
          %add3A_1041 = arith.addf %add3A_1039, %mul3A_1040 : vector<16xf32>
          %get3A_1042 = arith.index_cast %add3A_979 : i32 to index
          %get3A_1043 = arith.constant 48 : index
          %get3A_1044 = tpu.vector_load %arg14[%get3A_1042, %get3A_1043] {strides = array<i32>} : memref<80x128xi32, #tpu.memory_space<vmem>>, vector<16xi32>,
          %bitcast3A_1045 = vector.bitcast %get3A_1044 : vector<16xi32> to vector<32xbf16>
          %get3A_1046 = arith.index_cast %add3A_979 : i32 to index
          %get3A_1047 = arith.constant 48 : index
          %get3A_1048 = tpu.vector_load %arg15[%get3A_1046, %get3A_1047] {strides = array<i32>} : memref<80x128xi32, #tpu.memory_space<vmem>>, vector<16xi32>,
          %bitcast3A_1049 = vector.bitcast %get3A_1048 : vector<16xi32> to vector<32xbf16>
          %add3A_1050 = arith.addf %bitcast3A_1045, %bitcast3A_1049 : vector<32xbf16>
          %get3A_1051 = arith.index_cast %add3A_979 : i32 to index
          %get3A_1052 = arith.constant 48 : index
          %get3A_1053 = tpu.vector_load %arg16[%get3A_1051, %get3A_1052] {strides = array<i32>} : memref<80x64xi32, #tpu.memory_space<vmem>>, vector<16xi32>,
          %bitcast3A_1054 = vector.bitcast %get3A_1053 : vector<16xi32> to vector<32xbf16>
          %add3A_1055 = arith.addf %add3A_1050, %bitcast3A_1054 : vector<32xbf16>
          %max3A_1056 = arith.maximumf %add3A_1055, %broadcast_in_dim3A_26 : vector<32xbf16>
          %unpack3A_1057 = tpu.unpack_subelements %max3A_1056, 0 {pack_format = #tpu.pack_format<interleaved>} : vector<32xbf16> -> vector<16xf32>
          %unpack3A_1058 = tpu.unpack_subelements %max3A_1056, 1 {pack_format = #tpu.pack_format<interleaved>} : vector<32xbf16> -> vector<16xf32>
          %mul3A_1059 = arith.mulf %unpack3A_1057, %get3A_14 : vector<16xf32>
          %add3A_1060 = arith.addf %add3A_1041, %mul3A_1059 : vector<16xf32>
          %mul3A_1061 = arith.mulf %unpack3A_1058, %get3A_22 : vector<16xf32>
          %add3A_1062 = arith.addf %add3A_1060, %mul3A_1061 : vector<16xf32>
          %mul3A_1063 = arith.constant 17 : i32
          %mul3A_1064 = arith.muli %scan3A_977, %mul3A_1063 : i32
          %swap3A = arith.index_cast %mul3A_1064 : i32 to index
          %swap3A_1065 = tpu.vector_load %arg18[%swap3A] {strides = array<i32>} : memref<272xf32, #tpu.memory_space<vmem>>, vector<16xf32>,
          tpu.vector_store %arg18[%swap3A], %add3A_1062 {strides = array<i32>} : memref<272xf32, #tpu.memory_space<vmem>>, vector<16xf32>,
          %scan3A_1066 = arith.constant 1 : i32
          %scan3A_1067 = arith.addi %scan3A_977, %scan3A_1066 : i32
          %add3A_1068 = arith.constant 0 : i32
          %add3A_1069 = arith.addi %add3A_1068, %scan3A_1067 : i32
          %broadcast_in_dim3A_1070 = arith.constant 0.000000e+00 : f32
          %broadcast_in_dim3A_1071 = vector.broadcast %broadcast_in_dim3A_1070 : f32 to vector<16xf32>
          %get3A_1072 = arith.index_cast %add3A_1069 : i32 to index
          %get3A_1073 = arith.constant 0 : index
          %get3A_1074 = tpu.vector_load %arg14[%get3A_1072, %get3A_1073] {strides = array<i32>} : memref<80x128xi32, #tpu.memory_space<vmem>>, vector<16xi32>,
          %bitcast3A_1075 = vector.bitcast %get3A_1074 : vector<16xi32> to vector<32xbf16>
          %get3A_1076 = arith.index_cast %add3A_1069 : i32 to index
          %get3A_1077 = arith.constant 0 : index
          %get3A_1078 = tpu.vector_load %arg15[%get3A_1076, %get3A_1077] {strides = array<i32>} : memref<80x128xi32, #tpu.memory_space<vmem>>, vector<16xi32>,
          %bitcast3A_1079 = vector.bitcast %get3A_1078 : vector<16xi32> to vector<32xbf16>
          %add3A_1080 = arith.addf %bitcast3A_1075, %bitcast3A_1079 : vector<32xbf16>
          %get3A_1081 = arith.index_cast %add3A_1069 : i32 to index
          %get3A_1082 = arith.constant 0 : index
          %get3A_1083 = tpu.vector_load %arg16[%get3A_1081, %get3A_1082] {strides = array<i32>} : memref<80x64xi32, #tpu.memory_space<vmem>>, vector<16xi32>,
          %bitcast3A_1084 = vector.bitcast %get3A_1083 : vector<16xi32> to vector<32xbf16>
          %add3A_1085 = arith.addf %add3A_1080, %bitcast3A_1084 : vector<32xbf16>
          %max3A_1086 = arith.maximumf %add3A_1085, %broadcast_in_dim3A_26 : vector<32xbf16>
          %unpack3A_1087 = tpu.unpack_subelements %max3A_1086, 0 {pack_format = #tpu.pack_format<interleaved>} : vector<32xbf16> -> vector<16xf32>
          %unpack3A_1088 = tpu.unpack_subelements %max3A_1086, 1 {pack_format = #tpu.pack_format<interleaved>} : vector<32xbf16> -> vector<16xf32>
          %mul3A_1089 = arith.mulf %unpack3A_1087, %get3A_8 : vector<16xf32>
          %add3A_1090 = arith.addf %broadcast_in_dim3A_1071, %mul3A_1089 : vector<16xf32>
          %mul3A_1091 = arith.mulf %unpack3A_1088, %get3A_16 : vector<16xf32>
          %add3A_1092 = arith.addf %add3A_1090, %mul3A_1091 : vector<16xf32>
          %get3A_1093 = arith.index_cast %add3A_1069 : i32 to index
          %get3A_1094 = arith.constant 16 : index
          %get3A_1095 = tpu.vector_load %arg14[%get3A_1093, %get3A_1094] {strides = array<i32>} : memref<80x128xi32, #tpu.memory_space<vmem>>, vector<16xi32>,
          %bitcast3A_1096 = vector.bitcast %get3A_1095 : vector<16xi32> to vector<32xbf16>
          %get3A_1097 = arith.index_cast %add3A_1069 : i32 to index
          %get3A_1098 = arith.constant 16 : index
          %get3A_1099 = tpu.vector_load %arg15[%get3A_1097, %get3A_1098] {strides = array<i32>} : memref<80x128xi32, #tpu.memory_space<vmem>>, vector<16xi32>,
          %bitcast3A_1100 = vector.bitcast %get3A_1099 : vector<16xi32> to vector<32xbf16>
          %add3A_1101 = arith.addf %bitcast3A_1096, %bitcast3A_1100 : vector<32xbf16>
          %get3A_1102 = arith.index_cast %add3A_1069 : i32 to index
          %get3A_1103 = arith.constant 16 : index
          %get3A_1104 = tpu.vector_load %arg16[%get3A_1102, %get3A_1103] {strides = array<i32>} : memref<80x64xi32, #tpu.memory_space<vmem>>, vector<16xi32>,
          %bitcast3A_1105 = vector.bitcast %get3A_1104 : vector<16xi32> to vector<32xbf16>
          %add3A_1106 = arith.addf %add3A_1101, %bitcast3A_1105 : vector<32xbf16>
          %max3A_1107 = arith.maximumf %add3A_1106, %broadcast_in_dim3A_26 : vector<32xbf16>
          %unpack3A_1108 = tpu.unpack_subelements %max3A_1107, 0 {pack_format = #tpu.pack_format<interleaved>} : vector<32xbf16> -> vector<16xf32>
          %unpack3A_1109 = tpu.unpack_subelements %max3A_1107, 1 {pack_format = #tpu.pack_format<interleaved>} : vector<32xbf16> -> vector<16xf32>
          %mul3A_1110 = arith.mulf %unpack3A_1108, %get3A_10 : vector<16xf32>
          %add3A_1111 = arith.addf %add3A_1092, %mul3A_1110 : vector<16xf32>
          %mul3A_1112 = arith.mulf %unpack3A_1109, %get3A_18 : vector<16xf32>
          %add3A_1113 = arith.addf %add3A_1111, %mul3A_1112 : vector<16xf32>
          %get3A_1114 = arith.index_cast %add3A_1069 : i32 to index
          %get3A_1115 = arith.constant 32 : index
          %get3A_1116 = tpu.vector_load %arg14[%get3A_1114, %get3A_1115] {strides = array<i32>} : memref<80x128xi32, #tpu.memory_space<vmem>>, vector<16xi32>,
          %bitcast3A_1117 = vector.bitcast %get3A_1116 : vector<16xi32> to vector<32xbf16>
          %get3A_1118 = arith.index_cast %add3A_1069 : i32 to index
          %get3A_1119 = arith.constant 32 : index
          %get3A_1120 = tpu.vector_load %arg15[%get3A_1118, %get3A_1119] {strides = array<i32>} : memref<80x128xi32, #tpu.memory_space<vmem>>, vector<16xi32>,
          %bitcast3A_1121 = vector.bitcast %get3A_1120 : vector<16xi32> to vector<32xbf16>
          %add3A_1122 = arith.addf %bitcast3A_1117, %bitcast3A_1121 : vector<32xbf16>
          %get3A_1123 = arith.index_cast %add3A_1069 : i32 to index
          %get3A_1124 = arith.constant 32 : index
          %get3A_1125 = tpu.vector_load %arg16[%get3A_1123, %get3A_1124] {strides = array<i32>} : memref<80x64xi32, #tpu.memory_space<vmem>>, vector<16xi32>,
          %bitcast3A_1126 = vector.bitcast %get3A_1125 : vector<16xi32> to vector<32xbf16>
          %add3A_1127 = arith.addf %add3A_1122, %bitcast3A_1126 : vector<32xbf16>
          %max3A_1128 = arith.maximumf %add3A_1127, %broadcast_in_dim3A_26 : vector<32xbf16>
          %unpack3A_1129 = tpu.unpack_subelements %max3A_1128, 0 {pack_format = #tpu.pack_format<interleaved>} : vector<32xbf16> -> vector<16xf32>
          %unpack3A_1130 = tpu.unpack_subelements %max3A_1128, 1 {pack_format = #tpu.pack_format<interleaved>} : vector<32xbf16> -> vector<16xf32>
          %mul3A_1131 = arith.mulf %unpack3A_1129, %get3A_12 : vector<16xf32>
          %add3A_1132 = arith.addf %add3A_1113, %mul3A_1131 : vector<16xf32>
          %mul3A_1133 = arith.mulf %unpack3A_1130, %get3A_20 : vector<16xf32>
          %add3A_1134 = arith.addf %add3A_1132, %mul3A_1133 : vector<16xf32>
          %get3A_1135 = arith.index_cast %add3A_1069 : i32 to index
          %get3A_1136 = arith.constant 48 : index
          %get3A_1137 = tpu.vector_load %arg14[%get3A_1135, %get3A_1136] {strides = array<i32>} : memref<80x128xi32, #tpu.memory_space<vmem>>, vector<16xi32>,
          %bitcast3A_1138 = vector.bitcast %get3A_1137 : vector<16xi32> to vector<32xbf16>
          %get3A_1139 = arith.index_cast %add3A_1069 : i32 to index
          %get3A_1140 = arith.constant 48 : index
          %get3A_1141 = tpu.vector_load %arg15[%get3A_1139, %get3A_1140] {strides = array<i32>} : memref<80x128xi32, #tpu.memory_space<vmem>>, vector<16xi32>,
          %bitcast3A_1142 = vector.bitcast %get3A_1141 : vector<16xi32> to vector<32xbf16>
          %add3A_1143 = arith.addf %bitcast3A_1138, %bitcast3A_1142 : vector<32xbf16>
          %get3A_1144 = arith.index_cast %add3A_1069 : i32 to index
          %get3A_1145 = arith.constant 48 : index
          %get3A_1146 = tpu.vector_load %arg16[%get3A_1144, %get3A_1145] {strides = array<i32>} : memref<80x64xi32, #tpu.memory_space<vmem>>, vector<16xi32>,
          %bitcast3A_1147 = vector.bitcast %get3A_1146 : vector<16xi32> to vector<32xbf16>
          %add3A_1148 = arith.addf %add3A_1143, %bitcast3A_1147 : vector<32xbf16>
          %max3A_1149 = arith.maximumf %add3A_1148, %broadcast_in_dim3A_26 : vector<32xbf16>
          %unpack3A_1150 = tpu.unpack_subelements %max3A_1149, 0 {pack_format = #tpu.pack_format<interleaved>} : vector<32xbf16> -> vector<16xf32>
          %unpack3A_1151 = tpu.unpack_subelements %max3A_1149, 1 {pack_format = #tpu.pack_format<interleaved>} : vector<32xbf16> -> vector<16xf32>
          %mul3A_1152 = arith.mulf %unpack3A_1150, %get3A_14 : vector<16xf32>
          %add3A_1153 = arith.addf %add3A_1134, %mul3A_1152 : vector<16xf32>
          %mul3A_1154 = arith.mulf %unpack3A_1151, %get3A_22 : vector<16xf32>
          %add3A_1155 = arith.addf %add3A_1153, %mul3A_1154 : vector<16xf32>
          %mul3A_1156 = arith.constant 17 : i32
          %mul3A_1157 = arith.muli %scan3A_1067, %mul3A_1156 : i32
          %swap3A_1158 = arith.index_cast %mul3A_1157 : i32 to index
          %swap3A_1159 = tpu.vector_load %arg18[%swap3A_1158] {strides = array<i32>} : memref<272xf32, #tpu.memory_space<vmem>>, vector<16xf32>,
          tpu.vector_store %arg18[%swap3A_1158], %add3A_1155 {strides = array<i32>} : memref<272xf32, #tpu.memory_space<vmem>>, vector<16xf32>,
        }
        %scan3A_542 = arith.constant 16 : i32
        %gather3A_543 = tpu.vector_load_idx %arg18[%mul3A_25] : memref<272xf32, #tpu.memory_space<vmem>>[vector<16xi32>], vector<16xf32>,
        %add3A_544 = arith.constant 1 : i32
        %add3A_545 = vector.broadcast %add3A_544 : i32 to vector<16xi32>
        %add3A_546 = arith.addi %mul3A_25, %add3A_545 : vector<16xi32>
        %gather3A_547 = tpu.vector_load_idx %arg18[%add3A_546] : memref<272xf32, #tpu.memory_space<vmem>>[vector<16xi32>], vector<16xf32>,
        %add3A_548 = arith.addf %gather3A_543, %gather3A_547 : vector<16xf32>
        %add3A_549 = arith.constant 2 : i32
        %add3A_550 = vector.broadcast %add3A_549 : i32 to vector<16xi32>
        %add3A_551 = arith.addi %mul3A_25, %add3A_550 : vector<16xi32>
        %gather3A_552 = tpu.vector_load_idx %arg18[%add3A_551] : memref<272xf32, #tpu.memory_space<vmem>>[vector<16xi32>], vector<16xf32>,
        %add3A_553 = arith.addf %add3A_548, %gather3A_552 : vector<16xf32>
        %add3A_554 = arith.constant 3 : i32
        %add3A_555 = vector.broadcast %add3A_554 : i32 to vector<16xi32>
        %add3A_556 = arith.addi %mul3A_25, %add3A_555 : vector<16xi32>
        %gather3A_557 = tpu.vector_load_idx %arg18[%add3A_556] : memref<272xf32, #tpu.memory_space<vmem>>[vector<16xi32>], vector<16xf32>,
        %add3A_558 = arith.addf %add3A_553, %gather3A_557 : vector<16xf32>
        %add3A_559 = arith.constant 4 : i32
        %add3A_560 = vector.broadcast %add3A_559 : i32 to vector<16xi32>
        %add3A_561 = arith.addi %mul3A_25, %add3A_560 : vector<16xi32>
        %gather3A_562 = tpu.vector_load_idx %arg18[%add3A_561] : memref<272xf32, #tpu.memory_space<vmem>>[vector<16xi32>], vector<16xf32>,
        %add3A_563 = arith.addf %add3A_558, %gather3A_562 : vector<16xf32>
        %add3A_564 = arith.constant 5 : i32
        %add3A_565 = vector.broadcast %add3A_564 : i32 to vector<16xi32>
        %add3A_566 = arith.addi %mul3A_25, %add3A_565 : vector<16xi32>
        %gather3A_567 = tpu.vector_load_idx %arg18[%add3A_566] : memref<272xf32, #tpu.memory_space<vmem>>[vector<16xi32>], vector<16xf32>,
        %add3A_568 = arith.addf %add3A_563, %gather3A_567 : vector<16xf32>
        %add3A_569 = arith.constant 6 : i32
        %add3A_570 = vector.broadcast %add3A_569 : i32 to vector<16xi32>
        %add3A_571 = arith.addi %mul3A_25, %add3A_570 : vector<16xi32>
        %gather3A_572 = tpu.vector_load_idx %arg18[%add3A_571] : memref<272xf32, #tpu.memory_space<vmem>>[vector<16xi32>], vector<16xf32>,
        %add3A_573 = arith.addf %add3A_568, %gather3A_572 : vector<16xf32>
        %add3A_574 = arith.constant 7 : i32
        %add3A_575 = vector.broadcast %add3A_574 : i32 to vector<16xi32>
        %add3A_576 = arith.addi %mul3A_25, %add3A_575 : vector<16xi32>
        %gather3A_577 = tpu.vector_load_idx %arg18[%add3A_576] : memref<272xf32, #tpu.memory_space<vmem>>[vector<16xi32>], vector<16xf32>,
        %add3A_578 = arith.addf %add3A_573, %gather3A_577 : vector<16xf32>
        %add3A_579 = arith.constant 8 : i32
        %add3A_580 = vector.broadcast %add3A_579 : i32 to vector<16xi32>
        %add3A_581 = arith.addi %mul3A_25, %add3A_580 : vector<16xi32>
        %gather3A_582 = tpu.vector_load_idx %arg18[%add3A_581] : memref<272xf32, #tpu.memory_space<vmem>>[vector<16xi32>], vector<16xf32>,
        %add3A_583 = arith.addf %add3A_578, %gather3A_582 : vector<16xf32>
        %add3A_584 = arith.constant 9 : i32
        %add3A_585 = vector.broadcast %add3A_584 : i32 to vector<16xi32>
        %add3A_586 = arith.addi %mul3A_25, %add3A_585 : vector<16xi32>
        %gather3A_587 = tpu.vector_load_idx %arg18[%add3A_586] : memref<272xf32, #tpu.memory_space<vmem>>[vector<16xi32>], vector<16xf32>,
        %add3A_588 = arith.addf %add3A_583, %gather3A_587 : vector<16xf32>
        %add3A_589 = arith.constant 10 : i32
        %add3A_590 = vector.broadcast %add3A_589 : i32 to vector<16xi32>
        %add3A_591 = arith.addi %mul3A_25, %add3A_590 : vector<16xi32>
        %gather3A_592 = tpu.vector_load_idx %arg18[%add3A_591] : memref<272xf32, #tpu.memory_space<vmem>>[vector<16xi32>], vector<16xf32>,
        %add3A_593 = arith.addf %add3A_588, %gather3A_592 : vector<16xf32>
        %add3A_594 = arith.constant 11 : i32
        %add3A_595 = vector.broadcast %add3A_594 : i32 to vector<16xi32>
        %add3A_596 = arith.addi %mul3A_25, %add3A_595 : vector<16xi32>
        %gather3A_597 = tpu.vector_load_idx %arg18[%add3A_596] : memref<272xf32, #tpu.memory_space<vmem>>[vector<16xi32>], vector<16xf32>,
        %add3A_598 = arith.addf %add3A_593, %gather3A_597 : vector<16xf32>
        %add3A_599 = arith.constant 12 : i32
        %add3A_600 = vector.broadcast %add3A_599 : i32 to vector<16xi32>
        %add3A_601 = arith.addi %mul3A_25, %add3A_600 : vector<16xi32>
        %gather3A_602 = tpu.vector_load_idx %arg18[%add3A_601] : memref<272xf32, #tpu.memory_space<vmem>>[vector<16xi32>], vector<16xf32>,
        %add3A_603 = arith.addf %add3A_598, %gather3A_602 : vector<16xf32>
        %add3A_604 = arith.constant 13 : i32
        %add3A_605 = vector.broadcast %add3A_604 : i32 to vector<16xi32>
        %add3A_606 = arith.addi %mul3A_25, %add3A_605 : vector<16xi32>
        %gather3A_607 = tpu.vector_load_idx %arg18[%add3A_606] : memref<272xf32, #tpu.memory_space<vmem>>[vector<16xi32>], vector<16xf32>,
        %add3A_608 = arith.addf %add3A_603, %gather3A_607 : vector<16xf32>
        %add3A_609 = arith.constant 14 : i32
        %add3A_610 = vector.broadcast %add3A_609 : i32 to vector<16xi32>
        %add3A_611 = arith.addi %mul3A_25, %add3A_610 : vector<16xi32>
        %gather3A_612 = tpu.vector_load_idx %arg18[%add3A_611] : memref<272xf32, #tpu.memory_space<vmem>>[vector<16xi32>], vector<16xf32>,
        %add3A_613 = arith.addf %add3A_608, %gather3A_612 : vector<16xf32>
        %add3A_614 = arith.constant 15 : i32
        %add3A_615 = vector.broadcast %add3A_614 : i32 to vector<16xi32>
        %add3A_616 = arith.addi %mul3A_25, %add3A_615 : vector<16xi32>
        %gather3A_617 = tpu.vector_load_idx %arg18[%add3A_616] : memref<272xf32, #tpu.memory_space<vmem>>[vector<16xi32>], vector<16xf32>,
        %add3A_618 = arith.addf %add3A_613, %gather3A_617 : vector<16xf32>
        %mul3A_619 = arith.constant 80 : i32
        %mul3A_620 = arith.muli %add3A_54, %mul3A_619 : i32
        %add3A_621 = arith.constant 0 : i32
        %add3A_622 = arith.addi %mul3A_620, %add3A_621 : i32
        %get3A_623 = arith.index_cast %add3A_622 : i32 to index
        %get3A_624 = tpu.vector_load %arg10[%get3A_623] {strides = array<i32>} : memref<10000xi32, #tpu.memory_space<vmem>>, vector<16xi32>,
        tpu.vector_store_idx %arg19[%get3A_624], %add3A_618 {add = true} : memref<10000xf32, #tpu.memory_space<vmem>>[vector<16xi32>], vector<16xf32>,
        %scan3A_625 = arith.constant 0 : i32
        %scan3A_626 = arith.constant 0 : i32
        %scan3A_627 = arith.constant 16 : i32
        %scan3A_628 = arith.addi %scan3A_626, %scan3A_627 : i32
        %scan3A_629 = arith.constant 2 : i32
        scf.for %scan3A_977 = %scan3A_626 to %scan3A_628 step %scan3A_629  : i32 {
          %add3A_978 = arith.constant 16 : i32
          %add3A_979 = arith.addi %add3A_978, %scan3A_977 : i32
          %broadcast_in_dim3A_980 = arith.constant 0.000000e+00 : f32
          %broadcast_in_dim3A_981 = vector.broadcast %broadcast_in_dim3A_980 : f32 to vector<16xf32>
          %get3A_982 = arith.index_cast %add3A_979 : i32 to index
          %get3A_983 = arith.constant 0 : index
          %get3A_984 = tpu.vector_load %arg14[%get3A_982, %get3A_983] {strides = array<i32>} : memref<80x128xi32, #tpu.memory_space<vmem>>, vector<16xi32>,
          %bitcast3A = vector.bitcast %get3A_984 : vector<16xi32> to vector<32xbf16>
          %get3A_985 = arith.index_cast %add3A_979 : i32 to index
          %get3A_986 = arith.constant 0 : index
          %get3A_987 = tpu.vector_load %arg15[%get3A_985, %get3A_986] {strides = array<i32>} : memref<80x128xi32, #tpu.memory_space<vmem>>, vector<16xi32>,
          %bitcast3A_988 = vector.bitcast %get3A_987 : vector<16xi32> to vector<32xbf16>
          %add3A_989 = arith.addf %bitcast3A, %bitcast3A_988 : vector<32xbf16>
          %get3A_990 = arith.index_cast %add3A_979 : i32 to index
          %get3A_991 = arith.constant 0 : index
          %get3A_992 = tpu.vector_load %arg16[%get3A_990, %get3A_991] {strides = array<i32>} : memref<80x64xi32, #tpu.memory_space<vmem>>, vector<16xi32>,
          %bitcast3A_993 = vector.bitcast %get3A_992 : vector<16xi32> to vector<32xbf16>
          %add3A_994 = arith.addf %add3A_989, %bitcast3A_993 : vector<32xbf16>
          %max3A = arith.maximumf %add3A_994, %broadcast_in_dim3A_26 : vector<32xbf16>
          %unpack3A = tpu.unpack_subelements %max3A, 0 {pack_format = #tpu.pack_format<interleaved>} : vector<32xbf16> -> vector<16xf32>
          %unpack3A_995 = tpu.unpack_subelements %max3A, 1 {pack_format = #tpu.pack_format<interleaved>} : vector<32xbf16> -> vector<16xf32>
          %mul3A_996 = arith.mulf %unpack3A, %get3A_8 : vector<16xf32>
          %add3A_997 = arith.addf %broadcast_in_dim3A_981, %mul3A_996 : vector<16xf32>
          %mul3A_998 = arith.mulf %unpack3A_995, %get3A_16 : vector<16xf32>
          %add3A_999 = arith.addf %add3A_997, %mul3A_998 : vector<16xf32>
          %get3A_1000 = arith.index_cast %add3A_979 : i32 to index
          %get3A_1001 = arith.constant 16 : index
          %get3A_1002 = tpu.vector_load %arg14[%get3A_1000, %get3A_1001] {strides = array<i32>} : memref<80x128xi32, #tpu.memory_space<vmem>>, vector<16xi32>,
          %bitcast3A_1003 = vector.bitcast %get3A_1002 : vector<16xi32> to vector<32xbf16>
          %get3A_1004 = arith.index_cast %add3A_979 : i32 to index
          %get3A_1005 = arith.constant 16 : index
          %get3A_1006 = tpu.vector_load %arg15[%get3A_1004, %get3A_1005] {strides = array<i32>} : memref<80x128xi32, #tpu.memory_space<vmem>>, vector<16xi32>,
          %bitcast3A_1007 = vector.bitcast %get3A_1006 : vector<16xi32> to vector<32xbf16>
          %add3A_1008 = arith.addf %bitcast3A_1003, %bitcast3A_1007 : vector<32xbf16>
          %get3A_1009 = arith.index_cast %add3A_979 : i32 to index
          %get3A_1010 = arith.constant 16 : index
          %get3A_1011 = tpu.vector_load %arg16[%get3A_1009, %get3A_1010] {strides = array<i32>} : memref<80x64xi32, #tpu.memory_space<vmem>>, vector<16xi32>,
          %bitcast3A_1012 = vector.bitcast %get3A_1011 : vector<16xi32> to vector<32xbf16>
          %add3A_1013 = arith.addf %add3A_1008, %bitcast3A_1012 : vector<32xbf16>
          %max3A_1014 = arith.maximumf %add3A_1013, %broadcast_in_dim3A_26 : vector<32xbf16>
          %unpack3A_1015 = tpu.unpack_subelements %max3A_1014, 0 {pack_format = #tpu.pack_format<interleaved>} : vector<32xbf16> -> vector<16xf32>
          %unpack3A_1016 = tpu.unpack_subelements %max3A_1014, 1 {pack_format = #tpu.pack_format<interleaved>} : vector<32xbf16> -> vector<16xf32>
          %mul3A_1017 = arith.mulf %unpack3A_1015, %get3A_10 : vector<16xf32>
          %add3A_1018 = arith.addf %add3A_999, %mul3A_1017 : vector<16xf32>
          %mul3A_1019 = arith.mulf %unpack3A_1016, %get3A_18 : vector<16xf32>
          %add3A_1020 = arith.addf %add3A_1018, %mul3A_1019 : vector<16xf32>
          %get3A_1021 = arith.index_cast %add3A_979 : i32 to index
          %get3A_1022 = arith.constant 32 : index
          %get3A_1023 = tpu.vector_load %arg14[%get3A_1021, %get3A_1022] {strides = array<i32>} : memref<80x128xi32, #tpu.memory_space<vmem>>, vector<16xi32>,
          %bitcast3A_1024 = vector.bitcast %get3A_1023 : vector<16xi32> to vector<32xbf16>
          %get3A_1025 = arith.index_cast %add3A_979 : i32 to index
          %get3A_1026 = arith.constant 32 : index
          %get3A_1027 = tpu.vector_load %arg15[%get3A_1025, %get3A_1026] {strides = array<i32>} : memref<80x128xi32, #tpu.memory_space<vmem>>, vector<16xi32>,
          %bitcast3A_1028 = vector.bitcast %get3A_1027 : vector<16xi32> to vector<32xbf16>
          %add3A_1029 = arith.addf %bitcast3A_1024, %bitcast3A_1028 : vector<32xbf16>
          %get3A_1030 = arith.index_cast %add3A_979 : i32 to index
          %get3A_1031 = arith.constant 32 : index
          %get3A_1032 = tpu.vector_load %arg16[%get3A_1030, %get3A_1031] {strides = array<i32>} : memref<80x64xi32, #tpu.memory_space<vmem>>, vector<16xi32>,
          %bitcast3A_1033 = vector.bitcast %get3A_1032 : vector<16xi32> to vector<32xbf16>
          %add3A_1034 = arith.addf %add3A_1029, %bitcast3A_1033 : vector<32xbf16>
          %max3A_1035 = arith.maximumf %add3A_1034, %broadcast_in_dim3A_26 : vector<32xbf16>
          %unpack3A_1036 = tpu.unpack_subelements %max3A_1035, 0 {pack_format = #tpu.pack_format<interleaved>} : vector<32xbf16> -> vector<16xf32>
          %unpack3A_1037 = tpu.unpack_subelements %max3A_1035, 1 {pack_format = #tpu.pack_format<interleaved>} : vector<32xbf16> -> vector<16xf32>
          %mul3A_1038 = arith.mulf %unpack3A_1036, %get3A_12 : vector<16xf32>
          %add3A_1039 = arith.addf %add3A_1020, %mul3A_1038 : vector<16xf32>
          %mul3A_1040 = arith.mulf %unpack3A_1037, %get3A_20 : vector<16xf32>
          %add3A_1041 = arith.addf %add3A_1039, %mul3A_1040 : vector<16xf32>
          %get3A_1042 = arith.index_cast %add3A_979 : i32 to index
          %get3A_1043 = arith.constant 48 : index
          %get3A_1044 = tpu.vector_load %arg14[%get3A_1042, %get3A_1043] {strides = array<i32>} : memref<80x128xi32, #tpu.memory_space<vmem>>, vector<16xi32>,
          %bitcast3A_1045 = vector.bitcast %get3A_1044 : vector<16xi32> to vector<32xbf16>
          %get3A_1046 = arith.index_cast %add3A_979 : i32 to index
          %get3A_1047 = arith.constant 48 : index
          %get3A_1048 = tpu.vector_load %arg15[%get3A_1046, %get3A_1047] {strides = array<i32>} : memref<80x128xi32, #tpu.memory_space<vmem>>, vector<16xi32>,
          %bitcast3A_1049 = vector.bitcast %get3A_1048 : vector<16xi32> to vector<32xbf16>
          %add3A_1050 = arith.addf %bitcast3A_1045, %bitcast3A_1049 : vector<32xbf16>
          %get3A_1051 = arith.index_cast %add3A_979 : i32 to index
          %get3A_1052 = arith.constant 48 : index
          %get3A_1053 = tpu.vector_load %arg16[%get3A_1051, %get3A_1052] {strides = array<i32>} : memref<80x64xi32, #tpu.memory_space<vmem>>, vector<16xi32>,
          %bitcast3A_1054 = vector.bitcast %get3A_1053 : vector<16xi32> to vector<32xbf16>
          %add3A_1055 = arith.addf %add3A_1050, %bitcast3A_1054 : vector<32xbf16>
          %max3A_1056 = arith.maximumf %add3A_1055, %broadcast_in_dim3A_26 : vector<32xbf16>
          %unpack3A_1057 = tpu.unpack_subelements %max3A_1056, 0 {pack_format = #tpu.pack_format<interleaved>} : vector<32xbf16> -> vector<16xf32>
          %unpack3A_1058 = tpu.unpack_subelements %max3A_1056, 1 {pack_format = #tpu.pack_format<interleaved>} : vector<32xbf16> -> vector<16xf32>
          %mul3A_1059 = arith.mulf %unpack3A_1057, %get3A_14 : vector<16xf32>
          %add3A_1060 = arith.addf %add3A_1041, %mul3A_1059 : vector<16xf32>
          %mul3A_1061 = arith.mulf %unpack3A_1058, %get3A_22 : vector<16xf32>
          %add3A_1062 = arith.addf %add3A_1060, %mul3A_1061 : vector<16xf32>
          %mul3A_1063 = arith.constant 17 : i32
          %mul3A_1064 = arith.muli %scan3A_977, %mul3A_1063 : i32
          %swap3A = arith.index_cast %mul3A_1064 : i32 to index
          %swap3A_1065 = tpu.vector_load %arg18[%swap3A] {strides = array<i32>} : memref<272xf32, #tpu.memory_space<vmem>>, vector<16xf32>,
          tpu.vector_store %arg18[%swap3A], %add3A_1062 {strides = array<i32>} : memref<272xf32, #tpu.memory_space<vmem>>, vector<16xf32>,
          %scan3A_1066 = arith.constant 1 : i32
          %scan3A_1067 = arith.addi %scan3A_977, %scan3A_1066 : i32
          %add3A_1068 = arith.constant 16 : i32
          %add3A_1069 = arith.addi %add3A_1068, %scan3A_1067 : i32
          %broadcast_in_dim3A_1070 = arith.constant 0.000000e+00 : f32
          %broadcast_in_dim3A_1071 = vector.broadcast %broadcast_in_dim3A_1070 : f32 to vector<16xf32>
          %get3A_1072 = arith.index_cast %add3A_1069 : i32 to index
          %get3A_1073 = arith.constant 0 : index
          %get3A_1074 = tpu.vector_load %arg14[%get3A_1072, %get3A_1073] {strides = array<i32>} : memref<80x128xi32, #tpu.memory_space<vmem>>, vector<16xi32>,
          %bitcast3A_1075 = vector.bitcast %get3A_1074 : vector<16xi32> to vector<32xbf16>
          %get3A_1076 = arith.index_cast %add3A_1069 : i32 to index
          %get3A_1077 = arith.constant 0 : index
          %get3A_1078 = tpu.vector_load %arg15[%get3A_1076, %get3A_1077] {strides = array<i32>} : memref<80x128xi32, #tpu.memory_space<vmem>>, vector<16xi32>,
          %bitcast3A_1079 = vector.bitcast %get3A_1078 : vector<16xi32> to vector<32xbf16>
          %add3A_1080 = arith.addf %bitcast3A_1075, %bitcast3A_1079 : vector<32xbf16>
          %get3A_1081 = arith.index_cast %add3A_1069 : i32 to index
          %get3A_1082 = arith.constant 0 : index
          %get3A_1083 = tpu.vector_load %arg16[%get3A_1081, %get3A_1082] {strides = array<i32>} : memref<80x64xi32, #tpu.memory_space<vmem>>, vector<16xi32>,
          %bitcast3A_1084 = vector.bitcast %get3A_1083 : vector<16xi32> to vector<32xbf16>
          %add3A_1085 = arith.addf %add3A_1080, %bitcast3A_1084 : vector<32xbf16>
          %max3A_1086 = arith.maximumf %add3A_1085, %broadcast_in_dim3A_26 : vector<32xbf16>
          %unpack3A_1087 = tpu.unpack_subelements %max3A_1086, 0 {pack_format = #tpu.pack_format<interleaved>} : vector<32xbf16> -> vector<16xf32>
          %unpack3A_1088 = tpu.unpack_subelements %max3A_1086, 1 {pack_format = #tpu.pack_format<interleaved>} : vector<32xbf16> -> vector<16xf32>
          %mul3A_1089 = arith.mulf %unpack3A_1087, %get3A_8 : vector<16xf32>
          %add3A_1090 = arith.addf %broadcast_in_dim3A_1071, %mul3A_1089 : vector<16xf32>
          %mul3A_1091 = arith.mulf %unpack3A_1088, %get3A_16 : vector<16xf32>
          %add3A_1092 = arith.addf %add3A_1090, %mul3A_1091 : vector<16xf32>
          %get3A_1093 = arith.index_cast %add3A_1069 : i32 to index
          %get3A_1094 = arith.constant 16 : index
          %get3A_1095 = tpu.vector_load %arg14[%get3A_1093, %get3A_1094] {strides = array<i32>} : memref<80x128xi32, #tpu.memory_space<vmem>>, vector<16xi32>,
          %bitcast3A_1096 = vector.bitcast %get3A_1095 : vector<16xi32> to vector<32xbf16>
          %get3A_1097 = arith.index_cast %add3A_1069 : i32 to index
          %get3A_1098 = arith.constant 16 : index
          %get3A_1099 = tpu.vector_load %arg15[%get3A_1097, %get3A_1098] {strides = array<i32>} : memref<80x128xi32, #tpu.memory_space<vmem>>, vector<16xi32>,
          %bitcast3A_1100 = vector.bitcast %get3A_1099 : vector<16xi32> to vector<32xbf16>
          %add3A_1101 = arith.addf %bitcast3A_1096, %bitcast3A_1100 : vector<32xbf16>
          %get3A_1102 = arith.index_cast %add3A_1069 : i32 to index
          %get3A_1103 = arith.constant 16 : index
          %get3A_1104 = tpu.vector_load %arg16[%get3A_1102, %get3A_1103] {strides = array<i32>} : memref<80x64xi32, #tpu.memory_space<vmem>>, vector<16xi32>,
          %bitcast3A_1105 = vector.bitcast %get3A_1104 : vector<16xi32> to vector<32xbf16>
          %add3A_1106 = arith.addf %add3A_1101, %bitcast3A_1105 : vector<32xbf16>
          %max3A_1107 = arith.maximumf %add3A_1106, %broadcast_in_dim3A_26 : vector<32xbf16>
          %unpack3A_1108 = tpu.unpack_subelements %max3A_1107, 0 {pack_format = #tpu.pack_format<interleaved>} : vector<32xbf16> -> vector<16xf32>
          %unpack3A_1109 = tpu.unpack_subelements %max3A_1107, 1 {pack_format = #tpu.pack_format<interleaved>} : vector<32xbf16> -> vector<16xf32>
          %mul3A_1110 = arith.mulf %unpack3A_1108, %get3A_10 : vector<16xf32>
          %add3A_1111 = arith.addf %add3A_1092, %mul3A_1110 : vector<16xf32>
          %mul3A_1112 = arith.mulf %unpack3A_1109, %get3A_18 : vector<16xf32>
          %add3A_1113 = arith.addf %add3A_1111, %mul3A_1112 : vector<16xf32>
          %get3A_1114 = arith.index_cast %add3A_1069 : i32 to index
          %get3A_1115 = arith.constant 32 : index
          %get3A_1116 = tpu.vector_load %arg14[%get3A_1114, %get3A_1115] {strides = array<i32>} : memref<80x128xi32, #tpu.memory_space<vmem>>, vector<16xi32>,
          %bitcast3A_1117 = vector.bitcast %get3A_1116 : vector<16xi32> to vector<32xbf16>
          %get3A_1118 = arith.index_cast %add3A_1069 : i32 to index
          %get3A_1119 = arith.constant 32 : index
          %get3A_1120 = tpu.vector_load %arg15[%get3A_1118, %get3A_1119] {strides = array<i32>} : memref<80x128xi32, #tpu.memory_space<vmem>>, vector<16xi32>,
          %bitcast3A_1121 = vector.bitcast %get3A_1120 : vector<16xi32> to vector<32xbf16>
          %add3A_1122 = arith.addf %bitcast3A_1117, %bitcast3A_1121 : vector<32xbf16>
          %get3A_1123 = arith.index_cast %add3A_1069 : i32 to index
          %get3A_1124 = arith.constant 32 : index
          %get3A_1125 = tpu.vector_load %arg16[%get3A_1123, %get3A_1124] {strides = array<i32>} : memref<80x64xi32, #tpu.memory_space<vmem>>, vector<16xi32>,
          %bitcast3A_1126 = vector.bitcast %get3A_1125 : vector<16xi32> to vector<32xbf16>
          %add3A_1127 = arith.addf %add3A_1122, %bitcast3A_1126 : vector<32xbf16>
          %max3A_1128 = arith.maximumf %add3A_1127, %broadcast_in_dim3A_26 : vector<32xbf16>
          %unpack3A_1129 = tpu.unpack_subelements %max3A_1128, 0 {pack_format = #tpu.pack_format<interleaved>} : vector<32xbf16> -> vector<16xf32>
          %unpack3A_1130 = tpu.unpack_subelements %max3A_1128, 1 {pack_format = #tpu.pack_format<interleaved>} : vector<32xbf16> -> vector<16xf32>
          %mul3A_1131 = arith.mulf %unpack3A_1129, %get3A_12 : vector<16xf32>
          %add3A_1132 = arith.addf %add3A_1113, %mul3A_1131 : vector<16xf32>
          %mul3A_1133 = arith.mulf %unpack3A_1130, %get3A_20 : vector<16xf32>
          %add3A_1134 = arith.addf %add3A_1132, %mul3A_1133 : vector<16xf32>
          %get3A_1135 = arith.index_cast %add3A_1069 : i32 to index
          %get3A_1136 = arith.constant 48 : index
          %get3A_1137 = tpu.vector_load %arg14[%get3A_1135, %get3A_1136] {strides = array<i32>} : memref<80x128xi32, #tpu.memory_space<vmem>>, vector<16xi32>,
          %bitcast3A_1138 = vector.bitcast %get3A_1137 : vector<16xi32> to vector<32xbf16>
          %get3A_1139 = arith.index_cast %add3A_1069 : i32 to index
          %get3A_1140 = arith.constant 48 : index
          %get3A_1141 = tpu.vector_load %arg15[%get3A_1139, %get3A_1140] {strides = array<i32>} : memref<80x128xi32, #tpu.memory_space<vmem>>, vector<16xi32>,
          %bitcast3A_1142 = vector.bitcast %get3A_1141 : vector<16xi32> to vector<32xbf16>
          %add3A_1143 = arith.addf %bitcast3A_1138, %bitcast3A_1142 : vector<32xbf16>
          %get3A_1144 = arith.index_cast %add3A_1069 : i32 to index
          %get3A_1145 = arith.constant 48 : index
          %get3A_1146 = tpu.vector_load %arg16[%get3A_1144, %get3A_1145] {strides = array<i32>} : memref<80x64xi32, #tpu.memory_space<vmem>>, vector<16xi32>,
          %bitcast3A_1147 = vector.bitcast %get3A_1146 : vector<16xi32> to vector<32xbf16>
          %add3A_1148 = arith.addf %add3A_1143, %bitcast3A_1147 : vector<32xbf16>
          %max3A_1149 = arith.maximumf %add3A_1148, %broadcast_in_dim3A_26 : vector<32xbf16>
          %unpack3A_1150 = tpu.unpack_subelements %max3A_1149, 0 {pack_format = #tpu.pack_format<interleaved>} : vector<32xbf16> -> vector<16xf32>
          %unpack3A_1151 = tpu.unpack_subelements %max3A_1149, 1 {pack_format = #tpu.pack_format<interleaved>} : vector<32xbf16> -> vector<16xf32>
          %mul3A_1152 = arith.mulf %unpack3A_1150, %get3A_14 : vector<16xf32>
          %add3A_1153 = arith.addf %add3A_1134, %mul3A_1152 : vector<16xf32>
          %mul3A_1154 = arith.mulf %unpack3A_1151, %get3A_22 : vector<16xf32>
          %add3A_1155 = arith.addf %add3A_1153, %mul3A_1154 : vector<16xf32>
          %mul3A_1156 = arith.constant 17 : i32
          %mul3A_1157 = arith.muli %scan3A_1067, %mul3A_1156 : i32
          %swap3A_1158 = arith.index_cast %mul3A_1157 : i32 to index
          %swap3A_1159 = tpu.vector_load %arg18[%swap3A_1158] {strides = array<i32>} : memref<272xf32, #tpu.memory_space<vmem>>, vector<16xf32>,
          tpu.vector_store %arg18[%swap3A_1158], %add3A_1155 {strides = array<i32>} : memref<272xf32, #tpu.memory_space<vmem>>, vector<16xf32>,
        }
        %scan3A_630 = arith.constant 16 : i32
        %gather3A_631 = tpu.vector_load_idx %arg18[%mul3A_25] : memref<272xf32, #tpu.memory_space<vmem>>[vector<16xi32>], vector<16xf32>,
        %add3A_632 = arith.constant 1 : i32
        %add3A_633 = vector.broadcast %add3A_632 : i32 to vector<16xi32>
        %add3A_634 = arith.addi %mul3A_25, %add3A_633 : vector<16xi32>
        %gather3A_635 = tpu.vector_load_idx %arg18[%add3A_634] : memref<272xf32, #tpu.memory_space<vmem>>[vector<16xi32>], vector<16xf32>,
        %add3A_636 = arith.addf %gather3A_631, %gather3A_635 : vector<16xf32>
        %add3A_637 = arith.constant 2 : i32
        %add3A_638 = vector.broadcast %add3A_637 : i32 to vector<16xi32>
        %add3A_639 = arith.addi %mul3A_25, %add3A_638 : vector<16xi32>
        %gather3A_640 = tpu.vector_load_idx %arg18[%add3A_639] : memref<272xf32, #tpu.memory_space<vmem>>[vector<16xi32>], vector<16xf32>,
        %add3A_641 = arith.addf %add3A_636, %gather3A_640 : vector<16xf32>
        %add3A_642 = arith.constant 3 : i32
        %add3A_643 = vector.broadcast %add3A_642 : i32 to vector<16xi32>
        %add3A_644 = arith.addi %mul3A_25, %add3A_643 : vector<16xi32>
        %gather3A_645 = tpu.vector_load_idx %arg18[%add3A_644] : memref<272xf32, #tpu.memory_space<vmem>>[vector<16xi32>], vector<16xf32>,
        %add3A_646 = arith.addf %add3A_641, %gather3A_645 : vector<16xf32>
        %add3A_647 = arith.constant 4 : i32
        %add3A_648 = vector.broadcast %add3A_647 : i32 to vector<16xi32>
        %add3A_649 = arith.addi %mul3A_25, %add3A_648 : vector<16xi32>
        %gather3A_650 = tpu.vector_load_idx %arg18[%add3A_649] : memref<272xf32, #tpu.memory_space<vmem>>[vector<16xi32>], vector<16xf32>,
        %add3A_651 = arith.addf %add3A_646, %gather3A_650 : vector<16xf32>
        %add3A_652 = arith.constant 5 : i32
        %add3A_653 = vector.broadcast %add3A_652 : i32 to vector<16xi32>
        %add3A_654 = arith.addi %mul3A_25, %add3A_653 : vector<16xi32>
        %gather3A_655 = tpu.vector_load_idx %arg18[%add3A_654] : memref<272xf32, #tpu.memory_space<vmem>>[vector<16xi32>], vector<16xf32>,
        %add3A_656 = arith.addf %add3A_651, %gather3A_655 : vector<16xf32>
        %add3A_657 = arith.constant 6 : i32
        %add3A_658 = vector.broadcast %add3A_657 : i32 to vector<16xi32>
        %add3A_659 = arith.addi %mul3A_25, %add3A_658 : vector<16xi32>
        %gather3A_660 = tpu.vector_load_idx %arg18[%add3A_659] : memref<272xf32, #tpu.memory_space<vmem>>[vector<16xi32>], vector<16xf32>,
        %add3A_661 = arith.addf %add3A_656, %gather3A_660 : vector<16xf32>
        %add3A_662 = arith.constant 7 : i32
        %add3A_663 = vector.broadcast %add3A_662 : i32 to vector<16xi32>
        %add3A_664 = arith.addi %mul3A_25, %add3A_663 : vector<16xi32>
        %gather3A_665 = tpu.vector_load_idx %arg18[%add3A_664] : memref<272xf32, #tpu.memory_space<vmem>>[vector<16xi32>], vector<16xf32>,
        %add3A_666 = arith.addf %add3A_661, %gather3A_665 : vector<16xf32>
        %add3A_667 = arith.constant 8 : i32
        %add3A_668 = vector.broadcast %add3A_667 : i32 to vector<16xi32>
        %add3A_669 = arith.addi %mul3A_25, %add3A_668 : vector<16xi32>
        %gather3A_670 = tpu.vector_load_idx %arg18[%add3A_669] : memref<272xf32, #tpu.memory_space<vmem>>[vector<16xi32>], vector<16xf32>,
        %add3A_671 = arith.addf %add3A_666, %gather3A_670 : vector<16xf32>
        %add3A_672 = arith.constant 9 : i32
        %add3A_673 = vector.broadcast %add3A_672 : i32 to vector<16xi32>
        %add3A_674 = arith.addi %mul3A_25, %add3A_673 : vector<16xi32>
        %gather3A_675 = tpu.vector_load_idx %arg18[%add3A_674] : memref<272xf32, #tpu.memory_space<vmem>>[vector<16xi32>], vector<16xf32>,
        %add3A_676 = arith.addf %add3A_671, %gather3A_675 : vector<16xf32>
        %add3A_677 = arith.constant 10 : i32
        %add3A_678 = vector.broadcast %add3A_677 : i32 to vector<16xi32>
        %add3A_679 = arith.addi %mul3A_25, %add3A_678 : vector<16xi32>
        %gather3A_680 = tpu.vector_load_idx %arg18[%add3A_679] : memref<272xf32, #tpu.memory_space<vmem>>[vector<16xi32>], vector<16xf32>,
        %add3A_681 = arith.addf %add3A_676, %gather3A_680 : vector<16xf32>
        %add3A_682 = arith.constant 11 : i32
        %add3A_683 = vector.broadcast %add3A_682 : i32 to vector<16xi32>
        %add3A_684 = arith.addi %mul3A_25, %add3A_683 : vector<16xi32>
        %gather3A_685 = tpu.vector_load_idx %arg18[%add3A_684] : memref<272xf32, #tpu.memory_space<vmem>>[vector<16xi32>], vector<16xf32>,
        %add3A_686 = arith.addf %add3A_681, %gather3A_685 : vector<16xf32>
        %add3A_687 = arith.constant 12 : i32
        %add3A_688 = vector.broadcast %add3A_687 : i32 to vector<16xi32>
        %add3A_689 = arith.addi %mul3A_25, %add3A_688 : vector<16xi32>
        %gather3A_690 = tpu.vector_load_idx %arg18[%add3A_689] : memref<272xf32, #tpu.memory_space<vmem>>[vector<16xi32>], vector<16xf32>,
        %add3A_691 = arith.addf %add3A_686, %gather3A_690 : vector<16xf32>
        %add3A_692 = arith.constant 13 : i32
        %add3A_693 = vector.broadcast %add3A_692 : i32 to vector<16xi32>
        %add3A_694 = arith.addi %mul3A_25, %add3A_693 : vector<16xi32>
        %gather3A_695 = tpu.vector_load_idx %arg18[%add3A_694] : memref<272xf32, #tpu.memory_space<vmem>>[vector<16xi32>], vector<16xf32>,
        %add3A_696 = arith.addf %add3A_691, %gather3A_695 : vector<16xf32>
        %add3A_697 = arith.constant 14 : i32
        %add3A_698 = vector.broadcast %add3A_697 : i32 to vector<16xi32>
        %add3A_699 = arith.addi %mul3A_25, %add3A_698 : vector<16xi32>
        %gather3A_700 = tpu.vector_load_idx %arg18[%add3A_699] : memref<272xf32, #tpu.memory_space<vmem>>[vector<16xi32>], vector<16xf32>,
        %add3A_701 = arith.addf %add3A_696, %gather3A_700 : vector<16xf32>
        %add3A_702 = arith.constant 15 : i32
        %add3A_703 = vector.broadcast %add3A_702 : i32 to vector<16xi32>
        %add3A_704 = arith.addi %mul3A_25, %add3A_703 : vector<16xi32>
        %gather3A_705 = tpu.vector_load_idx %arg18[%add3A_704] : memref<272xf32, #tpu.memory_space<vmem>>[vector<16xi32>], vector<16xf32>,
        %add3A_706 = arith.addf %add3A_701, %gather3A_705 : vector<16xf32>
        %mul3A_707 = arith.constant 80 : i32
        %mul3A_708 = arith.muli %add3A_54, %mul3A_707 : i32
        %add3A_709 = arith.constant 16 : i32
        %add3A_710 = arith.addi %mul3A_708, %add3A_709 : i32
        %get3A_711 = arith.index_cast %add3A_710 : i32 to index
        %get3A_712 = tpu.vector_load %arg10[%get3A_711] {strides = array<i32>} : memref<10000xi32, #tpu.memory_space<vmem>>, vector<16xi32>,
        tpu.vector_store_idx %arg19[%get3A_712], %add3A_706 {add = true} : memref<10000xf32, #tpu.memory_space<vmem>>[vector<16xi32>], vector<16xf32>,
        %scan3A_713 = arith.constant 0 : i32
        %scan3A_714 = arith.constant 0 : i32
        %scan3A_715 = arith.constant 16 : i32
        %scan3A_716 = arith.addi %scan3A_714, %scan3A_715 : i32
        %scan3A_717 = arith.constant 2 : i32
        scf.for %scan3A_977 = %scan3A_714 to %scan3A_716 step %scan3A_717  : i32 {
          %add3A_978 = arith.constant 32 : i32
          %add3A_979 = arith.addi %add3A_978, %scan3A_977 : i32
          %broadcast_in_dim3A_980 = arith.constant 0.000000e+00 : f32
          %broadcast_in_dim3A_981 = vector.broadcast %broadcast_in_dim3A_980 : f32 to vector<16xf32>
          %get3A_982 = arith.index_cast %add3A_979 : i32 to index
          %get3A_983 = arith.constant 0 : index
          %get3A_984 = tpu.vector_load %arg14[%get3A_982, %get3A_983] {strides = array<i32>} : memref<80x128xi32, #tpu.memory_space<vmem>>, vector<16xi32>,
          %bitcast3A = vector.bitcast %get3A_984 : vector<16xi32> to vector<32xbf16>
          %get3A_985 = arith.index_cast %add3A_979 : i32 to index
          %get3A_986 = arith.constant 0 : index
          %get3A_987 = tpu.vector_load %arg15[%get3A_985, %get3A_986] {strides = array<i32>} : memref<80x128xi32, #tpu.memory_space<vmem>>, vector<16xi32>,
          %bitcast3A_988 = vector.bitcast %get3A_987 : vector<16xi32> to vector<32xbf16>
          %add3A_989 = arith.addf %bitcast3A, %bitcast3A_988 : vector<32xbf16>
          %get3A_990 = arith.index_cast %add3A_979 : i32 to index
          %get3A_991 = arith.constant 0 : index
          %get3A_992 = tpu.vector_load %arg16[%get3A_990, %get3A_991] {strides = array<i32>} : memref<80x64xi32, #tpu.memory_space<vmem>>, vector<16xi32>,
          %bitcast3A_993 = vector.bitcast %get3A_992 : vector<16xi32> to vector<32xbf16>
          %add3A_994 = arith.addf %add3A_989, %bitcast3A_993 : vector<32xbf16>
          %max3A = arith.maximumf %add3A_994, %broadcast_in_dim3A_26 : vector<32xbf16>
          %unpack3A = tpu.unpack_subelements %max3A, 0 {pack_format = #tpu.pack_format<interleaved>} : vector<32xbf16> -> vector<16xf32>
          %unpack3A_995 = tpu.unpack_subelements %max3A, 1 {pack_format = #tpu.pack_format<interleaved>} : vector<32xbf16> -> vector<16xf32>
          %mul3A_996 = arith.mulf %unpack3A, %get3A_8 : vector<16xf32>
          %add3A_997 = arith.addf %broadcast_in_dim3A_981, %mul3A_996 : vector<16xf32>
          %mul3A_998 = arith.mulf %unpack3A_995, %get3A_16 : vector<16xf32>
          %add3A_999 = arith.addf %add3A_997, %mul3A_998 : vector<16xf32>
          %get3A_1000 = arith.index_cast %add3A_979 : i32 to index
          %get3A_1001 = arith.constant 16 : index
          %get3A_1002 = tpu.vector_load %arg14[%get3A_1000, %get3A_1001] {strides = array<i32>} : memref<80x128xi32, #tpu.memory_space<vmem>>, vector<16xi32>,
          %bitcast3A_1003 = vector.bitcast %get3A_1002 : vector<16xi32> to vector<32xbf16>
          %get3A_1004 = arith.index_cast %add3A_979 : i32 to index
          %get3A_1005 = arith.constant 16 : index
          %get3A_1006 = tpu.vector_load %arg15[%get3A_1004, %get3A_1005] {strides = array<i32>} : memref<80x128xi32, #tpu.memory_space<vmem>>, vector<16xi32>,
          %bitcast3A_1007 = vector.bitcast %get3A_1006 : vector<16xi32> to vector<32xbf16>
          %add3A_1008 = arith.addf %bitcast3A_1003, %bitcast3A_1007 : vector<32xbf16>
          %get3A_1009 = arith.index_cast %add3A_979 : i32 to index
          %get3A_1010 = arith.constant 16 : index
          %get3A_1011 = tpu.vector_load %arg16[%get3A_1009, %get3A_1010] {strides = array<i32>} : memref<80x64xi32, #tpu.memory_space<vmem>>, vector<16xi32>,
          %bitcast3A_1012 = vector.bitcast %get3A_1011 : vector<16xi32> to vector<32xbf16>
          %add3A_1013 = arith.addf %add3A_1008, %bitcast3A_1012 : vector<32xbf16>
          %max3A_1014 = arith.maximumf %add3A_1013, %broadcast_in_dim3A_26 : vector<32xbf16>
          %unpack3A_1015 = tpu.unpack_subelements %max3A_1014, 0 {pack_format = #tpu.pack_format<interleaved>} : vector<32xbf16> -> vector<16xf32>
          %unpack3A_1016 = tpu.unpack_subelements %max3A_1014, 1 {pack_format = #tpu.pack_format<interleaved>} : vector<32xbf16> -> vector<16xf32>
          %mul3A_1017 = arith.mulf %unpack3A_1015, %get3A_10 : vector<16xf32>
          %add3A_1018 = arith.addf %add3A_999, %mul3A_1017 : vector<16xf32>
          %mul3A_1019 = arith.mulf %unpack3A_1016, %get3A_18 : vector<16xf32>
          %add3A_1020 = arith.addf %add3A_1018, %mul3A_1019 : vector<16xf32>
          %get3A_1021 = arith.index_cast %add3A_979 : i32 to index
          %get3A_1022 = arith.constant 32 : index
          %get3A_1023 = tpu.vector_load %arg14[%get3A_1021, %get3A_1022] {strides = array<i32>} : memref<80x128xi32, #tpu.memory_space<vmem>>, vector<16xi32>,
          %bitcast3A_1024 = vector.bitcast %get3A_1023 : vector<16xi32> to vector<32xbf16>
          %get3A_1025 = arith.index_cast %add3A_979 : i32 to index
          %get3A_1026 = arith.constant 32 : index
          %get3A_1027 = tpu.vector_load %arg15[%get3A_1025, %get3A_1026] {strides = array<i32>} : memref<80x128xi32, #tpu.memory_space<vmem>>, vector<16xi32>,
          %bitcast3A_1028 = vector.bitcast %get3A_1027 : vector<16xi32> to vector<32xbf16>
          %add3A_1029 = arith.addf %bitcast3A_1024, %bitcast3A_1028 : vector<32xbf16>
          %get3A_1030 = arith.index_cast %add3A_979 : i32 to index
          %get3A_1031 = arith.constant 32 : index
          %get3A_1032 = tpu.vector_load %arg16[%get3A_1030, %get3A_1031] {strides = array<i32>} : memref<80x64xi32, #tpu.memory_space<vmem>>, vector<16xi32>,
          %bitcast3A_1033 = vector.bitcast %get3A_1032 : vector<16xi32> to vector<32xbf16>
          %add3A_1034 = arith.addf %add3A_1029, %bitcast3A_1033 : vector<32xbf16>
          %max3A_1035 = arith.maximumf %add3A_1034, %broadcast_in_dim3A_26 : vector<32xbf16>
          %unpack3A_1036 = tpu.unpack_subelements %max3A_1035, 0 {pack_format = #tpu.pack_format<interleaved>} : vector<32xbf16> -> vector<16xf32>
          %unpack3A_1037 = tpu.unpack_subelements %max3A_1035, 1 {pack_format = #tpu.pack_format<interleaved>} : vector<32xbf16> -> vector<16xf32>
          %mul3A_1038 = arith.mulf %unpack3A_1036, %get3A_12 : vector<16xf32>
          %add3A_1039 = arith.addf %add3A_1020, %mul3A_1038 : vector<16xf32>
          %mul3A_1040 = arith.mulf %unpack3A_1037, %get3A_20 : vector<16xf32>
          %add3A_1041 = arith.addf %add3A_1039, %mul3A_1040 : vector<16xf32>
          %get3A_1042 = arith.index_cast %add3A_979 : i32 to index
          %get3A_1043 = arith.constant 48 : index
          %get3A_1044 = tpu.vector_load %arg14[%get3A_1042, %get3A_1043] {strides = array<i32>} : memref<80x128xi32, #tpu.memory_space<vmem>>, vector<16xi32>,
          %bitcast3A_1045 = vector.bitcast %get3A_1044 : vector<16xi32> to vector<32xbf16>
          %get3A_1046 = arith.index_cast %add3A_979 : i32 to index
          %get3A_1047 = arith.constant 48 : index
          %get3A_1048 = tpu.vector_load %arg15[%get3A_1046, %get3A_1047] {strides = array<i32>} : memref<80x128xi32, #tpu.memory_space<vmem>>, vector<16xi32>,
          %bitcast3A_1049 = vector.bitcast %get3A_1048 : vector<16xi32> to vector<32xbf16>
          %add3A_1050 = arith.addf %bitcast3A_1045, %bitcast3A_1049 : vector<32xbf16>
          %get3A_1051 = arith.index_cast %add3A_979 : i32 to index
          %get3A_1052 = arith.constant 48 : index
          %get3A_1053 = tpu.vector_load %arg16[%get3A_1051, %get3A_1052] {strides = array<i32>} : memref<80x64xi32, #tpu.memory_space<vmem>>, vector<16xi32>,
          %bitcast3A_1054 = vector.bitcast %get3A_1053 : vector<16xi32> to vector<32xbf16>
          %add3A_1055 = arith.addf %add3A_1050, %bitcast3A_1054 : vector<32xbf16>
          %max3A_1056 = arith.maximumf %add3A_1055, %broadcast_in_dim3A_26 : vector<32xbf16>
          %unpack3A_1057 = tpu.unpack_subelements %max3A_1056, 0 {pack_format = #tpu.pack_format<interleaved>} : vector<32xbf16> -> vector<16xf32>
          %unpack3A_1058 = tpu.unpack_subelements %max3A_1056, 1 {pack_format = #tpu.pack_format<interleaved>} : vector<32xbf16> -> vector<16xf32>
          %mul3A_1059 = arith.mulf %unpack3A_1057, %get3A_14 : vector<16xf32>
          %add3A_1060 = arith.addf %add3A_1041, %mul3A_1059 : vector<16xf32>
          %mul3A_1061 = arith.mulf %unpack3A_1058, %get3A_22 : vector<16xf32>
          %add3A_1062 = arith.addf %add3A_1060, %mul3A_1061 : vector<16xf32>
          %mul3A_1063 = arith.constant 17 : i32
          %mul3A_1064 = arith.muli %scan3A_977, %mul3A_1063 : i32
          %swap3A = arith.index_cast %mul3A_1064 : i32 to index
          %swap3A_1065 = tpu.vector_load %arg18[%swap3A] {strides = array<i32>} : memref<272xf32, #tpu.memory_space<vmem>>, vector<16xf32>,
          tpu.vector_store %arg18[%swap3A], %add3A_1062 {strides = array<i32>} : memref<272xf32, #tpu.memory_space<vmem>>, vector<16xf32>,
          %scan3A_1066 = arith.constant 1 : i32
          %scan3A_1067 = arith.addi %scan3A_977, %scan3A_1066 : i32
          %add3A_1068 = arith.constant 32 : i32
          %add3A_1069 = arith.addi %add3A_1068, %scan3A_1067 : i32
          %broadcast_in_dim3A_1070 = arith.constant 0.000000e+00 : f32
          %broadcast_in_dim3A_1071 = vector.broadcast %broadcast_in_dim3A_1070 : f32 to vector<16xf32>
          %get3A_1072 = arith.index_cast %add3A_1069 : i32 to index
          %get3A_1073 = arith.constant 0 : index
          %get3A_1074 = tpu.vector_load %arg14[%get3A_1072, %get3A_1073] {strides = array<i32>} : memref<80x128xi32, #tpu.memory_space<vmem>>, vector<16xi32>,
          %bitcast3A_1075 = vector.bitcast %get3A_1074 : vector<16xi32> to vector<32xbf16>
          %get3A_1076 = arith.index_cast %add3A_1069 : i32 to index
          %get3A_1077 = arith.constant 0 : index
          %get3A_1078 = tpu.vector_load %arg15[%get3A_1076, %get3A_1077] {strides = array<i32>} : memref<80x128xi32, #tpu.memory_space<vmem>>, vector<16xi32>,
          %bitcast3A_1079 = vector.bitcast %get3A_1078 : vector<16xi32> to vector<32xbf16>
          %add3A_1080 = arith.addf %bitcast3A_1075, %bitcast3A_1079 : vector<32xbf16>
          %get3A_1081 = arith.index_cast %add3A_1069 : i32 to index
          %get3A_1082 = arith.constant 0 : index
          %get3A_1083 = tpu.vector_load %arg16[%get3A_1081, %get3A_1082] {strides = array<i32>} : memref<80x64xi32, #tpu.memory_space<vmem>>, vector<16xi32>,
          %bitcast3A_1084 = vector.bitcast %get3A_1083 : vector<16xi32> to vector<32xbf16>
          %add3A_1085 = arith.addf %add3A_1080, %bitcast3A_1084 : vector<32xbf16>
          %max3A_1086 = arith.maximumf %add3A_1085, %broadcast_in_dim3A_26 : vector<32xbf16>
          %unpack3A_1087 = tpu.unpack_subelements %max3A_1086, 0 {pack_format = #tpu.pack_format<interleaved>} : vector<32xbf16> -> vector<16xf32>
          %unpack3A_1088 = tpu.unpack_subelements %max3A_1086, 1 {pack_format = #tpu.pack_format<interleaved>} : vector<32xbf16> -> vector<16xf32>
          %mul3A_1089 = arith.mulf %unpack3A_1087, %get3A_8 : vector<16xf32>
          %add3A_1090 = arith.addf %broadcast_in_dim3A_1071, %mul3A_1089 : vector<16xf32>
          %mul3A_1091 = arith.mulf %unpack3A_1088, %get3A_16 : vector<16xf32>
          %add3A_1092 = arith.addf %add3A_1090, %mul3A_1091 : vector<16xf32>
          %get3A_1093 = arith.index_cast %add3A_1069 : i32 to index
          %get3A_1094 = arith.constant 16 : index
          %get3A_1095 = tpu.vector_load %arg14[%get3A_1093, %get3A_1094] {strides = array<i32>} : memref<80x128xi32, #tpu.memory_space<vmem>>, vector<16xi32>,
          %bitcast3A_1096 = vector.bitcast %get3A_1095 : vector<16xi32> to vector<32xbf16>
          %get3A_1097 = arith.index_cast %add3A_1069 : i32 to index
          %get3A_1098 = arith.constant 16 : index
          %get3A_1099 = tpu.vector_load %arg15[%get3A_1097, %get3A_1098] {strides = array<i32>} : memref<80x128xi32, #tpu.memory_space<vmem>>, vector<16xi32>,
          %bitcast3A_1100 = vector.bitcast %get3A_1099 : vector<16xi32> to vector<32xbf16>
          %add3A_1101 = arith.addf %bitcast3A_1096, %bitcast3A_1100 : vector<32xbf16>
          %get3A_1102 = arith.index_cast %add3A_1069 : i32 to index
          %get3A_1103 = arith.constant 16 : index
          %get3A_1104 = tpu.vector_load %arg16[%get3A_1102, %get3A_1103] {strides = array<i32>} : memref<80x64xi32, #tpu.memory_space<vmem>>, vector<16xi32>,
          %bitcast3A_1105 = vector.bitcast %get3A_1104 : vector<16xi32> to vector<32xbf16>
          %add3A_1106 = arith.addf %add3A_1101, %bitcast3A_1105 : vector<32xbf16>
          %max3A_1107 = arith.maximumf %add3A_1106, %broadcast_in_dim3A_26 : vector<32xbf16>
          %unpack3A_1108 = tpu.unpack_subelements %max3A_1107, 0 {pack_format = #tpu.pack_format<interleaved>} : vector<32xbf16> -> vector<16xf32>
          %unpack3A_1109 = tpu.unpack_subelements %max3A_1107, 1 {pack_format = #tpu.pack_format<interleaved>} : vector<32xbf16> -> vector<16xf32>
          %mul3A_1110 = arith.mulf %unpack3A_1108, %get3A_10 : vector<16xf32>
          %add3A_1111 = arith.addf %add3A_1092, %mul3A_1110 : vector<16xf32>
          %mul3A_1112 = arith.mulf %unpack3A_1109, %get3A_18 : vector<16xf32>
          %add3A_1113 = arith.addf %add3A_1111, %mul3A_1112 : vector<16xf32>
          %get3A_1114 = arith.index_cast %add3A_1069 : i32 to index
          %get3A_1115 = arith.constant 32 : index
          %get3A_1116 = tpu.vector_load %arg14[%get3A_1114, %get3A_1115] {strides = array<i32>} : memref<80x128xi32, #tpu.memory_space<vmem>>, vector<16xi32>,
          %bitcast3A_1117 = vector.bitcast %get3A_1116 : vector<16xi32> to vector<32xbf16>
          %get3A_1118 = arith.index_cast %add3A_1069 : i32 to index
          %get3A_1119 = arith.constant 32 : index
          %get3A_1120 = tpu.vector_load %arg15[%get3A_1118, %get3A_1119] {strides = array<i32>} : memref<80x128xi32, #tpu.memory_space<vmem>>, vector<16xi32>,
          %bitcast3A_1121 = vector.bitcast %get3A_1120 : vector<16xi32> to vector<32xbf16>
          %add3A_1122 = arith.addf %bitcast3A_1117, %bitcast3A_1121 : vector<32xbf16>
          %get3A_1123 = arith.index_cast %add3A_1069 : i32 to index
          %get3A_1124 = arith.constant 32 : index
          %get3A_1125 = tpu.vector_load %arg16[%get3A_1123, %get3A_1124] {strides = array<i32>} : memref<80x64xi32, #tpu.memory_space<vmem>>, vector<16xi32>,
          %bitcast3A_1126 = vector.bitcast %get3A_1125 : vector<16xi32> to vector<32xbf16>
          %add3A_1127 = arith.addf %add3A_1122, %bitcast3A_1126 : vector<32xbf16>
          %max3A_1128 = arith.maximumf %add3A_1127, %broadcast_in_dim3A_26 : vector<32xbf16>
          %unpack3A_1129 = tpu.unpack_subelements %max3A_1128, 0 {pack_format = #tpu.pack_format<interleaved>} : vector<32xbf16> -> vector<16xf32>
          %unpack3A_1130 = tpu.unpack_subelements %max3A_1128, 1 {pack_format = #tpu.pack_format<interleaved>} : vector<32xbf16> -> vector<16xf32>
          %mul3A_1131 = arith.mulf %unpack3A_1129, %get3A_12 : vector<16xf32>
          %add3A_1132 = arith.addf %add3A_1113, %mul3A_1131 : vector<16xf32>
          %mul3A_1133 = arith.mulf %unpack3A_1130, %get3A_20 : vector<16xf32>
          %add3A_1134 = arith.addf %add3A_1132, %mul3A_1133 : vector<16xf32>
          %get3A_1135 = arith.index_cast %add3A_1069 : i32 to index
          %get3A_1136 = arith.constant 48 : index
          %get3A_1137 = tpu.vector_load %arg14[%get3A_1135, %get3A_1136] {strides = array<i32>} : memref<80x128xi32, #tpu.memory_space<vmem>>, vector<16xi32>,
          %bitcast3A_1138 = vector.bitcast %get3A_1137 : vector<16xi32> to vector<32xbf16>
          %get3A_1139 = arith.index_cast %add3A_1069 : i32 to index
          %get3A_1140 = arith.constant 48 : index
          %get3A_1141 = tpu.vector_load %arg15[%get3A_1139, %get3A_1140] {strides = array<i32>} : memref<80x128xi32, #tpu.memory_space<vmem>>, vector<16xi32>,
          %bitcast3A_1142 = vector.bitcast %get3A_1141 : vector<16xi32> to vector<32xbf16>
          %add3A_1143 = arith.addf %bitcast3A_1138, %bitcast3A_1142 : vector<32xbf16>
          %get3A_1144 = arith.index_cast %add3A_1069 : i32 to index
          %get3A_1145 = arith.constant 48 : index
          %get3A_1146 = tpu.vector_load %arg16[%get3A_1144, %get3A_1145] {strides = array<i32>} : memref<80x64xi32, #tpu.memory_space<vmem>>, vector<16xi32>,
          %bitcast3A_1147 = vector.bitcast %get3A_1146 : vector<16xi32> to vector<32xbf16>
          %add3A_1148 = arith.addf %add3A_1143, %bitcast3A_1147 : vector<32xbf16>
          %max3A_1149 = arith.maximumf %add3A_1148, %broadcast_in_dim3A_26 : vector<32xbf16>
          %unpack3A_1150 = tpu.unpack_subelements %max3A_1149, 0 {pack_format = #tpu.pack_format<interleaved>} : vector<32xbf16> -> vector<16xf32>
          %unpack3A_1151 = tpu.unpack_subelements %max3A_1149, 1 {pack_format = #tpu.pack_format<interleaved>} : vector<32xbf16> -> vector<16xf32>
          %mul3A_1152 = arith.mulf %unpack3A_1150, %get3A_14 : vector<16xf32>
          %add3A_1153 = arith.addf %add3A_1134, %mul3A_1152 : vector<16xf32>
          %mul3A_1154 = arith.mulf %unpack3A_1151, %get3A_22 : vector<16xf32>
          %add3A_1155 = arith.addf %add3A_1153, %mul3A_1154 : vector<16xf32>
          %mul3A_1156 = arith.constant 17 : i32
          %mul3A_1157 = arith.muli %scan3A_1067, %mul3A_1156 : i32
          %swap3A_1158 = arith.index_cast %mul3A_1157 : i32 to index
          %swap3A_1159 = tpu.vector_load %arg18[%swap3A_1158] {strides = array<i32>} : memref<272xf32, #tpu.memory_space<vmem>>, vector<16xf32>,
          tpu.vector_store %arg18[%swap3A_1158], %add3A_1155 {strides = array<i32>} : memref<272xf32, #tpu.memory_space<vmem>>, vector<16xf32>,
        }
        %scan3A_718 = arith.constant 16 : i32
        %gather3A_719 = tpu.vector_load_idx %arg18[%mul3A_25] : memref<272xf32, #tpu.memory_space<vmem>>[vector<16xi32>], vector<16xf32>,
        %add3A_720 = arith.constant 1 : i32
        %add3A_721 = vector.broadcast %add3A_720 : i32 to vector<16xi32>
        %add3A_722 = arith.addi %mul3A_25, %add3A_721 : vector<16xi32>
        %gather3A_723 = tpu.vector_load_idx %arg18[%add3A_722] : memref<272xf32, #tpu.memory_space<vmem>>[vector<16xi32>], vector<16xf32>,
        %add3A_724 = arith.addf %gather3A_719, %gather3A_723 : vector<16xf32>
        %add3A_725 = arith.constant 2 : i32
        %add3A_726 = vector.broadcast %add3A_725 : i32 to vector<16xi32>
        %add3A_727 = arith.addi %mul3A_25, %add3A_726 : vector<16xi32>
        %gather3A_728 = tpu.vector_load_idx %arg18[%add3A_727] : memref<272xf32, #tpu.memory_space<vmem>>[vector<16xi32>], vector<16xf32>,
        %add3A_729 = arith.addf %add3A_724, %gather3A_728 : vector<16xf32>
        %add3A_730 = arith.constant 3 : i32
        %add3A_731 = vector.broadcast %add3A_730 : i32 to vector<16xi32>
        %add3A_732 = arith.addi %mul3A_25, %add3A_731 : vector<16xi32>
        %gather3A_733 = tpu.vector_load_idx %arg18[%add3A_732] : memref<272xf32, #tpu.memory_space<vmem>>[vector<16xi32>], vector<16xf32>,
        %add3A_734 = arith.addf %add3A_729, %gather3A_733 : vector<16xf32>
        %add3A_735 = arith.constant 4 : i32
        %add3A_736 = vector.broadcast %add3A_735 : i32 to vector<16xi32>
        %add3A_737 = arith.addi %mul3A_25, %add3A_736 : vector<16xi32>
        %gather3A_738 = tpu.vector_load_idx %arg18[%add3A_737] : memref<272xf32, #tpu.memory_space<vmem>>[vector<16xi32>], vector<16xf32>,
        %add3A_739 = arith.addf %add3A_734, %gather3A_738 : vector<16xf32>
        %add3A_740 = arith.constant 5 : i32
        %add3A_741 = vector.broadcast %add3A_740 : i32 to vector<16xi32>
        %add3A_742 = arith.addi %mul3A_25, %add3A_741 : vector<16xi32>
        %gather3A_743 = tpu.vector_load_idx %arg18[%add3A_742] : memref<272xf32, #tpu.memory_space<vmem>>[vector<16xi32>], vector<16xf32>,
        %add3A_744 = arith.addf %add3A_739, %gather3A_743 : vector<16xf32>
        %add3A_745 = arith.constant 6 : i32
        %add3A_746 = vector.broadcast %add3A_745 : i32 to vector<16xi32>
        %add3A_747 = arith.addi %mul3A_25, %add3A_746 : vector<16xi32>
        %gather3A_748 = tpu.vector_load_idx %arg18[%add3A_747] : memref<272xf32, #tpu.memory_space<vmem>>[vector<16xi32>], vector<16xf32>,
        %add3A_749 = arith.addf %add3A_744, %gather3A_748 : vector<16xf32>
        %add3A_750 = arith.constant 7 : i32
        %add3A_751 = vector.broadcast %add3A_750 : i32 to vector<16xi32>
        %add3A_752 = arith.addi %mul3A_25, %add3A_751 : vector<16xi32>
        %gather3A_753 = tpu.vector_load_idx %arg18[%add3A_752] : memref<272xf32, #tpu.memory_space<vmem>>[vector<16xi32>], vector<16xf32>,
        %add3A_754 = arith.addf %add3A_749, %gather3A_753 : vector<16xf32>
        %add3A_755 = arith.constant 8 : i32
        %add3A_756 = vector.broadcast %add3A_755 : i32 to vector<16xi32>
        %add3A_757 = arith.addi %mul3A_25, %add3A_756 : vector<16xi32>
        %gather3A_758 = tpu.vector_load_idx %arg18[%add3A_757] : memref<272xf32, #tpu.memory_space<vmem>>[vector<16xi32>], vector<16xf32>,
        %add3A_759 = arith.addf %add3A_754, %gather3A_758 : vector<16xf32>
        %add3A_760 = arith.constant 9 : i32
        %add3A_761 = vector.broadcast %add3A_760 : i32 to vector<16xi32>
        %add3A_762 = arith.addi %mul3A_25, %add3A_761 : vector<16xi32>
        %gather3A_763 = tpu.vector_load_idx %arg18[%add3A_762] : memref<272xf32, #tpu.memory_space<vmem>>[vector<16xi32>], vector<16xf32>,
        %add3A_764 = arith.addf %add3A_759, %gather3A_763 : vector<16xf32>
        %add3A_765 = arith.constant 10 : i32
        %add3A_766 = vector.broadcast %add3A_765 : i32 to vector<16xi32>
        %add3A_767 = arith.addi %mul3A_25, %add3A_766 : vector<16xi32>
        %gather3A_768 = tpu.vector_load_idx %arg18[%add3A_767] : memref<272xf32, #tpu.memory_space<vmem>>[vector<16xi32>], vector<16xf32>,
        %add3A_769 = arith.addf %add3A_764, %gather3A_768 : vector<16xf32>
        %add3A_770 = arith.constant 11 : i32
        %add3A_771 = vector.broadcast %add3A_770 : i32 to vector<16xi32>
        %add3A_772 = arith.addi %mul3A_25, %add3A_771 : vector<16xi32>
        %gather3A_773 = tpu.vector_load_idx %arg18[%add3A_772] : memref<272xf32, #tpu.memory_space<vmem>>[vector<16xi32>], vector<16xf32>,
        %add3A_774 = arith.addf %add3A_769, %gather3A_773 : vector<16xf32>
        %add3A_775 = arith.constant 12 : i32
        %add3A_776 = vector.broadcast %add3A_775 : i32 to vector<16xi32>
        %add3A_777 = arith.addi %mul3A_25, %add3A_776 : vector<16xi32>
        %gather3A_778 = tpu.vector_load_idx %arg18[%add3A_777] : memref<272xf32, #tpu.memory_space<vmem>>[vector<16xi32>], vector<16xf32>,
        %add3A_779 = arith.addf %add3A_774, %gather3A_778 : vector<16xf32>
        %add3A_780 = arith.constant 13 : i32
        %add3A_781 = vector.broadcast %add3A_780 : i32 to vector<16xi32>
        %add3A_782 = arith.addi %mul3A_25, %add3A_781 : vector<16xi32>
        %gather3A_783 = tpu.vector_load_idx %arg18[%add3A_782] : memref<272xf32, #tpu.memory_space<vmem>>[vector<16xi32>], vector<16xf32>,
        %add3A_784 = arith.addf %add3A_779, %gather3A_783 : vector<16xf32>
        %add3A_785 = arith.constant 14 : i32
        %add3A_786 = vector.broadcast %add3A_785 : i32 to vector<16xi32>
        %add3A_787 = arith.addi %mul3A_25, %add3A_786 : vector<16xi32>
        %gather3A_788 = tpu.vector_load_idx %arg18[%add3A_787] : memref<272xf32, #tpu.memory_space<vmem>>[vector<16xi32>], vector<16xf32>,
        %add3A_789 = arith.addf %add3A_784, %gather3A_788 : vector<16xf32>
        %add3A_790 = arith.constant 15 : i32
        %add3A_791 = vector.broadcast %add3A_790 : i32 to vector<16xi32>
        %add3A_792 = arith.addi %mul3A_25, %add3A_791 : vector<16xi32>
        %gather3A_793 = tpu.vector_load_idx %arg18[%add3A_792] : memref<272xf32, #tpu.memory_space<vmem>>[vector<16xi32>], vector<16xf32>,
        %add3A_794 = arith.addf %add3A_789, %gather3A_793 : vector<16xf32>
        %mul3A_795 = arith.constant 80 : i32
        %mul3A_796 = arith.muli %add3A_54, %mul3A_795 : i32
        %add3A_797 = arith.constant 32 : i32
        %add3A_798 = arith.addi %mul3A_796, %add3A_797 : i32
        %get3A_799 = arith.index_cast %add3A_798 : i32 to index
        %get3A_800 = tpu.vector_load %arg10[%get3A_799] {strides = array<i32>} : memref<10000xi32, #tpu.memory_space<vmem>>, vector<16xi32>,
        tpu.vector_store_idx %arg19[%get3A_800], %add3A_794 {add = true} : memref<10000xf32, #tpu.memory_space<vmem>>[vector<16xi32>], vector<16xf32>,
        %scan3A_801 = arith.constant 0 : i32
        %scan3A_802 = arith.constant 0 : i32
        %scan3A_803 = arith.constant 16 : i32
        %scan3A_804 = arith.addi %scan3A_802, %scan3A_803 : i32
        %scan3A_805 = arith.constant 2 : i32
        scf.for %scan3A_977 = %scan3A_802 to %scan3A_804 step %scan3A_805  : i32 {
          %add3A_978 = arith.constant 48 : i32
          %add3A_979 = arith.addi %add3A_978, %scan3A_977 : i32
          %broadcast_in_dim3A_980 = arith.constant 0.000000e+00 : f32
          %broadcast_in_dim3A_981 = vector.broadcast %broadcast_in_dim3A_980 : f32 to vector<16xf32>
          %get3A_982 = arith.index_cast %add3A_979 : i32 to index
          %get3A_983 = arith.constant 0 : index
          %get3A_984 = tpu.vector_load %arg14[%get3A_982, %get3A_983] {strides = array<i32>} : memref<80x128xi32, #tpu.memory_space<vmem>>, vector<16xi32>,
          %bitcast3A = vector.bitcast %get3A_984 : vector<16xi32> to vector<32xbf16>
          %get3A_985 = arith.index_cast %add3A_979 : i32 to index
          %get3A_986 = arith.constant 0 : index
          %get3A_987 = tpu.vector_load %arg15[%get3A_985, %get3A_986] {strides = array<i32>} : memref<80x128xi32, #tpu.memory_space<vmem>>, vector<16xi32>,
          %bitcast3A_988 = vector.bitcast %get3A_987 : vector<16xi32> to vector<32xbf16>
          %add3A_989 = arith.addf %bitcast3A, %bitcast3A_988 : vector<32xbf16>
          %get3A_990 = arith.index_cast %add3A_979 : i32 to index
          %get3A_991 = arith.constant 0 : index
          %get3A_992 = tpu.vector_load %arg16[%get3A_990, %get3A_991] {strides = array<i32>} : memref<80x64xi32, #tpu.memory_space<vmem>>, vector<16xi32>,
          %bitcast3A_993 = vector.bitcast %get3A_992 : vector<16xi32> to vector<32xbf16>
          %add3A_994 = arith.addf %add3A_989, %bitcast3A_993 : vector<32xbf16>
          %max3A = arith.maximumf %add3A_994, %broadcast_in_dim3A_26 : vector<32xbf16>
          %unpack3A = tpu.unpack_subelements %max3A, 0 {pack_format = #tpu.pack_format<interleaved>} : vector<32xbf16> -> vector<16xf32>
          %unpack3A_995 = tpu.unpack_subelements %max3A, 1 {pack_format = #tpu.pack_format<interleaved>} : vector<32xbf16> -> vector<16xf32>
          %mul3A_996 = arith.mulf %unpack3A, %get3A_8 : vector<16xf32>
          %add3A_997 = arith.addf %broadcast_in_dim3A_981, %mul3A_996 : vector<16xf32>
          %mul3A_998 = arith.mulf %unpack3A_995, %get3A_16 : vector<16xf32>
          %add3A_999 = arith.addf %add3A_997, %mul3A_998 : vector<16xf32>
          %get3A_1000 = arith.index_cast %add3A_979 : i32 to index
          %get3A_1001 = arith.constant 16 : index
          %get3A_1002 = tpu.vector_load %arg14[%get3A_1000, %get3A_1001] {strides = array<i32>} : memref<80x128xi32, #tpu.memory_space<vmem>>, vector<16xi32>,
          %bitcast3A_1003 = vector.bitcast %get3A_1002 : vector<16xi32> to vector<32xbf16>
          %get3A_1004 = arith.index_cast %add3A_979 : i32 to index
          %get3A_1005 = arith.constant 16 : index
          %get3A_1006 = tpu.vector_load %arg15[%get3A_1004, %get3A_1005] {strides = array<i32>} : memref<80x128xi32, #tpu.memory_space<vmem>>, vector<16xi32>,
          %bitcast3A_1007 = vector.bitcast %get3A_1006 : vector<16xi32> to vector<32xbf16>
          %add3A_1008 = arith.addf %bitcast3A_1003, %bitcast3A_1007 : vector<32xbf16>
          %get3A_1009 = arith.index_cast %add3A_979 : i32 to index
          %get3A_1010 = arith.constant 16 : index
          %get3A_1011 = tpu.vector_load %arg16[%get3A_1009, %get3A_1010] {strides = array<i32>} : memref<80x64xi32, #tpu.memory_space<vmem>>, vector<16xi32>,
          %bitcast3A_1012 = vector.bitcast %get3A_1011 : vector<16xi32> to vector<32xbf16>
          %add3A_1013 = arith.addf %add3A_1008, %bitcast3A_1012 : vector<32xbf16>
          %max3A_1014 = arith.maximumf %add3A_1013, %broadcast_in_dim3A_26 : vector<32xbf16>
          %unpack3A_1015 = tpu.unpack_subelements %max3A_1014, 0 {pack_format = #tpu.pack_format<interleaved>} : vector<32xbf16> -> vector<16xf32>
          %unpack3A_1016 = tpu.unpack_subelements %max3A_1014, 1 {pack_format = #tpu.pack_format<interleaved>} : vector<32xbf16> -> vector<16xf32>
          %mul3A_1017 = arith.mulf %unpack3A_1015, %get3A_10 : vector<16xf32>
          %add3A_1018 = arith.addf %add3A_999, %mul3A_1017 : vector<16xf32>
          %mul3A_1019 = arith.mulf %unpack3A_1016, %get3A_18 : vector<16xf32>
          %add3A_1020 = arith.addf %add3A_1018, %mul3A_1019 : vector<16xf32>
          %get3A_1021 = arith.index_cast %add3A_979 : i32 to index
          %get3A_1022 = arith.constant 32 : index
          %get3A_1023 = tpu.vector_load %arg14[%get3A_1021, %get3A_1022] {strides = array<i32>} : memref<80x128xi32, #tpu.memory_space<vmem>>, vector<16xi32>,
          %bitcast3A_1024 = vector.bitcast %get3A_1023 : vector<16xi32> to vector<32xbf16>
          %get3A_1025 = arith.index_cast %add3A_979 : i32 to index
          %get3A_1026 = arith.constant 32 : index
          %get3A_1027 = tpu.vector_load %arg15[%get3A_1025, %get3A_1026] {strides = array<i32>} : memref<80x128xi32, #tpu.memory_space<vmem>>, vector<16xi32>,
          %bitcast3A_1028 = vector.bitcast %get3A_1027 : vector<16xi32> to vector<32xbf16>
          %add3A_1029 = arith.addf %bitcast3A_1024, %bitcast3A_1028 : vector<32xbf16>
          %get3A_1030 = arith.index_cast %add3A_979 : i32 to index
          %get3A_1031 = arith.constant 32 : index
          %get3A_1032 = tpu.vector_load %arg16[%get3A_1030, %get3A_1031] {strides = array<i32>} : memref<80x64xi32, #tpu.memory_space<vmem>>, vector<16xi32>,
          %bitcast3A_1033 = vector.bitcast %get3A_1032 : vector<16xi32> to vector<32xbf16>
          %add3A_1034 = arith.addf %add3A_1029, %bitcast3A_1033 : vector<32xbf16>
          %max3A_1035 = arith.maximumf %add3A_1034, %broadcast_in_dim3A_26 : vector<32xbf16>
          %unpack3A_1036 = tpu.unpack_subelements %max3A_1035, 0 {pack_format = #tpu.pack_format<interleaved>} : vector<32xbf16> -> vector<16xf32>
          %unpack3A_1037 = tpu.unpack_subelements %max3A_1035, 1 {pack_format = #tpu.pack_format<interleaved>} : vector<32xbf16> -> vector<16xf32>
          %mul3A_1038 = arith.mulf %unpack3A_1036, %get3A_12 : vector<16xf32>
          %add3A_1039 = arith.addf %add3A_1020, %mul3A_1038 : vector<16xf32>
          %mul3A_1040 = arith.mulf %unpack3A_1037, %get3A_20 : vector<16xf32>
          %add3A_1041 = arith.addf %add3A_1039, %mul3A_1040 : vector<16xf32>
          %get3A_1042 = arith.index_cast %add3A_979 : i32 to index
          %get3A_1043 = arith.constant 48 : index
          %get3A_1044 = tpu.vector_load %arg14[%get3A_1042, %get3A_1043] {strides = array<i32>} : memref<80x128xi32, #tpu.memory_space<vmem>>, vector<16xi32>,
          %bitcast3A_1045 = vector.bitcast %get3A_1044 : vector<16xi32> to vector<32xbf16>
          %get3A_1046 = arith.index_cast %add3A_979 : i32 to index
          %get3A_1047 = arith.constant 48 : index
          %get3A_1048 = tpu.vector_load %arg15[%get3A_1046, %get3A_1047] {strides = array<i32>} : memref<80x128xi32, #tpu.memory_space<vmem>>, vector<16xi32>,
          %bitcast3A_1049 = vector.bitcast %get3A_1048 : vector<16xi32> to vector<32xbf16>
          %add3A_1050 = arith.addf %bitcast3A_1045, %bitcast3A_1049 : vector<32xbf16>
          %get3A_1051 = arith.index_cast %add3A_979 : i32 to index
          %get3A_1052 = arith.constant 48 : index
          %get3A_1053 = tpu.vector_load %arg16[%get3A_1051, %get3A_1052] {strides = array<i32>} : memref<80x64xi32, #tpu.memory_space<vmem>>, vector<16xi32>,
          %bitcast3A_1054 = vector.bitcast %get3A_1053 : vector<16xi32> to vector<32xbf16>
          %add3A_1055 = arith.addf %add3A_1050, %bitcast3A_1054 : vector<32xbf16>
          %max3A_1056 = arith.maximumf %add3A_1055, %broadcast_in_dim3A_26 : vector<32xbf16>
          %unpack3A_1057 = tpu.unpack_subelements %max3A_1056, 0 {pack_format = #tpu.pack_format<interleaved>} : vector<32xbf16> -> vector<16xf32>
          %unpack3A_1058 = tpu.unpack_subelements %max3A_1056, 1 {pack_format = #tpu.pack_format<interleaved>} : vector<32xbf16> -> vector<16xf32>
          %mul3A_1059 = arith.mulf %unpack3A_1057, %get3A_14 : vector<16xf32>
          %add3A_1060 = arith.addf %add3A_1041, %mul3A_1059 : vector<16xf32>
          %mul3A_1061 = arith.mulf %unpack3A_1058, %get3A_22 : vector<16xf32>
          %add3A_1062 = arith.addf %add3A_1060, %mul3A_1061 : vector<16xf32>
          %mul3A_1063 = arith.constant 17 : i32
          %mul3A_1064 = arith.muli %scan3A_977, %mul3A_1063 : i32
          %swap3A = arith.index_cast %mul3A_1064 : i32 to index
          %swap3A_1065 = tpu.vector_load %arg18[%swap3A] {strides = array<i32>} : memref<272xf32, #tpu.memory_space<vmem>>, vector<16xf32>,
          tpu.vector_store %arg18[%swap3A], %add3A_1062 {strides = array<i32>} : memref<272xf32, #tpu.memory_space<vmem>>, vector<16xf32>,
          %scan3A_1066 = arith.constant 1 : i32
          %scan3A_1067 = arith.addi %scan3A_977, %scan3A_1066 : i32
          %add3A_1068 = arith.constant 48 : i32
          %add3A_1069 = arith.addi %add3A_1068, %scan3A_1067 : i32
          %broadcast_in_dim3A_1070 = arith.constant 0.000000e+00 : f32
          %broadcast_in_dim3A_1071 = vector.broadcast %broadcast_in_dim3A_1070 : f32 to vector<16xf32>
          %get3A_1072 = arith.index_cast %add3A_1069 : i32 to index
          %get3A_1073 = arith.constant 0 : index
          %get3A_1074 = tpu.vector_load %arg14[%get3A_1072, %get3A_1073] {strides = array<i32>} : memref<80x128xi32, #tpu.memory_space<vmem>>, vector<16xi32>,
          %bitcast3A_1075 = vector.bitcast %get3A_1074 : vector<16xi32> to vector<32xbf16>
          %get3A_1076 = arith.index_cast %add3A_1069 : i32 to index
          %get3A_1077 = arith.constant 0 : index
          %get3A_1078 = tpu.vector_load %arg15[%get3A_1076, %get3A_1077] {strides = array<i32>} : memref<80x128xi32, #tpu.memory_space<vmem>>, vector<16xi32>,
          %bitcast3A_1079 = vector.bitcast %get3A_1078 : vector<16xi32> to vector<32xbf16>
          %add3A_1080 = arith.addf %bitcast3A_1075, %bitcast3A_1079 : vector<32xbf16>
          %get3A_1081 = arith.index_cast %add3A_1069 : i32 to index
          %get3A_1082 = arith.constant 0 : index
          %get3A_1083 = tpu.vector_load %arg16[%get3A_1081, %get3A_1082] {strides = array<i32>} : memref<80x64xi32, #tpu.memory_space<vmem>>, vector<16xi32>,
          %bitcast3A_1084 = vector.bitcast %get3A_1083 : vector<16xi32> to vector<32xbf16>
          %add3A_1085 = arith.addf %add3A_1080, %bitcast3A_1084 : vector<32xbf16>
          %max3A_1086 = arith.maximumf %add3A_1085, %broadcast_in_dim3A_26 : vector<32xbf16>
          %unpack3A_1087 = tpu.unpack_subelements %max3A_1086, 0 {pack_format = #tpu.pack_format<interleaved>} : vector<32xbf16> -> vector<16xf32>
          %unpack3A_1088 = tpu.unpack_subelements %max3A_1086, 1 {pack_format = #tpu.pack_format<interleaved>} : vector<32xbf16> -> vector<16xf32>
          %mul3A_1089 = arith.mulf %unpack3A_1087, %get3A_8 : vector<16xf32>
          %add3A_1090 = arith.addf %broadcast_in_dim3A_1071, %mul3A_1089 : vector<16xf32>
          %mul3A_1091 = arith.mulf %unpack3A_1088, %get3A_16 : vector<16xf32>
          %add3A_1092 = arith.addf %add3A_1090, %mul3A_1091 : vector<16xf32>
          %get3A_1093 = arith.index_cast %add3A_1069 : i32 to index
          %get3A_1094 = arith.constant 16 : index
          %get3A_1095 = tpu.vector_load %arg14[%get3A_1093, %get3A_1094] {strides = array<i32>} : memref<80x128xi32, #tpu.memory_space<vmem>>, vector<16xi32>,
          %bitcast3A_1096 = vector.bitcast %get3A_1095 : vector<16xi32> to vector<32xbf16>
          %get3A_1097 = arith.index_cast %add3A_1069 : i32 to index
          %get3A_1098 = arith.constant 16 : index
          %get3A_1099 = tpu.vector_load %arg15[%get3A_1097, %get3A_1098] {strides = array<i32>} : memref<80x128xi32, #tpu.memory_space<vmem>>, vector<16xi32>,
          %bitcast3A_1100 = vector.bitcast %get3A_1099 : vector<16xi32> to vector<32xbf16>
          %add3A_1101 = arith.addf %bitcast3A_1096, %bitcast3A_1100 : vector<32xbf16>
          %get3A_1102 = arith.index_cast %add3A_1069 : i32 to index
          %get3A_1103 = arith.constant 16 : index
          %get3A_1104 = tpu.vector_load %arg16[%get3A_1102, %get3A_1103] {strides = array<i32>} : memref<80x64xi32, #tpu.memory_space<vmem>>, vector<16xi32>,
          %bitcast3A_1105 = vector.bitcast %get3A_1104 : vector<16xi32> to vector<32xbf16>
          %add3A_1106 = arith.addf %add3A_1101, %bitcast3A_1105 : vector<32xbf16>
          %max3A_1107 = arith.maximumf %add3A_1106, %broadcast_in_dim3A_26 : vector<32xbf16>
          %unpack3A_1108 = tpu.unpack_subelements %max3A_1107, 0 {pack_format = #tpu.pack_format<interleaved>} : vector<32xbf16> -> vector<16xf32>
          %unpack3A_1109 = tpu.unpack_subelements %max3A_1107, 1 {pack_format = #tpu.pack_format<interleaved>} : vector<32xbf16> -> vector<16xf32>
          %mul3A_1110 = arith.mulf %unpack3A_1108, %get3A_10 : vector<16xf32>
          %add3A_1111 = arith.addf %add3A_1092, %mul3A_1110 : vector<16xf32>
          %mul3A_1112 = arith.mulf %unpack3A_1109, %get3A_18 : vector<16xf32>
          %add3A_1113 = arith.addf %add3A_1111, %mul3A_1112 : vector<16xf32>
          %get3A_1114 = arith.index_cast %add3A_1069 : i32 to index
          %get3A_1115 = arith.constant 32 : index
          %get3A_1116 = tpu.vector_load %arg14[%get3A_1114, %get3A_1115] {strides = array<i32>} : memref<80x128xi32, #tpu.memory_space<vmem>>, vector<16xi32>,
          %bitcast3A_1117 = vector.bitcast %get3A_1116 : vector<16xi32> to vector<32xbf16>
          %get3A_1118 = arith.index_cast %add3A_1069 : i32 to index
          %get3A_1119 = arith.constant 32 : index
          %get3A_1120 = tpu.vector_load %arg15[%get3A_1118, %get3A_1119] {strides = array<i32>} : memref<80x128xi32, #tpu.memory_space<vmem>>, vector<16xi32>,
          %bitcast3A_1121 = vector.bitcast %get3A_1120 : vector<16xi32> to vector<32xbf16>
          %add3A_1122 = arith.addf %bitcast3A_1117, %bitcast3A_1121 : vector<32xbf16>
          %get3A_1123 = arith.index_cast %add3A_1069 : i32 to index
          %get3A_1124 = arith.constant 32 : index
          %get3A_1125 = tpu.vector_load %arg16[%get3A_1123, %get3A_1124] {strides = array<i32>} : memref<80x64xi32, #tpu.memory_space<vmem>>, vector<16xi32>,
          %bitcast3A_1126 = vector.bitcast %get3A_1125 : vector<16xi32> to vector<32xbf16>
          %add3A_1127 = arith.addf %add3A_1122, %bitcast3A_1126 : vector<32xbf16>
          %max3A_1128 = arith.maximumf %add3A_1127, %broadcast_in_dim3A_26 : vector<32xbf16>
          %unpack3A_1129 = tpu.unpack_subelements %max3A_1128, 0 {pack_format = #tpu.pack_format<interleaved>} : vector<32xbf16> -> vector<16xf32>
          %unpack3A_1130 = tpu.unpack_subelements %max3A_1128, 1 {pack_format = #tpu.pack_format<interleaved>} : vector<32xbf16> -> vector<16xf32>
          %mul3A_1131 = arith.mulf %unpack3A_1129, %get3A_12 : vector<16xf32>
          %add3A_1132 = arith.addf %add3A_1113, %mul3A_1131 : vector<16xf32>
          %mul3A_1133 = arith.mulf %unpack3A_1130, %get3A_20 : vector<16xf32>
          %add3A_1134 = arith.addf %add3A_1132, %mul3A_1133 : vector<16xf32>
          %get3A_1135 = arith.index_cast %add3A_1069 : i32 to index
          %get3A_1136 = arith.constant 48 : index
          %get3A_1137 = tpu.vector_load %arg14[%get3A_1135, %get3A_1136] {strides = array<i32>} : memref<80x128xi32, #tpu.memory_space<vmem>>, vector<16xi32>,
          %bitcast3A_1138 = vector.bitcast %get3A_1137 : vector<16xi32> to vector<32xbf16>
          %get3A_1139 = arith.index_cast %add3A_1069 : i32 to index
          %get3A_1140 = arith.constant 48 : index
          %get3A_1141 = tpu.vector_load %arg15[%get3A_1139, %get3A_1140] {strides = array<i32>} : memref<80x128xi32, #tpu.memory_space<vmem>>, vector<16xi32>,
          %bitcast3A_1142 = vector.bitcast %get3A_1141 : vector<16xi32> to vector<32xbf16>
          %add3A_1143 = arith.addf %bitcast3A_1138, %bitcast3A_1142 : vector<32xbf16>
          %get3A_1144 = arith.index_cast %add3A_1069 : i32 to index
          %get3A_1145 = arith.constant 48 : index
          %get3A_1146 = tpu.vector_load %arg16[%get3A_1144, %get3A_1145] {strides = array<i32>} : memref<80x64xi32, #tpu.memory_space<vmem>>, vector<16xi32>,
          %bitcast3A_1147 = vector.bitcast %get3A_1146 : vector<16xi32> to vector<32xbf16>
          %add3A_1148 = arith.addf %add3A_1143, %bitcast3A_1147 : vector<32xbf16>
          %max3A_1149 = arith.maximumf %add3A_1148, %broadcast_in_dim3A_26 : vector<32xbf16>
          %unpack3A_1150 = tpu.unpack_subelements %max3A_1149, 0 {pack_format = #tpu.pack_format<interleaved>} : vector<32xbf16> -> vector<16xf32>
          %unpack3A_1151 = tpu.unpack_subelements %max3A_1149, 1 {pack_format = #tpu.pack_format<interleaved>} : vector<32xbf16> -> vector<16xf32>
          %mul3A_1152 = arith.mulf %unpack3A_1150, %get3A_14 : vector<16xf32>
          %add3A_1153 = arith.addf %add3A_1134, %mul3A_1152 : vector<16xf32>
          %mul3A_1154 = arith.mulf %unpack3A_1151, %get3A_22 : vector<16xf32>
          %add3A_1155 = arith.addf %add3A_1153, %mul3A_1154 : vector<16xf32>
          %mul3A_1156 = arith.constant 17 : i32
          %mul3A_1157 = arith.muli %scan3A_1067, %mul3A_1156 : i32
          %swap3A_1158 = arith.index_cast %mul3A_1157 : i32 to index
          %swap3A_1159 = tpu.vector_load %arg18[%swap3A_1158] {strides = array<i32>} : memref<272xf32, #tpu.memory_space<vmem>>, vector<16xf32>,
          tpu.vector_store %arg18[%swap3A_1158], %add3A_1155 {strides = array<i32>} : memref<272xf32, #tpu.memory_space<vmem>>, vector<16xf32>,
        }
        %scan3A_806 = arith.constant 16 : i32
        %gather3A_807 = tpu.vector_load_idx %arg18[%mul3A_25] : memref<272xf32, #tpu.memory_space<vmem>>[vector<16xi32>], vector<16xf32>,
        %add3A_808 = arith.constant 1 : i32
        %add3A_809 = vector.broadcast %add3A_808 : i32 to vector<16xi32>
        %add3A_810 = arith.addi %mul3A_25, %add3A_809 : vector<16xi32>
        %gather3A_811 = tpu.vector_load_idx %arg18[%add3A_810] : memref<272xf32, #tpu.memory_space<vmem>>[vector<16xi32>], vector<16xf32>,
        %add3A_812 = arith.addf %gather3A_807, %gather3A_811 : vector<16xf32>
        %add3A_813 = arith.constant 2 : i32
        %add3A_814 = vector.broadcast %add3A_813 : i32 to vector<16xi32>
        %add3A_815 = arith.addi %mul3A_25, %add3A_814 : vector<16xi32>
        %gather3A_816 = tpu.vector_load_idx %arg18[%add3A_815] : memref<272xf32, #tpu.memory_space<vmem>>[vector<16xi32>], vector<16xf32>,
        %add3A_817 = arith.addf %add3A_812, %gather3A_816 : vector<16xf32>
        %add3A_818 = arith.constant 3 : i32
        %add3A_819 = vector.broadcast %add3A_818 : i32 to vector<16xi32>
        %add3A_820 = arith.addi %mul3A_25, %add3A_819 : vector<16xi32>
        %gather3A_821 = tpu.vector_load_idx %arg18[%add3A_820] : memref<272xf32, #tpu.memory_space<vmem>>[vector<16xi32>], vector<16xf32>,
        %add3A_822 = arith.addf %add3A_817, %gather3A_821 : vector<16xf32>
        %add3A_823 = arith.constant 4 : i32
        %add3A_824 = vector.broadcast %add3A_823 : i32 to vector<16xi32>
        %add3A_825 = arith.addi %mul3A_25, %add3A_824 : vector<16xi32>
        %gather3A_826 = tpu.vector_load_idx %arg18[%add3A_825] : memref<272xf32, #tpu.memory_space<vmem>>[vector<16xi32>], vector<16xf32>,
        %add3A_827 = arith.addf %add3A_822, %gather3A_826 : vector<16xf32>
        %add3A_828 = arith.constant 5 : i32
        %add3A_829 = vector.broadcast %add3A_828 : i32 to vector<16xi32>
        %add3A_830 = arith.addi %mul3A_25, %add3A_829 : vector<16xi32>
        %gather3A_831 = tpu.vector_load_idx %arg18[%add3A_830] : memref<272xf32, #tpu.memory_space<vmem>>[vector<16xi32>], vector<16xf32>,
        %add3A_832 = arith.addf %add3A_827, %gather3A_831 : vector<16xf32>
        %add3A_833 = arith.constant 6 : i32
        %add3A_834 = vector.broadcast %add3A_833 : i32 to vector<16xi32>
        %add3A_835 = arith.addi %mul3A_25, %add3A_834 : vector<16xi32>
        %gather3A_836 = tpu.vector_load_idx %arg18[%add3A_835] : memref<272xf32, #tpu.memory_space<vmem>>[vector<16xi32>], vector<16xf32>,
        %add3A_837 = arith.addf %add3A_832, %gather3A_836 : vector<16xf32>
        %add3A_838 = arith.constant 7 : i32
        %add3A_839 = vector.broadcast %add3A_838 : i32 to vector<16xi32>
        %add3A_840 = arith.addi %mul3A_25, %add3A_839 : vector<16xi32>
        %gather3A_841 = tpu.vector_load_idx %arg18[%add3A_840] : memref<272xf32, #tpu.memory_space<vmem>>[vector<16xi32>], vector<16xf32>,
        %add3A_842 = arith.addf %add3A_837, %gather3A_841 : vector<16xf32>
        %add3A_843 = arith.constant 8 : i32
        %add3A_844 = vector.broadcast %add3A_843 : i32 to vector<16xi32>
        %add3A_845 = arith.addi %mul3A_25, %add3A_844 : vector<16xi32>
        %gather3A_846 = tpu.vector_load_idx %arg18[%add3A_845] : memref<272xf32, #tpu.memory_space<vmem>>[vector<16xi32>], vector<16xf32>,
        %add3A_847 = arith.addf %add3A_842, %gather3A_846 : vector<16xf32>
        %add3A_848 = arith.constant 9 : i32
        %add3A_849 = vector.broadcast %add3A_848 : i32 to vector<16xi32>
        %add3A_850 = arith.addi %mul3A_25, %add3A_849 : vector<16xi32>
        %gather3A_851 = tpu.vector_load_idx %arg18[%add3A_850] : memref<272xf32, #tpu.memory_space<vmem>>[vector<16xi32>], vector<16xf32>,
        %add3A_852 = arith.addf %add3A_847, %gather3A_851 : vector<16xf32>
        %add3A_853 = arith.constant 10 : i32
        %add3A_854 = vector.broadcast %add3A_853 : i32 to vector<16xi32>
        %add3A_855 = arith.addi %mul3A_25, %add3A_854 : vector<16xi32>
        %gather3A_856 = tpu.vector_load_idx %arg18[%add3A_855] : memref<272xf32, #tpu.memory_space<vmem>>[vector<16xi32>], vector<16xf32>,
        %add3A_857 = arith.addf %add3A_852, %gather3A_856 : vector<16xf32>
        %add3A_858 = arith.constant 11 : i32
        %add3A_859 = vector.broadcast %add3A_858 : i32 to vector<16xi32>
        %add3A_860 = arith.addi %mul3A_25, %add3A_859 : vector<16xi32>
        %gather3A_861 = tpu.vector_load_idx %arg18[%add3A_860] : memref<272xf32, #tpu.memory_space<vmem>>[vector<16xi32>], vector<16xf32>,
        %add3A_862 = arith.addf %add3A_857, %gather3A_861 : vector<16xf32>
        %add3A_863 = arith.constant 12 : i32
        %add3A_864 = vector.broadcast %add3A_863 : i32 to vector<16xi32>
        %add3A_865 = arith.addi %mul3A_25, %add3A_864 : vector<16xi32>
        %gather3A_866 = tpu.vector_load_idx %arg18[%add3A_865] : memref<272xf32, #tpu.memory_space<vmem>>[vector<16xi32>], vector<16xf32>,
        %add3A_867 = arith.addf %add3A_862, %gather3A_866 : vector<16xf32>
        %add3A_868 = arith.constant 13 : i32
        %add3A_869 = vector.broadcast %add3A_868 : i32 to vector<16xi32>
        %add3A_870 = arith.addi %mul3A_25, %add3A_869 : vector<16xi32>
        %gather3A_871 = tpu.vector_load_idx %arg18[%add3A_870] : memref<272xf32, #tpu.memory_space<vmem>>[vector<16xi32>], vector<16xf32>,
        %add3A_872 = arith.addf %add3A_867, %gather3A_871 : vector<16xf32>
        %add3A_873 = arith.constant 14 : i32
        %add3A_874 = vector.broadcast %add3A_873 : i32 to vector<16xi32>
        %add3A_875 = arith.addi %mul3A_25, %add3A_874 : vector<16xi32>
        %gather3A_876 = tpu.vector_load_idx %arg18[%add3A_875] : memref<272xf32, #tpu.memory_space<vmem>>[vector<16xi32>], vector<16xf32>,
        %add3A_877 = arith.addf %add3A_872, %gather3A_876 : vector<16xf32>
        %add3A_878 = arith.constant 15 : i32
        %add3A_879 = vector.broadcast %add3A_878 : i32 to vector<16xi32>
        %add3A_880 = arith.addi %mul3A_25, %add3A_879 : vector<16xi32>
        %gather3A_881 = tpu.vector_load_idx %arg18[%add3A_880] : memref<272xf32, #tpu.memory_space<vmem>>[vector<16xi32>], vector<16xf32>,
        %add3A_882 = arith.addf %add3A_877, %gather3A_881 : vector<16xf32>
        %mul3A_883 = arith.constant 80 : i32
        %mul3A_884 = arith.muli %add3A_54, %mul3A_883 : i32
        %add3A_885 = arith.constant 48 : i32
        %add3A_886 = arith.addi %mul3A_884, %add3A_885 : i32
        %get3A_887 = arith.index_cast %add3A_886 : i32 to index
        %get3A_888 = tpu.vector_load %arg10[%get3A_887] {strides = array<i32>} : memref<10000xi32, #tpu.memory_space<vmem>>, vector<16xi32>,
        tpu.vector_store_idx %arg19[%get3A_888], %add3A_882 {add = true} : memref<10000xf32, #tpu.memory_space<vmem>>[vector<16xi32>], vector<16xf32>,
        %scan3A_889 = arith.constant 0 : i32
        %scan3A_890 = arith.constant 0 : i32
        %scan3A_891 = arith.constant 16 : i32
        %scan3A_892 = arith.addi %scan3A_890, %scan3A_891 : i32
        %scan3A_893 = arith.constant 2 : i32
        scf.for %scan3A_977 = %scan3A_890 to %scan3A_892 step %scan3A_893  : i32 {
          %add3A_978 = arith.constant 64 : i32
          %add3A_979 = arith.addi %add3A_978, %scan3A_977 : i32
          %broadcast_in_dim3A_980 = arith.constant 0.000000e+00 : f32
          %broadcast_in_dim3A_981 = vector.broadcast %broadcast_in_dim3A_980 : f32 to vector<16xf32>
          %get3A_982 = arith.index_cast %add3A_979 : i32 to index
          %get3A_983 = arith.constant 0 : index
          %get3A_984 = tpu.vector_load %arg14[%get3A_982, %get3A_983] {strides = array<i32>} : memref<80x128xi32, #tpu.memory_space<vmem>>, vector<16xi32>,
          %bitcast3A = vector.bitcast %get3A_984 : vector<16xi32> to vector<32xbf16>
          %get3A_985 = arith.index_cast %add3A_979 : i32 to index
          %get3A_986 = arith.constant 0 : index
          %get3A_987 = tpu.vector_load %arg15[%get3A_985, %get3A_986] {strides = array<i32>} : memref<80x128xi32, #tpu.memory_space<vmem>>, vector<16xi32>,
          %bitcast3A_988 = vector.bitcast %get3A_987 : vector<16xi32> to vector<32xbf16>
          %add3A_989 = arith.addf %bitcast3A, %bitcast3A_988 : vector<32xbf16>
          %get3A_990 = arith.index_cast %add3A_979 : i32 to index
          %get3A_991 = arith.constant 0 : index
          %get3A_992 = tpu.vector_load %arg16[%get3A_990, %get3A_991] {strides = array<i32>} : memref<80x64xi32, #tpu.memory_space<vmem>>, vector<16xi32>,
          %bitcast3A_993 = vector.bitcast %get3A_992 : vector<16xi32> to vector<32xbf16>
          %add3A_994 = arith.addf %add3A_989, %bitcast3A_993 : vector<32xbf16>
          %max3A = arith.maximumf %add3A_994, %broadcast_in_dim3A_26 : vector<32xbf16>
          %unpack3A = tpu.unpack_subelements %max3A, 0 {pack_format = #tpu.pack_format<interleaved>} : vector<32xbf16> -> vector<16xf32>
          %unpack3A_995 = tpu.unpack_subelements %max3A, 1 {pack_format = #tpu.pack_format<interleaved>} : vector<32xbf16> -> vector<16xf32>
          %mul3A_996 = arith.mulf %unpack3A, %get3A_8 : vector<16xf32>
          %add3A_997 = arith.addf %broadcast_in_dim3A_981, %mul3A_996 : vector<16xf32>
          %mul3A_998 = arith.mulf %unpack3A_995, %get3A_16 : vector<16xf32>
          %add3A_999 = arith.addf %add3A_997, %mul3A_998 : vector<16xf32>
          %get3A_1000 = arith.index_cast %add3A_979 : i32 to index
          %get3A_1001 = arith.constant 16 : index
          %get3A_1002 = tpu.vector_load %arg14[%get3A_1000, %get3A_1001] {strides = array<i32>} : memref<80x128xi32, #tpu.memory_space<vmem>>, vector<16xi32>,
          %bitcast3A_1003 = vector.bitcast %get3A_1002 : vector<16xi32> to vector<32xbf16>
          %get3A_1004 = arith.index_cast %add3A_979 : i32 to index
          %get3A_1005 = arith.constant 16 : index
          %get3A_1006 = tpu.vector_load %arg15[%get3A_1004, %get3A_1005] {strides = array<i32>} : memref<80x128xi32, #tpu.memory_space<vmem>>, vector<16xi32>,
          %bitcast3A_1007 = vector.bitcast %get3A_1006 : vector<16xi32> to vector<32xbf16>
          %add3A_1008 = arith.addf %bitcast3A_1003, %bitcast3A_1007 : vector<32xbf16>
          %get3A_1009 = arith.index_cast %add3A_979 : i32 to index
          %get3A_1010 = arith.constant 16 : index
          %get3A_1011 = tpu.vector_load %arg16[%get3A_1009, %get3A_1010] {strides = array<i32>} : memref<80x64xi32, #tpu.memory_space<vmem>>, vector<16xi32>,
          %bitcast3A_1012 = vector.bitcast %get3A_1011 : vector<16xi32> to vector<32xbf16>
          %add3A_1013 = arith.addf %add3A_1008, %bitcast3A_1012 : vector<32xbf16>
          %max3A_1014 = arith.maximumf %add3A_1013, %broadcast_in_dim3A_26 : vector<32xbf16>
          %unpack3A_1015 = tpu.unpack_subelements %max3A_1014, 0 {pack_format = #tpu.pack_format<interleaved>} : vector<32xbf16> -> vector<16xf32>
          %unpack3A_1016 = tpu.unpack_subelements %max3A_1014, 1 {pack_format = #tpu.pack_format<interleaved>} : vector<32xbf16> -> vector<16xf32>
          %mul3A_1017 = arith.mulf %unpack3A_1015, %get3A_10 : vector<16xf32>
          %add3A_1018 = arith.addf %add3A_999, %mul3A_1017 : vector<16xf32>
          %mul3A_1019 = arith.mulf %unpack3A_1016, %get3A_18 : vector<16xf32>
          %add3A_1020 = arith.addf %add3A_1018, %mul3A_1019 : vector<16xf32>
          %get3A_1021 = arith.index_cast %add3A_979 : i32 to index
          %get3A_1022 = arith.constant 32 : index
          %get3A_1023 = tpu.vector_load %arg14[%get3A_1021, %get3A_1022] {strides = array<i32>} : memref<80x128xi32, #tpu.memory_space<vmem>>, vector<16xi32>,
          %bitcast3A_1024 = vector.bitcast %get3A_1023 : vector<16xi32> to vector<32xbf16>
          %get3A_1025 = arith.index_cast %add3A_979 : i32 to index
          %get3A_1026 = arith.constant 32 : index
          %get3A_1027 = tpu.vector_load %arg15[%get3A_1025, %get3A_1026] {strides = array<i32>} : memref<80x128xi32, #tpu.memory_space<vmem>>, vector<16xi32>,
          %bitcast3A_1028 = vector.bitcast %get3A_1027 : vector<16xi32> to vector<32xbf16>
          %add3A_1029 = arith.addf %bitcast3A_1024, %bitcast3A_1028 : vector<32xbf16>
          %get3A_1030 = arith.index_cast %add3A_979 : i32 to index
          %get3A_1031 = arith.constant 32 : index
          %get3A_1032 = tpu.vector_load %arg16[%get3A_1030, %get3A_1031] {strides = array<i32>} : memref<80x64xi32, #tpu.memory_space<vmem>>, vector<16xi32>,
          %bitcast3A_1033 = vector.bitcast %get3A_1032 : vector<16xi32> to vector<32xbf16>
          %add3A_1034 = arith.addf %add3A_1029, %bitcast3A_1033 : vector<32xbf16>
          %max3A_1035 = arith.maximumf %add3A_1034, %broadcast_in_dim3A_26 : vector<32xbf16>
          %unpack3A_1036 = tpu.unpack_subelements %max3A_1035, 0 {pack_format = #tpu.pack_format<interleaved>} : vector<32xbf16> -> vector<16xf32>
          %unpack3A_1037 = tpu.unpack_subelements %max3A_1035, 1 {pack_format = #tpu.pack_format<interleaved>} : vector<32xbf16> -> vector<16xf32>
          %mul3A_1038 = arith.mulf %unpack3A_1036, %get3A_12 : vector<16xf32>
          %add3A_1039 = arith.addf %add3A_1020, %mul3A_1038 : vector<16xf32>
          %mul3A_1040 = arith.mulf %unpack3A_1037, %get3A_20 : vector<16xf32>
          %add3A_1041 = arith.addf %add3A_1039, %mul3A_1040 : vector<16xf32>
          %get3A_1042 = arith.index_cast %add3A_979 : i32 to index
          %get3A_1043 = arith.constant 48 : index
          %get3A_1044 = tpu.vector_load %arg14[%get3A_1042, %get3A_1043] {strides = array<i32>} : memref<80x128xi32, #tpu.memory_space<vmem>>, vector<16xi32>,
          %bitcast3A_1045 = vector.bitcast %get3A_1044 : vector<16xi32> to vector<32xbf16>
          %get3A_1046 = arith.index_cast %add3A_979 : i32 to index
          %get3A_1047 = arith.constant 48 : index
          %get3A_1048 = tpu.vector_load %arg15[%get3A_1046, %get3A_1047] {strides = array<i32>} : memref<80x128xi32, #tpu.memory_space<vmem>>, vector<16xi32>,
          %bitcast3A_1049 = vector.bitcast %get3A_1048 : vector<16xi32> to vector<32xbf16>
          %add3A_1050 = arith.addf %bitcast3A_1045, %bitcast3A_1049 : vector<32xbf16>
          %get3A_1051 = arith.index_cast %add3A_979 : i32 to index
          %get3A_1052 = arith.constant 48 : index
          %get3A_1053 = tpu.vector_load %arg16[%get3A_1051, %get3A_1052] {strides = array<i32>} : memref<80x64xi32, #tpu.memory_space<vmem>>, vector<16xi32>,
          %bitcast3A_1054 = vector.bitcast %get3A_1053 : vector<16xi32> to vector<32xbf16>
          %add3A_1055 = arith.addf %add3A_1050, %bitcast3A_1054 : vector<32xbf16>
          %max3A_1056 = arith.maximumf %add3A_1055, %broadcast_in_dim3A_26 : vector<32xbf16>
          %unpack3A_1057 = tpu.unpack_subelements %max3A_1056, 0 {pack_format = #tpu.pack_format<interleaved>} : vector<32xbf16> -> vector<16xf32>
          %unpack3A_1058 = tpu.unpack_subelements %max3A_1056, 1 {pack_format = #tpu.pack_format<interleaved>} : vector<32xbf16> -> vector<16xf32>
          %mul3A_1059 = arith.mulf %unpack3A_1057, %get3A_14 : vector<16xf32>
          %add3A_1060 = arith.addf %add3A_1041, %mul3A_1059 : vector<16xf32>
          %mul3A_1061 = arith.mulf %unpack3A_1058, %get3A_22 : vector<16xf32>
          %add3A_1062 = arith.addf %add3A_1060, %mul3A_1061 : vector<16xf32>
          %mul3A_1063 = arith.constant 17 : i32
          %mul3A_1064 = arith.muli %scan3A_977, %mul3A_1063 : i32
          %swap3A = arith.index_cast %mul3A_1064 : i32 to index
          %swap3A_1065 = tpu.vector_load %arg18[%swap3A] {strides = array<i32>} : memref<272xf32, #tpu.memory_space<vmem>>, vector<16xf32>,
          tpu.vector_store %arg18[%swap3A], %add3A_1062 {strides = array<i32>} : memref<272xf32, #tpu.memory_space<vmem>>, vector<16xf32>,
          %scan3A_1066 = arith.constant 1 : i32
          %scan3A_1067 = arith.addi %scan3A_977, %scan3A_1066 : i32
          %add3A_1068 = arith.constant 64 : i32
          %add3A_1069 = arith.addi %add3A_1068, %scan3A_1067 : i32
          %broadcast_in_dim3A_1070 = arith.constant 0.000000e+00 : f32
          %broadcast_in_dim3A_1071 = vector.broadcast %broadcast_in_dim3A_1070 : f32 to vector<16xf32>
          %get3A_1072 = arith.index_cast %add3A_1069 : i32 to index
          %get3A_1073 = arith.constant 0 : index
          %get3A_1074 = tpu.vector_load %arg14[%get3A_1072, %get3A_1073] {strides = array<i32>} : memref<80x128xi32, #tpu.memory_space<vmem>>, vector<16xi32>,
          %bitcast3A_1075 = vector.bitcast %get3A_1074 : vector<16xi32> to vector<32xbf16>
          %get3A_1076 = arith.index_cast %add3A_1069 : i32 to index
          %get3A_1077 = arith.constant 0 : index
          %get3A_1078 = tpu.vector_load %arg15[%get3A_1076, %get3A_1077] {strides = array<i32>} : memref<80x128xi32, #tpu.memory_space<vmem>>, vector<16xi32>,
          %bitcast3A_1079 = vector.bitcast %get3A_1078 : vector<16xi32> to vector<32xbf16>
          %add3A_1080 = arith.addf %bitcast3A_1075, %bitcast3A_1079 : vector<32xbf16>
          %get3A_1081 = arith.index_cast %add3A_1069 : i32 to index
          %get3A_1082 = arith.constant 0 : index
          %get3A_1083 = tpu.vector_load %arg16[%get3A_1081, %get3A_1082] {strides = array<i32>} : memref<80x64xi32, #tpu.memory_space<vmem>>, vector<16xi32>,
          %bitcast3A_1084 = vector.bitcast %get3A_1083 : vector<16xi32> to vector<32xbf16>
          %add3A_1085 = arith.addf %add3A_1080, %bitcast3A_1084 : vector<32xbf16>
          %max3A_1086 = arith.maximumf %add3A_1085, %broadcast_in_dim3A_26 : vector<32xbf16>
          %unpack3A_1087 = tpu.unpack_subelements %max3A_1086, 0 {pack_format = #tpu.pack_format<interleaved>} : vector<32xbf16> -> vector<16xf32>
          %unpack3A_1088 = tpu.unpack_subelements %max3A_1086, 1 {pack_format = #tpu.pack_format<interleaved>} : vector<32xbf16> -> vector<16xf32>
          %mul3A_1089 = arith.mulf %unpack3A_1087, %get3A_8 : vector<16xf32>
          %add3A_1090 = arith.addf %broadcast_in_dim3A_1071, %mul3A_1089 : vector<16xf32>
          %mul3A_1091 = arith.mulf %unpack3A_1088, %get3A_16 : vector<16xf32>
          %add3A_1092 = arith.addf %add3A_1090, %mul3A_1091 : vector<16xf32>
          %get3A_1093 = arith.index_cast %add3A_1069 : i32 to index
          %get3A_1094 = arith.constant 16 : index
          %get3A_1095 = tpu.vector_load %arg14[%get3A_1093, %get3A_1094] {strides = array<i32>} : memref<80x128xi32, #tpu.memory_space<vmem>>, vector<16xi32>,
          %bitcast3A_1096 = vector.bitcast %get3A_1095 : vector<16xi32> to vector<32xbf16>
          %get3A_1097 = arith.index_cast %add3A_1069 : i32 to index
          %get3A_1098 = arith.constant 16 : index
          %get3A_1099 = tpu.vector_load %arg15[%get3A_1097, %get3A_1098] {strides = array<i32>} : memref<80x128xi32, #tpu.memory_space<vmem>>, vector<16xi32>,
          %bitcast3A_1100 = vector.bitcast %get3A_1099 : vector<16xi32> to vector<32xbf16>
          %add3A_1101 = arith.addf %bitcast3A_1096, %bitcast3A_1100 : vector<32xbf16>
          %get3A_1102 = arith.index_cast %add3A_1069 : i32 to index
          %get3A_1103 = arith.constant 16 : index
          %get3A_1104 = tpu.vector_load %arg16[%get3A_1102, %get3A_1103] {strides = array<i32>} : memref<80x64xi32, #tpu.memory_space<vmem>>, vector<16xi32>,
          %bitcast3A_1105 = vector.bitcast %get3A_1104 : vector<16xi32> to vector<32xbf16>
          %add3A_1106 = arith.addf %add3A_1101, %bitcast3A_1105 : vector<32xbf16>
          %max3A_1107 = arith.maximumf %add3A_1106, %broadcast_in_dim3A_26 : vector<32xbf16>
          %unpack3A_1108 = tpu.unpack_subelements %max3A_1107, 0 {pack_format = #tpu.pack_format<interleaved>} : vector<32xbf16> -> vector<16xf32>
          %unpack3A_1109 = tpu.unpack_subelements %max3A_1107, 1 {pack_format = #tpu.pack_format<interleaved>} : vector<32xbf16> -> vector<16xf32>
          %mul3A_1110 = arith.mulf %unpack3A_1108, %get3A_10 : vector<16xf32>
          %add3A_1111 = arith.addf %add3A_1092, %mul3A_1110 : vector<16xf32>
          %mul3A_1112 = arith.mulf %unpack3A_1109, %get3A_18 : vector<16xf32>
          %add3A_1113 = arith.addf %add3A_1111, %mul3A_1112 : vector<16xf32>
          %get3A_1114 = arith.index_cast %add3A_1069 : i32 to index
          %get3A_1115 = arith.constant 32 : index
          %get3A_1116 = tpu.vector_load %arg14[%get3A_1114, %get3A_1115] {strides = array<i32>} : memref<80x128xi32, #tpu.memory_space<vmem>>, vector<16xi32>,
          %bitcast3A_1117 = vector.bitcast %get3A_1116 : vector<16xi32> to vector<32xbf16>
          %get3A_1118 = arith.index_cast %add3A_1069 : i32 to index
          %get3A_1119 = arith.constant 32 : index
          %get3A_1120 = tpu.vector_load %arg15[%get3A_1118, %get3A_1119] {strides = array<i32>} : memref<80x128xi32, #tpu.memory_space<vmem>>, vector<16xi32>,
          %bitcast3A_1121 = vector.bitcast %get3A_1120 : vector<16xi32> to vector<32xbf16>
          %add3A_1122 = arith.addf %bitcast3A_1117, %bitcast3A_1121 : vector<32xbf16>
          %get3A_1123 = arith.index_cast %add3A_1069 : i32 to index
          %get3A_1124 = arith.constant 32 : index
          %get3A_1125 = tpu.vector_load %arg16[%get3A_1123, %get3A_1124] {strides = array<i32>} : memref<80x64xi32, #tpu.memory_space<vmem>>, vector<16xi32>,
          %bitcast3A_1126 = vector.bitcast %get3A_1125 : vector<16xi32> to vector<32xbf16>
          %add3A_1127 = arith.addf %add3A_1122, %bitcast3A_1126 : vector<32xbf16>
          %max3A_1128 = arith.maximumf %add3A_1127, %broadcast_in_dim3A_26 : vector<32xbf16>
          %unpack3A_1129 = tpu.unpack_subelements %max3A_1128, 0 {pack_format = #tpu.pack_format<interleaved>} : vector<32xbf16> -> vector<16xf32>
          %unpack3A_1130 = tpu.unpack_subelements %max3A_1128, 1 {pack_format = #tpu.pack_format<interleaved>} : vector<32xbf16> -> vector<16xf32>
          %mul3A_1131 = arith.mulf %unpack3A_1129, %get3A_12 : vector<16xf32>
          %add3A_1132 = arith.addf %add3A_1113, %mul3A_1131 : vector<16xf32>
          %mul3A_1133 = arith.mulf %unpack3A_1130, %get3A_20 : vector<16xf32>
          %add3A_1134 = arith.addf %add3A_1132, %mul3A_1133 : vector<16xf32>
          %get3A_1135 = arith.index_cast %add3A_1069 : i32 to index
          %get3A_1136 = arith.constant 48 : index
          %get3A_1137 = tpu.vector_load %arg14[%get3A_1135, %get3A_1136] {strides = array<i32>} : memref<80x128xi32, #tpu.memory_space<vmem>>, vector<16xi32>,
          %bitcast3A_1138 = vector.bitcast %get3A_1137 : vector<16xi32> to vector<32xbf16>
          %get3A_1139 = arith.index_cast %add3A_1069 : i32 to index
          %get3A_1140 = arith.constant 48 : index
          %get3A_1141 = tpu.vector_load %arg15[%get3A_1139, %get3A_1140] {strides = array<i32>} : memref<80x128xi32, #tpu.memory_space<vmem>>, vector<16xi32>,
          %bitcast3A_1142 = vector.bitcast %get3A_1141 : vector<16xi32> to vector<32xbf16>
          %add3A_1143 = arith.addf %bitcast3A_1138, %bitcast3A_1142 : vector<32xbf16>
          %get3A_1144 = arith.index_cast %add3A_1069 : i32 to index
          %get3A_1145 = arith.constant 48 : index
          %get3A_1146 = tpu.vector_load %arg16[%get3A_1144, %get3A_1145] {strides = array<i32>} : memref<80x64xi32, #tpu.memory_space<vmem>>, vector<16xi32>,
          %bitcast3A_1147 = vector.bitcast %get3A_1146 : vector<16xi32> to vector<32xbf16>
          %add3A_1148 = arith.addf %add3A_1143, %bitcast3A_1147 : vector<32xbf16>
          %max3A_1149 = arith.maximumf %add3A_1148, %broadcast_in_dim3A_26 : vector<32xbf16>
          %unpack3A_1150 = tpu.unpack_subelements %max3A_1149, 0 {pack_format = #tpu.pack_format<interleaved>} : vector<32xbf16> -> vector<16xf32>
          %unpack3A_1151 = tpu.unpack_subelements %max3A_1149, 1 {pack_format = #tpu.pack_format<interleaved>} : vector<32xbf16> -> vector<16xf32>
          %mul3A_1152 = arith.mulf %unpack3A_1150, %get3A_14 : vector<16xf32>
          %add3A_1153 = arith.addf %add3A_1134, %mul3A_1152 : vector<16xf32>
          %mul3A_1154 = arith.mulf %unpack3A_1151, %get3A_22 : vector<16xf32>
          %add3A_1155 = arith.addf %add3A_1153, %mul3A_1154 : vector<16xf32>
          %mul3A_1156 = arith.constant 17 : i32
          %mul3A_1157 = arith.muli %scan3A_1067, %mul3A_1156 : i32
          %swap3A_1158 = arith.index_cast %mul3A_1157 : i32 to index
          %swap3A_1159 = tpu.vector_load %arg18[%swap3A_1158] {strides = array<i32>} : memref<272xf32, #tpu.memory_space<vmem>>, vector<16xf32>,
          tpu.vector_store %arg18[%swap3A_1158], %add3A_1155 {strides = array<i32>} : memref<272xf32, #tpu.memory_space<vmem>>, vector<16xf32>,
        }
        %scan3A_894 = arith.constant 16 : i32
        %gather3A_895 = tpu.vector_load_idx %arg18[%mul3A_25] : memref<272xf32, #tpu.memory_space<vmem>>[vector<16xi32>], vector<16xf32>,
        %add3A_896 = arith.constant 1 : i32
        %add3A_897 = vector.broadcast %add3A_896 : i32 to vector<16xi32>
        %add3A_898 = arith.addi %mul3A_25, %add3A_897 : vector<16xi32>
        %gather3A_899 = tpu.vector_load_idx %arg18[%add3A_898] : memref<272xf32, #tpu.memory_space<vmem>>[vector<16xi32>], vector<16xf32>,
        %add3A_900 = arith.addf %gather3A_895, %gather3A_899 : vector<16xf32>
        %add3A_901 = arith.constant 2 : i32
        %add3A_902 = vector.broadcast %add3A_901 : i32 to vector<16xi32>
        %add3A_903 = arith.addi %mul3A_25, %add3A_902 : vector<16xi32>
        %gather3A_904 = tpu.vector_load_idx %arg18[%add3A_903] : memref<272xf32, #tpu.memory_space<vmem>>[vector<16xi32>], vector<16xf32>,
        %add3A_905 = arith.addf %add3A_900, %gather3A_904 : vector<16xf32>
        %add3A_906 = arith.constant 3 : i32
        %add3A_907 = vector.broadcast %add3A_906 : i32 to vector<16xi32>
        %add3A_908 = arith.addi %mul3A_25, %add3A_907 : vector<16xi32>
        %gather3A_909 = tpu.vector_load_idx %arg18[%add3A_908] : memref<272xf32, #tpu.memory_space<vmem>>[vector<16xi32>], vector<16xf32>,
        %add3A_910 = arith.addf %add3A_905, %gather3A_909 : vector<16xf32>
        %add3A_911 = arith.constant 4 : i32
        %add3A_912 = vector.broadcast %add3A_911 : i32 to vector<16xi32>
        %add3A_913 = arith.addi %mul3A_25, %add3A_912 : vector<16xi32>
        %gather3A_914 = tpu.vector_load_idx %arg18[%add3A_913] : memref<272xf32, #tpu.memory_space<vmem>>[vector<16xi32>], vector<16xf32>,
        %add3A_915 = arith.addf %add3A_910, %gather3A_914 : vector<16xf32>
        %add3A_916 = arith.constant 5 : i32
        %add3A_917 = vector.broadcast %add3A_916 : i32 to vector<16xi32>
        %add3A_918 = arith.addi %mul3A_25, %add3A_917 : vector<16xi32>
        %gather3A_919 = tpu.vector_load_idx %arg18[%add3A_918] : memref<272xf32, #tpu.memory_space<vmem>>[vector<16xi32>], vector<16xf32>,
        %add3A_920 = arith.addf %add3A_915, %gather3A_919 : vector<16xf32>
        %add3A_921 = arith.constant 6 : i32
        %add3A_922 = vector.broadcast %add3A_921 : i32 to vector<16xi32>
        %add3A_923 = arith.addi %mul3A_25, %add3A_922 : vector<16xi32>
        %gather3A_924 = tpu.vector_load_idx %arg18[%add3A_923] : memref<272xf32, #tpu.memory_space<vmem>>[vector<16xi32>], vector<16xf32>,
        %add3A_925 = arith.addf %add3A_920, %gather3A_924 : vector<16xf32>
        %add3A_926 = arith.constant 7 : i32
        %add3A_927 = vector.broadcast %add3A_926 : i32 to vector<16xi32>
        %add3A_928 = arith.addi %mul3A_25, %add3A_927 : vector<16xi32>
        %gather3A_929 = tpu.vector_load_idx %arg18[%add3A_928] : memref<272xf32, #tpu.memory_space<vmem>>[vector<16xi32>], vector<16xf32>,
        %add3A_930 = arith.addf %add3A_925, %gather3A_929 : vector<16xf32>
        %add3A_931 = arith.constant 8 : i32
        %add3A_932 = vector.broadcast %add3A_931 : i32 to vector<16xi32>
        %add3A_933 = arith.addi %mul3A_25, %add3A_932 : vector<16xi32>
        %gather3A_934 = tpu.vector_load_idx %arg18[%add3A_933] : memref<272xf32, #tpu.memory_space<vmem>>[vector<16xi32>], vector<16xf32>,
        %add3A_935 = arith.addf %add3A_930, %gather3A_934 : vector<16xf32>
        %add3A_936 = arith.constant 9 : i32
        %add3A_937 = vector.broadcast %add3A_936 : i32 to vector<16xi32>
        %add3A_938 = arith.addi %mul3A_25, %add3A_937 : vector<16xi32>
        %gather3A_939 = tpu.vector_load_idx %arg18[%add3A_938] : memref<272xf32, #tpu.memory_space<vmem>>[vector<16xi32>], vector<16xf32>,
        %add3A_940 = arith.addf %add3A_935, %gather3A_939 : vector<16xf32>
        %add3A_941 = arith.constant 10 : i32
        %add3A_942 = vector.broadcast %add3A_941 : i32 to vector<16xi32>
        %add3A_943 = arith.addi %mul3A_25, %add3A_942 : vector<16xi32>
        %gather3A_944 = tpu.vector_load_idx %arg18[%add3A_943] : memref<272xf32, #tpu.memory_space<vmem>>[vector<16xi32>], vector<16xf32>,
        %add3A_945 = arith.addf %add3A_940, %gather3A_944 : vector<16xf32>
        %add3A_946 = arith.constant 11 : i32
        %add3A_947 = vector.broadcast %add3A_946 : i32 to vector<16xi32>
        %add3A_948 = arith.addi %mul3A_25, %add3A_947 : vector<16xi32>
        %gather3A_949 = tpu.vector_load_idx %arg18[%add3A_948] : memref<272xf32, #tpu.memory_space<vmem>>[vector<16xi32>], vector<16xf32>,
        %add3A_950 = arith.addf %add3A_945, %gather3A_949 : vector<16xf32>
        %add3A_951 = arith.constant 12 : i32
        %add3A_952 = vector.broadcast %add3A_951 : i32 to vector<16xi32>
        %add3A_953 = arith.addi %mul3A_25, %add3A_952 : vector<16xi32>
        %gather3A_954 = tpu.vector_load_idx %arg18[%add3A_953] : memref<272xf32, #tpu.memory_space<vmem>>[vector<16xi32>], vector<16xf32>,
        %add3A_955 = arith.addf %add3A_950, %gather3A_954 : vector<16xf32>
        %add3A_956 = arith.constant 13 : i32
        %add3A_957 = vector.broadcast %add3A_956 : i32 to vector<16xi32>
        %add3A_958 = arith.addi %mul3A_25, %add3A_957 : vector<16xi32>
        %gather3A_959 = tpu.vector_load_idx %arg18[%add3A_958] : memref<272xf32, #tpu.memory_space<vmem>>[vector<16xi32>], vector<16xf32>,
        %add3A_960 = arith.addf %add3A_955, %gather3A_959 : vector<16xf32>
        %add3A_961 = arith.constant 14 : i32
        %add3A_962 = vector.broadcast %add3A_961 : i32 to vector<16xi32>
        %add3A_963 = arith.addi %mul3A_25, %add3A_962 : vector<16xi32>
        %gather3A_964 = tpu.vector_load_idx %arg18[%add3A_963] : memref<272xf32, #tpu.memory_space<vmem>>[vector<16xi32>], vector<16xf32>,
        %add3A_965 = arith.addf %add3A_960, %gather3A_964 : vector<16xf32>
        %add3A_966 = arith.constant 15 : i32
        %add3A_967 = vector.broadcast %add3A_966 : i32 to vector<16xi32>
        %add3A_968 = arith.addi %mul3A_25, %add3A_967 : vector<16xi32>
        %gather3A_969 = tpu.vector_load_idx %arg18[%add3A_968] : memref<272xf32, #tpu.memory_space<vmem>>[vector<16xi32>], vector<16xf32>,
        %add3A_970 = arith.addf %add3A_965, %gather3A_969 : vector<16xf32>
        %mul3A_971 = arith.constant 80 : i32
        %mul3A_972 = arith.muli %add3A_54, %mul3A_971 : i32
        %add3A_973 = arith.constant 64 : i32
        %add3A_974 = arith.addi %mul3A_972, %add3A_973 : i32
        %get3A_975 = arith.index_cast %add3A_974 : i32 to index
        %get3A_976 = tpu.vector_load %arg10[%get3A_975] {strides = array<i32>} : memref<10000xi32, #tpu.memory_space<vmem>>, vector<16xi32>,
        tpu.vector_store_idx %arg19[%get3A_976], %add3A_970 {add = true} : memref<10000xf32, #tpu.memory_space<vmem>>[vector<16xi32>], vector<16xf32>,
      } else {
      }
    }
    %scan3A_47 = arith.constant 63 : i32
    "tpu.region"() ({
      %run_scoped3A = tpu.sem_alloc : memref<!tpu.dma_semaphore, #tpu.memory_space<semaphore_mem>>
      %dma_start3A_48 = arith.constant 0 : i32
      %dma_start3A_49 = tpu.memref_slice %arg8[%add3A, %dma_start3A_48] : memref<32x10000xf32, #tpu.memory_space<hbm>> -> memref<1x10000xf32, #tpu.memory_space<hbm>>
      %dma_start3A_50 = tpu.memref_squeeze %dma_start3A_49 : memref<1x10000xf32, #tpu.memory_space<hbm>> -> memref<10000xf32, #tpu.memory_space<hbm>>
      %dma_start3A_51 = arith.constant 0 : i32
      %dma_start3A_52 = tpu.memref_slice %arg8[%add3A, %dma_start3A_51] : memref<32x10000xf32, #tpu.memory_space<hbm>> -> memref<1x10000xf32, #tpu.memory_space<hbm>>
      %dma_start3A_53 = tpu.memref_squeeze %dma_start3A_52 : memref<1x10000xf32, #tpu.memory_space<hbm>> -> memref<10000xf32, #tpu.memory_space<hbm>>
      tpu.enqueue_dma source(%arg19 : memref<10000xf32, #tpu.memory_space<vmem>>) target(%dma_start3A_53 : memref<10000xf32, #tpu.memory_space<hbm>>) target_semaphore(%run_scoped3A : memref<!tpu.dma_semaphore, #tpu.memory_space<semaphore_mem>>)
      %dma_wait3A = arith.constant 0 : i32
      %dma_wait3A_54 = tpu.memref_slice %arg8[%add3A, %dma_wait3A] : memref<32x10000xf32, #tpu.memory_space<hbm>> -> memref<1x10000xf32, #tpu.memory_space<hbm>>
      %dma_wait3A_55 = tpu.memref_squeeze %dma_wait3A_54 : memref<1x10000xf32, #tpu.memory_space<hbm>> -> memref<10000xf32, #tpu.memory_space<hbm>>
      %dma_wait3A_56 = arith.constant 0 : i32
      %dma_wait3A_57 = tpu.memref_slice %arg8[%add3A, %dma_wait3A_56] : memref<32x10000xf32, #tpu.memory_space<hbm>> -> memref<1x10000xf32, #tpu.memory_space<hbm>>
      %dma_wait3A_58 = tpu.memref_squeeze %dma_wait3A_57 : memref<1x10000xf32, #tpu.memory_space<hbm>> -> memref<10000xf32, #tpu.memory_space<hbm>>
      tpu.wait_dma2 semaphore(%run_scoped3A : memref<!tpu.dma_semaphore, #tpu.memory_space<semaphore_mem>>) src(%arg19 : memref<10000xf32, #tpu.memory_space<vmem>>) dst(%dma_wait3A_58 : memref<10000xf32, #tpu.memory_space<hbm>>)
      tpu.yield
    }) : () -> ()
    return
  }
}

module attributes {stable_mosaic.version = 14 : i64} {
  func.func @_proj_body(%arg0: i32, %arg1: memref<6400x16xf32, #tpu.memory_space<vmem>>, %arg2: memref<272x128xf32, #tpu.memory_space<vmem>>, %arg3: memref<1x128xf32, #tpu.memory_space<vmem>>, %arg4: memref<10000x128xf32, #tpu.memory_space<vmem>>, %arg5: memref<6400x64xi32, #tpu.memory_space<vmem>>, %arg6: memref<10000x128xi32, #tpu.memory_space<vmem>>, %arg7: memref<10000x128xi32, #tpu.memory_space<vmem>>) attributes {dimension_semantics = [#tpu.dimension_semantics<arbitrary>], iteration_bounds = array<i64: 50>, scalar_prefetch = 0 : i64, scratch_operands = 0 : i64, tpu.core_type = #tpu.core_type<tc>, window_params = [{transform_indices = @transform_0, window_bounds = array<i64: 6400, 16>}, {pipeline_mode = #tpu.pipeline_mode<synchronous>, transform_indices = @transform_1, window_bounds = array<i64: 272, 128>}, {pipeline_mode = #tpu.pipeline_mode<synchronous>, transform_indices = @transform_2, window_bounds = array<i64: 1, 128>}, {pipeline_mode = #tpu.pipeline_mode<synchronous>, transform_indices = @transform_3, window_bounds = array<i64: 10000, 128>}, {transform_indices = @transform_4, window_bounds = array<i64: 6400, 64>}, {pipeline_mode = #tpu.pipeline_mode<synchronous>, transform_indices = @transform_5, window_bounds = array<i64: 10000, 128>}, {pipeline_mode = #tpu.pipeline_mode<synchronous>, transform_indices = @transform_6, window_bounds = array<i64: 10000, 128>}]} {
    %get3A = arith.constant 256 : index
    %get3A_0 = arith.constant 0 : index
    %get3A_1 = vector.load %arg2[%get3A, %get3A_0] : memref<272x128xf32, #tpu.memory_space<vmem>>, vector<16x128xf32>
    %get3A_2 = arith.constant 0 : index
    %get3A_3 = arith.constant 0 : index
    %get3A_4 = vector.load %arg1[%get3A_2, %get3A_3] : memref<6400x16xf32, #tpu.memory_space<vmem>>, vector<6400x16xf32>
    %dot_general3A = arith.constant dense<0.000000e+00> : vector<6400x128xf32>
    %dot_general3A_5 = tpu.matmul %get3A_4, %get3A_1, %dot_general3A {dimension_numbers = #tpu.dot_dimension_numbers<[1], [0], [0], [1], [0, 0, 1, 1], [], []>, transpose_lhs_hint = false} : vector<6400x16xf32>, vector<16x128xf32>, vector<6400x128xf32> -> vector<6400x128xf32>
    %get3A_6 = arith.constant 0 : index
    %get3A_7 = arith.constant 0 : index
    %get3A_8 = vector.load %arg3[%get3A_6, %get3A_7] : memref<1x128xf32, #tpu.memory_space<vmem>>, vector<1x128xf32>
    %add3A = vector.broadcast %get3A_8 : vector<1x128xf32> to vector<6400x128xf32>
    %add3A_9 = arith.addf %dot_general3A_5, %add3A : vector<6400x128xf32>
    %slice3A = vector.extract_strided_slice %add3A_9 {offsets = [0, 0], sizes = [6400, 64], strides = [1, 1]} : vector<6400x128xf32> to vector<6400x64xf32>
    %slice3A_10 = vector.extract_strided_slice %add3A_9 {offsets = [0, 64], sizes = [6400, 64], strides = [1, 1]} : vector<6400x128xf32> to vector<6400x64xf32>
    %bitcast_convert_type3A = tpu.bitcast %slice3A : vector<6400x64xf32> -> vector<6400x64xi32>
    %bitcast_convert_type3A_11 = tpu.bitcast %slice3A_10 : vector<6400x64xf32> -> vector<6400x64xi32>
    %add3A_12 = arith.constant 32767 : i32
    %add3A_13 = vector.broadcast %add3A_12 : i32 to vector<6400x64xi32>
    %add3A_14 = arith.addi %bitcast_convert_type3A, %add3A_13 : vector<6400x64xi32>
    %shift_right_logical3A = arith.constant 16 : i32
    %shift_right_logical3A_15 = vector.broadcast %shift_right_logical3A : i32 to vector<6400x64xi32>
    %shift_right_logical3A_16 = arith.shrui %bitcast_convert_type3A, %shift_right_logical3A_15 : vector<6400x64xi32>
    %and3A = arith.constant 1 : i32
    %and3A_17 = vector.broadcast %and3A : i32 to vector<6400x64xi32>
    %and3A_18 = arith.andi %shift_right_logical3A_16, %and3A_17 : vector<6400x64xi32>
    %add3A_19 = arith.addi %add3A_14, %and3A_18 : vector<6400x64xi32>
    %shift_right_logical3A_20 = arith.constant 16 : i32
    %shift_right_logical3A_21 = vector.broadcast %shift_right_logical3A_20 : i32 to vector<6400x64xi32>
    %shift_right_logical3A_22 = arith.shrui %add3A_19, %shift_right_logical3A_21 : vector<6400x64xi32>
    %add3A_23 = arith.constant 32767 : i32
    %add3A_24 = vector.broadcast %add3A_23 : i32 to vector<6400x64xi32>
    %add3A_25 = arith.addi %bitcast_convert_type3A_11, %add3A_24 : vector<6400x64xi32>
    %shift_right_logical3A_26 = arith.constant 16 : i32
    %shift_right_logical3A_27 = vector.broadcast %shift_right_logical3A_26 : i32 to vector<6400x64xi32>
    %shift_right_logical3A_28 = arith.shrui %bitcast_convert_type3A_11, %shift_right_logical3A_27 : vector<6400x64xi32>
    %and3A_29 = arith.constant 1 : i32
    %and3A_30 = vector.broadcast %and3A_29 : i32 to vector<6400x64xi32>
    %and3A_31 = arith.andi %shift_right_logical3A_28, %and3A_30 : vector<6400x64xi32>
    %add3A_32 = arith.addi %add3A_25, %and3A_31 : vector<6400x64xi32>
    %shift_right_logical3A_33 = arith.constant 16 : i32
    %shift_right_logical3A_34 = vector.broadcast %shift_right_logical3A_33 : i32 to vector<6400x64xi32>
    %shift_right_logical3A_35 = arith.shrui %add3A_32, %shift_right_logical3A_34 : vector<6400x64xi32>
    %shift_left3A = arith.constant 16 : i32
    %shift_left3A_36 = vector.broadcast %shift_left3A : i32 to vector<6400x64xi32>
    %shift_left3A_37 = arith.shli %shift_right_logical3A_35, %shift_left3A_36 : vector<6400x64xi32>
    %or3A = arith.ori %shift_right_logical3A_22, %shift_left3A_37 : vector<6400x64xi32>
    %swap3A = arith.constant 0 : index
    %swap3A_38 = arith.constant 0 : index
    %swap3A_39 = vector.load %arg5[%swap3A, %swap3A_38] : memref<6400x64xi32, #tpu.memory_space<vmem>>, vector<6400x64xi32>
    tpu.vector_store %arg5[%swap3A, %swap3A_38], %or3A {strides = array<i32>} : memref<6400x64xi32, #tpu.memory_space<vmem>>, vector<6400x64xi32>,
    %eq3A = arith.constant 0 : i32
    %eq3A_40 = arith.cmpi eq, %arg0, %eq3A : i32
    %convert_element_type3A = arith.extui %eq3A_40 : i1 to i32
    %cond3A = arith.constant 0 : i32
    %cond3A_41 = arith.cmpi ne, %convert_element_type3A, %cond3A : i32
    scf.if %cond3A_41 {
      %get3A_42 = arith.constant 0 : index
      %get3A_43 = arith.constant 0 : index
      %get3A_44 = vector.load %arg4[%get3A_42, %get3A_43] : memref<10000x128xf32, #tpu.memory_space<vmem>>, vector<10000x128xf32>
      %get3A_45 = arith.constant 0 : index
      %get3A_46 = arith.constant 0 : index
      %get3A_47 = vector.load %arg2[%get3A_45, %get3A_46] : memref<272x128xf32, #tpu.memory_space<vmem>>, vector<128x128xf32>
      %dot_general3A_48 = arith.constant dense<0.000000e+00> : vector<10000x128xf32>
      %dot_general3A_49 = tpu.matmul %get3A_44, %get3A_47, %dot_general3A_48 {dimension_numbers = #tpu.dot_dimension_numbers<[1], [0], [0], [1], [0, 0, 1, 1], [], []>, transpose_lhs_hint = false} : vector<10000x128xf32>, vector<128x128xf32>, vector<10000x128xf32> -> vector<10000x128xf32>
      %get3A_50 = arith.constant 128 : index
      %get3A_51 = arith.constant 0 : index
      %get3A_52 = vector.load %arg2[%get3A_50, %get3A_51] : memref<272x128xf32, #tpu.memory_space<vmem>>, vector<128x128xf32>
      %dot_general3A_53 = arith.constant dense<0.000000e+00> : vector<10000x128xf32>
      %dot_general3A_54 = tpu.matmul %get3A_44, %get3A_52, %dot_general3A_53 {dimension_numbers = #tpu.dot_dimension_numbers<[1], [0], [0], [1], [0, 0, 1, 1], [], []>, transpose_lhs_hint = false} : vector<10000x128xf32>, vector<128x128xf32>, vector<10000x128xf32> -> vector<10000x128xf32>
      %slice3A_55 = vector.extract_strided_slice %dot_general3A_49 {offsets = [0, 0], sizes = [10000, 64], strides = [1, 1]} : vector<10000x128xf32> to vector<10000x64xf32>
      %slice3A_56 = vector.extract_strided_slice %dot_general3A_49 {offsets = [0, 64], sizes = [10000, 64], strides = [1, 1]} : vector<10000x128xf32> to vector<10000x64xf32>
      %bitcast_convert_type3A_57 = tpu.bitcast %slice3A_55 : vector<10000x64xf32> -> vector<10000x64xi32>
      %bitcast_convert_type3A_58 = tpu.bitcast %slice3A_56 : vector<10000x64xf32> -> vector<10000x64xi32>
      %add3A_59 = arith.constant 32767 : i32
      %add3A_60 = vector.broadcast %add3A_59 : i32 to vector<10000x64xi32>
      %add3A_61 = arith.addi %bitcast_convert_type3A_57, %add3A_60 : vector<10000x64xi32>
      %shift_right_logical3A_62 = arith.constant 16 : i32
      %shift_right_logical3A_63 = vector.broadcast %shift_right_logical3A_62 : i32 to vector<10000x64xi32>
      %shift_right_logical3A_64 = arith.shrui %bitcast_convert_type3A_57, %shift_right_logical3A_63 : vector<10000x64xi32>
      %and3A_65 = arith.constant 1 : i32
      %and3A_66 = vector.broadcast %and3A_65 : i32 to vector<10000x64xi32>
      %and3A_67 = arith.andi %shift_right_logical3A_64, %and3A_66 : vector<10000x64xi32>
      %add3A_68 = arith.addi %add3A_61, %and3A_67 : vector<10000x64xi32>
      %shift_right_logical3A_69 = arith.constant 16 : i32
      %shift_right_logical3A_70 = vector.broadcast %shift_right_logical3A_69 : i32 to vector<10000x64xi32>
      %shift_right_logical3A_71 = arith.shrui %add3A_68, %shift_right_logical3A_70 : vector<10000x64xi32>
      %add3A_72 = arith.constant 32767 : i32
      %add3A_73 = vector.broadcast %add3A_72 : i32 to vector<10000x64xi32>
      %add3A_74 = arith.addi %bitcast_convert_type3A_58, %add3A_73 : vector<10000x64xi32>
      %shift_right_logical3A_75 = arith.constant 16 : i32
      %shift_right_logical3A_76 = vector.broadcast %shift_right_logical3A_75 : i32 to vector<10000x64xi32>
      %shift_right_logical3A_77 = arith.shrui %bitcast_convert_type3A_58, %shift_right_logical3A_76 : vector<10000x64xi32>
      %and3A_78 = arith.constant 1 : i32
      %and3A_79 = vector.broadcast %and3A_78 : i32 to vector<10000x64xi32>
      %and3A_80 = arith.andi %shift_right_logical3A_77, %and3A_79 : vector<10000x64xi32>
      %add3A_81 = arith.addi %add3A_74, %and3A_80 : vector<10000x64xi32>
      %shift_right_logical3A_82 = arith.constant 16 : i32
      %shift_right_logical3A_83 = vector.broadcast %shift_right_logical3A_82 : i32 to vector<10000x64xi32>
      %shift_right_logical3A_84 = arith.shrui %add3A_81, %shift_right_logical3A_83 : vector<10000x64xi32>
      %shift_left3A_85 = arith.constant 16 : i32
      %shift_left3A_86 = vector.broadcast %shift_left3A_85 : i32 to vector<10000x64xi32>
      %shift_left3A_87 = arith.shli %shift_right_logical3A_84, %shift_left3A_86 : vector<10000x64xi32>
      %or3A_88 = arith.ori %shift_right_logical3A_71, %shift_left3A_87 : vector<10000x64xi32>
      %slice3A_89 = vector.extract_strided_slice %dot_general3A_54 {offsets = [0, 0], sizes = [10000, 64], strides = [1, 1]} : vector<10000x128xf32> to vector<10000x64xf32>
      %slice3A_90 = vector.extract_strided_slice %dot_general3A_54 {offsets = [0, 64], sizes = [10000, 64], strides = [1, 1]} : vector<10000x128xf32> to vector<10000x64xf32>
      %bitcast_convert_type3A_91 = tpu.bitcast %slice3A_89 : vector<10000x64xf32> -> vector<10000x64xi32>
      %bitcast_convert_type3A_92 = tpu.bitcast %slice3A_90 : vector<10000x64xf32> -> vector<10000x64xi32>
      %add3A_93 = arith.constant 32767 : i32
      %add3A_94 = vector.broadcast %add3A_93 : i32 to vector<10000x64xi32>
      %add3A_95 = arith.addi %bitcast_convert_type3A_91, %add3A_94 : vector<10000x64xi32>
      %shift_right_logical3A_96 = arith.constant 16 : i32
      %shift_right_logical3A_97 = vector.broadcast %shift_right_logical3A_96 : i32 to vector<10000x64xi32>
      %shift_right_logical3A_98 = arith.shrui %bitcast_convert_type3A_91, %shift_right_logical3A_97 : vector<10000x64xi32>
      %and3A_99 = arith.constant 1 : i32
      %and3A_100 = vector.broadcast %and3A_99 : i32 to vector<10000x64xi32>
      %and3A_101 = arith.andi %shift_right_logical3A_98, %and3A_100 : vector<10000x64xi32>
      %add3A_102 = arith.addi %add3A_95, %and3A_101 : vector<10000x64xi32>
      %shift_right_logical3A_103 = arith.constant 16 : i32
      %shift_right_logical3A_104 = vector.broadcast %shift_right_logical3A_103 : i32 to vector<10000x64xi32>
      %shift_right_logical3A_105 = arith.shrui %add3A_102, %shift_right_logical3A_104 : vector<10000x64xi32>
      %add3A_106 = arith.constant 32767 : i32
      %add3A_107 = vector.broadcast %add3A_106 : i32 to vector<10000x64xi32>
      %add3A_108 = arith.addi %bitcast_convert_type3A_92, %add3A_107 : vector<10000x64xi32>
      %shift_right_logical3A_109 = arith.constant 16 : i32
      %shift_right_logical3A_110 = vector.broadcast %shift_right_logical3A_109 : i32 to vector<10000x64xi32>
      %shift_right_logical3A_111 = arith.shrui %bitcast_convert_type3A_92, %shift_right_logical3A_110 : vector<10000x64xi32>
      %and3A_112 = arith.constant 1 : i32
      %and3A_113 = vector.broadcast %and3A_112 : i32 to vector<10000x64xi32>
      %and3A_114 = arith.andi %shift_right_logical3A_111, %and3A_113 : vector<10000x64xi32>
      %add3A_115 = arith.addi %add3A_108, %and3A_114 : vector<10000x64xi32>
      %shift_right_logical3A_116 = arith.constant 16 : i32
      %shift_right_logical3A_117 = vector.broadcast %shift_right_logical3A_116 : i32 to vector<10000x64xi32>
      %shift_right_logical3A_118 = arith.shrui %add3A_115, %shift_right_logical3A_117 : vector<10000x64xi32>
      %shift_left3A_119 = arith.constant 16 : i32
      %shift_left3A_120 = vector.broadcast %shift_left3A_119 : i32 to vector<10000x64xi32>
      %shift_left3A_121 = arith.shli %shift_right_logical3A_118, %shift_left3A_120 : vector<10000x64xi32>
      %or3A_122 = arith.ori %shift_right_logical3A_105, %shift_left3A_121 : vector<10000x64xi32>
      %concatenate3A = tpu.concatenate %or3A_88, %or3A_88 in 1 : vector<10000x64xi32>, vector<10000x64xi32> -> vector<10000x128xi32>
      %swap3A_123 = arith.constant 0 : index
      %swap3A_124 = arith.constant 0 : index
      %swap3A_125 = vector.load %arg6[%swap3A_123, %swap3A_124] : memref<10000x128xi32, #tpu.memory_space<vmem>>, vector<10000x128xi32>
      tpu.vector_store %arg6[%swap3A_123, %swap3A_124], %concatenate3A {strides = array<i32>} : memref<10000x128xi32, #tpu.memory_space<vmem>>, vector<10000x128xi32>,
      %concatenate3A_126 = tpu.concatenate %or3A_122, %or3A_122 in 1 : vector<10000x64xi32>, vector<10000x64xi32> -> vector<10000x128xi32>
      %swap3A_127 = arith.constant 0 : index
      %swap3A_128 = arith.constant 0 : index
      %swap3A_129 = vector.load %arg7[%swap3A_127, %swap3A_128] : memref<10000x128xi32, #tpu.memory_space<vmem>>, vector<10000x128xi32>
      tpu.vector_store %arg7[%swap3A_127, %swap3A_128], %concatenate3A_126 {strides = array<i32>} : memref<10000x128xi32, #tpu.memory_space<vmem>>, vector<10000x128xi32>,
    } else {
    }
    return
  }
  func.func @transform_0(%arg0: i32) -> (i32, i32) {
    %c0_i32 = arith.constant 0 : i32
    %c0_i32_0 = arith.constant 0 : i32
    return %arg0, %c0_i32 : i32, i32
  }
  func.func @transform_1(%arg0: i32) -> (i32, i32) {
    %c0_i32 = arith.constant 0 : i32
    %c0_i32_0 = arith.constant 0 : i32
    %c0_i32_1 = arith.constant 0 : i32
    return %c0_i32, %c0_i32_0 : i32, i32
  }
  func.func @transform_2(%arg0: i32) -> (i32, i32) {
    %c0_i32 = arith.constant 0 : i32
    %c0_i32_0 = arith.constant 0 : i32
    %c0_i32_1 = arith.constant 0 : i32
    return %c0_i32, %c0_i32_0 : i32, i32
  }
  func.func @transform_3(%arg0: i32) -> (i32, i32) {
    %c0_i32 = arith.constant 0 : i32
    %c0_i32_0 = arith.constant 0 : i32
    %c0_i32_1 = arith.constant 0 : i32
    return %c0_i32, %c0_i32_0 : i32, i32
  }
  func.func @transform_4(%arg0: i32) -> (i32, i32) {
    %c0_i32 = arith.constant 0 : i32
    %c0_i32_0 = arith.constant 0 : i32
    return %arg0, %c0_i32 : i32, i32
  }
  func.func @transform_5(%arg0: i32) -> (i32, i32) {
    %c0_i32 = arith.constant 0 : i32
    %c0_i32_0 = arith.constant 0 : i32
    %c0_i32_1 = arith.constant 0 : i32
    return %c0_i32, %c0_i32_0 : i32, i32
  }
  func.func @transform_6(%arg0: i32) -> (i32, i32) {
    %c0_i32 = arith.constant 0 : i32
    %c0_i32_0 = arith.constant 0 : i32
    %c0_i32_1 = arith.constant 0 : i32
    return %c0_i32, %c0_i32_0 : i32, i32
  }
}

module attributes {stable_mosaic.version = 14 : i64} {
  func.func @_final_body(%arg0: memref<32x10000xf32, #tpu.memory_space<vmem>>, %arg1: memref<1x1xf32, #tpu.memory_space<vmem>>, %arg2: memref<1x10000xf32, #tpu.memory_space<vmem>>) attributes {dimension_semantics = [], scalar_prefetch = 0 : i64, scratch_operands = 0 : i64, tpu.core_type = #tpu.core_type<tc>} {
    %get3A = arith.constant 0 : index
    %get3A_0 = arith.constant 0 : index
    %get3A_1 = vector.load %arg0[%get3A, %get3A_0] : memref<32x10000xf32, #tpu.memory_space<vmem>>, vector<32x10000xf32>
    %reduce_sum3A = arith.constant dense<0.000000e+00> : vector<10000xf32>
    %reduce_sum3A_2 = vector.multi_reduction <add>, %get3A_1, %reduce_sum3A [0] : vector<32x10000xf32> to vector<10000xf32>
    %broadcast_in_dim3A = vector.shape_cast %reduce_sum3A_2 : vector<10000xf32> to vector<1x10000xf32>
    %get3A_3 = arith.constant 0 : index
    %get3A_4 = arith.constant 0 : index
    %get3A_5 = vector.load %arg1[%get3A_3, %get3A_4] : memref<1x1xf32, #tpu.memory_space<vmem>>, vector<1x1xf32>
    %add3A = vector.broadcast %get3A_5 : vector<1x1xf32> to vector<1x10000xf32>
    %add3A_6 = arith.addf %broadcast_in_dim3A, %add3A : vector<1x10000xf32>
    %swap3A = arith.constant 0 : index
    %swap3A_7 = arith.constant 0 : index
    %swap3A_8 = vector.load %arg2[%swap3A, %swap3A_7] : memref<1x10000xf32, #tpu.memory_space<vmem>>, vector<1x10000xf32>
    tpu.vector_store %arg2[%swap3A, %swap3A_7], %add3A_6 {strides = array<i32>} : memref<1x10000xf32, #tpu.memory_space<vmem>>, vector<1x10000xf32>,
    return
  }
}

</mosaic_0001>

<sc_bundles>
// kernel: kernel.5.cloned.1.call-start
scs
__scs_entry_jumppad:
0x0: {  	(pc) =	sbr.rel $0x88, $3  }
0x1: {  	(tag) =	ssettag $0x0;
	lr =	simm.s32 $0x1  }
0x2: {  	[smem:$0x3F9A] =	sst lr;
	_ =	strace $0xD0000000  }
0x3: {  	_ = 	snop  }
0x4: {  	_ = 	snop  }
0x5: {  	_ = 	snop  }
0x6: {  	_ = 	snop  }
0x7: {  	_ = 	snop  }
__scs_overlays_trampoline_lowered:
0x8: {  	[smem:$0x3FA9] =	sst s0  }
0x9: {  	[smem:$0x3FAA] =	sst s1  }
0xa: {  	[smem:$0x3FAB] =	sst s2  }
0xb: {  	[smem:$0x3FAC] =	sst s3  }
0xc: {  	[smem:$0x3FAD] =	sst s4  }
0xd: {  	[smem:$0x3FAE] =	sst s5  }
0xe: {  	[smem:$0x3FAF] =	sst s6  }
0xf: {  	[smem:$0x3FB0] =	sst s7  }
0x10: {  	[smem:$0x3FB1] =	sst s8  }
0x11: {  	[smem:$0x3FB2] =	sst s9;
	s0 =	simm.s32 @!p0 $0x0  }
0x12: {  	s1 =	sld [smem:$0x3F98];
	s0 =	simm.s32 @p0 $0x1  }
0x13: {  	[smem:$0x3FB3] =	sst s0;
	s0 =	simm.s32 @!p1 $0x0  }
0x14: {  	s2 =	sld [smem:$0x3F97];
	s0 =	simm.s32 @p1 $0x1  }
0x15: {  	[smem:$0x3FB4] =	sst s0;
	s0 =	simm.s32 @!p2 $0x0  }
0x16: {  	s3 =	sld [smem:$0x3FDB];
	s0 =	simm.s32 @p2 $0x1  }
0x17: {  	s4 =	simm.s32 $0x1BF5;
	[smem:$0x3FB6] =	sst s0  }
0x18: {  	s0 =	sld [smem:$0x3F99];
	_ =	swait.ge [sflag:s4], $0x0  }
0x19: {  	s7 =	sld [smem:$0x3F9A]  }
0x1a: {  	s8 =	sadd.s32 $0xFFFFE003, lr  }
0x1b: {  	s9 =	sadd.s32 $0xFFFFFEF7, lr;
	s5 =	simm.s32 $0xFFFFFFFF;
	p2 =	slt.u32 s8, $0xFFFFF086  }
0x1c: {  	p1 =	slt.u32 s9, $0xF7A;
	s5 =	simm.s32 @!p2 $0x0  }
0x1d: {  	s5 =	simm.s32 @p1 $0x1;
	p0 =	seq.s32 s7, s2  }
0x1e: {  	s7 =	smul.u32 @!p0 $0xF7A, s2;
	p2 =	seq.s32 @!p0 s5, $0x0  }
0x1f: {  	s9 =	smul.u32 $0xF7A, s1;
	s8 =	simm.s32 @!p0 $0x1BF5;
	p2 =	por !p2, p0  }
0x20: {  	[sflag:s8] =	ssyncset.s32 @!p0 $0xFFFFF086;
	s6 =	sadd.s32 @!p0 s3, s7;
	s7 =	simm.s32 @!p0 $0x108  }
0x21: {  	s3 =	sadd.s32 s3, s9;
	s6 =	sadd.s32 @!p0 $0x88, s6;
	s7 =	simm.s32 @p2 $0x1082  }
0x22: {  	[simem:s7], [sflag:s8] =	dma.local @!p0 [hbm:s6], $0xF7A  }
0x23: {  	s9 =	sor.u32 $0xD0000000, s2;
	s6 =	simm.s32 $0x108;
	_ =	swait.ge @!p0 [sflag:s8], $0x0  }
0x24: {  	s3 =	sadd.s32 $0x88, s3;
	s6 =	simm.s32 @!p1 $0x1082;
	[sflag:s4] =	ssyncset.s32 $0xFFFFF086  }
0x25: {  	[simem:s6], [sflag:s4] =	dma.local [hbm:s3], $0xF7A  }
0x26: {  	[smem:$0x3F9A] =	sst s1;
	(tag) =	ssettag s2;
	_ =	strace s9  }
0x27: {  	s1 =	sld [smem:$0x3FAA]  }
0x28: {  	s2 =	sld [smem:$0x3FAB]  }
0x29: {  	s4 =	sld [smem:$0x3FAD]  }
0x2a: {  	p0 =	seq.s32 s5, $0x0;
	s5 =	sld [smem:$0x3FAE]  }
0x2b: {  	s6 =	sld [smem:$0x3FAF]  }
0x2c: {  	s7 =	sld [smem:$0x3FB0]  }
0x2d: {  	s3 =	simm.s32 $0x108;
	s8 =	sld [smem:$0x3FB1]  }
0x2e: {  	s3 =	simm.s32 @!p0 $0x1082;
	s9 =	sld [smem:$0x3FB2]  }
0x2f: {  	lr =	sadd.s32 s0, s3;
	s0 =	sld [smem:$0x3FA9]  }
0x30: {  	s3 =	sld [smem:$0x3FAC]  }
0x31: {  	[smem:$0x3FB5] =	sst s10  }
0x32: {  	s10 =	sld [smem:$0x3FB3];
	_ =	sdelay $0x3  }
0x33: {  	p0 =	seq.s32 s10, $0x1;
	s10 =	sld [smem:$0x3FB5];
	_ =	sdelay $0x3  }
0x34: {  	[smem:$0x3FB5] =	sst s10  }
0x35: {  	s10 =	sld [smem:$0x3FB4];
	_ =	sdelay $0x3  }
0x36: {  	p1 =	seq.s32 s10, $0x1;
	s10 =	sld [smem:$0x3FB5];
	_ =	sdelay $0x3  }
0x37: {  	[smem:$0x3FB5] =	sst s10  }
0x38: {  	s10 =	sld [smem:$0x3FB6]  }
0x39: {  	_ = 	snop;
	(pc) =	sbr.ind lr, $3  }
0x3a: {  	_ = 	snop  }
0x3b: {  	_ = 	snop  }
0x3c: {  	p2 =	seq.s32 s10, $0x1;
	s10 =	sld [smem:$0x3FB5]  }
0x3d: {  	_ =	shalt  }
0x3e: {  	_ =	shalt  }
0x3f: {  	_ =	shalt  }
0x40: {  	_ =	shalt  }
0x41: {  	_ =	shalt  }
0x42: {  	_ =	shalt  }
0x43: {  	_ =	shalt  }
0x44: {  	_ =	shalt  }
0x45: {  	_ =	shalt  }
0x46: {  	_ =	shalt  }
0x47: {  	_ =	shalt  }
0x48: {  	_ =	shalt  }
0x49: {  	_ =	shalt  }
0x4a: {  	_ =	shalt  }
0x4b: {  	_ =	shalt  }
0x4c: {  	_ =	shalt  }
0x4d: {  	_ =	shalt  }
0x4e: {  	_ =	shalt  }
0x4f: {  	_ =	shalt  }
0x50: {  	_ =	shalt  }
0x51: {  	_ =	shalt  }
0x52: {  	_ =	shalt  }
0x53: {  	_ =	shalt  }
0x54: {  	_ =	shalt  }
0x55: {  	_ =	shalt  }
0x56: {  	_ =	shalt  }
0x57: {  	_ =	shalt  }
0x58: {  	_ =	shalt  }
0x59: {  	_ =	shalt  }
0x5a: {  	_ =	shalt  }
0x5b: {  	_ =	shalt  }
0x5c: {  	_ =	shalt  }
0x5d: {  	_ =	shalt  }
0x5e: {  	_ =	shalt  }
0x5f: {  	_ =	shalt  }
0x60: {  	_ =	shalt  }
0x61: {  	_ =	shalt  }
0x62: {  	_ =	shalt  }
0x63: {  	_ =	shalt  }
0x64: {  	_ =	shalt  }
0x65: {  	_ =	shalt  }
0x66: {  	_ =	shalt  }
0x67: {  	_ =	shalt  }
0x68: {  	_ =	shalt  }
0x69: {  	_ =	shalt  }
0x6a: {  	_ =	shalt  }
0x6b: {  	_ =	shalt  }
0x6c: {  	_ =	shalt  }
0x6d: {  	_ =	shalt  }
0x6e: {  	_ =	shalt  }
0x6f: {  	_ =	shalt  }
0x70: {  	_ =	shalt  }
0x71: {  	_ =	shalt  }
0x72: {  	_ =	shalt  }
0x73: {  	_ =	shalt  }
0x74: {  	_ =	shalt  }
0x75: {  	_ =	shalt  }
0x76: {  	_ =	shalt  }
0x77: {  	_ =	shalt  }
0x78: {  	_ =	shalt  }
0x79: {  	_ =	shalt  }
0x7a: {  	_ =	shalt  }
0x7b: {  	_ =	shalt  }
0x7c: {  	_ =	shalt  }
0x7d: {  	_ =	shalt  }
0x7e: {  	_ =	shalt  }
0x7f: {  	_ =	shalt  }
0x80: {  	_ =	shalt  }
0x81: {  	_ =	shalt  }
0x82: {  	_ =	shalt  }
0x83: {  	_ =	shalt  }
0x84: {  	_ =	shalt  }
0x85: {  	_ =	shalt  }
0x86: {  	_ =	shalt  }
0x87: {  	_ =	shalt  }
.Lfunc_end0:
.L_simem_size_0:
called_computation_lowered:
.L_overlay_start_0:
0x88: {  	s2 =	sld [smem:$0x3FD9]  }
0x89: {  	s3 =	sld [smem:$0x3FFE];
	_ =	sdelay $0x1  }
0x8a: {  	s1 =	srdreg.scid  }
0x8b: {  	s0 =	sand.u32 $0x1, s1  }
0x8c: {  	s17 =	sshll.u32 s0, $0xA;
	s2 =	sadd.s32 s3, s2  }
0x8d: {  	s2 =	sadd.s32 s2, s17  }
0x8e: {  	[smem:$0x3FC1] =	sst s2  }
0x8f: {  	_ = 	snop  }
0x90: {  	s2 =	sld [smem:$0x3FC4];
	(tm) =	ssettm $0x1  }
0x91: {  	s18 =	sld [smem:$0x3FFB];
	_ =	sdelay $0x3  }
0x92: {  	_ =	strace s18  }
0x93: {  	s3 =	sld [smem:$0x3FFC];
	_ =	sdelay $0x3  }
0x94: {  	_ =	strace s3  }
0x95: {  	s3 =	sld [smem:$0x3FFD];
	_ =	sdelay $0x3  }
0x96: {  	_ =	strace s3  }
0x97: {  	_ =	strace $0x8FFFFFFF  }
0x98: {  	s19 =	sld [smem:$0x3FDB];
	_ =	sdelay $0x1  }
0x99: {  	s4 =	simm.s32 $_scs_section_size  }
0x9a: {  	s5 =	simm.s32 $_size__tile_overlayer_lowered;
	s6 =	simm.s32 $_tile_overlayer_lowered  }
0x9b: {  	s22 =	simm.s32 $0x1BFF;
	s21 =	sshll.u32 s6, $0x1;
	s3 =	sadd.s32 s4, s19  }
0x9c: {  	s7 =	simm.s32 $0x0;
	s20 =	sshll.u32 s5, $0x1;
	s5 =	sadd.s32 s21, s3  }
0x9d: {  	[timem:s7], [sflag:s22] =	dma.local [hbm:s5], s20  }
0x9e: {  	_ =	swait.ge [sflag:s22], s20  }
0x9f: {  	s4 =	ssub.s32 $0x0, s20;
	[sflag:s22] =	ssyncset.done $0x0  }
0xa0: {  	[sflag:s22] =	ssyncadd.s32 s4;
	_ =	sdelay $0x1  }
0xa1: {  	s23 =	simm.s32 $0x1B8B  }
0xa2: {  	_ =	swait.ge [sflag:s23], $0x1  }
0xa3: {  	[sflag:s23] =	ssyncset.done $0x0  }
0xa4: {  	s25 =	simm.s32 $0x1B8E;
	s24 =	sld [smem:$0x3FFE];
	[sflag:s23] =	ssyncadd.s32 $0xFFFFFFFF  }
0xa5: {  	s26 =	simm.s32 $execute0_lowered;
	[smem:$0x3FD2] =	sst s25  }
0xa6: {  	s5 =	sshll.u32 s26, $0x1;
	_ =	strace $0x80000046;
	[dreg:$0x1] =	wrdreg $0xFFFFFFFF  }
0xa7: {  	s28 =	simm.s32 $_size_execute0_lowered;
	s3 =	sadd.s32 s3, s5;
	[dreg:$0x0] =	wrdreg $0x0  }
0xa8: {  	s5 =	sshll.u32 s28, $0x1;
	[dreg:$0x2] =	wrdreg s3  }
0xa9: {  	[dreg:$0x3] =	wrdreg s5  }
0xaa: {  	[dreg:$0x4] =	wrdreg $0xC0  }
0xab: {  	_ =	task [dreg:s7], $0x5FFFF  }
0xac: {  	[dreg:$0x1] =	wrdreg $0xFFFFFFFF  }
0xad: {  	[dreg:$0x0] =	wrdreg $0x60  }
0xae: {  	[dreg:$0x2] =	wrdreg s24  }
0xaf: {  	[dreg:$0x3] =	wrdreg s2  }
0xb0: {  	[dreg:$0x4] =	wrdreg $0x9  }
0xb1: {  	_ =	task.clear_ibuf [dreg:s7], $0x5FFFF;
	_ =	strace $0x90000046  }
0xb2: {  	s29 =	simm.s32 $0x9;
	_ =	strace $0x80000048  }
0xb3: {  	_ =	swait.ge [sflag:s29], $0x1  }
0xb4: {  	[sflag:s29] =	ssyncadd.s32 $0xFFFFFFFF  }
0xb5: {  	_ =	strace $0x90000048  }
0xb6: {  	_ =	sfence  }
0xb7: {  	s30 =	sld [smem:$0x0];
	_ =	sdelay $0x2  }
0xb8: {  	s31 =	sshll.u32 s1, $0xD;
	s1 =	sshrl.u32 s1, $0x2  }
0xb9: {  	s3 =	sand.u32 $0x4000, s31;
	s1 =	sadd.s32 s1, s30  }
0xba: {  	s0 =	sor.u32 s3, s0;
	s1 =	sshll.u32 s1, $0x11  }
0xbb: {  	s0 =	sor.u32 s1, s0  }
0xbc: {  	s0 =	sadd.s32 $0x8F2B, s0  }
0xbd: {  	[sflag:s0] =	ssyncadd.remote.s32 $0x1  }
0xbe: {  	_ =	sfence.sel $0xFFFF  }
0xbf: {  	[dreg:$0x0] =	wrdreg $0xFFFFFFFF;
	(pc) =	sbr.abs _section_cstart, $3  }
0xc0: {  	[dreg:$0x1] =	wrdreg $0xFFFFFFFF  }
0xc1: {  	_ =	task.clear_ibuf [dreg:s7], $0x2FFFF;
	_ =	strace $0x9FFFFFFF  }
0xc2: {  	(tm) =	ssettm $0x7FFFFFFF  }
0xc3: {  	_ =	shalt  }
tec
execute0_lowered:
.L_overlay_start_1:
0x0: {  	(tag) =	ssettag $0x1  }
0x1: {  	s0 =	rddreg [dreg:$0x0];
	s1 =	srdreg.scid  }
0x2: {  	s5 =	stileid.u32;
	s3 =	simm.s32 $0x0;
	s13 =	simm.s32 $0x7  }
0x3: {  	s14 =	simm.s32 $0x2780;
	s16 =	simm.s32 $0x50;
	s20 =	simm.s32 $0x1  }
0x4: {  	s21 =	simm.s32 $0x2;
	s22 =	simm.s32 $0x3;
	s23 =	simm.s32 $0x14100  }
0x5: {  	s24 =	simm.s32 $0x13F80;
	s25 =	simm.s32 $0x4;
	s26 =	simm.s32 $0x5  }
0x6: {  	s28 =	simm.s32 $0x6;
	s31 =	simm.s32 $0x0;
	s1 =	sand.u32 $0x1, s1  }
0x7: {  	s2 =	sshll.u32 s5, $0x1;
	[smem:$0x7FF] =	sst s3;
	s5 =	sshrl.u32 s5, $0x2  }
0x8: {  	v0 =	vlaneseq.u32;
	s6 =	sadd.s32 $0x28400, s0;
	s2 =	sor.u32 s1, s2;
	s8 =	smul.u32 $0x13C00, s5  }
0x9: {  	v0 =	vmul.u32 $0x11, v0;
	_ =	strace $0x80000047;
	s5 =	sadd.s32 $0x1200, s0;
	s4 =	smul.u32 $0x2710, s2  }
0xa: {  	v1 =	vimm.f32 $0.0e+00;
	v2 =	vimm.bf16 $0.0e+00;
	s1 =	ssub.s32 $0x2, s1;
	s7 =	sshll.u32 s2, $0x7;
	s2 =	smul.u32 $0x27100, s2  }
.Ltmp0:
0xb: {  	s30 =	sshrl.u32 s1, $0x1;
	v3 =	vadd.s32 $0x1, v0;
	v4 =	vadd.s32 $0x2, v0;
	v5 =	vadd.s32 $0x3, v0;
	s9 =	sand.u32 $0x380, s7;
	(pc) =	sbr.rel .LBB2_1-.Ltmp0, $4  }
0xc: {  	v6 =	vadd.s32 $0x4, v0;
	v7 =	vadd.s32 $0x5, v0;
	v8 =	vadd.s32 $0x6, v0;
	s7 =	sadd.s32 $0x4F6E00, s0;
	s1 =	ssub.s32 s1, s30;
	s8 =	sor.u32 s8, s9  }
0xd: {  	v9 =	vadd.s32 $0x7, v0;
	v11 =	vadd.s32 $0x9, v0;
	v12 =	vadd.s32 $0xA, v0;
	s10 =	sshrl.u32 s4, $0x3;
	s12 =	smax.u32 s1, $0x1;
	s8 =	sshrl.u32 s8, $0x3  }
0xe: {  	v13 =	vadd.s32 $0xB, v0;
	v14 =	vadd.s32 $0xC, v0;
	v15 =	vadd.s32 $0xD, v0;
	s29 =	sadd.s32 s10, s0;
	s10 =	sadd.s32 s7, s2;
	s0 =	sadd.s32 s8, s0  }
0xf: {  	v10 =	vadd.s32 $0x8, v0;
	v16 =	vadd.s32 $0xE, v0;
	v17 =	vadd.s32 $0xF, v0;
	s8 =	sadd.s32 $0x4ED000, s29;
	s9 =	sadd.s32 $0x4E3200, s29;
	s11 =	sadd.s32 $0x4F600, s0  }
.LBB2_27:
0x10: {  	s31 =	sadd.s32 $0x1, s31  }
0x11: {  	p0 =	sne.s32 s31, s12  }
.Ltmp1:
0x12: {  	s0 =	simm.s32 $0x80;
	s1 =	simm.s32 $0x400;
	(pc) =	sbr.rel @!p0 .LBB2_28-.Ltmp1, $4  }
0x13: {  	[hbm4b:s11+s0] =	stream.strided.scatter [tilespmem:s23], [sflag:$0x7], $0x2780, s1, s0, $0x38;
	[tilespmem:$0x16880] =	vst v63  }
0x14: {  	_ =	swait.ge [sflag:s13], $0x2780  }
0x15: {  	[sflag:s13] =	ssyncset.done $0x0  }
0x16: {  	[sflag:s13] =	ssyncadd.s32 $0xFFFFD880  }
.LBB2_1:
0x17: {  	[tilespmem:s3], [sflag:$0x7] =	stream.linear.gather [hbm4b:s8+s3], $0x2710, $0x38;
	[tilespmem:$0x16880] =	vst v63  }
0x18: {  	_ =	swait.ge [sflag:s13], $0x2710  }
0x19: {  	[sflag:s13] =	ssyncset.done $0x0  }
0x1a: {  	[sflag:s13] =	ssyncadd.s32 $0xFFFFD8F0  }
0x1b: {  	[tilespmem:s14], [sflag:$0x7] =	stream.linear.gather [hbm4b:s9+s3], $0x2710, $0x38;
	[tilespmem:$0x16880] =	vst v63  }
0x1c: {  	_ =	swait.ge [sflag:s13], $0x2710  }
0x1d: {  	[sflag:s13] =	ssyncset.done $0x0  }
0x1e: {  	[sflag:s13] =	ssyncadd.s32 $0xFFFFD8F0  }
0x1f: {  	s1 =	simm.s32 $0x13F00;
	s0 =	rddreg [dreg:$0x1]  }
0x20: {  	[tilespmem:s1], [sflag:$0x7] =	stream.linear.gather [hbm4b:s0+s3], $0x80, $0x38;
	[tilespmem:$0x16880] =	vst v63  }
0x21: {  	_ =	swait.ge [sflag:s13], $0x80  }
0x22: {  	[sflag:s13] =	ssyncset.done $0x0  }
0x23: {  	s0 =	simm.s32 $0x40;
	s1 =	simm.s32 $0x0;
	[sflag:s13] =	ssyncadd.s32 $0xFFFFFF80  }
.LBB2_2:
0x24: {  	p0 =	sne.s32 s0, $0x9C00;
	[tilespmem:s1+$0x14100] =	vst v1;
	s1 =	smov.u32 s0;
	s0 =	sadd.s32 $0x40, s0  }
.Ltmp2:
0x25: {  	(pc) =	sbr.rel @p0 .LBB2_2-.Ltmp2, $2  }
0x26: {  	_ =	sdelay $0x2  }
0x27: {  	s1 =	sshra.s32 s1, $0x2  }
0x28: {  	[tilespmem:s1+$0x14100] =	vst v1  }
0x29: {  	v18 =	vld [tilespmem:$0x13F00]  }
0x2a: {  	v19 =	vld [tilespmem:$0x13F10]  }
0x2b: {  	v20 =	vld [tilespmem:$0x13F20]  }
0x2c: {  	v21 =	vld [tilespmem:$0x13F30]  }
0x2d: {  	v22 =	vld [tilespmem:$0x13F40]  }
0x2e: {  	v23 =	vld [tilespmem:$0x13F50]  }
0x2f: {  	s0 =	simm.s32 $0x4F00;
	v24 =	vld [tilespmem:$0x13F60]  }
0x30: {  	v25 =	vld [tilespmem:$0x13F70];
	[tilespmem:s0], [sflag:$0x1] =	stream.indirect.gather [hbm4b:s5+s16], $0x80, s14, s16, $0xb8  }
.Ltmp3:
0x31: {  	_ = 	snop;
	(pc) =	sbr.rel .LBB2_4-.Ltmp3, $4  }
0x32: {  	s1 =	simm.s32 $0x0;
	s29 =	simm.s32 $0x7700  }
0x33: {  	[tilespmem:s29], [sflag:$0x2] =	stream.indirect.gather [hbm4b:s6+s16], $0x80, s1, s16, $0xb8;
	[tilespmem:$0x16880] =	vst v63  }
0x34: {  	s30 =	simm.s32 $0x9F00  }
0x35: {  	[tilespmem:s30], [sflag:$0x3] =	stream.linear.gather [hbm4b:s10+s1], $0x2800, $0x38;
	[tilespmem:$0x16880] =	vst v63  }
.LBB2_26:
0x36: {  	s1 =	sadd.s32 $0x1, s1  }
0x37: {  	p0 =	sne.s32 s1, $0x3F  }
.Ltmp4:
0x38: {  	_ = 	snop;
	(pc) =	sbr.rel @!p0 .LBB2_27-.Ltmp4, $1  }
0x39: {  	_ =	sdelay $0x3  }
.LBB2_4:
0x3a: {  	s0 =	sshllo.u32 s1, $0x1  }
0x3b: {  	p0 =	sgt.u32 s0, $0x7C  }
0x3c: {  	s2 =	smul.u32 @!p0 $0x50, s0;
	_ =	sdelay $0x1  }
0x3d: {  	s17 =	simm.s32 @!p0 $0x50;
	s18 =	simm.s32 @!p0 $0xC700;
	s15 =	sadd.s32 @!p0 $0x2780, s2  }
0x3e: {  	[tilespmem:s18], [sflag:$0x4] =	stream.indirect.gather @!p0 [hbm4b:s5+s17], $0x80, s15, s17, $0xb8;
	[tilespmem:$0x16880] =	vst v63  }
0x3f: {  	s15 =	simm.s32 @!p0 $0xEF00  }
0x40: {  	[tilespmem:s15], [sflag:$0x5] =	stream.indirect.gather @!p0 [hbm4b:s6+s17], $0x80, s2, s17, $0xb8;
	[tilespmem:$0x16880] =	vst v63  }
0x41: {  	s2 =	sadd.s32 @!p0 s4, s2  }
0x42: {  	s2 =	sshll.u32 @!p0 s2, $0x4  }
0x43: {  	s15 =	simm.s32 @!p0 $0x0;
	s17 =	simm.s32 @!p0 $0x11700;
	s2 =	sadd.s32 @!p0 s7, s2  }
0x44: {  	[tilespmem:s17], [sflag:$0x6] =	stream.linear.gather @!p0 [hbm4b:s2+s15], $0x2800, $0x38;
	[tilespmem:$0x16880] =	vst v63  }
0x45: {  	_ =	swait.ge [sflag:s20], $0x2800  }
0x46: {  	[sflag:s20] =	ssyncset.done $0x0  }
0x47: {  	[sflag:s20] =	ssyncadd.s32 $0xFFFFD800  }
0x48: {  	_ =	swait.ge [sflag:s21], $0x2800  }
0x49: {  	[sflag:s21] =	ssyncset.done $0x0  }
0x4a: {  	[sflag:s21] =	ssyncadd.s32 $0xFFFFD800  }
0x4b: {  	_ =	swait.ge [sflag:s22], $0x2800  }
0x4c: {  	[sflag:s22] =	ssyncset.done $0x0  }
0x4d: {  	s19 =	simm.s32 $0x7780;
	[sflag:s22] =	ssyncadd.s32 $0xFFFFD800  }
0x4e: {  	s2 =	simm.s32 $0x4F80;
	v26 =	vld [tilespmem:s19+$0xFFFFFF80]  }
0x4f: {  	v27 =	vld [tilespmem:s2+$0xFFFFFF80]  }
0x50: {  	s30 =	simm.s32 $0x9F80  }
0x51: {  	v28 =	vld [tilespmem:s30+$0xFFFFFF80]  }
0x52: {  	v29 =	vld [tilespmem:s19+$0xFFFFFF90]  }
0x53: {  	v30 =	vld [tilespmem:s2+$0xFFFFFF90]  }
0x54: {  	v26 =	vadd.bf16 v26, v27  }
0x55: {  	v27 =	vld [tilespmem:s30+$0xFFFFFF90]  }
0x56: {  	v31 =	vld [tilespmem:s19+$0xFFFFFFA0];
	v26 =	vadd.bf16 v28, v26  }
0x57: {  	v28 =	vld [tilespmem:s2+$0xFFFFFFA0]  }
0x58: {  	v29 =	vadd.bf16 v29, v30;
	v26 =	vmax.bf16 v26, v2  }
0x59: {  	v51 =	vld [tilespmem:s30+$0xFFFFFFA0];
	v32 =	vunpack.i.l.bf16.f32 v26  }
0x5a: {  	v52 =	vld [tilespmem:s19+$0xFFFFFFB0];
	v27 =	vadd.bf16 v27, v29;
	v26 =	vunpack.i.u.bf16.f32 v26;
	v29 =	vmul.f32 v32, v18  }
0x5b: {  	v33 =	vld [tilespmem:s2+$0xFFFFFFB0];
	v26 =	vmul.f32 v26, v22  }
0x5c: {  	v27 =	vmax.bf16 v27, v2;
	v28 =	vadd.bf16 v31, v28;
	v29 =	vadd.f32 $0.0e+00, v29  }
0x5d: {  	v34 =	vld [tilespmem:s30+$0xFFFFFFB0];
	v53 =	vunpack.i.l.bf16.f32 v27;
	v27 =	vunpack.i.u.bf16.f32 v27  }
0x5e: {  	v28 =	vadd.bf16 v51, v28;
	v26 =	vadd.f32 v29, v26;
	v29 =	vmul.f32 v53, v19  }
0x5f: {  	v27 =	vmul.f32 v27, v23  }
0x60: {  	v28 =	vmax.bf16 v28, v2;
	v26 =	vadd.f32 v29, v26;
	v29 =	vadd.bf16 v52, v33  }
0x61: {  	v54 =	vunpack.i.l.bf16.f32 v28  }
0x62: {  	v26 =	vadd.f32 v26, v27;
	v27 =	vmul.f32 v54, v20;
	v29 =	vadd.bf16 v34, v29  }
0x63: {  	v28 =	vunpack.i.u.bf16.f32 v28  }
0x64: {  	v26 =	vadd.f32 v27, v26;
	v27 =	vmul.f32 v28, v24;
	v28 =	vmax.bf16 v29, v2  }
0x65: {  	v29 =	vunpack.i.l.bf16.f32 v28  }
0x66: {  	v26 =	vadd.f32 v26, v27;
	v27 =	vmul.f32 v29, v21  }
0x67: {  	v28 =	vunpack.i.u.bf16.f32 v28  }
0x68: {  	v26 =	vadd.f32 v27, v26;
	v27 =	vmul.f32 v28, v25;
	_ =	sdelay $0x1  }
0x69: {  	v26 =	vadd.f32 v26, v27  }
0x6a: {  	s15 =	simm.s32 $0x13F80  }
0x6b: {  	[tilespmem:s15+$0x0] =	vst v26  }
0x6c: {  	v26 =	vld [tilespmem:s2+$0x0]  }
0x6d: {  	v27 =	vld [tilespmem:s19+$0x0];
	_ =	sdelay $0x1  }
0x6e: {  	v28 =	vld [tilespmem:s30+$0x0]  }
0x6f: {  	v29 =	vld [tilespmem:s19+$0x10]  }
0x70: {  	v55 =	vld [tilespmem:s2+$0x10]  }
0x71: {  	v26 =	vadd.bf16 v27, v26  }
0x72: {  	v27 =	vld [tilespmem:s30+$0x10]  }
0x73: {  	v56 =	vld [tilespmem:s19+$0x20];
	v26 =	vadd.bf16 v28, v26  }
0x74: {  	v28 =	vld [tilespmem:s2+$0x20]  }
0x75: {  	v29 =	vadd.bf16 v29, v55;
	v26 =	vmax.bf16 v26, v2  }
0x76: {  	v57 =	vld [tilespmem:s30+$0x20];
	v58 =	vunpack.i.l.bf16.f32 v26  }
0x77: {  	v59 =	vld [tilespmem:s2+$0x30];
	v27 =	vadd.bf16 v27, v29;
	v26 =	vunpack.i.u.bf16.f32 v26;
	v32 =	vmul.f32 v58, v18  }
0x78: {  	v29 =	vld [tilespmem:s19+$0x30];
	v26 =	vmul.f32 v26, v22  }
0x79: {  	v27 =	vmax.bf16 v27, v2;
	v28 =	vadd.bf16 v56, v28;
	v60 =	vadd.f32 $0.0e+00, v32  }
0x7a: {  	v62 =	vld [tilespmem:s30+$0x30];
	v61 =	vunpack.i.l.bf16.f32 v27;
	v27 =	vunpack.i.u.bf16.f32 v27  }
0x7b: {  	v32 =	vmul.f32 v61, v19;
	v28 =	vadd.bf16 v57, v28;
	v26 =	vadd.f32 v60, v26  }
0x7c: {  	v27 =	vmul.f32 v27, v23  }
0x7d: {  	v29 =	vadd.bf16 v29, v59;
	v28 =	vmax.bf16 v28, v2;
	v26 =	vadd.f32 v32, v26  }
0x7e: {  	v63 =	vunpack.i.l.bf16.f32 v28  }
0x7f: {  	v29 =	vadd.bf16 v62, v29;
	v30 =	vmul.f32 v63, v20;
	v26 =	vadd.f32 v26, v27  }
0x80: {  	v27 =	vunpack.i.u.bf16.f32 v28  }
0x81: {  	v28 =	vmax.bf16 v29, v2;
	v27 =	vmul.f32 v27, v24;
	v26 =	vadd.f32 v30, v26  }
0x82: {  	v29 =	vunpack.i.l.bf16.f32 v28  }
0x83: {  	v29 =	vmul.f32 v29, v21;
	v27 =	vadd.f32 v26, v27  }
0x84: {  	v26 =	vunpack.i.u.bf16.f32 v28  }
0x85: {  	s29 =	simm.s32 $0xA080;
	v26 =	vmul.f32 v26, v25;
	v27 =	vadd.f32 v29, v27  }
0x86: {  	s18 =	simm.s32 $0x7880;
	s17 =	simm.s32 $0x0;
	s19 =	simm.s32 $0x13F80  }
.LBB2_5:
0x87: {  	s17 =	sadd.s32 $0x2, s17;
	v26 =	vadd.f32 v27, v26;
	s15 =	sadd.s32 $0x22, s15;
	s2 =	sadd.s32 $0x100, s2  }
0x88: {  	p1 =	slt.u32 s17, $0xE  }
0x89: {  	[tilespmem:s19+$0x11] =	vst v26;
	s19 =	smov.u32 s15  }
0x8a: {  	v26 =	vld [tilespmem:s18+$0xFFFFFF80]  }
0x8b: {  	v27 =	vld [tilespmem:s2+$0xFFFFFF80]  }
0x8c: {  	v28 =	vld [tilespmem:s29+$0xFFFFFF80]  }
0x8d: {  	v29 =	vld [tilespmem:s18+$0xFFFFFF90]  }
0x8e: {  	v30 =	vld [tilespmem:s2+$0xFFFFFF90];
	_ =	sdelay $0x1  }
0x8f: {  	v26 =	vadd.bf16 v26, v27;
	v27 =	vld [tilespmem:s29+$0xFFFFFF90]  }
0x90: {  	v31 =	vld [tilespmem:s18+$0xFFFFFFA0]  }
0x91: {  	v26 =	vadd.bf16 v28, v26;
	v28 =	vld [tilespmem:s2+$0xFFFFFFA0]  }
0x92: {  	v29 =	vadd.bf16 v29, v30  }
0x93: {  	v26 =	vmax.bf16 v26, v2;
	v30 =	vld [tilespmem:s29+$0xFFFFFFA0]  }
0x94: {  	v32 =	vunpack.i.u.bf16.f32 v26;
	v26 =	vunpack.i.l.bf16.f32 v26;
	v27 =	vadd.bf16 v27, v29  }
0x95: {  	v26 =	vmul.f32 v26, v18;
	v29 =	vld [tilespmem:s18+$0xFFFFFFB0]  }
0x96: {  	v27 =	vmax.bf16 v27, v2;
	v28 =	vadd.bf16 v31, v28;
	v31 =	vld [tilespmem:s2+$0xFFFFFFB0]  }
0x97: {  	v32 =	vmul.f32 v32, v22;
	v26 =	vadd.f32 $0.0e+00, v26;
	v33 =	vunpack.i.l.bf16.f32 v27  }
0x98: {  	v27 =	vunpack.i.u.bf16.f32 v27;
	v28 =	vadd.bf16 v30, v28;
	v30 =	vld [tilespmem:s29+$0xFFFFFFB0]  }
0x99: {  	v26 =	vadd.f32 v26, v32;
	v32 =	vmul.f32 v33, v19  }
0x9a: {  	v27 =	vmul.f32 v27, v23;
	v28 =	vmax.bf16 v28, v2  }
0x9b: {  	v26 =	vadd.f32 v32, v26;
	v32 =	vunpack.i.l.bf16.f32 v28;
	v29 =	vadd.bf16 v29, v31  }
0x9c: {  	v28 =	vunpack.i.u.bf16.f32 v28  }
0x9d: {  	v26 =	vadd.f32 v26, v27;
	v27 =	vmul.f32 v32, v20;
	v29 =	vadd.bf16 v30, v29;
	_ =	sdelay $0x1  }
0x9e: {  	v26 =	vadd.f32 v27, v26;
	v27 =	vmul.f32 v28, v24;
	v28 =	vmax.bf16 v29, v2  }
0x9f: {  	v29 =	vunpack.i.u.bf16.f32 v28;
	v28 =	vunpack.i.l.bf16.f32 v28  }
0xa0: {  	v26 =	vadd.f32 v26, v27;
	v27 =	vmul.f32 v28, v21;
	_ =	sdelay $0x1  }
0xa1: {  	v26 =	vadd.f32 v27, v26;
	v27 =	vmul.f32 v29, v25;
	_ =	sdelay $0x1  }
0xa2: {  	v26 =	vadd.f32 v26, v27;
	_ =	sdelay $0x1  }
0xa3: {  	[tilespmem:s15+$0x0] =	vst v26  }
0xa4: {  	v26 =	vld [tilespmem:s2+$0x0]  }
0xa5: {  	v27 =	vld [tilespmem:s18+$0x0]  }
0xa6: {  	v28 =	vld [tilespmem:s29+$0x0]  }
0xa7: {  	v29 =	vld [tilespmem:s18+$0x10]  }
0xa8: {  	v30 =	vld [tilespmem:s2+$0x10];
	_ =	sdelay $0x1  }
0xa9: {  	v26 =	vadd.bf16 v27, v26;
	v27 =	vld [tilespmem:s29+$0x10]  }
0xaa: {  	v31 =	vld [tilespmem:s18+$0x20]  }
0xab: {  	v26 =	vadd.bf16 v28, v26;
	v28 =	vld [tilespmem:s2+$0x20]  }
0xac: {  	v29 =	vadd.bf16 v29, v30  }
0xad: {  	v26 =	vmax.bf16 v26, v2;
	v30 =	vld [tilespmem:s29+$0x20]  }
0xae: {  	v32 =	vunpack.i.u.bf16.f32 v26;
	v26 =	vunpack.i.l.bf16.f32 v26;
	v27 =	vadd.bf16 v27, v29;
	v29 =	vld [tilespmem:s18+$0x30]  }
0xaf: {  	v26 =	vmul.f32 v26, v18;
	v33 =	vld [tilespmem:s2+$0x30]  }
0xb0: {  	v32 =	vmul.f32 v32, v22;
	v27 =	vmax.bf16 v27, v2;
	v28 =	vadd.bf16 v31, v28  }
0xb1: {  	v26 =	vadd.f32 $0.0e+00, v26;
	v31 =	vunpack.i.l.bf16.f32 v27;
	v34 =	vld [tilespmem:s29+$0x30]  }
0xb2: {  	v31 =	vmul.f32 v31, v19;
	v28 =	vadd.bf16 v30, v28  }
0xb3: {  	v27 =	vunpack.i.u.bf16.f32 v27;
	v26 =	vadd.f32 v26, v32  }
0xb4: {  	v27 =	vmul.f32 v27, v23;
	v28 =	vmax.bf16 v28, v2;
	v29 =	vadd.bf16 v29, v33  }
0xb5: {  	v26 =	vadd.f32 v31, v26;
	v30 =	vunpack.i.u.bf16.f32 v28;
	v28 =	vunpack.i.l.bf16.f32 v28  }
0xb6: {  	v28 =	vmul.f32 v28, v20;
	v29 =	vadd.bf16 v34, v29  }
0xb7: {  	v26 =	vadd.f32 v26, v27  }
0xb8: {  	v27 =	vmul.f32 v30, v24;
	v29 =	vmax.bf16 v29, v2  }
0xb9: {  	v26 =	vadd.f32 v28, v26;
	v28 =	vunpack.i.u.bf16.f32 v29;
	v29 =	vunpack.i.l.bf16.f32 v29  }
.Ltmp5:
0xba: {  	v29 =	vmul.f32 v29, v21;
	(pc) =	sbr.rel @p1 .LBB2_5-.Ltmp5, $4  }
0xbb: {  	v27 =	vadd.f32 v26, v27  }
0xbc: {  	v26 =	vmul.f32 v28, v25  }
0xbd: {  	v27 =	vadd.f32 v29, v27  }
0xbe: {  	s18 =	sadd.s32 $0x100, s18;
	s29 =	sadd.s32 $0x100, s29  }
0xbf: {  	_ = 	snop  }
0xc0: {  	v26 =	vadd.f32 v27, v26;
	_ =	sdelay $0x1  }
0xc1: {  	s15 =	simm.s32 $0x13F80;
	[tilespmem:s19+$0x11] =	vst v26  }
0xc2: {  	v26 =	vld.idx.msk [tilespmem:v0+s15+$0x0], $0xffff  }
0xc3: {  	v27 =	vld.idx.msk [tilespmem:v3+s15+$0x0], $0xffff;
	_ =	sdelay $0x1  }
0xc4: {  	v28 =	vld.idx.msk [tilespmem:v4+s15+$0x0], $0xffff;
	_ =	sdelay $0x1  }
0xc5: {  	v29 =	vld.idx.msk [tilespmem:v5+s15+$0x0], $0xffff  }
0xc6: {  	v26 =	vadd.f32 v27, v26  }
0xc7: {  	v27 =	vld.idx.msk [tilespmem:v6+s15+$0x0], $0xffff  }
0xc8: {  	v26 =	vadd.f32 v28, v26  }
0xc9: {  	v28 =	vld.idx.msk [tilespmem:v7+s15+$0x0], $0xffff  }
0xca: {  	v26 =	vadd.f32 v29, v26  }
0xcb: {  	v29 =	vld.idx.msk [tilespmem:v8+s15+$0x0], $0xffff  }
0xcc: {  	v26 =	vadd.f32 v27, v26  }
0xcd: {  	v27 =	vld.idx.msk [tilespmem:v9+s15+$0x0], $0xffff  }
0xce: {  	v26 =	vadd.f32 v28, v26  }
0xcf: {  	v28 =	vld.idx.msk [tilespmem:v10+s15+$0x0], $0xffff  }
0xd0: {  	v26 =	vadd.f32 v29, v26  }
0xd1: {  	v29 =	vld.idx.msk [tilespmem:v11+s15+$0x0], $0xffff  }
0xd2: {  	v26 =	vadd.f32 v27, v26  }
0xd3: {  	v27 =	vld.idx.msk [tilespmem:v12+s15+$0x0], $0xffff  }
0xd4: {  	v26 =	vadd.f32 v28, v26  }
0xd5: {  	v28 =	vld.idx.msk [tilespmem:v13+s15+$0x0], $0xffff  }
0xd6: {  	v26 =	vadd.f32 v29, v26  }
0xd7: {  	v29 =	vld.idx.msk [tilespmem:v14+s15+$0x0], $0xffff  }
0xd8: {  	v26 =	vadd.f32 v27, v26  }
0xd9: {  	v27 =	vld.idx.msk [tilespmem:v15+s15+$0x0], $0xffff  }
0xda: {  	s2 =	smul.u32 $0xA0, s1;
	v26 =	vadd.f32 v28, v26  }
0xdb: {  	v28 =	vld.idx.msk [tilespmem:v16+s15+$0x0], $0xffff  }
0xdc: {  	v26 =	vadd.f32 v29, v26;
	v29 =	vld [tilespmem:s2+$0x2780]  }
0xdd: {  	v30 =	vld.idx.msk [tilespmem:v17+s15+$0x0], $0xffff  }
0xde: {  	v26 =	vadd.f32 v27, v26;
	_ =	sdelay $0x1  }
0xdf: {  	v26 =	vadd.f32 v28, v26;
	_ =	sdelay $0x1  }
0xe0: {  	v26 =	vadd.f32 v30, v26;
	_ =	sdelay $0x1  }
0xe1: {  	s19 =	simm.s32 $0x7FB0;
	[tilespmem:v29+s23+$0x0] =	vst.idx.add.f32.msk $0xffff, v26  }
0xe2: {  	s18 =	simm.s32 $0x57B0;
	v26 =	vld [tilespmem:s19+$0xFFFFFF50]  }
0xe3: {  	v27 =	vld [tilespmem:s18+$0xFFFFFF50]  }
0xe4: {  	s17 =	simm.s32 $0xA7B0  }
0xe5: {  	v28 =	vld [tilespmem:s17+$0xFFFFFF50]  }
0xe6: {  	v29 =	vld [tilespmem:s19+$0xFFFFFF60]  }
0xe7: {  	v50 =	vld [tilespmem:s18+$0xFFFFFF60]  }
0xe8: {  	v26 =	vadd.bf16 v26, v27  }
0xe9: {  	v27 =	vld [tilespmem:s17+$0xFFFFFF60]  }
0xea: {  	v31 =	vld [tilespmem:s19+$0xFFFFFF70];
	v26 =	vadd.bf16 v28, v26  }
0xeb: {  	v28 =	vld [tilespmem:s18+$0xFFFFFF70]  }
0xec: {  	v29 =	vadd.bf16 v29, v50;
	v26 =	vmax.bf16 v26, v2  }
0xed: {  	v51 =	vld [tilespmem:s17+$0xFFFFFF70];
	v32 =	vunpack.i.l.bf16.f32 v26  }
0xee: {  	v52 =	vld [tilespmem:s19+$0xFFFFFF80];
	v27 =	vadd.bf16 v27, v29;
	v26 =	vunpack.i.u.bf16.f32 v26;
	v29 =	vmul.f32 v32, v18  }
0xef: {  	v33 =	vld [tilespmem:s18+$0xFFFFFF80];
	v26 =	vmul.f32 v26, v22  }
0xf0: {  	v27 =	vmax.bf16 v27, v2;
	v28 =	vadd.bf16 v31, v28;
	v29 =	vadd.f32 $0.0e+00, v29  }
0xf1: {  	v34 =	vld [tilespmem:s17+$0xFFFFFF80];
	v53 =	vunpack.i.l.bf16.f32 v27;
	v27 =	vunpack.i.u.bf16.f32 v27  }
0xf2: {  	v28 =	vadd.bf16 v51, v28;
	v26 =	vadd.f32 v29, v26;
	v29 =	vmul.f32 v53, v19  }
0xf3: {  	v27 =	vmul.f32 v27, v23  }
0xf4: {  	v28 =	vmax.bf16 v28, v2;
	v26 =	vadd.f32 v29, v26;
	v29 =	vadd.bf16 v52, v33  }
0xf5: {  	v54 =	vunpack.i.l.bf16.f32 v28  }
0xf6: {  	v26 =	vadd.f32 v26, v27;
	v27 =	vmul.f32 v54, v20;
	v29 =	vadd.bf16 v34, v29  }
0xf7: {  	v28 =	vunpack.i.u.bf16.f32 v28  }
0xf8: {  	v26 =	vadd.f32 v27, v26;
	v27 =	vmul.f32 v28, v24;
	v28 =	vmax.bf16 v29, v2  }
0xf9: {  	v29 =	vunpack.i.l.bf16.f32 v28  }
0xfa: {  	v26 =	vadd.f32 v26, v27;
	v27 =	vmul.f32 v29, v21  }
0xfb: {  	v28 =	vunpack.i.u.bf16.f32 v28  }
0xfc: {  	v26 =	vadd.f32 v27, v26;
	v27 =	vmul.f32 v28, v25;
	_ =	sdelay $0x1  }
0xfd: {  	v26 =	vadd.f32 v26, v27;
	_ =	sdelay $0x1  }
0xfe: {  	[tilespmem:s15+$0x0] =	vst v26  }
0xff: {  	v26 =	vld [tilespmem:s18+$0xFFFFFFD0]  }
0x100: {  	v27 =	vld [tilespmem:s19+$0xFFFFFFD0];
	_ =	sdelay $0x1  }
0x101: {  	v28 =	vld [tilespmem:s17+$0xFFFFFFD0]  }
0x102: {  	v29 =	vld [tilespmem:s19+$0xFFFFFFE0]  }
0x103: {  	v55 =	vld [tilespmem:s18+$0xFFFFFFE0]  }
0x104: {  	v26 =	vadd.bf16 v27, v26  }
0x105: {  	v27 =	vld [tilespmem:s17+$0xFFFFFFE0]  }
0x106: {  	v56 =	vld [tilespmem:s19+$0xFFFFFFF0];
	v26 =	vadd.bf16 v28, v26  }
0x107: {  	v28 =	vld [tilespmem:s18+$0xFFFFFFF0]  }
0x108: {  	v29 =	vadd.bf16 v29, v55;
	v26 =	vmax.bf16 v26, v2  }
0x109: {  	v57 =	vld [tilespmem:s17+$0xFFFFFFF0];
	v58 =	vunpack.i.l.bf16.f32 v26  }
0x10a: {  	v59 =	vld [tilespmem:s18+$0x0];
	v27 =	vadd.bf16 v27, v29;
	v26 =	vunpack.i.u.bf16.f32 v26;
	v32 =	vmul.f32 v58, v18  }
0x10b: {  	v29 =	vld [tilespmem:s19+$0x0];
	v26 =	vmul.f32 v26, v22  }
0x10c: {  	v27 =	vmax.bf16 v27, v2;
	v28 =	vadd.bf16 v56, v28;
	v60 =	vadd.f32 $0.0e+00, v32  }
0x10d: {  	v62 =	vld [tilespmem:s17+$0x0];
	v61 =	vunpack.i.l.bf16.f32 v27;
	v27 =	vunpack.i.u.bf16.f32 v27  }
0x10e: {  	v32 =	vmul.f32 v61, v19;
	v28 =	vadd.bf16 v57, v28;
	v26 =	vadd.f32 v60, v26  }
0x10f: {  	v27 =	vmul.f32 v27, v23  }
0x110: {  	v29 =	vadd.bf16 v29, v59;
	v28 =	vmax.bf16 v28, v2;
	v26 =	vadd.f32 v32, v26  }
0x111: {  	v63 =	vunpack.i.l.bf16.f32 v28  }
0x112: {  	v29 =	vadd.bf16 v62, v29;
	v30 =	vmul.f32 v63, v20;
	v26 =	vadd.f32 v26, v27  }
0x113: {  	v27 =	vunpack.i.u.bf16.f32 v28  }
0x114: {  	v28 =	vmax.bf16 v29, v2;
	v27 =	vmul.f32 v27, v24;
	v26 =	vadd.f32 v30, v26  }
0x115: {  	v29 =	vunpack.i.l.bf16.f32 v28  }
0x116: {  	v29 =	vmul.f32 v29, v21;
	v27 =	vadd.f32 v26, v27  }
0x117: {  	v26 =	vunpack.i.u.bf16.f32 v28  }
0x118: {  	s30 =	simm.s32 $0x58B0;
	v26 =	vmul.f32 v26, v25;
	v27 =	vadd.f32 v29, v27  }
0x119: {  	s29 =	simm.s32 $0x13F80;
	s18 =	simm.s32 $0x0;
	s19 =	simm.s32 $0x80B0  }
.LBB2_7:
0x11a: {  	s18 =	sadd.s32 $0x2, s18;
	v26 =	vadd.f32 v27, v26;
	s17 =	sadd.s32 $0x100, s17;
	s15 =	sadd.s32 $0x22, s15  }
0x11b: {  	p1 =	slt.u32 s18, $0xE  }
0x11c: {  	[tilespmem:s29+$0x11] =	vst v26;
	s29 =	smov.u32 s15  }
0x11d: {  	v26 =	vld [tilespmem:s19+$0xFFFFFF50]  }
0x11e: {  	v27 =	vld [tilespmem:s30+$0xFFFFFF50]  }
0x11f: {  	v28 =	vld [tilespmem:s17+$0xFFFFFF50]  }
0x120: {  	v29 =	vld [tilespmem:s19+$0xFFFFFF60]  }
0x121: {  	v30 =	vld [tilespmem:s30+$0xFFFFFF60];
	_ =	sdelay $0x1  }
0x122: {  	v26 =	vadd.bf16 v26, v27;
	v27 =	vld [tilespmem:s17+$0xFFFFFF60]  }
0x123: {  	v31 =	vld [tilespmem:s19+$0xFFFFFF70]  }
0x124: {  	v26 =	vadd.bf16 v28, v26;
	v28 =	vld [tilespmem:s30+$0xFFFFFF70]  }
0x125: {  	v29 =	vadd.bf16 v29, v30  }
0x126: {  	v26 =	vmax.bf16 v26, v2;
	v30 =	vld [tilespmem:s17+$0xFFFFFF70]  }
0x127: {  	v32 =	vunpack.i.u.bf16.f32 v26;
	v26 =	vunpack.i.l.bf16.f32 v26;
	v27 =	vadd.bf16 v27, v29  }
0x128: {  	v26 =	vmul.f32 v26, v18;
	v29 =	vld [tilespmem:s19+$0xFFFFFF80]  }
0x129: {  	v27 =	vmax.bf16 v27, v2;
	v28 =	vadd.bf16 v31, v28;
	v31 =	vld [tilespmem:s30+$0xFFFFFF80]  }
0x12a: {  	v32 =	vmul.f32 v32, v22;
	v26 =	vadd.f32 $0.0e+00, v26;
	v33 =	vunpack.i.l.bf16.f32 v27  }
0x12b: {  	v27 =	vunpack.i.u.bf16.f32 v27;
	v28 =	vadd.bf16 v30, v28;
	v30 =	vld [tilespmem:s17+$0xFFFFFF80]  }
0x12c: {  	v26 =	vadd.f32 v26, v32;
	v32 =	vmul.f32 v33, v19  }
0x12d: {  	v27 =	vmul.f32 v27, v23;
	v28 =	vmax.bf16 v28, v2  }
0x12e: {  	v26 =	vadd.f32 v32, v26;
	v32 =	vunpack.i.l.bf16.f32 v28;
	v29 =	vadd.bf16 v29, v31  }
0x12f: {  	v28 =	vunpack.i.u.bf16.f32 v28  }
0x130: {  	v26 =	vadd.f32 v26, v27;
	v27 =	vmul.f32 v32, v20;
	v29 =	vadd.bf16 v30, v29;
	_ =	sdelay $0x1  }
0x131: {  	v26 =	vadd.f32 v27, v26;
	v27 =	vmul.f32 v28, v24;
	v28 =	vmax.bf16 v29, v2  }
0x132: {  	v29 =	vunpack.i.u.bf16.f32 v28;
	v28 =	vunpack.i.l.bf16.f32 v28  }
0x133: {  	v26 =	vadd.f32 v26, v27;
	v27 =	vmul.f32 v28, v21;
	_ =	sdelay $0x1  }
0x134: {  	v26 =	vadd.f32 v27, v26;
	v27 =	vmul.f32 v29, v25;
	_ =	sdelay $0x1  }
0x135: {  	v26 =	vadd.f32 v26, v27;
	_ =	sdelay $0x1  }
0x136: {  	[tilespmem:s15+$0x0] =	vst v26  }
0x137: {  	v26 =	vld [tilespmem:s30+$0xFFFFFFD0]  }
0x138: {  	v27 =	vld [tilespmem:s19+$0xFFFFFFD0]  }
0x139: {  	v28 =	vld [tilespmem:s17+$0xFFFFFFD0]  }
0x13a: {  	v29 =	vld [tilespmem:s19+$0xFFFFFFE0]  }
0x13b: {  	v30 =	vld [tilespmem:s30+$0xFFFFFFE0];
	_ =	sdelay $0x1  }
0x13c: {  	v26 =	vadd.bf16 v27, v26;
	v27 =	vld [tilespmem:s17+$0xFFFFFFE0]  }
0x13d: {  	v31 =	vld [tilespmem:s19+$0xFFFFFFF0]  }
0x13e: {  	v26 =	vadd.bf16 v28, v26;
	v28 =	vld [tilespmem:s30+$0xFFFFFFF0]  }
0x13f: {  	v29 =	vadd.bf16 v29, v30  }
0x140: {  	v26 =	vmax.bf16 v26, v2;
	v30 =	vld [tilespmem:s17+$0xFFFFFFF0]  }
0x141: {  	v32 =	vunpack.i.u.bf16.f32 v26;
	v26 =	vunpack.i.l.bf16.f32 v26;
	v27 =	vadd.bf16 v27, v29;
	v29 =	vld [tilespmem:s19+$0x0]  }
0x142: {  	v26 =	vmul.f32 v26, v18;
	v33 =	vld [tilespmem:s30+$0x0]  }
0x143: {  	v32 =	vmul.f32 v32, v22;
	v27 =	vmax.bf16 v27, v2;
	v28 =	vadd.bf16 v31, v28  }
0x144: {  	v26 =	vadd.f32 $0.0e+00, v26;
	v31 =	vunpack.i.l.bf16.f32 v27;
	v34 =	vld [tilespmem:s17+$0x0]  }
0x145: {  	v31 =	vmul.f32 v31, v19;
	v28 =	vadd.bf16 v30, v28  }
0x146: {  	v27 =	vunpack.i.u.bf16.f32 v27;
	v26 =	vadd.f32 v26, v32  }
0x147: {  	v27 =	vmul.f32 v27, v23;
	v28 =	vmax.bf16 v28, v2;
	v29 =	vadd.bf16 v29, v33  }
0x148: {  	v26 =	vadd.f32 v31, v26;
	v30 =	vunpack.i.u.bf16.f32 v28;
	v28 =	vunpack.i.l.bf16.f32 v28  }
0x149: {  	v28 =	vmul.f32 v28, v20;
	v29 =	vadd.bf16 v34, v29  }
0x14a: {  	v26 =	vadd.f32 v26, v27  }
0x14b: {  	v27 =	vmul.f32 v30, v24;
	v29 =	vmax.bf16 v29, v2  }
0x14c: {  	v26 =	vadd.f32 v28, v26;
	v28 =	vunpack.i.u.bf16.f32 v29;
	v29 =	vunpack.i.l.bf16.f32 v29  }
.Ltmp6:
0x14d: {  	v29 =	vmul.f32 v29, v21;
	(pc) =	sbr.rel @p1 .LBB2_7-.Ltmp6, $4  }
0x14e: {  	v27 =	vadd.f32 v26, v27  }
0x14f: {  	v26 =	vmul.f32 v28, v25  }
0x150: {  	v27 =	vadd.f32 v29, v27  }
0x151: {  	s19 =	sadd.s32 $0x100, s19;
	s30 =	sadd.s32 $0x100, s30  }
0x152: {  	_ = 	snop  }
0x153: {  	v26 =	vadd.f32 v27, v26;
	_ =	sdelay $0x1  }
0x154: {  	s15 =	simm.s32 $0x13F80;
	[tilespmem:s29+$0x11] =	vst v26  }
0x155: {  	v26 =	vld.idx.msk [tilespmem:v0+s15+$0x0], $0xffff  }
0x156: {  	v27 =	vld.idx.msk [tilespmem:v3+s15+$0x0], $0xffff;
	_ =	sdelay $0x1  }
0x157: {  	v28 =	vld.idx.msk [tilespmem:v4+s15+$0x0], $0xffff;
	_ =	sdelay $0x1  }
0x158: {  	v29 =	vld.idx.msk [tilespmem:v5+s15+$0x0], $0xffff  }
0x159: {  	v26 =	vadd.f32 v27, v26  }
0x15a: {  	v27 =	vld.idx.msk [tilespmem:v6+s15+$0x0], $0xffff  }
0x15b: {  	v26 =	vadd.f32 v28, v26  }
0x15c: {  	v28 =	vld.idx.msk [tilespmem:v7+s15+$0x0], $0xffff  }
0x15d: {  	v26 =	vadd.f32 v29, v26  }
0x15e: {  	v29 =	vld.idx.msk [tilespmem:v8+s15+$0x0], $0xffff  }
0x15f: {  	v26 =	vadd.f32 v27, v26  }
0x160: {  	v27 =	vld.idx.msk [tilespmem:v9+s15+$0x0], $0xffff  }
0x161: {  	v26 =	vadd.f32 v28, v26  }
0x162: {  	v28 =	vld.idx.msk [tilespmem:v10+s15+$0x0], $0xffff  }
0x163: {  	v26 =	vadd.f32 v29, v26  }
0x164: {  	v29 =	vld.idx.msk [tilespmem:v11+s15+$0x0], $0xffff  }
0x165: {  	v26 =	vadd.f32 v27, v26  }
0x166: {  	v27 =	vld.idx.msk [tilespmem:v12+s15+$0x0], $0xffff  }
0x167: {  	v26 =	vadd.f32 v28, v26  }
0x168: {  	v28 =	vld.idx.msk [tilespmem:v13+s15+$0x0], $0xffff  }
0x169: {  	v26 =	vadd.f32 v29, v26  }
0x16a: {  	v29 =	vld.idx.msk [tilespmem:v14+s15+$0x0], $0xffff  }
0x16b: {  	v26 =	vadd.f32 v27, v26  }
0x16c: {  	v27 =	vld.idx.msk [tilespmem:v15+s15+$0x0], $0xffff  }
0x16d: {  	v26 =	vadd.f32 v28, v26  }
0x16e: {  	v28 =	vld.idx.msk [tilespmem:v16+s15+$0x0], $0xffff  }
0x16f: {  	v26 =	vadd.f32 v29, v26;
	v29 =	vld [tilespmem:s2+$0x2790]  }
0x170: {  	v30 =	vld.idx.msk [tilespmem:v17+s15+$0x0], $0xffff  }
0x171: {  	v26 =	vadd.f32 v27, v26;
	_ =	sdelay $0x1  }
0x172: {  	v26 =	vadd.f32 v28, v26;
	_ =	sdelay $0x1  }
0x173: {  	v26 =	vadd.f32 v30, v26;
	_ =	sdelay $0x1  }
0x174: {  	s19 =	simm.s32 $0x87B0;
	[tilespmem:v29+s23+$0x0] =	vst.idx.add.f32.msk $0xffff, v26  }
0x175: {  	s18 =	simm.s32 $0x5FB0;
	v26 =	vld [tilespmem:s19+$0xFFFFFF50]  }
0x176: {  	v27 =	vld [tilespmem:s18+$0xFFFFFF50]  }
0x177: {  	s17 =	simm.s32 $0xAFB0  }
0x178: {  	v28 =	vld [tilespmem:s17+$0xFFFFFF50]  }
0x179: {  	v29 =	vld [tilespmem:s19+$0xFFFFFF60]  }
0x17a: {  	v50 =	vld [tilespmem:s18+$0xFFFFFF60]  }
0x17b: {  	v26 =	vadd.bf16 v26, v27  }
0x17c: {  	v27 =	vld [tilespmem:s17+$0xFFFFFF60]  }
0x17d: {  	v31 =	vld [tilespmem:s19+$0xFFFFFF70];
	v26 =	vadd.bf16 v28, v26  }
0x17e: {  	v28 =	vld [tilespmem:s18+$0xFFFFFF70]  }
0x17f: {  	v29 =	vadd.bf16 v29, v50;
	v26 =	vmax.bf16 v26, v2  }
0x180: {  	v51 =	vld [tilespmem:s17+$0xFFFFFF70];
	v32 =	vunpack.i.l.bf16.f32 v26  }
0x181: {  	v52 =	vld [tilespmem:s19+$0xFFFFFF80];
	v27 =	vadd.bf16 v27, v29;
	v26 =	vunpack.i.u.bf16.f32 v26;
	v29 =	vmul.f32 v32, v18  }
0x182: {  	v33 =	vld [tilespmem:s18+$0xFFFFFF80];
	v26 =	vmul.f32 v26, v22  }
0x183: {  	v27 =	vmax.bf16 v27, v2;
	v28 =	vadd.bf16 v31, v28;
	v29 =	vadd.f32 $0.0e+00, v29  }
0x184: {  	v34 =	vld [tilespmem:s17+$0xFFFFFF80];
	v53 =	vunpack.i.l.bf16.f32 v27;
	v27 =	vunpack.i.u.bf16.f32 v27  }
0x185: {  	v28 =	vadd.bf16 v51, v28;
	v26 =	vadd.f32 v29, v26;
	v29 =	vmul.f32 v53, v19  }
0x186: {  	v27 =	vmul.f32 v27, v23  }
0x187: {  	v28 =	vmax.bf16 v28, v2;
	v26 =	vadd.f32 v29, v26;
	v29 =	vadd.bf16 v52, v33  }
0x188: {  	v54 =	vunpack.i.l.bf16.f32 v28  }
0x189: {  	v26 =	vadd.f32 v26, v27;
	v27 =	vmul.f32 v54, v20;
	v29 =	vadd.bf16 v34, v29  }
0x18a: {  	v28 =	vunpack.i.u.bf16.f32 v28  }
0x18b: {  	v26 =	vadd.f32 v27, v26;
	v27 =	vmul.f32 v28, v24;
	v28 =	vmax.bf16 v29, v2  }
0x18c: {  	v29 =	vunpack.i.l.bf16.f32 v28  }
0x18d: {  	v26 =	vadd.f32 v26, v27;
	v27 =	vmul.f32 v29, v21  }
0x18e: {  	v28 =	vunpack.i.u.bf16.f32 v28  }
0x18f: {  	v26 =	vadd.f32 v27, v26;
	v27 =	vmul.f32 v28, v25;
	_ =	sdelay $0x1  }
0x190: {  	v26 =	vadd.f32 v26, v27;
	_ =	sdelay $0x1  }
0x191: {  	[tilespmem:s15+$0x0] =	vst v26  }
0x192: {  	v26 =	vld [tilespmem:s18+$0xFFFFFFD0]  }
0x193: {  	v27 =	vld [tilespmem:s19+$0xFFFFFFD0];
	_ =	sdelay $0x1  }
0x194: {  	v28 =	vld [tilespmem:s17+$0xFFFFFFD0]  }
0x195: {  	v29 =	vld [tilespmem:s19+$0xFFFFFFE0]  }
0x196: {  	v55 =	vld [tilespmem:s18+$0xFFFFFFE0]  }
0x197: {  	v26 =	vadd.bf16 v27, v26  }
0x198: {  	v27 =	vld [tilespmem:s17+$0xFFFFFFE0]  }
0x199: {  	v56 =	vld [tilespmem:s19+$0xFFFFFFF0];
	v26 =	vadd.bf16 v28, v26  }
0x19a: {  	v28 =	vld [tilespmem:s18+$0xFFFFFFF0]  }
0x19b: {  	v29 =	vadd.bf16 v29, v55;
	v26 =	vmax.bf16 v26, v2  }
0x19c: {  	v57 =	vld [tilespmem:s17+$0xFFFFFFF0];
	v58 =	vunpack.i.l.bf16.f32 v26  }
0x19d: {  	v59 =	vld [tilespmem:s18+$0x0];
	v27 =	vadd.bf16 v27, v29;
	v26 =	vunpack.i.u.bf16.f32 v26;
	v32 =	vmul.f32 v58, v18  }
0x19e: {  	v29 =	vld [tilespmem:s19+$0x0];
	v26 =	vmul.f32 v26, v22  }
0x19f: {  	v27 =	vmax.bf16 v27, v2;
	v28 =	vadd.bf16 v56, v28;
	v60 =	vadd.f32 $0.0e+00, v32  }
0x1a0: {  	v62 =	vld [tilespmem:s17+$0x0];
	v61 =	vunpack.i.l.bf16.f32 v27;
	v27 =	vunpack.i.u.bf16.f32 v27  }
0x1a1: {  	v32 =	vmul.f32 v61, v19;
	v28 =	vadd.bf16 v57, v28;
	v26 =	vadd.f32 v60, v26  }
0x1a2: {  	v27 =	vmul.f32 v27, v23  }
0x1a3: {  	v29 =	vadd.bf16 v29, v59;
	v28 =	vmax.bf16 v28, v2;
	v26 =	vadd.f32 v32, v26  }
0x1a4: {  	v63 =	vunpack.i.l.bf16.f32 v28  }
0x1a5: {  	v29 =	vadd.bf16 v62, v29;
	v30 =	vmul.f32 v63, v20;
	v26 =	vadd.f32 v26, v27  }
0x1a6: {  	v27 =	vunpack.i.u.bf16.f32 v28  }
0x1a7: {  	v28 =	vmax.bf16 v29, v2;
	v27 =	vmul.f32 v27, v24;
	v26 =	vadd.f32 v30, v26  }
0x1a8: {  	v29 =	vunpack.i.l.bf16.f32 v28  }
0x1a9: {  	v29 =	vmul.f32 v29, v21;
	v27 =	vadd.f32 v26, v27  }
0x1aa: {  	v26 =	vunpack.i.u.bf16.f32 v28  }
0x1ab: {  	s30 =	simm.s32 $0x60B0;
	v26 =	vmul.f32 v26, v25;
	v27 =	vadd.f32 v29, v27  }
0x1ac: {  	s29 =	simm.s32 $0x13F80;
	s18 =	simm.s32 $0x0;
	s19 =	simm.s32 $0x88B0  }
.LBB2_9:
0x1ad: {  	s18 =	sadd.s32 $0x2, s18;
	v26 =	vadd.f32 v27, v26;
	s17 =	sadd.s32 $0x100, s17;
	s15 =	sadd.s32 $0x22, s15  }
0x1ae: {  	p1 =	slt.u32 s18, $0xE  }
0x1af: {  	[tilespmem:s29+$0x11] =	vst v26;
	s29 =	smov.u32 s15  }
0x1b0: {  	v26 =	vld [tilespmem:s19+$0xFFFFFF50]  }
0x1b1: {  	v27 =	vld [tilespmem:s30+$0xFFFFFF50]  }
0x1b2: {  	v28 =	vld [tilespmem:s17+$0xFFFFFF50]  }
0x1b3: {  	v29 =	vld [tilespmem:s19+$0xFFFFFF60]  }
0x1b4: {  	v30 =	vld [tilespmem:s30+$0xFFFFFF60];
	_ =	sdelay $0x1  }
0x1b5: {  	v26 =	vadd.bf16 v26, v27;
	v27 =	vld [tilespmem:s17+$0xFFFFFF60]  }
0x1b6: {  	v31 =	vld [tilespmem:s19+$0xFFFFFF70]  }
0x1b7: {  	v26 =	vadd.bf16 v28, v26;
	v28 =	vld [tilespmem:s30+$0xFFFFFF70]  }
0x1b8: {  	v29 =	vadd.bf16 v29, v30  }
0x1b9: {  	v26 =	vmax.bf16 v26, v2;
	v30 =	vld [tilespmem:s17+$0xFFFFFF70]  }
0x1ba: {  	v32 =	vunpack.i.u.bf16.f32 v26;
	v26 =	vunpack.i.l.bf16.f32 v26;
	v27 =	vadd.bf16 v27, v29  }
0x1bb: {  	v26 =	vmul.f32 v26, v18;
	v29 =	vld [tilespmem:s19+$0xFFFFFF80]  }
0x1bc: {  	v27 =	vmax.bf16 v27, v2;
	v28 =	vadd.bf16 v31, v28;
	v31 =	vld [tilespmem:s30+$0xFFFFFF80]  }
0x1bd: {  	v32 =	vmul.f32 v32, v22;
	v26 =	vadd.f32 $0.0e+00, v26;
	v33 =	vunpack.i.l.bf16.f32 v27  }
0x1be: {  	v27 =	vunpack.i.u.bf16.f32 v27;
	v28 =	vadd.bf16 v30, v28;
	v30 =	vld [tilespmem:s17+$0xFFFFFF80]  }
0x1bf: {  	v26 =	vadd.f32 v26, v32;
	v32 =	vmul.f32 v33, v19  }
0x1c0: {  	v27 =	vmul.f32 v27, v23;
	v28 =	vmax.bf16 v28, v2  }
0x1c1: {  	v26 =	vadd.f32 v32, v26;
	v32 =	vunpack.i.l.bf16.f32 v28;
	v29 =	vadd.bf16 v29, v31  }
0x1c2: {  	v28 =	vunpack.i.u.bf16.f32 v28  }
0x1c3: {  	v26 =	vadd.f32 v26, v27;
	v27 =	vmul.f32 v32, v20;
	v29 =	vadd.bf16 v30, v29;
	_ =	sdelay $0x1  }
0x1c4: {  	v26 =	vadd.f32 v27, v26;
	v27 =	vmul.f32 v28, v24;
	v28 =	vmax.bf16 v29, v2  }
0x1c5: {  	v29 =	vunpack.i.u.bf16.f32 v28;
	v28 =	vunpack.i.l.bf16.f32 v28  }
0x1c6: {  	v26 =	vadd.f32 v26, v27;
	v27 =	vmul.f32 v28, v21;
	_ =	sdelay $0x1  }
0x1c7: {  	v26 =	vadd.f32 v27, v26;
	v27 =	vmul.f32 v29, v25;
	_ =	sdelay $0x1  }
0x1c8: {  	v26 =	vadd.f32 v26, v27;
	_ =	sdelay $0x1  }
0x1c9: {  	[tilespmem:s15+$0x0] =	vst v26  }
0x1ca: {  	v26 =	vld [tilespmem:s30+$0xFFFFFFD0]  }
0x1cb: {  	v27 =	vld [tilespmem:s19+$0xFFFFFFD0]  }
0x1cc: {  	v28 =	vld [tilespmem:s17+$0xFFFFFFD0]  }
0x1cd: {  	v29 =	vld [tilespmem:s19+$0xFFFFFFE0]  }
0x1ce: {  	v30 =	vld [tilespmem:s30+$0xFFFFFFE0];
	_ =	sdelay $0x1  }
0x1cf: {  	v26 =	vadd.bf16 v27, v26;
	v27 =	vld [tilespmem:s17+$0xFFFFFFE0]  }
0x1d0: {  	v31 =	vld [tilespmem:s19+$0xFFFFFFF0]  }
0x1d1: {  	v26 =	vadd.bf16 v28, v26;
	v28 =	vld [tilespmem:s30+$0xFFFFFFF0]  }
0x1d2: {  	v29 =	vadd.bf16 v29, v30  }
0x1d3: {  	v26 =	vmax.bf16 v26, v2;
	v30 =	vld [tilespmem:s17+$0xFFFFFFF0]  }
0x1d4: {  	v32 =	vunpack.i.u.bf16.f32 v26;
	v26 =	vunpack.i.l.bf16.f32 v26;
	v27 =	vadd.bf16 v27, v29;
	v29 =	vld [tilespmem:s19+$0x0]  }
0x1d5: {  	v26 =	vmul.f32 v26, v18;
	v33 =	vld [tilespmem:s30+$0x0]  }
0x1d6: {  	v32 =	vmul.f32 v32, v22;
	v27 =	vmax.bf16 v27, v2;
	v28 =	vadd.bf16 v31, v28  }
0x1d7: {  	v26 =	vadd.f32 $0.0e+00, v26;
	v31 =	vunpack.i.l.bf16.f32 v27;
	v34 =	vld [tilespmem:s17+$0x0]  }
0x1d8: {  	v31 =	vmul.f32 v31, v19;
	v28 =	vadd.bf16 v30, v28  }
0x1d9: {  	v27 =	vunpack.i.u.bf16.f32 v27;
	v26 =	vadd.f32 v26, v32  }
0x1da: {  	v27 =	vmul.f32 v27, v23;
	v28 =	vmax.bf16 v28, v2;
	v29 =	vadd.bf16 v29, v33  }
0x1db: {  	v26 =	vadd.f32 v31, v26;
	v30 =	vunpack.i.u.bf16.f32 v28;
	v28 =	vunpack.i.l.bf16.f32 v28  }
0x1dc: {  	v28 =	vmul.f32 v28, v20;
	v29 =	vadd.bf16 v34, v29  }
0x1dd: {  	v26 =	vadd.f32 v26, v27  }
0x1de: {  	v27 =	vmul.f32 v30, v24;
	v29 =	vmax.bf16 v29, v2  }
0x1df: {  	v26 =	vadd.f32 v28, v26;
	v28 =	vunpack.i.u.bf16.f32 v29;
	v29 =	vunpack.i.l.bf16.f32 v29  }
.Ltmp7:
0x1e0: {  	v29 =	vmul.f32 v29, v21;
	(pc) =	sbr.rel @p1 .LBB2_9-.Ltmp7, $4  }
0x1e1: {  	v27 =	vadd.f32 v26, v27  }
0x1e2: {  	v26 =	vmul.f32 v28, v25  }
0x1e3: {  	v27 =	vadd.f32 v29, v27  }
0x1e4: {  	s19 =	sadd.s32 $0x100, s19;
	s30 =	sadd.s32 $0x100, s30  }
0x1e5: {  	_ = 	snop  }
0x1e6: {  	v26 =	vadd.f32 v27, v26;
	_ =	sdelay $0x1  }
0x1e7: {  	s15 =	simm.s32 $0x13F80;
	[tilespmem:s29+$0x11] =	vst v26  }
0x1e8: {  	v26 =	vld.idx.msk [tilespmem:v0+s15+$0x0], $0xffff  }
0x1e9: {  	v27 =	vld.idx.msk [tilespmem:v3+s15+$0x0], $0xffff;
	_ =	sdelay $0x1  }
0x1ea: {  	v28 =	vld.idx.msk [tilespmem:v4+s15+$0x0], $0xffff;
	_ =	sdelay $0x1  }
0x1eb: {  	v29 =	vld.idx.msk [tilespmem:v5+s15+$0x0], $0xffff  }
0x1ec: {  	v26 =	vadd.f32 v27, v26  }
0x1ed: {  	v27 =	vld.idx.msk [tilespmem:v6+s15+$0x0], $0xffff  }
0x1ee: {  	v26 =	vadd.f32 v28, v26  }
0x1ef: {  	v28 =	vld.idx.msk [tilespmem:v7+s15+$0x0], $0xffff  }
0x1f0: {  	v26 =	vadd.f32 v29, v26  }
0x1f1: {  	v29 =	vld.idx.msk [tilespmem:v8+s15+$0x0], $0xffff  }
0x1f2: {  	v26 =	vadd.f32 v27, v26  }
0x1f3: {  	v27 =	vld.idx.msk [tilespmem:v9+s15+$0x0], $0xffff  }
0x1f4: {  	v26 =	vadd.f32 v28, v26  }
0x1f5: {  	v28 =	vld.idx.msk [tilespmem:v10+s15+$0x0], $0xffff  }
0x1f6: {  	v26 =	vadd.f32 v29, v26  }
0x1f7: {  	v29 =	vld.idx.msk [tilespmem:v11+s15+$0x0], $0xffff  }
0x1f8: {  	v26 =	vadd.f32 v27, v26  }
0x1f9: {  	v27 =	vld.idx.msk [tilespmem:v12+s15+$0x0], $0xffff  }
0x1fa: {  	v26 =	vadd.f32 v28, v26  }
0x1fb: {  	v28 =	vld.idx.msk [tilespmem:v13+s15+$0x0], $0xffff  }
0x1fc: {  	v26 =	vadd.f32 v29, v26  }
0x1fd: {  	v29 =	vld.idx.msk [tilespmem:v14+s15+$0x0], $0xffff  }
0x1fe: {  	v26 =	vadd.f32 v27, v26  }
0x1ff: {  	v27 =	vld.idx.msk [tilespmem:v15+s15+$0x0], $0xffff  }
0x200: {  	v26 =	vadd.f32 v28, v26  }
0x201: {  	v28 =	vld.idx.msk [tilespmem:v16+s15+$0x0], $0xffff  }
0x202: {  	v26 =	vadd.f32 v29, v26;
	v29 =	vld [tilespmem:s2+$0x27A0]  }
0x203: {  	v30 =	vld.idx.msk [tilespmem:v17+s15+$0x0], $0xffff  }
0x204: {  	v26 =	vadd.f32 v27, v26;
	_ =	sdelay $0x1  }
0x205: {  	v26 =	vadd.f32 v28, v26;
	_ =	sdelay $0x1  }
0x206: {  	v26 =	vadd.f32 v30, v26;
	_ =	sdelay $0x1  }
0x207: {  	s19 =	simm.s32 $0x8FB0;
	[tilespmem:v29+s23+$0x0] =	vst.idx.add.f32.msk $0xffff, v26  }
0x208: {  	s18 =	simm.s32 $0x67B0;
	v26 =	vld [tilespmem:s19+$0xFFFFFF50]  }
0x209: {  	v27 =	vld [tilespmem:s18+$0xFFFFFF50]  }
0x20a: {  	s17 =	simm.s32 $0xB7B0  }
0x20b: {  	v28 =	vld [tilespmem:s17+$0xFFFFFF50]  }
0x20c: {  	v29 =	vld [tilespmem:s19+$0xFFFFFF60]  }
0x20d: {  	v50 =	vld [tilespmem:s18+$0xFFFFFF60]  }
0x20e: {  	v26 =	vadd.bf16 v26, v27  }
0x20f: {  	v27 =	vld [tilespmem:s17+$0xFFFFFF60]  }
0x210: {  	v31 =	vld [tilespmem:s19+$0xFFFFFF70];
	v26 =	vadd.bf16 v28, v26  }
0x211: {  	v28 =	vld [tilespmem:s18+$0xFFFFFF70]  }
0x212: {  	v29 =	vadd.bf16 v29, v50;
	v26 =	vmax.bf16 v26, v2  }
0x213: {  	v51 =	vld [tilespmem:s17+$0xFFFFFF70];
	v32 =	vunpack.i.l.bf16.f32 v26  }
0x214: {  	v52 =	vld [tilespmem:s19+$0xFFFFFF80];
	v27 =	vadd.bf16 v27, v29;
	v26 =	vunpack.i.u.bf16.f32 v26;
	v29 =	vmul.f32 v32, v18  }
0x215: {  	v33 =	vld [tilespmem:s18+$0xFFFFFF80];
	v26 =	vmul.f32 v26, v22  }
0x216: {  	v27 =	vmax.bf16 v27, v2;
	v28 =	vadd.bf16 v31, v28;
	v29 =	vadd.f32 $0.0e+00, v29  }
0x217: {  	v34 =	vld [tilespmem:s17+$0xFFFFFF80];
	v53 =	vunpack.i.l.bf16.f32 v27;
	v27 =	vunpack.i.u.bf16.f32 v27  }
0x218: {  	v28 =	vadd.bf16 v51, v28;
	v26 =	vadd.f32 v29, v26;
	v29 =	vmul.f32 v53, v19  }
0x219: {  	v27 =	vmul.f32 v27, v23  }
0x21a: {  	v28 =	vmax.bf16 v28, v2;
	v26 =	vadd.f32 v29, v26;
	v29 =	vadd.bf16 v52, v33  }
0x21b: {  	v54 =	vunpack.i.l.bf16.f32 v28  }
0x21c: {  	v26 =	vadd.f32 v26, v27;
	v27 =	vmul.f32 v54, v20;
	v29 =	vadd.bf16 v34, v29  }
0x21d: {  	v28 =	vunpack.i.u.bf16.f32 v28  }
0x21e: {  	v26 =	vadd.f32 v27, v26;
	v27 =	vmul.f32 v28, v24;
	v28 =	vmax.bf16 v29, v2  }
0x21f: {  	v29 =	vunpack.i.l.bf16.f32 v28  }
0x220: {  	v26 =	vadd.f32 v26, v27;
	v27 =	vmul.f32 v29, v21  }
0x221: {  	v28 =	vunpack.i.u.bf16.f32 v28  }
0x222: {  	v26 =	vadd.f32 v27, v26;
	v27 =	vmul.f32 v28, v25;
	_ =	sdelay $0x1  }
0x223: {  	v26 =	vadd.f32 v26, v27;
	_ =	sdelay $0x1  }
0x224: {  	[tilespmem:s15+$0x0] =	vst v26  }
0x225: {  	v26 =	vld [tilespmem:s18+$0xFFFFFFD0]  }
0x226: {  	v27 =	vld [tilespmem:s19+$0xFFFFFFD0];
	_ =	sdelay $0x1  }
0x227: {  	v28 =	vld [tilespmem:s17+$0xFFFFFFD0]  }
0x228: {  	v29 =	vld [tilespmem:s19+$0xFFFFFFE0]  }
0x229: {  	v55 =	vld [tilespmem:s18+$0xFFFFFFE0]  }
0x22a: {  	v26 =	vadd.bf16 v27, v26  }
0x22b: {  	v27 =	vld [tilespmem:s17+$0xFFFFFFE0]  }
0x22c: {  	v56 =	vld [tilespmem:s19+$0xFFFFFFF0];
	v26 =	vadd.bf16 v28, v26  }
0x22d: {  	v28 =	vld [tilespmem:s18+$0xFFFFFFF0]  }
0x22e: {  	v29 =	vadd.bf16 v29, v55;
	v26 =	vmax.bf16 v26, v2  }
0x22f: {  	v57 =	vld [tilespmem:s17+$0xFFFFFFF0];
	v58 =	vunpack.i.l.bf16.f32 v26  }
0x230: {  	v59 =	vld [tilespmem:s18+$0x0];
	v27 =	vadd.bf16 v27, v29;
	v26 =	vunpack.i.u.bf16.f32 v26;
	v32 =	vmul.f32 v58, v18  }
0x231: {  	v29 =	vld [tilespmem:s19+$0x0];
	v26 =	vmul.f32 v26, v22  }
0x232: {  	v27 =	vmax.bf16 v27, v2;
	v28 =	vadd.bf16 v56, v28;
	v60 =	vadd.f32 $0.0e+00, v32  }
0x233: {  	v62 =	vld [tilespmem:s17+$0x0];
	v61 =	vunpack.i.l.bf16.f32 v27;
	v27 =	vunpack.i.u.bf16.f32 v27  }
0x234: {  	v32 =	vmul.f32 v61, v19;
	v28 =	vadd.bf16 v57, v28;
	v26 =	vadd.f32 v60, v26  }
0x235: {  	v27 =	vmul.f32 v27, v23  }
0x236: {  	v29 =	vadd.bf16 v29, v59;
	v28 =	vmax.bf16 v28, v2;
	v26 =	vadd.f32 v32, v26  }
0x237: {  	v63 =	vunpack.i.l.bf16.f32 v28  }
0x238: {  	v29 =	vadd.bf16 v62, v29;
	v30 =	vmul.f32 v63, v20;
	v26 =	vadd.f32 v26, v27  }
0x239: {  	v27 =	vunpack.i.u.bf16.f32 v28  }
0x23a: {  	v28 =	vmax.bf16 v29, v2;
	v27 =	vmul.f32 v27, v24;
	v26 =	vadd.f32 v30, v26  }
0x23b: {  	v29 =	vunpack.i.l.bf16.f32 v28  }
0x23c: {  	v29 =	vmul.f32 v29, v21;
	v27 =	vadd.f32 v26, v27  }
0x23d: {  	v26 =	vunpack.i.u.bf16.f32 v28  }
0x23e: {  	s30 =	simm.s32 $0x68B0;
	v26 =	vmul.f32 v26, v25;
	v27 =	vadd.f32 v29, v27  }
0x23f: {  	s29 =	simm.s32 $0x13F80;
	s18 =	simm.s32 $0x0;
	s19 =	simm.s32 $0x90B0  }
.LBB2_11:
0x240: {  	s18 =	sadd.s32 $0x2, s18;
	v26 =	vadd.f32 v27, v26;
	s17 =	sadd.s32 $0x100, s17;
	s15 =	sadd.s32 $0x22, s15  }
0x241: {  	p1 =	slt.u32 s18, $0xE  }
0x242: {  	[tilespmem:s29+$0x11] =	vst v26;
	s29 =	smov.u32 s15  }
0x243: {  	v26 =	vld [tilespmem:s19+$0xFFFFFF50]  }
0x244: {  	v27 =	vld [tilespmem:s30+$0xFFFFFF50]  }
0x245: {  	v28 =	vld [tilespmem:s17+$0xFFFFFF50]  }
0x246: {  	v29 =	vld [tilespmem:s19+$0xFFFFFF60]  }
0x247: {  	v30 =	vld [tilespmem:s30+$0xFFFFFF60];
	_ =	sdelay $0x1  }
0x248: {  	v26 =	vadd.bf16 v26, v27;
	v27 =	vld [tilespmem:s17+$0xFFFFFF60]  }
0x249: {  	v31 =	vld [tilespmem:s19+$0xFFFFFF70]  }
0x24a: {  	v26 =	vadd.bf16 v28, v26;
	v28 =	vld [tilespmem:s30+$0xFFFFFF70]  }
0x24b: {  	v29 =	vadd.bf16 v29, v30  }
0x24c: {  	v26 =	vmax.bf16 v26, v2;
	v30 =	vld [tilespmem:s17+$0xFFFFFF70]  }
0x24d: {  	v32 =	vunpack.i.u.bf16.f32 v26;
	v26 =	vunpack.i.l.bf16.f32 v26;
	v27 =	vadd.bf16 v27, v29  }
0x24e: {  	v26 =	vmul.f32 v26, v18;
	v29 =	vld [tilespmem:s19+$0xFFFFFF80]  }
0x24f: {  	v27 =	vmax.bf16 v27, v2;
	v28 =	vadd.bf16 v31, v28;
	v31 =	vld [tilespmem:s30+$0xFFFFFF80]  }
0x250: {  	v32 =	vmul.f32 v32, v22;
	v26 =	vadd.f32 $0.0e+00, v26;
	v33 =	vunpack.i.l.bf16.f32 v27  }
0x251: {  	v27 =	vunpack.i.u.bf16.f32 v27;
	v28 =	vadd.bf16 v30, v28;
	v30 =	vld [tilespmem:s17+$0xFFFFFF80]  }
0x252: {  	v26 =	vadd.f32 v26, v32;
	v32 =	vmul.f32 v33, v19  }
0x253: {  	v27 =	vmul.f32 v27, v23;
	v28 =	vmax.bf16 v28, v2  }
0x254: {  	v26 =	vadd.f32 v32, v26;
	v32 =	vunpack.i.l.bf16.f32 v28;
	v29 =	vadd.bf16 v29, v31  }
0x255: {  	v28 =	vunpack.i.u.bf16.f32 v28  }
0x256: {  	v26 =	vadd.f32 v26, v27;
	v27 =	vmul.f32 v32, v20;
	v29 =	vadd.bf16 v30, v29;
	_ =	sdelay $0x1  }
0x257: {  	v26 =	vadd.f32 v27, v26;
	v27 =	vmul.f32 v28, v24;
	v28 =	vmax.bf16 v29, v2  }
0x258: {  	v29 =	vunpack.i.u.bf16.f32 v28;
	v28 =	vunpack.i.l.bf16.f32 v28  }
0x259: {  	v26 =	vadd.f32 v26, v27;
	v27 =	vmul.f32 v28, v21;
	_ =	sdelay $0x1  }
0x25a: {  	v26 =	vadd.f32 v27, v26;
	v27 =	vmul.f32 v29, v25;
	_ =	sdelay $0x1  }
0x25b: {  	v26 =	vadd.f32 v26, v27;
	_ =	sdelay $0x1  }
0x25c: {  	[tilespmem:s15+$0x0] =	vst v26  }
0x25d: {  	v26 =	vld [tilespmem:s30+$0xFFFFFFD0]  }
0x25e: {  	v27 =	vld [tilespmem:s19+$0xFFFFFFD0]  }
0x25f: {  	v28 =	vld [tilespmem:s17+$0xFFFFFFD0]  }
0x260: {  	v29 =	vld [tilespmem:s19+$0xFFFFFFE0]  }
0x261: {  	v30 =	vld [tilespmem:s30+$0xFFFFFFE0];
	_ =	sdelay $0x1  }
0x262: {  	v26 =	vadd.bf16 v27, v26;
	v27 =	vld [tilespmem:s17+$0xFFFFFFE0]  }
0x263: {  	v31 =	vld [tilespmem:s19+$0xFFFFFFF0]  }
0x264: {  	v26 =	vadd.bf16 v28, v26;
	v28 =	vld [tilespmem:s30+$0xFFFFFFF0]  }
0x265: {  	v29 =	vadd.bf16 v29, v30  }
0x266: {  	v26 =	vmax.bf16 v26, v2;
	v30 =	vld [tilespmem:s17+$0xFFFFFFF0]  }
0x267: {  	v32 =	vunpack.i.u.bf16.f32 v26;
	v26 =	vunpack.i.l.bf16.f32 v26;
	v27 =	vadd.bf16 v27, v29;
	v29 =	vld [tilespmem:s19+$0x0]  }
0x268: {  	v26 =	vmul.f32 v26, v18;
	v33 =	vld [tilespmem:s30+$0x0]  }
0x269: {  	v32 =	vmul.f32 v32, v22;
	v27 =	vmax.bf16 v27, v2;
	v28 =	vadd.bf16 v31, v28  }
0x26a: {  	v26 =	vadd.f32 $0.0e+00, v26;
	v31 =	vunpack.i.l.bf16.f32 v27;
	v34 =	vld [tilespmem:s17+$0x0]  }
0x26b: {  	v31 =	vmul.f32 v31, v19;
	v28 =	vadd.bf16 v30, v28  }
0x26c: {  	v27 =	vunpack.i.u.bf16.f32 v27;
	v26 =	vadd.f32 v26, v32  }
0x26d: {  	v27 =	vmul.f32 v27, v23;
	v28 =	vmax.bf16 v28, v2;
	v29 =	vadd.bf16 v29, v33  }
0x26e: {  	v26 =	vadd.f32 v31, v26;
	v30 =	vunpack.i.u.bf16.f32 v28;
	v28 =	vunpack.i.l.bf16.f32 v28  }
0x26f: {  	v28 =	vmul.f32 v28, v20;
	v29 =	vadd.bf16 v34, v29  }
0x270: {  	v26 =	vadd.f32 v26, v27  }
0x271: {  	v27 =	vmul.f32 v30, v24;
	v29 =	vmax.bf16 v29, v2  }
0x272: {  	v26 =	vadd.f32 v28, v26;
	v28 =	vunpack.i.u.bf16.f32 v29;
	v29 =	vunpack.i.l.bf16.f32 v29  }
.Ltmp8:
0x273: {  	v29 =	vmul.f32 v29, v21;
	(pc) =	sbr.rel @p1 .LBB2_11-.Ltmp8, $4  }
0x274: {  	v27 =	vadd.f32 v26, v27  }
0x275: {  	v26 =	vmul.f32 v28, v25  }
0x276: {  	v27 =	vadd.f32 v29, v27  }
0x277: {  	s19 =	sadd.s32 $0x100, s19;
	s30 =	sadd.s32 $0x100, s30  }
0x278: {  	_ = 	snop  }
0x279: {  	v26 =	vadd.f32 v27, v26;
	_ =	sdelay $0x1  }
0x27a: {  	s15 =	simm.s32 $0x13F80;
	[tilespmem:s29+$0x11] =	vst v26  }
0x27b: {  	v26 =	vld.idx.msk [tilespmem:v0+s15+$0x0], $0xffff  }
0x27c: {  	v27 =	vld.idx.msk [tilespmem:v3+s15+$0x0], $0xffff;
	_ =	sdelay $0x1  }
0x27d: {  	v28 =	vld.idx.msk [tilespmem:v4+s15+$0x0], $0xffff;
	_ =	sdelay $0x1  }
0x27e: {  	v29 =	vld.idx.msk [tilespmem:v5+s15+$0x0], $0xffff  }
0x27f: {  	v26 =	vadd.f32 v27, v26  }
0x280: {  	v27 =	vld.idx.msk [tilespmem:v6+s15+$0x0], $0xffff  }
0x281: {  	v26 =	vadd.f32 v28, v26  }
0x282: {  	v28 =	vld.idx.msk [tilespmem:v7+s15+$0x0], $0xffff  }
0x283: {  	v26 =	vadd.f32 v29, v26  }
0x284: {  	v29 =	vld.idx.msk [tilespmem:v8+s15+$0x0], $0xffff  }
0x285: {  	v26 =	vadd.f32 v27, v26  }
0x286: {  	v27 =	vld.idx.msk [tilespmem:v9+s15+$0x0], $0xffff  }
0x287: {  	v26 =	vadd.f32 v28, v26  }
0x288: {  	v28 =	vld.idx.msk [tilespmem:v10+s15+$0x0], $0xffff  }
0x289: {  	v26 =	vadd.f32 v29, v26  }
0x28a: {  	v29 =	vld.idx.msk [tilespmem:v11+s15+$0x0], $0xffff  }
0x28b: {  	v26 =	vadd.f32 v27, v26  }
0x28c: {  	v27 =	vld.idx.msk [tilespmem:v12+s15+$0x0], $0xffff  }
0x28d: {  	v26 =	vadd.f32 v28, v26  }
0x28e: {  	v28 =	vld.idx.msk [tilespmem:v13+s15+$0x0], $0xffff  }
0x28f: {  	v26 =	vadd.f32 v29, v26  }
0x290: {  	v29 =	vld.idx.msk [tilespmem:v14+s15+$0x0], $0xffff  }
0x291: {  	v26 =	vadd.f32 v27, v26  }
0x292: {  	v27 =	vld.idx.msk [tilespmem:v15+s15+$0x0], $0xffff  }
0x293: {  	v26 =	vadd.f32 v28, v26  }
0x294: {  	v28 =	vld.idx.msk [tilespmem:v16+s15+$0x0], $0xffff  }
0x295: {  	v26 =	vadd.f32 v29, v26;
	v29 =	vld [tilespmem:s2+$0x27B0]  }
0x296: {  	v30 =	vld.idx.msk [tilespmem:v17+s15+$0x0], $0xffff  }
0x297: {  	v26 =	vadd.f32 v27, v26;
	_ =	sdelay $0x1  }
0x298: {  	v26 =	vadd.f32 v28, v26;
	_ =	sdelay $0x1  }
0x299: {  	v26 =	vadd.f32 v30, v26;
	_ =	sdelay $0x1  }
0x29a: {  	s19 =	simm.s32 $0x97B0;
	[tilespmem:v29+s23+$0x0] =	vst.idx.add.f32.msk $0xffff, v26  }
0x29b: {  	s18 =	simm.s32 $0x6FB0;
	v26 =	vld [tilespmem:s19+$0xFFFFFF50]  }
0x29c: {  	v27 =	vld [tilespmem:s18+$0xFFFFFF50]  }
0x29d: {  	s17 =	simm.s32 $0xBFB0  }
0x29e: {  	v28 =	vld [tilespmem:s17+$0xFFFFFF50]  }
0x29f: {  	v29 =	vld [tilespmem:s19+$0xFFFFFF60]  }
0x2a0: {  	v50 =	vld [tilespmem:s18+$0xFFFFFF60]  }
0x2a1: {  	v26 =	vadd.bf16 v26, v27  }
0x2a2: {  	v27 =	vld [tilespmem:s17+$0xFFFFFF60]  }
0x2a3: {  	v31 =	vld [tilespmem:s19+$0xFFFFFF70];
	v26 =	vadd.bf16 v28, v26  }
0x2a4: {  	v28 =	vld [tilespmem:s18+$0xFFFFFF70]  }
0x2a5: {  	v29 =	vadd.bf16 v29, v50;
	v26 =	vmax.bf16 v26, v2  }
0x2a6: {  	v51 =	vld [tilespmem:s17+$0xFFFFFF70];
	v32 =	vunpack.i.l.bf16.f32 v26  }
0x2a7: {  	v52 =	vld [tilespmem:s19+$0xFFFFFF80];
	v27 =	vadd.bf16 v27, v29;
	v26 =	vunpack.i.u.bf16.f32 v26;
	v29 =	vmul.f32 v32, v18  }
0x2a8: {  	v33 =	vld [tilespmem:s18+$0xFFFFFF80];
	v26 =	vmul.f32 v26, v22  }
0x2a9: {  	v27 =	vmax.bf16 v27, v2;
	v28 =	vadd.bf16 v31, v28;
	v29 =	vadd.f32 $0.0e+00, v29  }
0x2aa: {  	v34 =	vld [tilespmem:s17+$0xFFFFFF80];
	v53 =	vunpack.i.l.bf16.f32 v27;
	v27 =	vunpack.i.u.bf16.f32 v27  }
0x2ab: {  	v28 =	vadd.bf16 v51, v28;
	v26 =	vadd.f32 v29, v26;
	v29 =	vmul.f32 v53, v19  }
0x2ac: {  	v27 =	vmul.f32 v27, v23  }
0x2ad: {  	v28 =	vmax.bf16 v28, v2;
	v26 =	vadd.f32 v29, v26;
	v29 =	vadd.bf16 v52, v33  }
0x2ae: {  	v54 =	vunpack.i.l.bf16.f32 v28  }
0x2af: {  	v26 =	vadd.f32 v26, v27;
	v27 =	vmul.f32 v54, v20;
	v29 =	vadd.bf16 v34, v29  }
0x2b0: {  	v28 =	vunpack.i.u.bf16.f32 v28  }
0x2b1: {  	v26 =	vadd.f32 v27, v26;
	v27 =	vmul.f32 v28, v24;
	v28 =	vmax.bf16 v29, v2  }
0x2b2: {  	v29 =	vunpack.i.l.bf16.f32 v28  }
0x2b3: {  	v26 =	vadd.f32 v26, v27;
	v27 =	vmul.f32 v29, v21  }
0x2b4: {  	v28 =	vunpack.i.u.bf16.f32 v28  }
0x2b5: {  	v26 =	vadd.f32 v27, v26;
	v27 =	vmul.f32 v28, v25;
	_ =	sdelay $0x1  }
0x2b6: {  	v26 =	vadd.f32 v26, v27;
	_ =	sdelay $0x1  }
0x2b7: {  	[tilespmem:s15+$0x0] =	vst v26  }
0x2b8: {  	v26 =	vld [tilespmem:s18+$0xFFFFFFD0]  }
0x2b9: {  	v27 =	vld [tilespmem:s19+$0xFFFFFFD0];
	_ =	sdelay $0x1  }
0x2ba: {  	v28 =	vld [tilespmem:s17+$0xFFFFFFD0]  }
0x2bb: {  	v29 =	vld [tilespmem:s19+$0xFFFFFFE0]  }
0x2bc: {  	v55 =	vld [tilespmem:s18+$0xFFFFFFE0]  }
0x2bd: {  	v26 =	vadd.bf16 v27, v26  }
0x2be: {  	v27 =	vld [tilespmem:s17+$0xFFFFFFE0]  }
0x2bf: {  	v56 =	vld [tilespmem:s19+$0xFFFFFFF0];
	v26 =	vadd.bf16 v28, v26  }
0x2c0: {  	v28 =	vld [tilespmem:s18+$0xFFFFFFF0]  }
0x2c1: {  	v29 =	vadd.bf16 v29, v55;
	v26 =	vmax.bf16 v26, v2  }
0x2c2: {  	v57 =	vld [tilespmem:s17+$0xFFFFFFF0];
	v58 =	vunpack.i.l.bf16.f32 v26  }
0x2c3: {  	v59 =	vld [tilespmem:s18+$0x0];
	v27 =	vadd.bf16 v27, v29;
	v26 =	vunpack.i.u.bf16.f32 v26;
	v32 =	vmul.f32 v58, v18  }
0x2c4: {  	v29 =	vld [tilespmem:s19+$0x0];
	v26 =	vmul.f32 v26, v22  }
0x2c5: {  	v27 =	vmax.bf16 v27, v2;
	v28 =	vadd.bf16 v56, v28;
	v60 =	vadd.f32 $0.0e+00, v32  }
0x2c6: {  	v62 =	vld [tilespmem:s17+$0x0];
	v61 =	vunpack.i.l.bf16.f32 v27;
	v27 =	vunpack.i.u.bf16.f32 v27  }
0x2c7: {  	v32 =	vmul.f32 v61, v19;
	v28 =	vadd.bf16 v57, v28;
	v26 =	vadd.f32 v60, v26  }
0x2c8: {  	v27 =	vmul.f32 v27, v23  }
0x2c9: {  	v29 =	vadd.bf16 v29, v59;
	v28 =	vmax.bf16 v28, v2;
	v26 =	vadd.f32 v32, v26  }
0x2ca: {  	v63 =	vunpack.i.l.bf16.f32 v28  }
0x2cb: {  	v29 =	vadd.bf16 v62, v29;
	v30 =	vmul.f32 v63, v20;
	v26 =	vadd.f32 v26, v27  }
0x2cc: {  	v27 =	vunpack.i.u.bf16.f32 v28  }
0x2cd: {  	v28 =	vmax.bf16 v29, v2;
	v27 =	vmul.f32 v27, v24;
	v26 =	vadd.f32 v30, v26  }
0x2ce: {  	v29 =	vunpack.i.l.bf16.f32 v28  }
0x2cf: {  	v29 =	vmul.f32 v29, v21;
	v27 =	vadd.f32 v26, v27  }
0x2d0: {  	v26 =	vunpack.i.u.bf16.f32 v28  }
0x2d1: {  	s30 =	simm.s32 $0x70B0;
	v26 =	vmul.f32 v26, v25;
	v27 =	vadd.f32 v29, v27  }
0x2d2: {  	s29 =	simm.s32 $0x13F80;
	s18 =	simm.s32 $0x0;
	s19 =	simm.s32 $0x98B0  }
.LBB2_13:
0x2d3: {  	s18 =	sadd.s32 $0x2, s18;
	v26 =	vadd.f32 v27, v26;
	s17 =	sadd.s32 $0x100, s17;
	s15 =	sadd.s32 $0x22, s15  }
0x2d4: {  	p1 =	slt.u32 s18, $0xE  }
0x2d5: {  	[tilespmem:s29+$0x11] =	vst v26;
	s29 =	smov.u32 s15  }
0x2d6: {  	v26 =	vld [tilespmem:s19+$0xFFFFFF50]  }
0x2d7: {  	v27 =	vld [tilespmem:s30+$0xFFFFFF50]  }
0x2d8: {  	v28 =	vld [tilespmem:s17+$0xFFFFFF50]  }
0x2d9: {  	v29 =	vld [tilespmem:s19+$0xFFFFFF60]  }
0x2da: {  	v30 =	vld [tilespmem:s30+$0xFFFFFF60];
	_ =	sdelay $0x1  }
0x2db: {  	v26 =	vadd.bf16 v26, v27;
	v27 =	vld [tilespmem:s17+$0xFFFFFF60]  }
0x2dc: {  	v31 =	vld [tilespmem:s19+$0xFFFFFF70]  }
0x2dd: {  	v26 =	vadd.bf16 v28, v26;
	v28 =	vld [tilespmem:s30+$0xFFFFFF70]  }
0x2de: {  	v29 =	vadd.bf16 v29, v30  }
0x2df: {  	v26 =	vmax.bf16 v26, v2;
	v30 =	vld [tilespmem:s17+$0xFFFFFF70]  }
0x2e0: {  	v32 =	vunpack.i.u.bf16.f32 v26;
	v26 =	vunpack.i.l.bf16.f32 v26;
	v27 =	vadd.bf16 v27, v29  }
0x2e1: {  	v26 =	vmul.f32 v26, v18;
	v29 =	vld [tilespmem:s19+$0xFFFFFF80]  }
0x2e2: {  	v27 =	vmax.bf16 v27, v2;
	v28 =	vadd.bf16 v31, v28;
	v31 =	vld [tilespmem:s30+$0xFFFFFF80]  }
0x2e3: {  	v32 =	vmul.f32 v32, v22;
	v26 =	vadd.f32 $0.0e+00, v26;
	v33 =	vunpack.i.l.bf16.f32 v27  }
0x2e4: {  	v27 =	vunpack.i.u.bf16.f32 v27;
	v28 =	vadd.bf16 v30, v28;
	v30 =	vld [tilespmem:s17+$0xFFFFFF80]  }
0x2e5: {  	v26 =	vadd.f32 v26, v32;
	v32 =	vmul.f32 v33, v19  }
0x2e6: {  	v27 =	vmul.f32 v27, v23;
	v28 =	vmax.bf16 v28, v2  }
0x2e7: {  	v26 =	vadd.f32 v32, v26;
	v32 =	vunpack.i.l.bf16.f32 v28;
	v29 =	vadd.bf16 v29, v31  }
0x2e8: {  	v28 =	vunpack.i.u.bf16.f32 v28  }
0x2e9: {  	v26 =	vadd.f32 v26, v27;
	v27 =	vmul.f32 v32, v20;
	v29 =	vadd.bf16 v30, v29;
	_ =	sdelay $0x1  }
0x2ea: {  	v26 =	vadd.f32 v27, v26;
	v27 =	vmul.f32 v28, v24;
	v28 =	vmax.bf16 v29, v2  }
0x2eb: {  	v29 =	vunpack.i.u.bf16.f32 v28;
	v28 =	vunpack.i.l.bf16.f32 v28  }
0x2ec: {  	v26 =	vadd.f32 v26, v27;
	v27 =	vmul.f32 v28, v21;
	_ =	sdelay $0x1  }
0x2ed: {  	v26 =	vadd.f32 v27, v26;
	v27 =	vmul.f32 v29, v25;
	_ =	sdelay $0x1  }
0x2ee: {  	v26 =	vadd.f32 v26, v27;
	_ =	sdelay $0x1  }
0x2ef: {  	[tilespmem:s15+$0x0] =	vst v26  }
0x2f0: {  	v26 =	vld [tilespmem:s30+$0xFFFFFFD0]  }
0x2f1: {  	v27 =	vld [tilespmem:s19+$0xFFFFFFD0]  }
0x2f2: {  	v28 =	vld [tilespmem:s17+$0xFFFFFFD0]  }
0x2f3: {  	v29 =	vld [tilespmem:s19+$0xFFFFFFE0]  }
0x2f4: {  	v30 =	vld [tilespmem:s30+$0xFFFFFFE0];
	_ =	sdelay $0x1  }
0x2f5: {  	v26 =	vadd.bf16 v27, v26;
	v27 =	vld [tilespmem:s17+$0xFFFFFFE0]  }
0x2f6: {  	v31 =	vld [tilespmem:s19+$0xFFFFFFF0]  }
0x2f7: {  	v26 =	vadd.bf16 v28, v26;
	v28 =	vld [tilespmem:s30+$0xFFFFFFF0]  }
0x2f8: {  	v29 =	vadd.bf16 v29, v30  }
0x2f9: {  	v26 =	vmax.bf16 v26, v2;
	v30 =	vld [tilespmem:s17+$0xFFFFFFF0]  }
0x2fa: {  	v32 =	vunpack.i.u.bf16.f32 v26;
	v26 =	vunpack.i.l.bf16.f32 v26;
	v27 =	vadd.bf16 v27, v29;
	v29 =	vld [tilespmem:s19+$0x0]  }
0x2fb: {  	v26 =	vmul.f32 v26, v18;
	v33 =	vld [tilespmem:s30+$0x0]  }
0x2fc: {  	v32 =	vmul.f32 v32, v22;
	v27 =	vmax.bf16 v27, v2;
	v28 =	vadd.bf16 v31, v28  }
0x2fd: {  	v26 =	vadd.f32 $0.0e+00, v26;
	v31 =	vunpack.i.l.bf16.f32 v27;
	v34 =	vld [tilespmem:s17+$0x0]  }
0x2fe: {  	v31 =	vmul.f32 v31, v19;
	v28 =	vadd.bf16 v30, v28  }
0x2ff: {  	v27 =	vunpack.i.u.bf16.f32 v27;
	v26 =	vadd.f32 v26, v32  }
0x300: {  	v27 =	vmul.f32 v27, v23;
	v28 =	vmax.bf16 v28, v2;
	v29 =	vadd.bf16 v29, v33  }
0x301: {  	v26 =	vadd.f32 v31, v26;
	v30 =	vunpack.i.u.bf16.f32 v28;
	v28 =	vunpack.i.l.bf16.f32 v28  }
0x302: {  	v28 =	vmul.f32 v28, v20;
	v29 =	vadd.bf16 v34, v29  }
0x303: {  	v26 =	vadd.f32 v26, v27  }
0x304: {  	v27 =	vmul.f32 v30, v24;
	v29 =	vmax.bf16 v29, v2  }
0x305: {  	v26 =	vadd.f32 v28, v26;
	v28 =	vunpack.i.u.bf16.f32 v29;
	v29 =	vunpack.i.l.bf16.f32 v29  }
.Ltmp9:
0x306: {  	v29 =	vmul.f32 v29, v21;
	(pc) =	sbr.rel @p1 .LBB2_13-.Ltmp9, $4  }
0x307: {  	v27 =	vadd.f32 v26, v27  }
0x308: {  	v26 =	vmul.f32 v28, v25  }
0x309: {  	v27 =	vadd.f32 v29, v27  }
0x30a: {  	s19 =	sadd.s32 $0x100, s19;
	s30 =	sadd.s32 $0x100, s30  }
0x30b: {  	_ = 	snop  }
0x30c: {  	v26 =	vadd.f32 v27, v26;
	_ =	sdelay $0x1  }
0x30d: {  	[tilespmem:s29+$0x11] =	vst v26  }
0x30e: {  	v26 =	vld.idx.msk [tilespmem:v0+s24+$0x0], $0xffff  }
0x30f: {  	v27 =	vld.idx.msk [tilespmem:v3+s24+$0x0], $0xffff;
	_ =	sdelay $0x1  }
0x310: {  	v28 =	vld.idx.msk [tilespmem:v4+s24+$0x0], $0xffff;
	_ =	sdelay $0x1  }
0x311: {  	v29 =	vld.idx.msk [tilespmem:v5+s24+$0x0], $0xffff  }
0x312: {  	v26 =	vadd.f32 v27, v26  }
0x313: {  	v27 =	vld.idx.msk [tilespmem:v6+s24+$0x0], $0xffff  }
0x314: {  	v26 =	vadd.f32 v28, v26  }
0x315: {  	v56 =	vld.idx.msk [tilespmem:v7+s24+$0x0], $0xffff  }
0x316: {  	v26 =	vadd.f32 v29, v26  }
0x317: {  	v57 =	vld.idx.msk [tilespmem:v8+s24+$0x0], $0xffff  }
0x318: {  	v26 =	vadd.f32 v27, v26  }
0x319: {  	v27 =	vld.idx.msk [tilespmem:v9+s24+$0x0], $0xffff  }
0x31a: {  	v26 =	vadd.f32 v56, v26  }
0x31b: {  	v58 =	vld.idx.msk [tilespmem:v10+s24+$0x0], $0xffff  }
0x31c: {  	v26 =	vadd.f32 v57, v26  }
0x31d: {  	v59 =	vld.idx.msk [tilespmem:v11+s24+$0x0], $0xffff  }
0x31e: {  	v26 =	vadd.f32 v27, v26  }
0x31f: {  	v27 =	vld.idx.msk [tilespmem:v12+s24+$0x0], $0xffff  }
0x320: {  	v26 =	vadd.f32 v58, v26  }
0x321: {  	v60 =	vld.idx.msk [tilespmem:v13+s24+$0x0], $0xffff  }
0x322: {  	v26 =	vadd.f32 v59, v26  }
0x323: {  	v61 =	vld.idx.msk [tilespmem:v14+s24+$0x0], $0xffff  }
0x324: {  	v26 =	vadd.f32 v27, v26  }
0x325: {  	v27 =	vld.idx.msk [tilespmem:v15+s24+$0x0], $0xffff  }
0x326: {  	v26 =	vadd.f32 v60, v26  }
0x327: {  	v62 =	vld.idx.msk [tilespmem:v16+s24+$0x0], $0xffff  }
0x328: {  	v63 =	vld [tilespmem:s2+$0x27C0];
	v26 =	vadd.f32 v61, v26  }
0x329: {  	v30 =	vld.idx.msk [tilespmem:v17+s24+$0x0], $0xffff  }
0x32a: {  	v26 =	vadd.f32 v27, v26;
	_ =	sdelay $0x1  }
0x32b: {  	v26 =	vadd.f32 v62, v26;
	_ =	sdelay $0x1  }
0x32c: {  	v26 =	vadd.f32 v30, v26  }
0x32d: {  	p1 =	seq.s32 s1, $0x3E  }
0x32e: {  	s15 =	sadd.s32 @!p1 $0x2820, s2;
	s17 =	simm.s32 @!p1 $0x50;
	s18 =	simm.s32 @!p1 $0x4F00;
	[tilespmem:v63+s23+$0x0] =	vst.idx.add.f32.msk $0xffff, v26  }
0x32f: {  	[tilespmem:s18], [sflag:$0x1] =	stream.indirect.gather @!p1 [hbm4b:s5+s17], $0x80, s15, s17, $0xb8;
	[tilespmem:$0x16880] =	vst v63  }
0x330: {  	s2 =	sadd.s32 @!p1 $0xA0, s2;
	s15 =	simm.s32 @!p1 $0x7700  }
0x331: {  	[tilespmem:s15], [sflag:$0x2] =	stream.indirect.gather @!p1 [hbm4b:s6+s17], $0x80, s2, s17, $0xb8;
	[tilespmem:$0x16880] =	vst v63  }
.Ltmp10:
0x332: {  	_ = 	snop;
	(pc) =	sbr.rel @p0 .LBB2_26-.Ltmp10, $4  }
0x333: {  	s2 =	sadd.s32 @!p1 s4, s2  }
0x334: {  	s2 =	sshll.u32 @!p1 s2, $0x4  }
0x335: {  	s15 =	simm.s32 @!p1 $0x0;
	s17 =	simm.s32 @!p1 $0x9F00;
	s2 =	sadd.s32 @!p1 s7, s2  }
0x336: {  	[tilespmem:s17], [sflag:$0x3] =	stream.linear.gather @!p1 [hbm4b:s2+s15], $0x2800, $0x38;
	[tilespmem:$0x16880] =	vst v63  }
0x337: {  	_ =	swait.ge [sflag:s25], $0x2800  }
0x338: {  	[sflag:s25] =	ssyncset.done $0x0  }
0x339: {  	[sflag:s25] =	ssyncadd.s32 $0xFFFFD800  }
0x33a: {  	_ =	swait.ge [sflag:s26], $0x2800  }
0x33b: {  	[sflag:s26] =	ssyncset.done $0x0  }
0x33c: {  	[sflag:s26] =	ssyncadd.s32 $0xFFFFD800  }
0x33d: {  	_ =	swait.ge [sflag:s28], $0x2800  }
0x33e: {  	[sflag:s28] =	ssyncset.done $0x0  }
0x33f: {  	s18 =	simm.s32 $0xEF80;
	[sflag:s28] =	ssyncadd.s32 $0xFFFFD800  }
0x340: {  	s2 =	simm.s32 $0xC780;
	v26 =	vld [tilespmem:s18+$0xFFFFFF80]  }
0x341: {  	v27 =	vld [tilespmem:s2+$0xFFFFFF80]  }
0x342: {  	s17 =	simm.s32 $0x11780  }
0x343: {  	v28 =	vld [tilespmem:s17+$0xFFFFFF80]  }
0x344: {  	v29 =	vld [tilespmem:s18+$0xFFFFFF90]  }
0x345: {  	v30 =	vld [tilespmem:s2+$0xFFFFFF90]  }
0x346: {  	v26 =	vadd.bf16 v26, v27  }
0x347: {  	v27 =	vld [tilespmem:s17+$0xFFFFFF90]  }
0x348: {  	v31 =	vld [tilespmem:s18+$0xFFFFFFA0];
	v26 =	vadd.bf16 v28, v26  }
0x349: {  	v28 =	vld [tilespmem:s2+$0xFFFFFFA0]  }
0x34a: {  	v29 =	vadd.bf16 v29, v30;
	v26 =	vmax.bf16 v26, v2  }
0x34b: {  	v51 =	vld [tilespmem:s17+$0xFFFFFFA0];
	v32 =	vunpack.i.l.bf16.f32 v26  }
0x34c: {  	v52 =	vld [tilespmem:s18+$0xFFFFFFB0];
	v27 =	vadd.bf16 v27, v29;
	v26 =	vunpack.i.u.bf16.f32 v26;
	v29 =	vmul.f32 v32, v18  }
0x34d: {  	v33 =	vld [tilespmem:s2+$0xFFFFFFB0];
	v26 =	vmul.f32 v26, v22  }
0x34e: {  	v27 =	vmax.bf16 v27, v2;
	v28 =	vadd.bf16 v31, v28;
	v29 =	vadd.f32 $0.0e+00, v29  }
0x34f: {  	v34 =	vld [tilespmem:s17+$0xFFFFFFB0];
	v53 =	vunpack.i.l.bf16.f32 v27;
	v27 =	vunpack.i.u.bf16.f32 v27  }
0x350: {  	v28 =	vadd.bf16 v51, v28;
	v26 =	vadd.f32 v29, v26;
	v29 =	vmul.f32 v53, v19  }
0x351: {  	v27 =	vmul.f32 v27, v23  }
0x352: {  	v28 =	vmax.bf16 v28, v2;
	v26 =	vadd.f32 v29, v26;
	v29 =	vadd.bf16 v52, v33  }
0x353: {  	v54 =	vunpack.i.l.bf16.f32 v28  }
0x354: {  	v26 =	vadd.f32 v26, v27;
	v27 =	vmul.f32 v54, v20;
	v29 =	vadd.bf16 v34, v29  }
0x355: {  	v28 =	vunpack.i.u.bf16.f32 v28  }
0x356: {  	v26 =	vadd.f32 v27, v26;
	v27 =	vmul.f32 v28, v24;
	v28 =	vmax.bf16 v29, v2  }
0x357: {  	v29 =	vunpack.i.l.bf16.f32 v28  }
0x358: {  	v26 =	vadd.f32 v26, v27;
	v27 =	vmul.f32 v29, v21  }
0x359: {  	v28 =	vunpack.i.u.bf16.f32 v28  }
0x35a: {  	v26 =	vadd.f32 v27, v26;
	v27 =	vmul.f32 v28, v25;
	_ =	sdelay $0x1  }
0x35b: {  	v26 =	vadd.f32 v26, v27  }
0x35c: {  	s15 =	simm.s32 $0x13F80  }
0x35d: {  	[tilespmem:s15+$0x0] =	vst v26  }
0x35e: {  	v26 =	vld [tilespmem:s2+$0x0]  }
0x35f: {  	v27 =	vld [tilespmem:s18+$0x0];
	_ =	sdelay $0x1  }
0x360: {  	v28 =	vld [tilespmem:s17+$0x0]  }
0x361: {  	v29 =	vld [tilespmem:s18+$0x10]  }
0x362: {  	v55 =	vld [tilespmem:s2+$0x10]  }
0x363: {  	v26 =	vadd.bf16 v27, v26  }
0x364: {  	v27 =	vld [tilespmem:s17+$0x10]  }
0x365: {  	v56 =	vld [tilespmem:s18+$0x20];
	v26 =	vadd.bf16 v28, v26  }
0x366: {  	v28 =	vld [tilespmem:s2+$0x20]  }
0x367: {  	v29 =	vadd.bf16 v29, v55;
	v26 =	vmax.bf16 v26, v2  }
0x368: {  	v57 =	vld [tilespmem:s17+$0x20];
	v58 =	vunpack.i.l.bf16.f32 v26  }
0x369: {  	v59 =	vld [tilespmem:s2+$0x30];
	v27 =	vadd.bf16 v27, v29;
	v26 =	vunpack.i.u.bf16.f32 v26;
	v32 =	vmul.f32 v58, v18  }
0x36a: {  	v29 =	vld [tilespmem:s18+$0x30];
	v26 =	vmul.f32 v26, v22  }
0x36b: {  	v27 =	vmax.bf16 v27, v2;
	v28 =	vadd.bf16 v56, v28;
	v60 =	vadd.f32 $0.0e+00, v32  }
0x36c: {  	v62 =	vld [tilespmem:s17+$0x30];
	v61 =	vunpack.i.l.bf16.f32 v27;
	v27 =	vunpack.i.u.bf16.f32 v27  }
0x36d: {  	v32 =	vmul.f32 v61, v19;
	v28 =	vadd.bf16 v57, v28;
	v26 =	vadd.f32 v60, v26  }
0x36e: {  	v27 =	vmul.f32 v27, v23  }
0x36f: {  	v29 =	vadd.bf16 v29, v59;
	v28 =	vmax.bf16 v28, v2;
	v26 =	vadd.f32 v32, v26  }
0x370: {  	v63 =	vunpack.i.l.bf16.f32 v28  }
0x371: {  	v29 =	vadd.bf16 v62, v29;
	v30 =	vmul.f32 v63, v20;
	v26 =	vadd.f32 v26, v27  }
0x372: {  	v27 =	vunpack.i.u.bf16.f32 v28  }
0x373: {  	v28 =	vmax.bf16 v29, v2;
	v27 =	vmul.f32 v27, v24;
	v26 =	vadd.f32 v30, v26  }
0x374: {  	v29 =	vunpack.i.l.bf16.f32 v28  }
0x375: {  	v29 =	vmul.f32 v29, v21;
	v27 =	vadd.f32 v26, v27  }
0x376: {  	v26 =	vunpack.i.u.bf16.f32 v28  }
0x377: {  	s29 =	simm.s32 $0x11880;
	v26 =	vmul.f32 v26, v25;
	v27 =	vadd.f32 v29, v27  }
0x378: {  	s19 =	simm.s32 $0x13F80;
	s17 =	simm.s32 $0x0;
	s18 =	simm.s32 $0xF080  }
.LBB2_16:
0x379: {  	s17 =	sadd.s32 $0x2, s17;
	v26 =	vadd.f32 v27, v26;
	s15 =	sadd.s32 $0x22, s15;
	s2 =	sadd.s32 $0x100, s2  }
0x37a: {  	p0 =	slt.u32 s17, $0xE  }
0x37b: {  	[tilespmem:s19+$0x11] =	vst v26;
	s19 =	smov.u32 s15  }
0x37c: {  	v26 =	vld [tilespmem:s18+$0xFFFFFF80]  }
0x37d: {  	v27 =	vld [tilespmem:s2+$0xFFFFFF80]  }
0x37e: {  	v28 =	vld [tilespmem:s29+$0xFFFFFF80]  }
0x37f: {  	v29 =	vld [tilespmem:s18+$0xFFFFFF90]  }
0x380: {  	v30 =	vld [tilespmem:s2+$0xFFFFFF90];
	_ =	sdelay $0x1  }
0x381: {  	v26 =	vadd.bf16 v26, v27;
	v27 =	vld [tilespmem:s29+$0xFFFFFF90]  }
0x382: {  	v31 =	vld [tilespmem:s18+$0xFFFFFFA0]  }
0x383: {  	v26 =	vadd.bf16 v28, v26;
	v28 =	vld [tilespmem:s2+$0xFFFFFFA0]  }
0x384: {  	v29 =	vadd.bf16 v29, v30  }
0x385: {  	v26 =	vmax.bf16 v26, v2;
	v30 =	vld [tilespmem:s29+$0xFFFFFFA0]  }
0x386: {  	v32 =	vunpack.i.u.bf16.f32 v26;
	v26 =	vunpack.i.l.bf16.f32 v26;
	v27 =	vadd.bf16 v27, v29  }
0x387: {  	v26 =	vmul.f32 v26, v18;
	v29 =	vld [tilespmem:s18+$0xFFFFFFB0]  }
0x388: {  	v27 =	vmax.bf16 v27, v2;
	v28 =	vadd.bf16 v31, v28;
	v31 =	vld [tilespmem:s2+$0xFFFFFFB0]  }
0x389: {  	v32 =	vmul.f32 v32, v22;
	v26 =	vadd.f32 $0.0e+00, v26;
	v33 =	vunpack.i.l.bf16.f32 v27  }
0x38a: {  	v27 =	vunpack.i.u.bf16.f32 v27;
	v28 =	vadd.bf16 v30, v28;
	v30 =	vld [tilespmem:s29+$0xFFFFFFB0]  }
0x38b: {  	v26 =	vadd.f32 v26, v32;
	v32 =	vmul.f32 v33, v19  }
0x38c: {  	v27 =	vmul.f32 v27, v23;
	v28 =	vmax.bf16 v28, v2  }
0x38d: {  	v26 =	vadd.f32 v32, v26;
	v32 =	vunpack.i.l.bf16.f32 v28;
	v29 =	vadd.bf16 v29, v31  }
0x38e: {  	v28 =	vunpack.i.u.bf16.f32 v28  }
0x38f: {  	v26 =	vadd.f32 v26, v27;
	v27 =	vmul.f32 v32, v20;
	v29 =	vadd.bf16 v30, v29;
	_ =	sdelay $0x1  }
0x390: {  	v26 =	vadd.f32 v27, v26;
	v27 =	vmul.f32 v28, v24;
	v28 =	vmax.bf16 v29, v2  }
0x391: {  	v29 =	vunpack.i.u.bf16.f32 v28;
	v28 =	vunpack.i.l.bf16.f32 v28  }
0x392: {  	v26 =	vadd.f32 v26, v27;
	v27 =	vmul.f32 v28, v21;
	_ =	sdelay $0x1  }
0x393: {  	v26 =	vadd.f32 v27, v26;
	v27 =	vmul.f32 v29, v25;
	_ =	sdelay $0x1  }
0x394: {  	v26 =	vadd.f32 v26, v27;
	_ =	sdelay $0x1  }
0x395: {  	[tilespmem:s15+$0x0] =	vst v26  }
0x396: {  	v26 =	vld [tilespmem:s2+$0x0]  }
0x397: {  	v27 =	vld [tilespmem:s18+$0x0]  }
0x398: {  	v28 =	vld [tilespmem:s29+$0x0]  }
0x399: {  	v29 =	vld [tilespmem:s18+$0x10]  }
0x39a: {  	v30 =	vld [tilespmem:s2+$0x10];
	_ =	sdelay $0x1  }
0x39b: {  	v26 =	vadd.bf16 v27, v26;
	v27 =	vld [tilespmem:s29+$0x10]  }
0x39c: {  	v31 =	vld [tilespmem:s18+$0x20]  }
0x39d: {  	v26 =	vadd.bf16 v28, v26;
	v28 =	vld [tilespmem:s2+$0x20]  }
0x39e: {  	v29 =	vadd.bf16 v29, v30  }
0x39f: {  	v26 =	vmax.bf16 v26, v2;
	v30 =	vld [tilespmem:s29+$0x20]  }
0x3a0: {  	v32 =	vunpack.i.u.bf16.f32 v26;
	v26 =	vunpack.i.l.bf16.f32 v26;
	v27 =	vadd.bf16 v27, v29;
	v29 =	vld [tilespmem:s18+$0x30]  }
0x3a1: {  	v26 =	vmul.f32 v26, v18;
	v33 =	vld [tilespmem:s2+$0x30]  }
0x3a2: {  	v32 =	vmul.f32 v32, v22;
	v27 =	vmax.bf16 v27, v2;
	v28 =	vadd.bf16 v31, v28  }
0x3a3: {  	v26 =	vadd.f32 $0.0e+00, v26;
	v31 =	vunpack.i.l.bf16.f32 v27;
	v34 =	vld [tilespmem:s29+$0x30]  }
0x3a4: {  	v31 =	vmul.f32 v31, v19;
	v28 =	vadd.bf16 v30, v28  }
0x3a5: {  	v27 =	vunpack.i.u.bf16.f32 v27;
	v26 =	vadd.f32 v26, v32  }
0x3a6: {  	v27 =	vmul.f32 v27, v23;
	v28 =	vmax.bf16 v28, v2;
	v29 =	vadd.bf16 v29, v33  }
0x3a7: {  	v26 =	vadd.f32 v31, v26;
	v30 =	vunpack.i.u.bf16.f32 v28;
	v28 =	vunpack.i.l.bf16.f32 v28  }
0x3a8: {  	v28 =	vmul.f32 v28, v20;
	v29 =	vadd.bf16 v34, v29  }
0x3a9: {  	v26 =	vadd.f32 v26, v27  }
0x3aa: {  	v27 =	vmul.f32 v30, v24;
	v29 =	vmax.bf16 v29, v2  }
0x3ab: {  	v26 =	vadd.f32 v28, v26;
	v28 =	vunpack.i.u.bf16.f32 v29;
	v29 =	vunpack.i.l.bf16.f32 v29  }
.Ltmp11:
0x3ac: {  	v29 =	vmul.f32 v29, v21;
	(pc) =	sbr.rel @p0 .LBB2_16-.Ltmp11, $4  }
0x3ad: {  	v27 =	vadd.f32 v26, v27  }
0x3ae: {  	v26 =	vmul.f32 v28, v25  }
0x3af: {  	v27 =	vadd.f32 v29, v27  }
0x3b0: {  	s18 =	sadd.s32 $0x100, s18;
	s29 =	sadd.s32 $0x100, s29  }
0x3b1: {  	_ = 	snop  }
0x3b2: {  	v26 =	vadd.f32 v27, v26;
	_ =	sdelay $0x1  }
0x3b3: {  	s2 =	simm.s32 $0x13F80;
	[tilespmem:s19+$0x11] =	vst v26  }
0x3b4: {  	v26 =	vld.idx.msk [tilespmem:v0+s2+$0x0], $0xffff  }
0x3b5: {  	v27 =	vld.idx.msk [tilespmem:v3+s2+$0x0], $0xffff;
	_ =	sdelay $0x1  }
0x3b6: {  	v28 =	vld.idx.msk [tilespmem:v4+s2+$0x0], $0xffff;
	_ =	sdelay $0x1  }
0x3b7: {  	v29 =	vld.idx.msk [tilespmem:v5+s2+$0x0], $0xffff  }
0x3b8: {  	v26 =	vadd.f32 v27, v26  }
0x3b9: {  	v27 =	vld.idx.msk [tilespmem:v6+s2+$0x0], $0xffff  }
0x3ba: {  	v26 =	vadd.f32 v28, v26  }
0x3bb: {  	v28 =	vld.idx.msk [tilespmem:v7+s2+$0x0], $0xffff  }
0x3bc: {  	v26 =	vadd.f32 v29, v26  }
0x3bd: {  	v29 =	vld.idx.msk [tilespmem:v8+s2+$0x0], $0xffff  }
0x3be: {  	v26 =	vadd.f32 v27, v26  }
0x3bf: {  	v27 =	vld.idx.msk [tilespmem:v9+s2+$0x0], $0xffff  }
0x3c0: {  	v26 =	vadd.f32 v28, v26  }
0x3c1: {  	v28 =	vld.idx.msk [tilespmem:v10+s2+$0x0], $0xffff  }
0x3c2: {  	v26 =	vadd.f32 v29, v26  }
0x3c3: {  	v29 =	vld.idx.msk [tilespmem:v11+s2+$0x0], $0xffff  }
0x3c4: {  	v26 =	vadd.f32 v27, v26  }
0x3c5: {  	v27 =	vld.idx.msk [tilespmem:v12+s2+$0x0], $0xffff  }
0x3c6: {  	v26 =	vadd.f32 v28, v26  }
0x3c7: {  	v28 =	vld.idx.msk [tilespmem:v13+s2+$0x0], $0xffff  }
0x3c8: {  	v26 =	vadd.f32 v29, v26  }
0x3c9: {  	v29 =	vld.idx.msk [tilespmem:v14+s2+$0x0], $0xffff  }
0x3ca: {  	v26 =	vadd.f32 v27, v26  }
0x3cb: {  	s0 =	smul.u32 $0x140, s0;
	v27 =	vld.idx.msk [tilespmem:v15+s2+$0x0], $0xffff  }
0x3cc: {  	v26 =	vadd.f32 v28, v26  }
0x3cd: {  	s0 =	sshra.s32 s0, $0x2;
	v28 =	vld.idx.msk [tilespmem:v16+s2+$0x0], $0xffff  }
0x3ce: {  	v26 =	vadd.f32 v29, v26;
	v29 =	vld [tilespmem:s0+$0x2780]  }
0x3cf: {  	v30 =	vld.idx.msk [tilespmem:v17+s2+$0x0], $0xffff  }
0x3d0: {  	v26 =	vadd.f32 v27, v26;
	_ =	sdelay $0x1  }
0x3d1: {  	v26 =	vadd.f32 v28, v26;
	_ =	sdelay $0x1  }
0x3d2: {  	v26 =	vadd.f32 v30, v26;
	_ =	sdelay $0x1  }
0x3d3: {  	s18 =	simm.s32 $0xF7B0;
	[tilespmem:v29+s23+$0x0] =	vst.idx.add.f32.msk $0xffff, v26  }
0x3d4: {  	s17 =	simm.s32 $0xCFB0;
	v26 =	vld [tilespmem:s18+$0xFFFFFF50]  }
0x3d5: {  	v27 =	vld [tilespmem:s17+$0xFFFFFF50]  }
0x3d6: {  	s15 =	simm.s32 $0x11FB0  }
0x3d7: {  	v28 =	vld [tilespmem:s15+$0xFFFFFF50]  }
0x3d8: {  	v29 =	vld [tilespmem:s18+$0xFFFFFF60]  }
0x3d9: {  	v50 =	vld [tilespmem:s17+$0xFFFFFF60]  }
0x3da: {  	v26 =	vadd.bf16 v26, v27  }
0x3db: {  	v27 =	vld [tilespmem:s15+$0xFFFFFF60]  }
0x3dc: {  	v31 =	vld [tilespmem:s18+$0xFFFFFF70];
	v26 =	vadd.bf16 v28, v26  }
0x3dd: {  	v28 =	vld [tilespmem:s17+$0xFFFFFF70]  }
0x3de: {  	v29 =	vadd.bf16 v29, v50;
	v26 =	vmax.bf16 v26, v2  }
0x3df: {  	v51 =	vld [tilespmem:s15+$0xFFFFFF70];
	v32 =	vunpack.i.l.bf16.f32 v26  }
0x3e0: {  	v52 =	vld [tilespmem:s18+$0xFFFFFF80];
	v27 =	vadd.bf16 v27, v29;
	v26 =	vunpack.i.u.bf16.f32 v26;
	v29 =	vmul.f32 v32, v18  }
0x3e1: {  	v33 =	vld [tilespmem:s17+$0xFFFFFF80];
	v26 =	vmul.f32 v26, v22  }
0x3e2: {  	v27 =	vmax.bf16 v27, v2;
	v28 =	vadd.bf16 v31, v28;
	v29 =	vadd.f32 $0.0e+00, v29  }
0x3e3: {  	v34 =	vld [tilespmem:s15+$0xFFFFFF80];
	v53 =	vunpack.i.l.bf16.f32 v27;
	v27 =	vunpack.i.u.bf16.f32 v27  }
0x3e4: {  	v28 =	vadd.bf16 v51, v28;
	v26 =	vadd.f32 v29, v26;
	v29 =	vmul.f32 v53, v19  }
0x3e5: {  	v27 =	vmul.f32 v27, v23  }
0x3e6: {  	v28 =	vmax.bf16 v28, v2;
	v26 =	vadd.f32 v29, v26;
	v29 =	vadd.bf16 v52, v33  }
0x3e7: {  	v54 =	vunpack.i.l.bf16.f32 v28  }
0x3e8: {  	v26 =	vadd.f32 v26, v27;
	v27 =	vmul.f32 v54, v20;
	v29 =	vadd.bf16 v34, v29  }
0x3e9: {  	v28 =	vunpack.i.u.bf16.f32 v28  }
0x3ea: {  	v26 =	vadd.f32 v27, v26;
	v27 =	vmul.f32 v28, v24;
	v28 =	vmax.bf16 v29, v2  }
0x3eb: {  	v29 =	vunpack.i.l.bf16.f32 v28  }
0x3ec: {  	v26 =	vadd.f32 v26, v27;
	v27 =	vmul.f32 v29, v21  }
0x3ed: {  	v28 =	vunpack.i.u.bf16.f32 v28  }
0x3ee: {  	v26 =	vadd.f32 v27, v26;
	v27 =	vmul.f32 v28, v25;
	_ =	sdelay $0x1  }
0x3ef: {  	v26 =	vadd.f32 v26, v27;
	_ =	sdelay $0x1  }
0x3f0: {  	[tilespmem:s2+$0x0] =	vst v26  }
0x3f1: {  	v26 =	vld [tilespmem:s17+$0xFFFFFFD0]  }
0x3f2: {  	v27 =	vld [tilespmem:s18+$0xFFFFFFD0];
	_ =	sdelay $0x1  }
0x3f3: {  	v28 =	vld [tilespmem:s15+$0xFFFFFFD0]  }
0x3f4: {  	v29 =	vld [tilespmem:s18+$0xFFFFFFE0]  }
0x3f5: {  	v55 =	vld [tilespmem:s17+$0xFFFFFFE0]  }
0x3f6: {  	v26 =	vadd.bf16 v27, v26  }
0x3f7: {  	v27 =	vld [tilespmem:s15+$0xFFFFFFE0]  }
0x3f8: {  	v56 =	vld [tilespmem:s18+$0xFFFFFFF0];
	v26 =	vadd.bf16 v28, v26  }
0x3f9: {  	v28 =	vld [tilespmem:s17+$0xFFFFFFF0]  }
0x3fa: {  	v29 =	vadd.bf16 v29, v55;
	v26 =	vmax.bf16 v26, v2  }
0x3fb: {  	v57 =	vld [tilespmem:s15+$0xFFFFFFF0];
	v58 =	vunpack.i.l.bf16.f32 v26  }
0x3fc: {  	v59 =	vld [tilespmem:s17+$0x0];
	v27 =	vadd.bf16 v27, v29;
	v26 =	vunpack.i.u.bf16.f32 v26;
	v32 =	vmul.f32 v58, v18  }
0x3fd: {  	v29 =	vld [tilespmem:s18+$0x0];
	v26 =	vmul.f32 v26, v22  }
0x3fe: {  	v27 =	vmax.bf16 v27, v2;
	v28 =	vadd.bf16 v56, v28;
	v60 =	vadd.f32 $0.0e+00, v32  }
0x3ff: {  	v62 =	vld [tilespmem:s15+$0x0];
	v61 =	vunpack.i.l.bf16.f32 v27;
	v27 =	vunpack.i.u.bf16.f32 v27  }
0x400: {  	v32 =	vmul.f32 v61, v19;
	v28 =	vadd.bf16 v57, v28;
	v26 =	vadd.f32 v60, v26  }
0x401: {  	v27 =	vmul.f32 v27, v23  }
0x402: {  	v29 =	vadd.bf16 v29, v59;
	v28 =	vmax.bf16 v28, v2;
	v26 =	vadd.f32 v32, v26  }
0x403: {  	v63 =	vunpack.i.l.bf16.f32 v28  }
0x404: {  	v29 =	vadd.bf16 v62, v29;
	v30 =	vmul.f32 v63, v20;
	v26 =	vadd.f32 v26, v27  }
0x405: {  	v27 =	vunpack.i.u.bf16.f32 v28  }
0x406: {  	v28 =	vmax.bf16 v29, v2;
	v27 =	vmul.f32 v27, v24;
	v26 =	vadd.f32 v30, v26  }
0x407: {  	v29 =	vunpack.i.l.bf16.f32 v28  }
0x408: {  	v29 =	vmul.f32 v29, v21;
	v27 =	vadd.f32 v26, v27  }
0x409: {  	v26 =	vunpack.i.u.bf16.f32 v28  }
0x40a: {  	s29 =	simm.s32 $0xD0B0;
	v26 =	vmul.f32 v26, v25;
	v27 =	vadd.f32 v29, v27  }
0x40b: {  	s19 =	simm.s32 $0x13F80;
	s17 =	simm.s32 $0x0;
	s18 =	simm.s32 $0xF8B0  }
.LBB2_18:
0x40c: {  	s17 =	sadd.s32 $0x2, s17;
	v26 =	vadd.f32 v27, v26;
	s15 =	sadd.s32 $0x100, s15;
	s2 =	sadd.s32 $0x22, s2  }
0x40d: {  	p0 =	slt.u32 s17, $0xE  }
0x40e: {  	[tilespmem:s19+$0x11] =	vst v26;
	s19 =	smov.u32 s2  }
0x40f: {  	v26 =	vld [tilespmem:s18+$0xFFFFFF50]  }
0x410: {  	v27 =	vld [tilespmem:s29+$0xFFFFFF50]  }
0x411: {  	v28 =	vld [tilespmem:s15+$0xFFFFFF50]  }
0x412: {  	v29 =	vld [tilespmem:s18+$0xFFFFFF60]  }
0x413: {  	v30 =	vld [tilespmem:s29+$0xFFFFFF60];
	_ =	sdelay $0x1  }
0x414: {  	v26 =	vadd.bf16 v26, v27;
	v27 =	vld [tilespmem:s15+$0xFFFFFF60]  }
0x415: {  	v31 =	vld [tilespmem:s18+$0xFFFFFF70]  }
0x416: {  	v26 =	vadd.bf16 v28, v26;
	v28 =	vld [tilespmem:s29+$0xFFFFFF70]  }
0x417: {  	v29 =	vadd.bf16 v29, v30  }
0x418: {  	v26 =	vmax.bf16 v26, v2;
	v30 =	vld [tilespmem:s15+$0xFFFFFF70]  }
0x419: {  	v32 =	vunpack.i.u.bf16.f32 v26;
	v26 =	vunpack.i.l.bf16.f32 v26;
	v27 =	vadd.bf16 v27, v29  }
0x41a: {  	v26 =	vmul.f32 v26, v18;
	v29 =	vld [tilespmem:s18+$0xFFFFFF80]  }
0x41b: {  	v27 =	vmax.bf16 v27, v2;
	v28 =	vadd.bf16 v31, v28;
	v31 =	vld [tilespmem:s29+$0xFFFFFF80]  }
0x41c: {  	v32 =	vmul.f32 v32, v22;
	v26 =	vadd.f32 $0.0e+00, v26;
	v33 =	vunpack.i.l.bf16.f32 v27  }
0x41d: {  	v27 =	vunpack.i.u.bf16.f32 v27;
	v28 =	vadd.bf16 v30, v28;
	v30 =	vld [tilespmem:s15+$0xFFFFFF80]  }
0x41e: {  	v26 =	vadd.f32 v26, v32;
	v32 =	vmul.f32 v33, v19  }
0x41f: {  	v27 =	vmul.f32 v27, v23;
	v28 =	vmax.bf16 v28, v2  }
0x420: {  	v26 =	vadd.f32 v32, v26;
	v32 =	vunpack.i.l.bf16.f32 v28;
	v29 =	vadd.bf16 v29, v31  }
0x421: {  	v28 =	vunpack.i.u.bf16.f32 v28  }
0x422: {  	v26 =	vadd.f32 v26, v27;
	v27 =	vmul.f32 v32, v20;
	v29 =	vadd.bf16 v30, v29;
	_ =	sdelay $0x1  }
0x423: {  	v26 =	vadd.f32 v27, v26;
	v27 =	vmul.f32 v28, v24;
	v28 =	vmax.bf16 v29, v2  }
0x424: {  	v29 =	vunpack.i.u.bf16.f32 v28;
	v28 =	vunpack.i.l.bf16.f32 v28  }
0x425: {  	v26 =	vadd.f32 v26, v27;
	v27 =	vmul.f32 v28, v21;
	_ =	sdelay $0x1  }
0x426: {  	v26 =	vadd.f32 v27, v26;
	v27 =	vmul.f32 v29, v25;
	_ =	sdelay $0x1  }
0x427: {  	v26 =	vadd.f32 v26, v27;
	_ =	sdelay $0x1  }
0x428: {  	[tilespmem:s2+$0x0] =	vst v26  }
0x429: {  	v26 =	vld [tilespmem:s29+$0xFFFFFFD0]  }
0x42a: {  	v27 =	vld [tilespmem:s18+$0xFFFFFFD0]  }
0x42b: {  	v28 =	vld [tilespmem:s15+$0xFFFFFFD0]  }
0x42c: {  	v29 =	vld [tilespmem:s18+$0xFFFFFFE0]  }
0x42d: {  	v30 =	vld [tilespmem:s29+$0xFFFFFFE0];
	_ =	sdelay $0x1  }
0x42e: {  	v26 =	vadd.bf16 v27, v26;
	v27 =	vld [tilespmem:s15+$0xFFFFFFE0]  }
0x42f: {  	v31 =	vld [tilespmem:s18+$0xFFFFFFF0]  }
0x430: {  	v26 =	vadd.bf16 v28, v26;
	v28 =	vld [tilespmem:s29+$0xFFFFFFF0]  }
0x431: {  	v29 =	vadd.bf16 v29, v30  }
0x432: {  	v26 =	vmax.bf16 v26, v2;
	v30 =	vld [tilespmem:s15+$0xFFFFFFF0]  }
0x433: {  	v32 =	vunpack.i.u.bf16.f32 v26;
	v26 =	vunpack.i.l.bf16.f32 v26;
	v27 =	vadd.bf16 v27, v29;
	v29 =	vld [tilespmem:s18+$0x0]  }
0x434: {  	v26 =	vmul.f32 v26, v18;
	v33 =	vld [tilespmem:s29+$0x0]  }
0x435: {  	v32 =	vmul.f32 v32, v22;
	v27 =	vmax.bf16 v27, v2;
	v28 =	vadd.bf16 v31, v28  }
0x436: {  	v26 =	vadd.f32 $0.0e+00, v26;
	v31 =	vunpack.i.l.bf16.f32 v27;
	v34 =	vld [tilespmem:s15+$0x0]  }
0x437: {  	v31 =	vmul.f32 v31, v19;
	v28 =	vadd.bf16 v30, v28  }
0x438: {  	v27 =	vunpack.i.u.bf16.f32 v27;
	v26 =	vadd.f32 v26, v32  }
0x439: {  	v27 =	vmul.f32 v27, v23;
	v28 =	vmax.bf16 v28, v2;
	v29 =	vadd.bf16 v29, v33  }
0x43a: {  	v26 =	vadd.f32 v31, v26;
	v30 =	vunpack.i.u.bf16.f32 v28;
	v28 =	vunpack.i.l.bf16.f32 v28  }
0x43b: {  	v28 =	vmul.f32 v28, v20;
	v29 =	vadd.bf16 v34, v29  }
0x43c: {  	v26 =	vadd.f32 v26, v27  }
0x43d: {  	v27 =	vmul.f32 v30, v24;
	v29 =	vmax.bf16 v29, v2  }
0x43e: {  	v26 =	vadd.f32 v28, v26;
	v28 =	vunpack.i.u.bf16.f32 v29;
	v29 =	vunpack.i.l.bf16.f32 v29  }
.Ltmp12:
0x43f: {  	v29 =	vmul.f32 v29, v21;
	(pc) =	sbr.rel @p0 .LBB2_18-.Ltmp12, $4  }
0x440: {  	v27 =	vadd.f32 v26, v27  }
0x441: {  	v26 =	vmul.f32 v28, v25  }
0x442: {  	v27 =	vadd.f32 v29, v27  }
0x443: {  	s18 =	sadd.s32 $0x100, s18;
	s29 =	sadd.s32 $0x100, s29  }
0x444: {  	_ = 	snop  }
0x445: {  	v26 =	vadd.f32 v27, v26;
	_ =	sdelay $0x1  }
0x446: {  	s2 =	simm.s32 $0x13F80;
	[tilespmem:s19+$0x11] =	vst v26  }
0x447: {  	v26 =	vld.idx.msk [tilespmem:v0+s2+$0x0], $0xffff  }
0x448: {  	v27 =	vld.idx.msk [tilespmem:v3+s2+$0x0], $0xffff;
	_ =	sdelay $0x1  }
0x449: {  	v28 =	vld.idx.msk [tilespmem:v4+s2+$0x0], $0xffff;
	_ =	sdelay $0x1  }
0x44a: {  	v29 =	vld.idx.msk [tilespmem:v5+s2+$0x0], $0xffff  }
0x44b: {  	v26 =	vadd.f32 v27, v26  }
0x44c: {  	v27 =	vld.idx.msk [tilespmem:v6+s2+$0x0], $0xffff  }
0x44d: {  	v26 =	vadd.f32 v28, v26  }
0x44e: {  	v28 =	vld.idx.msk [tilespmem:v7+s2+$0x0], $0xffff  }
0x44f: {  	v26 =	vadd.f32 v29, v26  }
0x450: {  	v29 =	vld.idx.msk [tilespmem:v8+s2+$0x0], $0xffff  }
0x451: {  	v26 =	vadd.f32 v27, v26  }
0x452: {  	v27 =	vld.idx.msk [tilespmem:v9+s2+$0x0], $0xffff  }
0x453: {  	v26 =	vadd.f32 v28, v26  }
0x454: {  	v28 =	vld.idx.msk [tilespmem:v10+s2+$0x0], $0xffff  }
0x455: {  	v26 =	vadd.f32 v29, v26  }
0x456: {  	v29 =	vld.idx.msk [tilespmem:v11+s2+$0x0], $0xffff  }
0x457: {  	v26 =	vadd.f32 v27, v26  }
0x458: {  	v27 =	vld.idx.msk [tilespmem:v12+s2+$0x0], $0xffff  }
0x459: {  	v26 =	vadd.f32 v28, v26  }
0x45a: {  	v28 =	vld.idx.msk [tilespmem:v13+s2+$0x0], $0xffff  }
0x45b: {  	v26 =	vadd.f32 v29, v26  }
0x45c: {  	v29 =	vld.idx.msk [tilespmem:v14+s2+$0x0], $0xffff  }
0x45d: {  	v26 =	vadd.f32 v27, v26  }
0x45e: {  	v27 =	vld.idx.msk [tilespmem:v15+s2+$0x0], $0xffff  }
0x45f: {  	v26 =	vadd.f32 v28, v26  }
0x460: {  	v28 =	vld.idx.msk [tilespmem:v16+s2+$0x0], $0xffff  }
0x461: {  	v26 =	vadd.f32 v29, v26;
	v29 =	vld [tilespmem:s0+$0x2790]  }
0x462: {  	v30 =	vld.idx.msk [tilespmem:v17+s2+$0x0], $0xffff  }
0x463: {  	v26 =	vadd.f32 v27, v26;
	_ =	sdelay $0x1  }
0x464: {  	v26 =	vadd.f32 v28, v26;
	_ =	sdelay $0x1  }
0x465: {  	v26 =	vadd.f32 v30, v26;
	_ =	sdelay $0x1  }
0x466: {  	s18 =	simm.s32 $0xFFB0;
	[tilespmem:v29+s23+$0x0] =	vst.idx.add.f32.msk $0xffff, v26  }
0x467: {  	s17 =	simm.s32 $0xD7B0;
	v26 =	vld [tilespmem:s18+$0xFFFFFF50]  }
0x468: {  	v27 =	vld [tilespmem:s17+$0xFFFFFF50]  }
0x469: {  	s15 =	simm.s32 $0x127B0  }
0x46a: {  	v28 =	vld [tilespmem:s15+$0xFFFFFF50]  }
0x46b: {  	v29 =	vld [tilespmem:s18+$0xFFFFFF60]  }
0x46c: {  	v50 =	vld [tilespmem:s17+$0xFFFFFF60]  }
0x46d: {  	v26 =	vadd.bf16 v26, v27  }
0x46e: {  	v27 =	vld [tilespmem:s15+$0xFFFFFF60]  }
0x46f: {  	v31 =	vld [tilespmem:s18+$0xFFFFFF70];
	v26 =	vadd.bf16 v28, v26  }
0x470: {  	v28 =	vld [tilespmem:s17+$0xFFFFFF70]  }
0x471: {  	v29 =	vadd.bf16 v29, v50;
	v26 =	vmax.bf16 v26, v2  }
0x472: {  	v51 =	vld [tilespmem:s15+$0xFFFFFF70];
	v32 =	vunpack.i.l.bf16.f32 v26  }
0x473: {  	v52 =	vld [tilespmem:s18+$0xFFFFFF80];
	v27 =	vadd.bf16 v27, v29;
	v26 =	vunpack.i.u.bf16.f32 v26;
	v29 =	vmul.f32 v32, v18  }
0x474: {  	v33 =	vld [tilespmem:s17+$0xFFFFFF80];
	v26 =	vmul.f32 v26, v22  }
0x475: {  	v27 =	vmax.bf16 v27, v2;
	v28 =	vadd.bf16 v31, v28;
	v29 =	vadd.f32 $0.0e+00, v29  }
0x476: {  	v34 =	vld [tilespmem:s15+$0xFFFFFF80];
	v53 =	vunpack.i.l.bf16.f32 v27;
	v27 =	vunpack.i.u.bf16.f32 v27  }
0x477: {  	v28 =	vadd.bf16 v51, v28;
	v26 =	vadd.f32 v29, v26;
	v29 =	vmul.f32 v53, v19  }
0x478: {  	v27 =	vmul.f32 v27, v23  }
0x479: {  	v28 =	vmax.bf16 v28, v2;
	v26 =	vadd.f32 v29, v26;
	v29 =	vadd.bf16 v52, v33  }
0x47a: {  	v54 =	vunpack.i.l.bf16.f32 v28  }
0x47b: {  	v26 =	vadd.f32 v26, v27;
	v27 =	vmul.f32 v54, v20;
	v29 =	vadd.bf16 v34, v29  }
0x47c: {  	v28 =	vunpack.i.u.bf16.f32 v28  }
0x47d: {  	v26 =	vadd.f32 v27, v26;
	v27 =	vmul.f32 v28, v24;
	v28 =	vmax.bf16 v29, v2  }
0x47e: {  	v29 =	vunpack.i.l.bf16.f32 v28  }
0x47f: {  	v26 =	vadd.f32 v26, v27;
	v27 =	vmul.f32 v29, v21  }
0x480: {  	v28 =	vunpack.i.u.bf16.f32 v28  }
0x481: {  	v26 =	vadd.f32 v27, v26;
	v27 =	vmul.f32 v28, v25;
	_ =	sdelay $0x1  }
0x482: {  	v26 =	vadd.f32 v26, v27;
	_ =	sdelay $0x1  }
0x483: {  	[tilespmem:s2+$0x0] =	vst v26  }
0x484: {  	v26 =	vld [tilespmem:s17+$0xFFFFFFD0]  }
0x485: {  	v27 =	vld [tilespmem:s18+$0xFFFFFFD0];
	_ =	sdelay $0x1  }
0x486: {  	v28 =	vld [tilespmem:s15+$0xFFFFFFD0]  }
0x487: {  	v29 =	vld [tilespmem:s18+$0xFFFFFFE0]  }
0x488: {  	v55 =	vld [tilespmem:s17+$0xFFFFFFE0]  }
0x489: {  	v26 =	vadd.bf16 v27, v26  }
0x48a: {  	v27 =	vld [tilespmem:s15+$0xFFFFFFE0]  }
0x48b: {  	v56 =	vld [tilespmem:s18+$0xFFFFFFF0];
	v26 =	vadd.bf16 v28, v26  }
0x48c: {  	v28 =	vld [tilespmem:s17+$0xFFFFFFF0]  }
0x48d: {  	v29 =	vadd.bf16 v29, v55;
	v26 =	vmax.bf16 v26, v2  }
0x48e: {  	v57 =	vld [tilespmem:s15+$0xFFFFFFF0];
	v58 =	vunpack.i.l.bf16.f32 v26  }
0x48f: {  	v59 =	vld [tilespmem:s17+$0x0];
	v27 =	vadd.bf16 v27, v29;
	v26 =	vunpack.i.u.bf16.f32 v26;
	v32 =	vmul.f32 v58, v18  }
0x490: {  	v29 =	vld [tilespmem:s18+$0x0];
	v26 =	vmul.f32 v26, v22  }
0x491: {  	v27 =	vmax.bf16 v27, v2;
	v28 =	vadd.bf16 v56, v28;
	v60 =	vadd.f32 $0.0e+00, v32  }
0x492: {  	v62 =	vld [tilespmem:s15+$0x0];
	v61 =	vunpack.i.l.bf16.f32 v27;
	v27 =	vunpack.i.u.bf16.f32 v27  }
0x493: {  	v32 =	vmul.f32 v61, v19;
	v28 =	vadd.bf16 v57, v28;
	v26 =	vadd.f32 v60, v26  }
0x494: {  	v27 =	vmul.f32 v27, v23  }
0x495: {  	v29 =	vadd.bf16 v29, v59;
	v28 =	vmax.bf16 v28, v2;
	v26 =	vadd.f32 v32, v26  }
0x496: {  	v63 =	vunpack.i.l.bf16.f32 v28  }
0x497: {  	v29 =	vadd.bf16 v62, v29;
	v30 =	vmul.f32 v63, v20;
	v26 =	vadd.f32 v26, v27  }
0x498: {  	v27 =	vunpack.i.u.bf16.f32 v28  }
0x499: {  	v28 =	vmax.bf16 v29, v2;
	v27 =	vmul.f32 v27, v24;
	v26 =	vadd.f32 v30, v26  }
0x49a: {  	v29 =	vunpack.i.l.bf16.f32 v28  }
0x49b: {  	v29 =	vmul.f32 v29, v21;
	v27 =	vadd.f32 v26, v27  }
0x49c: {  	v26 =	vunpack.i.u.bf16.f32 v28  }
0x49d: {  	s29 =	simm.s32 $0xD8B0;
	v26 =	vmul.f32 v26, v25;
	v27 =	vadd.f32 v29, v27  }
0x49e: {  	s19 =	simm.s32 $0x13F80;
	s17 =	simm.s32 $0x0;
	s18 =	simm.s32 $0x100B0  }
.LBB2_20:
0x49f: {  	s17 =	sadd.s32 $0x2, s17;
	v26 =	vadd.f32 v27, v26;
	s15 =	sadd.s32 $0x100, s15;
	s2 =	sadd.s32 $0x22, s2  }
0x4a0: {  	p0 =	slt.u32 s17, $0xE  }
0x4a1: {  	[tilespmem:s19+$0x11] =	vst v26;
	s19 =	smov.u32 s2  }
0x4a2: {  	v26 =	vld [tilespmem:s18+$0xFFFFFF50]  }
0x4a3: {  	v27 =	vld [tilespmem:s29+$0xFFFFFF50]  }
0x4a4: {  	v28 =	vld [tilespmem:s15+$0xFFFFFF50]  }
0x4a5: {  	v29 =	vld [tilespmem:s18+$0xFFFFFF60]  }
0x4a6: {  	v30 =	vld [tilespmem:s29+$0xFFFFFF60];
	_ =	sdelay $0x1  }
0x4a7: {  	v26 =	vadd.bf16 v26, v27;
	v27 =	vld [tilespmem:s15+$0xFFFFFF60]  }
0x4a8: {  	v31 =	vld [tilespmem:s18+$0xFFFFFF70]  }
0x4a9: {  	v26 =	vadd.bf16 v28, v26;
	v28 =	vld [tilespmem:s29+$0xFFFFFF70]  }
0x4aa: {  	v29 =	vadd.bf16 v29, v30  }
0x4ab: {  	v26 =	vmax.bf16 v26, v2;
	v30 =	vld [tilespmem:s15+$0xFFFFFF70]  }
0x4ac: {  	v32 =	vunpack.i.u.bf16.f32 v26;
	v26 =	vunpack.i.l.bf16.f32 v26;
	v27 =	vadd.bf16 v27, v29  }
0x4ad: {  	v26 =	vmul.f32 v26, v18;
	v29 =	vld [tilespmem:s18+$0xFFFFFF80]  }
0x4ae: {  	v27 =	vmax.bf16 v27, v2;
	v28 =	vadd.bf16 v31, v28;
	v31 =	vld [tilespmem:s29+$0xFFFFFF80]  }
0x4af: {  	v32 =	vmul.f32 v32, v22;
	v26 =	vadd.f32 $0.0e+00, v26;
	v33 =	vunpack.i.l.bf16.f32 v27  }
0x4b0: {  	v27 =	vunpack.i.u.bf16.f32 v27;
	v28 =	vadd.bf16 v30, v28;
	v30 =	vld [tilespmem:s15+$0xFFFFFF80]  }
0x4b1: {  	v26 =	vadd.f32 v26, v32;
	v32 =	vmul.f32 v33, v19  }
0x4b2: {  	v27 =	vmul.f32 v27, v23;
	v28 =	vmax.bf16 v28, v2  }
0x4b3: {  	v26 =	vadd.f32 v32, v26;
	v32 =	vunpack.i.l.bf16.f32 v28;
	v29 =	vadd.bf16 v29, v31  }
0x4b4: {  	v28 =	vunpack.i.u.bf16.f32 v28  }
0x4b5: {  	v26 =	vadd.f32 v26, v27;
	v27 =	vmul.f32 v32, v20;
	v29 =	vadd.bf16 v30, v29;
	_ =	sdelay $0x1  }
0x4b6: {  	v26 =	vadd.f32 v27, v26;
	v27 =	vmul.f32 v28, v24;
	v28 =	vmax.bf16 v29, v2  }
0x4b7: {  	v29 =	vunpack.i.u.bf16.f32 v28;
	v28 =	vunpack.i.l.bf16.f32 v28  }
0x4b8: {  	v26 =	vadd.f32 v26, v27;
	v27 =	vmul.f32 v28, v21;
	_ =	sdelay $0x1  }
0x4b9: {  	v26 =	vadd.f32 v27, v26;
	v27 =	vmul.f32 v29, v25;
	_ =	sdelay $0x1  }
0x4ba: {  	v26 =	vadd.f32 v26, v27;
	_ =	sdelay $0x1  }
0x4bb: {  	[tilespmem:s2+$0x0] =	vst v26  }
0x4bc: {  	v26 =	vld [tilespmem:s29+$0xFFFFFFD0]  }
0x4bd: {  	v27 =	vld [tilespmem:s18+$0xFFFFFFD0]  }
0x4be: {  	v28 =	vld [tilespmem:s15+$0xFFFFFFD0]  }
0x4bf: {  	v29 =	vld [tilespmem:s18+$0xFFFFFFE0]  }
0x4c0: {  	v30 =	vld [tilespmem:s29+$0xFFFFFFE0];
	_ =	sdelay $0x1  }
0x4c1: {  	v26 =	vadd.bf16 v27, v26;
	v27 =	vld [tilespmem:s15+$0xFFFFFFE0]  }
0x4c2: {  	v31 =	vld [tilespmem:s18+$0xFFFFFFF0]  }
0x4c3: {  	v26 =	vadd.bf16 v28, v26;
	v28 =	vld [tilespmem:s29+$0xFFFFFFF0]  }
0x4c4: {  	v29 =	vadd.bf16 v29, v30  }
0x4c5: {  	v26 =	vmax.bf16 v26, v2;
	v30 =	vld [tilespmem:s15+$0xFFFFFFF0]  }
0x4c6: {  	v32 =	vunpack.i.u.bf16.f32 v26;
	v26 =	vunpack.i.l.bf16.f32 v26;
	v27 =	vadd.bf16 v27, v29;
	v29 =	vld [tilespmem:s18+$0x0]  }
0x4c7: {  	v26 =	vmul.f32 v26, v18;
	v33 =	vld [tilespmem:s29+$0x0]  }
0x4c8: {  	v32 =	vmul.f32 v32, v22;
	v27 =	vmax.bf16 v27, v2;
	v28 =	vadd.bf16 v31, v28  }
0x4c9: {  	v26 =	vadd.f32 $0.0e+00, v26;
	v31 =	vunpack.i.l.bf16.f32 v27;
	v34 =	vld [tilespmem:s15+$0x0]  }
0x4ca: {  	v31 =	vmul.f32 v31, v19;
	v28 =	vadd.bf16 v30, v28  }
0x4cb: {  	v27 =	vunpack.i.u.bf16.f32 v27;
	v26 =	vadd.f32 v26, v32  }
0x4cc: {  	v27 =	vmul.f32 v27, v23;
	v28 =	vmax.bf16 v28, v2;
	v29 =	vadd.bf16 v29, v33  }
0x4cd: {  	v26 =	vadd.f32 v31, v26;
	v30 =	vunpack.i.u.bf16.f32 v28;
	v28 =	vunpack.i.l.bf16.f32 v28  }
0x4ce: {  	v28 =	vmul.f32 v28, v20;
	v29 =	vadd.bf16 v34, v29  }
0x4cf: {  	v26 =	vadd.f32 v26, v27  }
0x4d0: {  	v27 =	vmul.f32 v30, v24;
	v29 =	vmax.bf16 v29, v2  }
0x4d1: {  	v26 =	vadd.f32 v28, v26;
	v28 =	vunpack.i.u.bf16.f32 v29;
	v29 =	vunpack.i.l.bf16.f32 v29  }
.Ltmp13:
0x4d2: {  	v29 =	vmul.f32 v29, v21;
	(pc) =	sbr.rel @p0 .LBB2_20-.Ltmp13, $4  }
0x4d3: {  	v27 =	vadd.f32 v26, v27  }
0x4d4: {  	v26 =	vmul.f32 v28, v25  }
0x4d5: {  	v27 =	vadd.f32 v29, v27  }
0x4d6: {  	s18 =	sadd.s32 $0x100, s18;
	s29 =	sadd.s32 $0x100, s29  }
0x4d7: {  	_ = 	snop  }
0x4d8: {  	v26 =	vadd.f32 v27, v26;
	_ =	sdelay $0x1  }
0x4d9: {  	s2 =	simm.s32 $0x13F80;
	[tilespmem:s19+$0x11] =	vst v26  }
0x4da: {  	v26 =	vld.idx.msk [tilespmem:v0+s2+$0x0], $0xffff  }
0x4db: {  	v27 =	vld.idx.msk [tilespmem:v3+s2+$0x0], $0xffff;
	_ =	sdelay $0x1  }
0x4dc: {  	v28 =	vld.idx.msk [tilespmem:v4+s2+$0x0], $0xffff;
	_ =	sdelay $0x1  }
0x4dd: {  	v29 =	vld.idx.msk [tilespmem:v5+s2+$0x0], $0xffff  }
0x4de: {  	v26 =	vadd.f32 v27, v26  }
0x4df: {  	v27 =	vld.idx.msk [tilespmem:v6+s2+$0x0], $0xffff  }
0x4e0: {  	v26 =	vadd.f32 v28, v26  }
0x4e1: {  	v28 =	vld.idx.msk [tilespmem:v7+s2+$0x0], $0xffff  }
0x4e2: {  	v26 =	vadd.f32 v29, v26  }
0x4e3: {  	v29 =	vld.idx.msk [tilespmem:v8+s2+$0x0], $0xffff  }
0x4e4: {  	v26 =	vadd.f32 v27, v26  }
0x4e5: {  	v27 =	vld.idx.msk [tilespmem:v9+s2+$0x0], $0xffff  }
0x4e6: {  	v26 =	vadd.f32 v28, v26  }
0x4e7: {  	v28 =	vld.idx.msk [tilespmem:v10+s2+$0x0], $0xffff  }
0x4e8: {  	v26 =	vadd.f32 v29, v26  }
0x4e9: {  	v29 =	vld.idx.msk [tilespmem:v11+s2+$0x0], $0xffff  }
0x4ea: {  	v26 =	vadd.f32 v27, v26  }
0x4eb: {  	v27 =	vld.idx.msk [tilespmem:v12+s2+$0x0], $0xffff  }
0x4ec: {  	v26 =	vadd.f32 v28, v26  }
0x4ed: {  	v28 =	vld.idx.msk [tilespmem:v13+s2+$0x0], $0xffff  }
0x4ee: {  	v26 =	vadd.f32 v29, v26  }
0x4ef: {  	v29 =	vld.idx.msk [tilespmem:v14+s2+$0x0], $0xffff  }
0x4f0: {  	v26 =	vadd.f32 v27, v26  }
0x4f1: {  	v27 =	vld.idx.msk [tilespmem:v15+s2+$0x0], $0xffff  }
0x4f2: {  	v26 =	vadd.f32 v28, v26  }
0x4f3: {  	v28 =	vld.idx.msk [tilespmem:v16+s2+$0x0], $0xffff  }
0x4f4: {  	v26 =	vadd.f32 v29, v26;
	v29 =	vld [tilespmem:s0+$0x27A0]  }
0x4f5: {  	v30 =	vld.idx.msk [tilespmem:v17+s2+$0x0], $0xffff  }
0x4f6: {  	v26 =	vadd.f32 v27, v26;
	_ =	sdelay $0x1  }
0x4f7: {  	v26 =	vadd.f32 v28, v26;
	_ =	sdelay $0x1  }
0x4f8: {  	v26 =	vadd.f32 v30, v26;
	_ =	sdelay $0x1  }
0x4f9: {  	s18 =	simm.s32 $0x107B0;
	[tilespmem:v29+s23+$0x0] =	vst.idx.add.f32.msk $0xffff, v26  }
0x4fa: {  	s17 =	simm.s32 $0xDFB0;
	v26 =	vld [tilespmem:s18+$0xFFFFFF50]  }
0x4fb: {  	v27 =	vld [tilespmem:s17+$0xFFFFFF50]  }
0x4fc: {  	s15 =	simm.s32 $0x12FB0  }
0x4fd: {  	v28 =	vld [tilespmem:s15+$0xFFFFFF50]  }
0x4fe: {  	v29 =	vld [tilespmem:s18+$0xFFFFFF60]  }
0x4ff: {  	v50 =	vld [tilespmem:s17+$0xFFFFFF60]  }
0x500: {  	v26 =	vadd.bf16 v26, v27  }
0x501: {  	v27 =	vld [tilespmem:s15+$0xFFFFFF60]  }
0x502: {  	v31 =	vld [tilespmem:s18+$0xFFFFFF70];
	v26 =	vadd.bf16 v28, v26  }
0x503: {  	v28 =	vld [tilespmem:s17+$0xFFFFFF70]  }
0x504: {  	v29 =	vadd.bf16 v29, v50;
	v26 =	vmax.bf16 v26, v2  }
0x505: {  	v51 =	vld [tilespmem:s15+$0xFFFFFF70];
	v32 =	vunpack.i.l.bf16.f32 v26  }
0x506: {  	v52 =	vld [tilespmem:s18+$0xFFFFFF80];
	v27 =	vadd.bf16 v27, v29;
	v26 =	vunpack.i.u.bf16.f32 v26;
	v29 =	vmul.f32 v32, v18  }
0x507: {  	v33 =	vld [tilespmem:s17+$0xFFFFFF80];
	v26 =	vmul.f32 v26, v22  }
0x508: {  	v27 =	vmax.bf16 v27, v2;
	v28 =	vadd.bf16 v31, v28;
	v29 =	vadd.f32 $0.0e+00, v29  }
0x509: {  	v34 =	vld [tilespmem:s15+$0xFFFFFF80];
	v53 =	vunpack.i.l.bf16.f32 v27;
	v27 =	vunpack.i.u.bf16.f32 v27  }
0x50a: {  	v28 =	vadd.bf16 v51, v28;
	v26 =	vadd.f32 v29, v26;
	v29 =	vmul.f32 v53, v19  }
0x50b: {  	v27 =	vmul.f32 v27, v23  }
0x50c: {  	v28 =	vmax.bf16 v28, v2;
	v26 =	vadd.f32 v29, v26;
	v29 =	vadd.bf16 v52, v33  }
0x50d: {  	v54 =	vunpack.i.l.bf16.f32 v28  }
0x50e: {  	v26 =	vadd.f32 v26, v27;
	v27 =	vmul.f32 v54, v20;
	v29 =	vadd.bf16 v34, v29  }
0x50f: {  	v28 =	vunpack.i.u.bf16.f32 v28  }
0x510: {  	v26 =	vadd.f32 v27, v26;
	v27 =	vmul.f32 v28, v24;
	v28 =	vmax.bf16 v29, v2  }
0x511: {  	v29 =	vunpack.i.l.bf16.f32 v28  }
0x512: {  	v26 =	vadd.f32 v26, v27;
	v27 =	vmul.f32 v29, v21  }
0x513: {  	v28 =	vunpack.i.u.bf16.f32 v28  }
0x514: {  	v26 =	vadd.f32 v27, v26;
	v27 =	vmul.f32 v28, v25;
	_ =	sdelay $0x1  }
0x515: {  	v26 =	vadd.f32 v26, v27;
	_ =	sdelay $0x1  }
0x516: {  	[tilespmem:s2+$0x0] =	vst v26  }
0x517: {  	v26 =	vld [tilespmem:s17+$0xFFFFFFD0]  }
0x518: {  	v27 =	vld [tilespmem:s18+$0xFFFFFFD0];
	_ =	sdelay $0x1  }
0x519: {  	v28 =	vld [tilespmem:s15+$0xFFFFFFD0]  }
0x51a: {  	v29 =	vld [tilespmem:s18+$0xFFFFFFE0]  }
0x51b: {  	v55 =	vld [tilespmem:s17+$0xFFFFFFE0]  }
0x51c: {  	v26 =	vadd.bf16 v27, v26  }
0x51d: {  	v27 =	vld [tilespmem:s15+$0xFFFFFFE0]  }
0x51e: {  	v56 =	vld [tilespmem:s18+$0xFFFFFFF0];
	v26 =	vadd.bf16 v28, v26  }
0x51f: {  	v28 =	vld [tilespmem:s17+$0xFFFFFFF0]  }
0x520: {  	v29 =	vadd.bf16 v29, v55;
	v26 =	vmax.bf16 v26, v2  }
0x521: {  	v57 =	vld [tilespmem:s15+$0xFFFFFFF0];
	v58 =	vunpack.i.l.bf16.f32 v26  }
0x522: {  	v59 =	vld [tilespmem:s17+$0x0];
	v27 =	vadd.bf16 v27, v29;
	v26 =	vunpack.i.u.bf16.f32 v26;
	v32 =	vmul.f32 v58, v18  }
0x523: {  	v29 =	vld [tilespmem:s18+$0x0];
	v26 =	vmul.f32 v26, v22  }
0x524: {  	v27 =	vmax.bf16 v27, v2;
	v28 =	vadd.bf16 v56, v28;
	v60 =	vadd.f32 $0.0e+00, v32  }
0x525: {  	v62 =	vld [tilespmem:s15+$0x0];
	v61 =	vunpack.i.l.bf16.f32 v27;
	v27 =	vunpack.i.u.bf16.f32 v27  }
0x526: {  	v32 =	vmul.f32 v61, v19;
	v28 =	vadd.bf16 v57, v28;
	v26 =	vadd.f32 v60, v26  }
0x527: {  	v27 =	vmul.f32 v27, v23  }
0x528: {  	v29 =	vadd.bf16 v29, v59;
	v28 =	vmax.bf16 v28, v2;
	v26 =	vadd.f32 v32, v26  }
0x529: {  	v63 =	vunpack.i.l.bf16.f32 v28  }
0x52a: {  	v29 =	vadd.bf16 v62, v29;
	v30 =	vmul.f32 v63, v20;
	v26 =	vadd.f32 v26, v27  }
0x52b: {  	v27 =	vunpack.i.u.bf16.f32 v28  }
0x52c: {  	v28 =	vmax.bf16 v29, v2;
	v27 =	vmul.f32 v27, v24;
	v26 =	vadd.f32 v30, v26  }
0x52d: {  	v29 =	vunpack.i.l.bf16.f32 v28  }
0x52e: {  	v29 =	vmul.f32 v29, v21;
	v27 =	vadd.f32 v26, v27  }
0x52f: {  	v26 =	vunpack.i.u.bf16.f32 v28  }
0x530: {  	s29 =	simm.s32 $0xE0B0;
	v26 =	vmul.f32 v26, v25;
	v27 =	vadd.f32 v29, v27  }
0x531: {  	s19 =	simm.s32 $0x13F80;
	s17 =	simm.s32 $0x0;
	s18 =	simm.s32 $0x108B0  }
.LBB2_22:
0x532: {  	s17 =	sadd.s32 $0x2, s17;
	v26 =	vadd.f32 v27, v26;
	s15 =	sadd.s32 $0x100, s15;
	s2 =	sadd.s32 $0x22, s2  }
0x533: {  	p0 =	slt.u32 s17, $0xE  }
0x534: {  	[tilespmem:s19+$0x11] =	vst v26;
	s19 =	smov.u32 s2  }
0x535: {  	v26 =	vld [tilespmem:s18+$0xFFFFFF50]  }
0x536: {  	v27 =	vld [tilespmem:s29+$0xFFFFFF50]  }
0x537: {  	v28 =	vld [tilespmem:s15+$0xFFFFFF50]  }
0x538: {  	v29 =	vld [tilespmem:s18+$0xFFFFFF60]  }
0x539: {  	v30 =	vld [tilespmem:s29+$0xFFFFFF60];
	_ =	sdelay $0x1  }
0x53a: {  	v26 =	vadd.bf16 v26, v27;
	v27 =	vld [tilespmem:s15+$0xFFFFFF60]  }
0x53b: {  	v31 =	vld [tilespmem:s18+$0xFFFFFF70]  }
0x53c: {  	v26 =	vadd.bf16 v28, v26;
	v28 =	vld [tilespmem:s29+$0xFFFFFF70]  }
0x53d: {  	v29 =	vadd.bf16 v29, v30  }
0x53e: {  	v26 =	vmax.bf16 v26, v2;
	v30 =	vld [tilespmem:s15+$0xFFFFFF70]  }
0x53f: {  	v32 =	vunpack.i.u.bf16.f32 v26;
	v26 =	vunpack.i.l.bf16.f32 v26;
	v27 =	vadd.bf16 v27, v29  }
0x540: {  	v26 =	vmul.f32 v26, v18;
	v29 =	vld [tilespmem:s18+$0xFFFFFF80]  }
0x541: {  	v27 =	vmax.bf16 v27, v2;
	v28 =	vadd.bf16 v31, v28;
	v31 =	vld [tilespmem:s29+$0xFFFFFF80]  }
0x542: {  	v32 =	vmul.f32 v32, v22;
	v26 =	vadd.f32 $0.0e+00, v26;
	v33 =	vunpack.i.l.bf16.f32 v27  }
0x543: {  	v27 =	vunpack.i.u.bf16.f32 v27;
	v28 =	vadd.bf16 v30, v28;
	v30 =	vld [tilespmem:s15+$0xFFFFFF80]  }
0x544: {  	v26 =	vadd.f32 v26, v32;
	v32 =	vmul.f32 v33, v19  }
0x545: {  	v27 =	vmul.f32 v27, v23;
	v28 =	vmax.bf16 v28, v2  }
0x546: {  	v26 =	vadd.f32 v32, v26;
	v32 =	vunpack.i.l.bf16.f32 v28;
	v29 =	vadd.bf16 v29, v31  }
0x547: {  	v28 =	vunpack.i.u.bf16.f32 v28  }
0x548: {  	v26 =	vadd.f32 v26, v27;
	v27 =	vmul.f32 v32, v20;
	v29 =	vadd.bf16 v30, v29;
	_ =	sdelay $0x1  }
0x549: {  	v26 =	vadd.f32 v27, v26;
	v27 =	vmul.f32 v28, v24;
	v28 =	vmax.bf16 v29, v2  }
0x54a: {  	v29 =	vunpack.i.u.bf16.f32 v28;
	v28 =	vunpack.i.l.bf16.f32 v28  }
0x54b: {  	v26 =	vadd.f32 v26, v27;
	v27 =	vmul.f32 v28, v21;
	_ =	sdelay $0x1  }
0x54c: {  	v26 =	vadd.f32 v27, v26;
	v27 =	vmul.f32 v29, v25;
	_ =	sdelay $0x1  }
0x54d: {  	v26 =	vadd.f32 v26, v27;
	_ =	sdelay $0x1  }
0x54e: {  	[tilespmem:s2+$0x0] =	vst v26  }
0x54f: {  	v26 =	vld [tilespmem:s29+$0xFFFFFFD0]  }
0x550: {  	v27 =	vld [tilespmem:s18+$0xFFFFFFD0]  }
0x551: {  	v28 =	vld [tilespmem:s15+$0xFFFFFFD0]  }
0x552: {  	v29 =	vld [tilespmem:s18+$0xFFFFFFE0]  }
0x553: {  	v30 =	vld [tilespmem:s29+$0xFFFFFFE0];
	_ =	sdelay $0x1  }
0x554: {  	v26 =	vadd.bf16 v27, v26;
	v27 =	vld [tilespmem:s15+$0xFFFFFFE0]  }
0x555: {  	v31 =	vld [tilespmem:s18+$0xFFFFFFF0]  }
0x556: {  	v26 =	vadd.bf16 v28, v26;
	v28 =	vld [tilespmem:s29+$0xFFFFFFF0]  }
0x557: {  	v29 =	vadd.bf16 v29, v30  }
0x558: {  	v26 =	vmax.bf16 v26, v2;
	v30 =	vld [tilespmem:s15+$0xFFFFFFF0]  }
0x559: {  	v32 =	vunpack.i.u.bf16.f32 v26;
	v26 =	vunpack.i.l.bf16.f32 v26;
	v27 =	vadd.bf16 v27, v29;
	v29 =	vld [tilespmem:s18+$0x0]  }
0x55a: {  	v26 =	vmul.f32 v26, v18;
	v33 =	vld [tilespmem:s29+$0x0]  }
0x55b: {  	v32 =	vmul.f32 v32, v22;
	v27 =	vmax.bf16 v27, v2;
	v28 =	vadd.bf16 v31, v28  }
0x55c: {  	v26 =	vadd.f32 $0.0e+00, v26;
	v31 =	vunpack.i.l.bf16.f32 v27;
	v34 =	vld [tilespmem:s15+$0x0]  }
0x55d: {  	v31 =	vmul.f32 v31, v19;
	v28 =	vadd.bf16 v30, v28  }
0x55e: {  	v27 =	vunpack.i.u.bf16.f32 v27;
	v26 =	vadd.f32 v26, v32  }
0x55f: {  	v27 =	vmul.f32 v27, v23;
	v28 =	vmax.bf16 v28, v2;
	v29 =	vadd.bf16 v29, v33  }
0x560: {  	v26 =	vadd.f32 v31, v26;
	v30 =	vunpack.i.u.bf16.f32 v28;
	v28 =	vunpack.i.l.bf16.f32 v28  }
0x561: {  	v28 =	vmul.f32 v28, v20;
	v29 =	vadd.bf16 v34, v29  }
0x562: {  	v26 =	vadd.f32 v26, v27  }
0x563: {  	v27 =	vmul.f32 v30, v24;
	v29 =	vmax.bf16 v29, v2  }
0x564: {  	v26 =	vadd.f32 v28, v26;
	v28 =	vunpack.i.u.bf16.f32 v29;
	v29 =	vunpack.i.l.bf16.f32 v29  }
.Ltmp14:
0x565: {  	v29 =	vmul.f32 v29, v21;
	(pc) =	sbr.rel @p0 .LBB2_22-.Ltmp14, $4  }
0x566: {  	v27 =	vadd.f32 v26, v27  }
0x567: {  	v26 =	vmul.f32 v28, v25  }
0x568: {  	v27 =	vadd.f32 v29, v27  }
0x569: {  	s18 =	sadd.s32 $0x100, s18;
	s29 =	sadd.s32 $0x100, s29  }
0x56a: {  	_ = 	snop  }
0x56b: {  	v26 =	vadd.f32 v27, v26;
	_ =	sdelay $0x1  }
0x56c: {  	s2 =	simm.s32 $0x13F80;
	[tilespmem:s19+$0x11] =	vst v26  }
0x56d: {  	v26 =	vld.idx.msk [tilespmem:v0+s2+$0x0], $0xffff  }
0x56e: {  	v27 =	vld.idx.msk [tilespmem:v3+s2+$0x0], $0xffff;
	_ =	sdelay $0x1  }
0x56f: {  	v28 =	vld.idx.msk [tilespmem:v4+s2+$0x0], $0xffff;
	_ =	sdelay $0x1  }
0x570: {  	v29 =	vld.idx.msk [tilespmem:v5+s2+$0x0], $0xffff  }
0x571: {  	v26 =	vadd.f32 v27, v26  }
0x572: {  	v27 =	vld.idx.msk [tilespmem:v6+s2+$0x0], $0xffff  }
0x573: {  	v26 =	vadd.f32 v28, v26  }
0x574: {  	v28 =	vld.idx.msk [tilespmem:v7+s2+$0x0], $0xffff  }
0x575: {  	v26 =	vadd.f32 v29, v26  }
0x576: {  	v29 =	vld.idx.msk [tilespmem:v8+s2+$0x0], $0xffff  }
0x577: {  	v26 =	vadd.f32 v27, v26  }
0x578: {  	v27 =	vld.idx.msk [tilespmem:v9+s2+$0x0], $0xffff  }
0x579: {  	v26 =	vadd.f32 v28, v26  }
0x57a: {  	v28 =	vld.idx.msk [tilespmem:v10+s2+$0x0], $0xffff  }
0x57b: {  	v26 =	vadd.f32 v29, v26  }
0x57c: {  	v29 =	vld.idx.msk [tilespmem:v11+s2+$0x0], $0xffff  }
0x57d: {  	v26 =	vadd.f32 v27, v26  }
0x57e: {  	v27 =	vld.idx.msk [tilespmem:v12+s2+$0x0], $0xffff  }
0x57f: {  	v26 =	vadd.f32 v28, v26  }
0x580: {  	v28 =	vld.idx.msk [tilespmem:v13+s2+$0x0], $0xffff  }
0x581: {  	v26 =	vadd.f32 v29, v26  }
0x582: {  	v29 =	vld.idx.msk [tilespmem:v14+s2+$0x0], $0xffff  }
0x583: {  	v26 =	vadd.f32 v27, v26  }
0x584: {  	v27 =	vld.idx.msk [tilespmem:v15+s2+$0x0], $0xffff  }
0x585: {  	v26 =	vadd.f32 v28, v26  }
0x586: {  	v28 =	vld.idx.msk [tilespmem:v16+s2+$0x0], $0xffff  }
0x587: {  	v26 =	vadd.f32 v29, v26;
	v29 =	vld [tilespmem:s0+$0x27B0]  }
0x588: {  	v30 =	vld.idx.msk [tilespmem:v17+s2+$0x0], $0xffff  }
0x589: {  	v26 =	vadd.f32 v27, v26;
	_ =	sdelay $0x1  }
0x58a: {  	v26 =	vadd.f32 v28, v26;
	_ =	sdelay $0x1  }
0x58b: {  	v26 =	vadd.f32 v30, v26;
	_ =	sdelay $0x1  }
0x58c: {  	s18 =	simm.s32 $0x10FB0;
	[tilespmem:v29+s23+$0x0] =	vst.idx.add.f32.msk $0xffff, v26  }
0x58d: {  	s17 =	simm.s32 $0xE7B0;
	v26 =	vld [tilespmem:s18+$0xFFFFFF50]  }
0x58e: {  	v27 =	vld [tilespmem:s17+$0xFFFFFF50]  }
0x58f: {  	s15 =	simm.s32 $0x137B0  }
0x590: {  	v28 =	vld [tilespmem:s15+$0xFFFFFF50]  }
0x591: {  	v29 =	vld [tilespmem:s18+$0xFFFFFF60]  }
0x592: {  	v50 =	vld [tilespmem:s17+$0xFFFFFF60]  }
0x593: {  	v26 =	vadd.bf16 v26, v27  }
0x594: {  	v27 =	vld [tilespmem:s15+$0xFFFFFF60]  }
0x595: {  	v31 =	vld [tilespmem:s18+$0xFFFFFF70];
	v26 =	vadd.bf16 v28, v26  }
0x596: {  	v28 =	vld [tilespmem:s17+$0xFFFFFF70]  }
0x597: {  	v29 =	vadd.bf16 v29, v50;
	v26 =	vmax.bf16 v26, v2  }
0x598: {  	v51 =	vld [tilespmem:s15+$0xFFFFFF70];
	v32 =	vunpack.i.l.bf16.f32 v26  }
0x599: {  	v52 =	vld [tilespmem:s18+$0xFFFFFF80];
	v27 =	vadd.bf16 v27, v29;
	v26 =	vunpack.i.u.bf16.f32 v26;
	v29 =	vmul.f32 v32, v18  }
0x59a: {  	v33 =	vld [tilespmem:s17+$0xFFFFFF80];
	v26 =	vmul.f32 v26, v22  }
0x59b: {  	v27 =	vmax.bf16 v27, v2;
	v28 =	vadd.bf16 v31, v28;
	v29 =	vadd.f32 $0.0e+00, v29  }
0x59c: {  	v34 =	vld [tilespmem:s15+$0xFFFFFF80];
	v53 =	vunpack.i.l.bf16.f32 v27;
	v27 =	vunpack.i.u.bf16.f32 v27  }
0x59d: {  	v28 =	vadd.bf16 v51, v28;
	v26 =	vadd.f32 v29, v26;
	v29 =	vmul.f32 v53, v19  }
0x59e: {  	v27 =	vmul.f32 v27, v23  }
0x59f: {  	v28 =	vmax.bf16 v28, v2;
	v26 =	vadd.f32 v29, v26;
	v29 =	vadd.bf16 v52, v33  }
0x5a0: {  	v54 =	vunpack.i.l.bf16.f32 v28  }
0x5a1: {  	v26 =	vadd.f32 v26, v27;
	v27 =	vmul.f32 v54, v20;
	v29 =	vadd.bf16 v34, v29  }
0x5a2: {  	v28 =	vunpack.i.u.bf16.f32 v28  }
0x5a3: {  	v26 =	vadd.f32 v27, v26;
	v27 =	vmul.f32 v28, v24;
	v28 =	vmax.bf16 v29, v2  }
0x5a4: {  	v29 =	vunpack.i.l.bf16.f32 v28  }
0x5a5: {  	v26 =	vadd.f32 v26, v27;
	v27 =	vmul.f32 v29, v21  }
0x5a6: {  	v28 =	vunpack.i.u.bf16.f32 v28  }
0x5a7: {  	v26 =	vadd.f32 v27, v26;
	v27 =	vmul.f32 v28, v25;
	_ =	sdelay $0x1  }
0x5a8: {  	v26 =	vadd.f32 v26, v27;
	_ =	sdelay $0x1  }
0x5a9: {  	[tilespmem:s2+$0x0] =	vst v26  }
0x5aa: {  	v26 =	vld [tilespmem:s17+$0xFFFFFFD0]  }
0x5ab: {  	v27 =	vld [tilespmem:s18+$0xFFFFFFD0];
	_ =	sdelay $0x1  }
0x5ac: {  	v28 =	vld [tilespmem:s15+$0xFFFFFFD0]  }
0x5ad: {  	v29 =	vld [tilespmem:s18+$0xFFFFFFE0]  }
0x5ae: {  	v55 =	vld [tilespmem:s17+$0xFFFFFFE0]  }
0x5af: {  	v26 =	vadd.bf16 v27, v26  }
0x5b0: {  	v27 =	vld [tilespmem:s15+$0xFFFFFFE0]  }
0x5b1: {  	v56 =	vld [tilespmem:s18+$0xFFFFFFF0];
	v26 =	vadd.bf16 v28, v26  }
0x5b2: {  	v28 =	vld [tilespmem:s17+$0xFFFFFFF0]  }
0x5b3: {  	v29 =	vadd.bf16 v29, v55;
	v26 =	vmax.bf16 v26, v2  }
0x5b4: {  	v57 =	vld [tilespmem:s15+$0xFFFFFFF0];
	v58 =	vunpack.i.l.bf16.f32 v26  }
0x5b5: {  	v59 =	vld [tilespmem:s17+$0x0];
	v27 =	vadd.bf16 v27, v29;
	v26 =	vunpack.i.u.bf16.f32 v26;
	v32 =	vmul.f32 v58, v18  }
0x5b6: {  	v29 =	vld [tilespmem:s18+$0x0];
	v26 =	vmul.f32 v26, v22  }
0x5b7: {  	v27 =	vmax.bf16 v27, v2;
	v28 =	vadd.bf16 v56, v28;
	v60 =	vadd.f32 $0.0e+00, v32  }
0x5b8: {  	v62 =	vld [tilespmem:s15+$0x0];
	v61 =	vunpack.i.l.bf16.f32 v27;
	v27 =	vunpack.i.u.bf16.f32 v27  }
0x5b9: {  	v32 =	vmul.f32 v61, v19;
	v28 =	vadd.bf16 v57, v28;
	v26 =	vadd.f32 v60, v26  }
0x5ba: {  	v27 =	vmul.f32 v27, v23  }
0x5bb: {  	v29 =	vadd.bf16 v29, v59;
	v28 =	vmax.bf16 v28, v2;
	v26 =	vadd.f32 v32, v26  }
0x5bc: {  	v63 =	vunpack.i.l.bf16.f32 v28  }
0x5bd: {  	v29 =	vadd.bf16 v62, v29;
	v30 =	vmul.f32 v63, v20;
	v26 =	vadd.f32 v26, v27  }
0x5be: {  	v27 =	vunpack.i.u.bf16.f32 v28  }
0x5bf: {  	v28 =	vmax.bf16 v29, v2;
	v27 =	vmul.f32 v27, v24;
	v26 =	vadd.f32 v30, v26  }
0x5c0: {  	v29 =	vunpack.i.l.bf16.f32 v28  }
0x5c1: {  	v29 =	vmul.f32 v29, v21;
	v27 =	vadd.f32 v26, v27  }
0x5c2: {  	v26 =	vunpack.i.u.bf16.f32 v28  }
0x5c3: {  	s29 =	simm.s32 $0xE8B0;
	v26 =	vmul.f32 v26, v25;
	v27 =	vadd.f32 v29, v27  }
0x5c4: {  	s19 =	simm.s32 $0x13F80;
	s17 =	simm.s32 $0x0;
	s18 =	simm.s32 $0x110B0  }
.LBB2_24:
0x5c5: {  	s17 =	sadd.s32 $0x2, s17;
	v26 =	vadd.f32 v27, v26;
	s15 =	sadd.s32 $0x100, s15;
	s2 =	sadd.s32 $0x22, s2  }
0x5c6: {  	p0 =	slt.u32 s17, $0xE  }
0x5c7: {  	[tilespmem:s19+$0x11] =	vst v26;
	s19 =	smov.u32 s2  }
0x5c8: {  	v26 =	vld [tilespmem:s18+$0xFFFFFF50]  }
0x5c9: {  	v27 =	vld [tilespmem:s29+$0xFFFFFF50]  }
0x5ca: {  	v28 =	vld [tilespmem:s15+$0xFFFFFF50]  }
0x5cb: {  	v29 =	vld [tilespmem:s18+$0xFFFFFF60]  }
0x5cc: {  	v30 =	vld [tilespmem:s29+$0xFFFFFF60];
	_ =	sdelay $0x1  }
0x5cd: {  	v26 =	vadd.bf16 v26, v27;
	v27 =	vld [tilespmem:s15+$0xFFFFFF60]  }
0x5ce: {  	v31 =	vld [tilespmem:s18+$0xFFFFFF70]  }
0x5cf: {  	v26 =	vadd.bf16 v28, v26;
	v28 =	vld [tilespmem:s29+$0xFFFFFF70]  }
0x5d0: {  	v29 =	vadd.bf16 v29, v30  }
0x5d1: {  	v26 =	vmax.bf16 v26, v2;
	v30 =	vld [tilespmem:s15+$0xFFFFFF70]  }
0x5d2: {  	v32 =	vunpack.i.u.bf16.f32 v26;
	v26 =	vunpack.i.l.bf16.f32 v26;
	v27 =	vadd.bf16 v27, v29  }
0x5d3: {  	v26 =	vmul.f32 v26, v18;
	v29 =	vld [tilespmem:s18+$0xFFFFFF80]  }
0x5d4: {  	v27 =	vmax.bf16 v27, v2;
	v28 =	vadd.bf16 v31, v28;
	v31 =	vld [tilespmem:s29+$0xFFFFFF80]  }
0x5d5: {  	v32 =	vmul.f32 v32, v22;
	v26 =	vadd.f32 $0.0e+00, v26;
	v33 =	vunpack.i.l.bf16.f32 v27  }
0x5d6: {  	v27 =	vunpack.i.u.bf16.f32 v27;
	v28 =	vadd.bf16 v30, v28;
	v30 =	vld [tilespmem:s15+$0xFFFFFF80]  }
0x5d7: {  	v26 =	vadd.f32 v26, v32;
	v32 =	vmul.f32 v33, v19  }
0x5d8: {  	v27 =	vmul.f32 v27, v23;
	v28 =	vmax.bf16 v28, v2  }
0x5d9: {  	v26 =	vadd.f32 v32, v26;
	v32 =	vunpack.i.l.bf16.f32 v28;
	v29 =	vadd.bf16 v29, v31  }
0x5da: {  	v28 =	vunpack.i.u.bf16.f32 v28  }
0x5db: {  	v26 =	vadd.f32 v26, v27;
	v27 =	vmul.f32 v32, v20;
	v29 =	vadd.bf16 v30, v29;
	_ =	sdelay $0x1  }
0x5dc: {  	v26 =	vadd.f32 v27, v26;
	v27 =	vmul.f32 v28, v24;
	v28 =	vmax.bf16 v29, v2  }
0x5dd: {  	v29 =	vunpack.i.u.bf16.f32 v28;
	v28 =	vunpack.i.l.bf16.f32 v28  }
0x5de: {  	v26 =	vadd.f32 v26, v27;
	v27 =	vmul.f32 v28, v21;
	_ =	sdelay $0x1  }
0x5df: {  	v26 =	vadd.f32 v27, v26;
	v27 =	vmul.f32 v29, v25;
	_ =	sdelay $0x1  }
0x5e0: {  	v26 =	vadd.f32 v26, v27;
	_ =	sdelay $0x1  }
0x5e1: {  	[tilespmem:s2+$0x0] =	vst v26  }
0x5e2: {  	v26 =	vld [tilespmem:s29+$0xFFFFFFD0]  }
0x5e3: {  	v27 =	vld [tilespmem:s18+$0xFFFFFFD0]  }
0x5e4: {  	v28 =	vld [tilespmem:s15+$0xFFFFFFD0]  }
0x5e5: {  	v29 =	vld [tilespmem:s18+$0xFFFFFFE0]  }
0x5e6: {  	v30 =	vld [tilespmem:s29+$0xFFFFFFE0];
	_ =	sdelay $0x1  }
0x5e7: {  	v26 =	vadd.bf16 v27, v26;
	v27 =	vld [tilespmem:s15+$0xFFFFFFE0]  }
0x5e8: {  	v31 =	vld [tilespmem:s18+$0xFFFFFFF0]  }
0x5e9: {  	v26 =	vadd.bf16 v28, v26;
	v28 =	vld [tilespmem:s29+$0xFFFFFFF0]  }
0x5ea: {  	v29 =	vadd.bf16 v29, v30  }
0x5eb: {  	v26 =	vmax.bf16 v26, v2;
	v30 =	vld [tilespmem:s15+$0xFFFFFFF0]  }
0x5ec: {  	v32 =	vunpack.i.u.bf16.f32 v26;
	v26 =	vunpack.i.l.bf16.f32 v26;
	v27 =	vadd.bf16 v27, v29;
	v29 =	vld [tilespmem:s18+$0x0]  }
0x5ed: {  	v26 =	vmul.f32 v26, v18;
	v33 =	vld [tilespmem:s29+$0x0]  }
0x5ee: {  	v32 =	vmul.f32 v32, v22;
	v27 =	vmax.bf16 v27, v2;
	v28 =	vadd.bf16 v31, v28  }
0x5ef: {  	v26 =	vadd.f32 $0.0e+00, v26;
	v31 =	vunpack.i.l.bf16.f32 v27;
	v34 =	vld [tilespmem:s15+$0x0]  }
0x5f0: {  	v31 =	vmul.f32 v31, v19;
	v28 =	vadd.bf16 v30, v28  }
0x5f1: {  	v27 =	vunpack.i.u.bf16.f32 v27;
	v26 =	vadd.f32 v26, v32  }
0x5f2: {  	v27 =	vmul.f32 v27, v23;
	v28 =	vmax.bf16 v28, v2;
	v29 =	vadd.bf16 v29, v33  }
0x5f3: {  	v26 =	vadd.f32 v31, v26;
	v30 =	vunpack.i.u.bf16.f32 v28;
	v28 =	vunpack.i.l.bf16.f32 v28  }
0x5f4: {  	v28 =	vmul.f32 v28, v20;
	v29 =	vadd.bf16 v34, v29  }
0x5f5: {  	v26 =	vadd.f32 v26, v27  }
0x5f6: {  	v27 =	vmul.f32 v30, v24;
	v29 =	vmax.bf16 v29, v2  }
0x5f7: {  	v26 =	vadd.f32 v28, v26;
	v28 =	vunpack.i.u.bf16.f32 v29;
	v29 =	vunpack.i.l.bf16.f32 v29  }
.Ltmp15:
0x5f8: {  	v29 =	vmul.f32 v29, v21;
	(pc) =	sbr.rel @p0 .LBB2_24-.Ltmp15, $4  }
0x5f9: {  	v27 =	vadd.f32 v26, v27  }
0x5fa: {  	v26 =	vmul.f32 v28, v25  }
0x5fb: {  	v27 =	vadd.f32 v29, v27  }
0x5fc: {  	s18 =	sadd.s32 $0x100, s18;
	s29 =	sadd.s32 $0x100, s29  }
0x5fd: {  	_ = 	snop  }
0x5fe: {  	v26 =	vadd.f32 v27, v26;
	_ =	sdelay $0x1  }
0x5ff: {  	[tilespmem:s19+$0x11] =	vst v26  }
0x600: {  	v26 =	vld.idx.msk [tilespmem:v0+s24+$0x0], $0xffff  }
0x601: {  	v27 =	vld.idx.msk [tilespmem:v3+s24+$0x0], $0xffff;
	_ =	sdelay $0x1  }
0x602: {  	v28 =	vld.idx.msk [tilespmem:v4+s24+$0x0], $0xffff;
	_ =	sdelay $0x1  }
0x603: {  	v29 =	vld.idx.msk [tilespmem:v5+s24+$0x0], $0xffff  }
0x604: {  	v26 =	vadd.f32 v27, v26  }
0x605: {  	v27 =	vld.idx.msk [tilespmem:v6+s24+$0x0], $0xffff  }
0x606: {  	v26 =	vadd.f32 v28, v26  }
0x607: {  	v56 =	vld.idx.msk [tilespmem:v7+s24+$0x0], $0xffff  }
0x608: {  	v26 =	vadd.f32 v29, v26  }
0x609: {  	v57 =	vld.idx.msk [tilespmem:v8+s24+$0x0], $0xffff  }
0x60a: {  	v26 =	vadd.f32 v27, v26  }
0x60b: {  	v27 =	vld.idx.msk [tilespmem:v9+s24+$0x0], $0xffff  }
0x60c: {  	v26 =	vadd.f32 v56, v26  }
0x60d: {  	v58 =	vld.idx.msk [tilespmem:v10+s24+$0x0], $0xffff  }
0x60e: {  	v26 =	vadd.f32 v57, v26  }
0x60f: {  	v59 =	vld.idx.msk [tilespmem:v11+s24+$0x0], $0xffff  }
0x610: {  	v26 =	vadd.f32 v27, v26  }
0x611: {  	v27 =	vld.idx.msk [tilespmem:v12+s24+$0x0], $0xffff  }
0x612: {  	v26 =	vadd.f32 v58, v26  }
0x613: {  	v60 =	vld.idx.msk [tilespmem:v13+s24+$0x0], $0xffff  }
0x614: {  	v26 =	vadd.f32 v59, v26  }
0x615: {  	v61 =	vld.idx.msk [tilespmem:v14+s24+$0x0], $0xffff  }
0x616: {  	v26 =	vadd.f32 v27, v26  }
0x617: {  	v27 =	vld.idx.msk [tilespmem:v15+s24+$0x0], $0xffff  }
0x618: {  	v26 =	vadd.f32 v60, v26  }
0x619: {  	v62 =	vld.idx.msk [tilespmem:v16+s24+$0x0], $0xffff  }
0x61a: {  	v63 =	vld [tilespmem:s0+$0x27C0];
	v26 =	vadd.f32 v61, v26  }
0x61b: {  	v30 =	vld.idx.msk [tilespmem:v17+s24+$0x0], $0xffff  }
0x61c: {  	v26 =	vadd.f32 v27, v26;
	_ =	sdelay $0x1  }
.Ltmp16:
0x61d: {  	v26 =	vadd.f32 v62, v26;
	(pc) =	sbr.rel .LBB2_26-.Ltmp16, $3  }
0x61e: {  	_ = 	snop  }
0x61f: {  	v26 =	vadd.f32 v30, v26;
	_ =	sdelay $0x1  }
0x620: {  	[tilespmem:v63+s23+$0x0] =	vst.idx.add.f32.msk $0xffff, v26  }
.LBB2_28:
0x621: {  	_ =	sfence.sel $0x180000  }
0x622: {  	[bflag:$0x0] =	sbarrier.arrive $0xFFFF  }
0x623: {  	_ =	strace $0x90000047  }
0x624: {  	s0 =	stileid.u32;
	[bflag:$0x2] =	sbarrier.arrive $0xFFFF  }
0x625: {  	p0 =	sne.s32 s0, $0x0;
	s0 =	rddreg [dreg:$0x2]  }
0x626: {  	s0 =	sadd.s32 @!p0 $0x100000, s0  }
0x627: {  	[sflag:s0] =	ssyncadd.tile.s32 @!p0 $0x1;
	_ =	shalt  }
.Lfunc_end2:
_tile_overlayer_lowered:
.L_overlay_start_2:
0x628: {  	(tag) =	ssettag $0x2  }
0x629: {  	s0 =	rddreg [dreg:$0x0];
	s2 =	stileid.u32  }
0x62a: {  	s1 =	rddreg [dreg:$0x1];
	p0 =	sne.s32 s2, $0x0  }
0x62b: {  	s3 =	rddreg [dreg:$0x2];
	[bflag:$0x3] =	sbarrier.arrive $0xFFFF;
	s2 =	simm.s32 @!p0 $0x1C07  }
0x62c: {  	[timem:s3], [sflag:s2] =	dma.local @!p0 [hbm:s0], s1  }
0x62d: {  	s0 =	simm.s32 @!p0 $0x7  }
0x62e: {  	_ =	swait.ge @!p0 [sflag:s0], s1  }
0x62f: {  	s1 =	ssub.s32 @!p0 $0x0, s1;
	[sflag:s0] =	ssyncset.done @!p0 $0x0  }
0x630: {  	[sflag:s0] =	ssyncadd.s32 @!p0 s1  }
0x631: {  	[bflag:$0x3] =	sbarrier.arrive $0xFFFF  }
0x632: {  	_ =	shalt  }

</sc_bundles>
